<compile_context>
chip_gen: v7x
topology: tpu7x:2x2x1
jax: 0.10.2.dev20260603
libtpu: 0.0.44.dev20260713+nightly
codegen_flags: <defaults>
</compile_context>

<pallas_src>
import jax
import jax.numpy as jnp
from jax import lax
from jax.experimental import pallas as pl
from jax.experimental.pallas import tpu as pltpu
from jax.experimental.pallas import tpu_sc as plsc

_VOCAB = 1000000
_EMBED_DIM = 64
_BATCH = 16384

_info = plsc.get_sparse_core_info()
_NC = _info.num_cores
_NS = _info.num_subcores
_NW = _NC * _NS
_L = 16

_CHUNK = 512
_NFULL = 1953
_NCH = 1954
_RB = 64
_NBUF = 3


def _body(idx_hbm, wt_hbm, out_hbm, islab, lpk, staged, clane, cpos,
          rbuf, subpos, sem):
    wid = lax.axis_index("s") * _NC + lax.axis_index("c")
    lanes = lax.iota(jnp.int32, _L)
    dummy = _BATCH + wid
    zeros = jnp.zeros((_L,), jnp.int32)
    n_o = (_NCH // _NW) + jnp.where(wid < _NCH % _NW, 1, 0)

    def enqueue(o, p):
        c = wid + _NW * o

        def tail_fetch():
            col0 = pl.multiple_of(jnp.minimum(c, _NFULL) * _CHUNK, 128)
            pltpu.async_copy(
                wt_hbm.at[:, pl.ds(col0, 128)],
                staged.at[p].at[:, pl.ds(0, 128)], sem)
            return 0

        def full_fetch():
            col0 = pl.multiple_of(jnp.minimum(c, _NFULL - 1) * _CHUNK, 128)
            pltpu.async_copy(
                wt_hbm.at[:, pl.ds(col0, _CHUNK)], staged.at[p], sem)
            return 0

        lax.cond(c == _NFULL, tail_fetch, full_fetch)

    def wait_fetch(o):
        c = wid + _NW * o

        def tail_wait():
            pltpu.make_async_copy(
                wt_hbm.at[:, pl.ds(0, 128)],
                staged.at[0].at[:, pl.ds(0, 128)], sem).wait()
            return 0

        def full_wait():
            pltpu.make_async_copy(
                wt_hbm.at[:, pl.ds(0, _CHUNK)], staged.at[0], sem).wait()
            return 0

        lax.cond(c == _NFULL, tail_wait, full_wait)

    clane[pl.ds(0, _L)] = zeros
    clane[pl.ds(_L, _L)] = zeros
    cpos[pl.ds(0, _L)] = zeros
    cpos[pl.ds(_L, _L)] = zeros

    def reset_subpos():
        dv = jnp.full((_L,), dummy, jnp.int32)
        for t in range(_RB // _L):
            subpos[pl.ds(t * _L, _L)] = dv

    reset_subpos()

    enqueue(0, 0)
    enqueue(1, 1)

    def slab_body(s, cnt):
        pltpu.sync_copy(
            idx_hbm.at[pl.ds(pl.multiple_of(s * _L, _L), _L)], islab)

        def p1_body(g, cnt):
            r = lax.shift_right_logical(g, 3)
            c0 = pl.multiple_of((g & 7) * _L, _L)
            vi = islab[r, pl.ds(c0, _L)]
            chv = jnp.minimum(lax.shift_right_logical(vi, 9), _NCH - 1)
            m = (chv & (_NW - 1)) == wid
            mi = m.astype(jnp.int32)
            rank = plsc.cumsum(mi) - mi
            dest = cnt + rank
            lane = vi - chv * _CHUNK
            posv = (s * 2048 + g * _L) + lanes
            packed = (
                lax.shift_left(lax.shift_right_logical(chv, 5), 24)
                | lax.shift_left(lane, 14) | posv
            )
            plsc.store_scatter(lpk, [dest], packed, mask=m)
            return cnt + jnp.sum(mi)

        return lax.fori_loop(0, 128, p1_body, cnt)

    nloc = lax.fori_loop(0, _BATCH // (_L * 128), slab_body, 0)
    ngr = lax.shift_right_logical(nloc + _L - 1, 4)

    def flush(cb):
        pltpu.sync_copy(rbuf, out_hbm.at[subpos])
        reset_subpos()
        return 0 * cb

    def drain(nv, cb, pf):
        lanev = clane[pl.ds(0, _L)]
        posv = cpos[pl.ds(0, _L)]
        vmask = lanes < nv
        destrow = cb + lanes
        for comp in range(_EMBED_DIM):
            cf = jnp.full((_L,), comp, jnp.int32)
            vals = plsc.load_gather(staged, [pf, cf, lanev])
            plsc.store_scatter(rbuf, [destrow, cf], vals, mask=vmask)
        plsc.store_scatter(subpos, [destrow],
                           jnp.where(vmask, posv, dummy))
        clane[pl.ds(0, _L)] = clane[pl.ds(_L, _L)]
        cpos[pl.ds(0, _L)] = cpos[pl.ds(_L, _L)]
        cb2 = cb + nv
        return lax.cond(cb2 > _RB - _L, lambda: flush(cb2), lambda: cb2)

    def chunk_body(o, carry):
        cb, p = carry
        p2 = jnp.where(p == 0, _NBUF - 1, p - 1)
        pl.when(o + 2 < n_o)(lambda: enqueue(o + 2, p2))
        wait_fetch(o)
        pf = jnp.full((_L,), p, jnp.int32)

        def scan_body(j, carry):
            cs, cb = carry
            off = pl.multiple_of(j * _L, _L)
            lv = lpk[pl.ds(off, _L)]
            m = (lax.shift_right_logical(lv, 24) == o) \
                & ((j * _L + lanes) < nloc)
            mi = m.astype(jnp.int32)
            rank = plsc.cumsum(mi) - mi
            dest = cs + rank
            plsc.store_scatter(
                clane, [dest],
                lax.shift_right_logical(lv, 14) & 1023, mask=m)
            plsc.store_scatter(cpos, [dest], lv & 16383, mask=m)
            cs = cs + jnp.sum(mi)
            cb = lax.cond(cs >= _L, lambda: drain(_L, cb, pf), lambda: cb)
            cs = lax.cond(cs >= _L, lambda: cs - _L, lambda: cs)
            return (cs, cb)

        cs, cb = lax.fori_loop(0, ngr, scan_body, (0, cb))
        cb = lax.cond(cs > 0, lambda: drain(cs, cb, pf), lambda: cb)
        pn = jnp.where(p == _NBUF - 1, 0, p + 1)
        return (cb, pn)

    cb, _ = lax.fori_loop(0, n_o, chunk_body, (0, 0))
    lax.cond(cb > 0, lambda: flush(cb), lambda: cb)


@jax.jit
def kernel(input_, weight):
    idx2 = input_.astype(jnp.int32).reshape(_BATCH // 128, 128)
    wt = jnp.swapaxes(weight, 0, 1)
    f = pl.kernel(
        _body,
        mesh=plsc.VectorSubcoreMesh(core_axis_name="c", subcore_axis_name="s"),
        out_type=jax.ShapeDtypeStruct((_BATCH + _NW, 128), jnp.float32),
        scratch_types=[
            pltpu.VMEM((_L, 128), jnp.int32),
            pltpu.VMEM((_BATCH,), jnp.int32),
            pltpu.VMEM((_NBUF, _EMBED_DIM, _CHUNK), jnp.float32),
            pltpu.VMEM((2 * _L,), jnp.int32),
            pltpu.VMEM((2 * _L,), jnp.int32),
            pltpu.VMEM((_RB, 128), jnp.float32),
            pltpu.VMEM((_RB,), jnp.int32),
            pltpu.SemaphoreType.DMA,
        ],
        compiler_params=pltpu.CompilerParams(needs_layout_passes=False),
    )
    out2 = f(idx2, wt)
    return out2[:_BATCH, :_EMBED_DIM]

# --- scband reference (transcript-rebuilt; emitter-appended) ---
"""Pipeline reference for scband-vocab-parallel-embedding-with-topping-21036749816228 (READ-ONLY COPY).

The authoritative reference and input builder live on the scoring server;
editing this copy changes nothing except your own understanding.
"""

import jax, jax.numpy as jnp
import numpy as np

VOCAB = 1000000
EMBED_DIM = 64
BATCH = 16384

def setup_inputs(seed: int = 0) -> dict:
    key = jax.random.key(seed)
    k_idx, k_w = jax.random.split(key)
    input_ = jax.random.randint(k_idx, (BATCH,), 0, VOCAB, dtype=jnp.int64 if jax.config.jax_enable_x64 else jnp.int32)
    weight = jax.random.normal(k_w, (VOCAB, EMBED_DIM), dtype=jnp.float32)
    return {"input_": input_, "weight": weight}

def reference(input_, weight):
    # VocabParallelEmbeddingWithTopping.forward simply delegates to the base
    # VocabParallelEmbedding, i.e. a row-gather from the embedding table.
    out = jnp.take(weight, input_, axis=0)
    return out

if __name__ == "__main__":
    import jax
    _d = setup_inputs()
    print(jax.jit(kernel)(*tuple(_d.values())))

</pallas_src>

<mosaic_0001>
#map = affine_map<(d0, d1) -> (0, 0)>
module attributes {stable_mosaic.version = 14 : i64} {
  func.func @_body(%arg0: i32, %arg1: i32, %arg2: memref<128x128xi32, #tpu.memory_space<hbm>>, %arg3: memref<64x1000000xf32, #tpu.memory_space<hbm>>, %arg4: memref<16416x128xf32, #tpu.memory_space<hbm>>, %arg5: memref<16x128xi32, #tpu.memory_space<vmem>>, %arg6: memref<16384xi32, #tpu.memory_space<vmem>>, %arg7: memref<3x64x512xf32, #tpu.memory_space<vmem>>, %arg8: memref<32xi32, #tpu.memory_space<vmem>>, %arg9: memref<32xi32, #tpu.memory_space<vmem>>, %arg10: memref<64x128xf32, #tpu.memory_space<vmem>>, %arg11: memref<64xi32, #tpu.memory_space<vmem>>, %arg12: memref<!tpu.dma_semaphore, #tpu.memory_space<semaphore_mem>>) attributes {dimension_semantics = [#tpu.dimension_semantics<core_parallel>, #tpu.dimension_semantics<subcore_parallel>], iteration_bounds = array<i64: 2, 16>, scalar_prefetch = 0 : i64, scratch_operands = 8 : i64, tpu.core_type = #tpu.core_type<sc_vector_subcore>, window_params = [{transform_indices = #map}, {transform_indices = #map}, {transform_indices = #map}]} {
    %mul3A = arith.constant 2 : i32
    %mul3A_0 = arith.muli %arg1, %mul3A : i32
    %add3A = arith.addi %mul3A_0, %arg0 : i32
    %iota3A = tpu.iota {dimensions = array<i32: 0>} : vector<16xi32>
    %add3A_1 = arith.constant 16384 : i32
    %add3A_2 = arith.addi %add3A_1, %add3A : i32
    %broadcast_in_dim3A = arith.constant 0 : i32
    %broadcast_in_dim3A_3 = vector.broadcast %broadcast_in_dim3A : i32 to vector<16xi32>
    %lt3A = arith.constant 2 : i32
    %lt3A_4 = arith.cmpi slt, %add3A, %lt3A : i32
    %jit3A = arith.constant 1 : i32
    %jit3A_5 = arith.constant 0 : i32
    %select_n3A = arith.select %lt3A_4, %jit3A, %jit3A_5 : i32
    %add3A_6 = arith.constant 61 : i32
    %add3A_7 = arith.addi %add3A_6, %select_n3A : i32
    %swap3A = arith.constant 0 : index
    %swap3A_8 = tpu.vector_load %arg8[%swap3A] {strides = array<i32>} : memref<32xi32, #tpu.memory_space<vmem>>, vector<16xi32>,
    tpu.vector_store %arg8[%swap3A], %broadcast_in_dim3A_3 {strides = array<i32>} : memref<32xi32, #tpu.memory_space<vmem>>, vector<16xi32>,
    %swap3A_9 = arith.constant 16 : index
    %swap3A_10 = tpu.vector_load %arg8[%swap3A_9] {strides = array<i32>} : memref<32xi32, #tpu.memory_space<vmem>>, vector<16xi32>,
    tpu.vector_store %arg8[%swap3A_9], %broadcast_in_dim3A_3 {strides = array<i32>} : memref<32xi32, #tpu.memory_space<vmem>>, vector<16xi32>,
    %swap3A_11 = arith.constant 0 : index
    %swap3A_12 = tpu.vector_load %arg9[%swap3A_11] {strides = array<i32>} : memref<32xi32, #tpu.memory_space<vmem>>, vector<16xi32>,
    tpu.vector_store %arg9[%swap3A_11], %broadcast_in_dim3A_3 {strides = array<i32>} : memref<32xi32, #tpu.memory_space<vmem>>, vector<16xi32>,
    %swap3A_13 = arith.constant 16 : index
    %swap3A_14 = tpu.vector_load %arg9[%swap3A_13] {strides = array<i32>} : memref<32xi32, #tpu.memory_space<vmem>>, vector<16xi32>,
    tpu.vector_store %arg9[%swap3A_13], %broadcast_in_dim3A_3 {strides = array<i32>} : memref<32xi32, #tpu.memory_space<vmem>>, vector<16xi32>,
    %broadcast_in_dim3A_15 = vector.broadcast %add3A_2 : i32 to vector<16xi32>
    %swap3A_16 = arith.constant 0 : index
    %swap3A_17 = tpu.vector_load %arg11[%swap3A_16] {strides = array<i32>} : memref<64xi32, #tpu.memory_space<vmem>>, vector<16xi32>,
    tpu.vector_store %arg11[%swap3A_16], %broadcast_in_dim3A_15 {strides = array<i32>} : memref<64xi32, #tpu.memory_space<vmem>>, vector<16xi32>,
    %swap3A_18 = arith.constant 16 : index
    %swap3A_19 = tpu.vector_load %arg11[%swap3A_18] {strides = array<i32>} : memref<64xi32, #tpu.memory_space<vmem>>, vector<16xi32>,
    tpu.vector_store %arg11[%swap3A_18], %broadcast_in_dim3A_15 {strides = array<i32>} : memref<64xi32, #tpu.memory_space<vmem>>, vector<16xi32>,
    %swap3A_20 = arith.constant 32 : index
    %swap3A_21 = tpu.vector_load %arg11[%swap3A_20] {strides = array<i32>} : memref<64xi32, #tpu.memory_space<vmem>>, vector<16xi32>,
    tpu.vector_store %arg11[%swap3A_20], %broadcast_in_dim3A_15 {strides = array<i32>} : memref<64xi32, #tpu.memory_space<vmem>>, vector<16xi32>,
    %swap3A_22 = arith.constant 48 : index
    %swap3A_23 = tpu.vector_load %arg11[%swap3A_22] {strides = array<i32>} : memref<64xi32, #tpu.memory_space<vmem>>, vector<16xi32>,
    tpu.vector_store %arg11[%swap3A_22], %broadcast_in_dim3A_15 {strides = array<i32>} : memref<64xi32, #tpu.memory_space<vmem>>, vector<16xi32>,
    %add3A_24 = arith.constant 0 : i32
    %add3A_25 = arith.addi %add3A, %add3A_24 : i32
    %eq3A = arith.constant 1953 : i32
    %eq3A_26 = arith.cmpi eq, %add3A_25, %eq3A : i32
    %convert_element_type3A = arith.extui %eq3A_26 : i1 to i32
    %cond3A = arith.constant 0 : i32
    %cond3A_27 = arith.cmpi ne, %convert_element_type3A, %cond3A : i32
    %cond3A_28 = scf.if %cond3A_27 -> (i32) {
      %min3A = arith.constant 1953 : i32
      %min3A_64 = arith.minsi %add3A_25, %min3A : i32
      %mul3A_65 = arith.constant 512 : i32
      %mul3A_66 = arith.muli %min3A_64, %mul3A_65 : i32
      %multiple_of3A = tpu.assume_multiple %mul3A_66, 128 : i32
      %dma_start3A = arith.constant 0 : i32
      %dma_start3A_67 = arith.constant 0 : i32
      %dma_start3A_68 = arith.constant 0 : i32
      %dma_start3A_69 = tpu.memref_slice %arg7[%dma_start3A, %dma_start3A_67, %dma_start3A_68] : memref<3x64x512xf32, #tpu.memory_space<vmem>> -> memref<1x64x512xf32, #tpu.memory_space<vmem>>
      %dma_start3A_70 = tpu.memref_squeeze %dma_start3A_69 : memref<1x64x512xf32, #tpu.memory_space<vmem>> -> memref<64x512xf32, #tpu.memory_space<vmem>>
      %dma_start3A_71 = arith.constant 0 : i32
      %dma_start3A_72 = arith.constant 0 : i32
      %dma_start3A_73 = tpu.memref_slice %dma_start3A_70[%dma_start3A_71, %dma_start3A_72] : memref<64x512xf32, #tpu.memory_space<vmem>> -> memref<64x128xf32, #tpu.memory_space<vmem>>
      %dma_start3A_74 = arith.constant 0 : i32
      %dma_start3A_75 = tpu.memref_slice %arg3[%dma_start3A_74, %multiple_of3A] : memref<64x1000000xf32, #tpu.memory_space<hbm>> -> memref<64x128xf32, #tpu.memory_space<hbm>>
      %dma_start3A_76 = arith.constant 0 : i32
      %dma_start3A_77 = arith.constant 0 : i32
      %dma_start3A_78 = tpu.memref_slice %arg7[%dma_start3A, %dma_start3A_76, %dma_start3A_77] : memref<3x64x512xf32, #tpu.memory_space<vmem>> -> memref<1x64x512xf32, #tpu.memory_space<vmem>>
      %dma_start3A_79 = tpu.memref_squeeze %dma_start3A_78 : memref<1x64x512xf32, #tpu.memory_space<vmem>> -> memref<64x512xf32, #tpu.memory_space<vmem>>
      %dma_start3A_80 = arith.constant 0 : i32
      %dma_start3A_81 = arith.constant 0 : i32
      %dma_start3A_82 = tpu.memref_slice %dma_start3A_79[%dma_start3A_80, %dma_start3A_81] : memref<64x512xf32, #tpu.memory_space<vmem>> -> memref<64x128xf32, #tpu.memory_space<vmem>>
      %dma_start3A_83 = arith.constant 0 : i32
      %dma_start3A_84 = tpu.memref_slice %arg3[%dma_start3A_83, %multiple_of3A] : memref<64x1000000xf32, #tpu.memory_space<hbm>> -> memref<64x128xf32, #tpu.memory_space<hbm>>
      tpu.enqueue_dma source(%dma_start3A_84 : memref<64x128xf32, #tpu.memory_space<hbm>>) target(%dma_start3A_82 : memref<64x128xf32, #tpu.memory_space<vmem>>) target_semaphore(%arg12 : memref<!tpu.dma_semaphore, #tpu.memory_space<semaphore_mem>>)
      %cond3A_85 = arith.constant 0 : i32
      scf.yield %cond3A_85 : i32
    } else {
      %min3A = arith.constant 1952 : i32
      %min3A_64 = arith.minsi %add3A_25, %min3A : i32
      %mul3A_65 = arith.constant 512 : i32
      %mul3A_66 = arith.muli %min3A_64, %mul3A_65 : i32
      %multiple_of3A = tpu.assume_multiple %mul3A_66, 128 : i32
      %dma_start3A = arith.constant 0 : i32
      %dma_start3A_67 = arith.constant 0 : i32
      %dma_start3A_68 = arith.constant 0 : i32
      %dma_start3A_69 = tpu.memref_slice %arg7[%dma_start3A, %dma_start3A_67, %dma_start3A_68] : memref<3x64x512xf32, #tpu.memory_space<vmem>> -> memref<1x64x512xf32, #tpu.memory_space<vmem>>
      %dma_start3A_70 = tpu.memref_squeeze %dma_start3A_69 : memref<1x64x512xf32, #tpu.memory_space<vmem>> -> memref<64x512xf32, #tpu.memory_space<vmem>>
      %dma_start3A_71 = arith.constant 0 : i32
      %dma_start3A_72 = tpu.memref_slice %arg3[%dma_start3A_71, %multiple_of3A] : memref<64x1000000xf32, #tpu.memory_space<hbm>> -> memref<64x512xf32, #tpu.memory_space<hbm>>
      %dma_start3A_73 = arith.constant 0 : i32
      %dma_start3A_74 = arith.constant 0 : i32
      %dma_start3A_75 = tpu.memref_slice %arg7[%dma_start3A, %dma_start3A_73, %dma_start3A_74] : memref<3x64x512xf32, #tpu.memory_space<vmem>> -> memref<1x64x512xf32, #tpu.memory_space<vmem>>
      %dma_start3A_76 = tpu.memref_squeeze %dma_start3A_75 : memref<1x64x512xf32, #tpu.memory_space<vmem>> -> memref<64x512xf32, #tpu.memory_space<vmem>>
      %dma_start3A_77 = arith.constant 0 : i32
      %dma_start3A_78 = tpu.memref_slice %arg3[%dma_start3A_77, %multiple_of3A] : memref<64x1000000xf32, #tpu.memory_space<hbm>> -> memref<64x512xf32, #tpu.memory_space<hbm>>
      tpu.enqueue_dma source(%dma_start3A_78 : memref<64x512xf32, #tpu.memory_space<hbm>>) target(%dma_start3A_76 : memref<64x512xf32, #tpu.memory_space<vmem>>) target_semaphore(%arg12 : memref<!tpu.dma_semaphore, #tpu.memory_space<semaphore_mem>>)
      %cond3A_79 = arith.constant 0 : i32
      scf.yield %cond3A_79 : i32
    }
    %add3A_29 = arith.constant 32 : i32
    %add3A_30 = arith.addi %add3A, %add3A_29 : i32
    %eq3A_31 = arith.constant 1953 : i32
    %eq3A_32 = arith.cmpi eq, %add3A_30, %eq3A_31 : i32
    %convert_element_type3A_33 = arith.extui %eq3A_32 : i1 to i32
    %cond3A_34 = arith.constant 0 : i32
    %cond3A_35 = arith.cmpi ne, %convert_element_type3A_33, %cond3A_34 : i32
    %cond3A_36 = scf.if %cond3A_35 -> (i32) {
      %min3A = arith.constant 1953 : i32
      %min3A_64 = arith.minsi %add3A_30, %min3A : i32
      %mul3A_65 = arith.constant 512 : i32
      %mul3A_66 = arith.muli %min3A_64, %mul3A_65 : i32
      %multiple_of3A = tpu.assume_multiple %mul3A_66, 128 : i32
      %dma_start3A = arith.constant 1 : i32
      %dma_start3A_67 = arith.constant 0 : i32
      %dma_start3A_68 = arith.constant 0 : i32
      %dma_start3A_69 = tpu.memref_slice %arg7[%dma_start3A, %dma_start3A_67, %dma_start3A_68] : memref<3x64x512xf32, #tpu.memory_space<vmem>> -> memref<1x64x512xf32, #tpu.memory_space<vmem>>
      %dma_start3A_70 = tpu.memref_squeeze %dma_start3A_69 : memref<1x64x512xf32, #tpu.memory_space<vmem>> -> memref<64x512xf32, #tpu.memory_space<vmem>>
      %dma_start3A_71 = arith.constant 0 : i32
      %dma_start3A_72 = arith.constant 0 : i32
      %dma_start3A_73 = tpu.memref_slice %dma_start3A_70[%dma_start3A_71, %dma_start3A_72] : memref<64x512xf32, #tpu.memory_space<vmem>> -> memref<64x128xf32, #tpu.memory_space<vmem>>
      %dma_start3A_74 = arith.constant 0 : i32
      %dma_start3A_75 = tpu.memref_slice %arg3[%dma_start3A_74, %multiple_of3A] : memref<64x1000000xf32, #tpu.memory_space<hbm>> -> memref<64x128xf32, #tpu.memory_space<hbm>>
      %dma_start3A_76 = arith.constant 0 : i32
      %dma_start3A_77 = arith.constant 0 : i32
      %dma_start3A_78 = tpu.memref_slice %arg7[%dma_start3A, %dma_start3A_76, %dma_start3A_77] : memref<3x64x512xf32, #tpu.memory_space<vmem>> -> memref<1x64x512xf32, #tpu.memory_space<vmem>>
      %dma_start3A_79 = tpu.memref_squeeze %dma_start3A_78 : memref<1x64x512xf32, #tpu.memory_space<vmem>> -> memref<64x512xf32, #tpu.memory_space<vmem>>
      %dma_start3A_80 = arith.constant 0 : i32
      %dma_start3A_81 = arith.constant 0 : i32
      %dma_start3A_82 = tpu.memref_slice %dma_start3A_79[%dma_start3A_80, %dma_start3A_81] : memref<64x512xf32, #tpu.memory_space<vmem>> -> memref<64x128xf32, #tpu.memory_space<vmem>>
      %dma_start3A_83 = arith.constant 0 : i32
      %dma_start3A_84 = tpu.memref_slice %arg3[%dma_start3A_83, %multiple_of3A] : memref<64x1000000xf32, #tpu.memory_space<hbm>> -> memref<64x128xf32, #tpu.memory_space<hbm>>
      tpu.enqueue_dma source(%dma_start3A_84 : memref<64x128xf32, #tpu.memory_space<hbm>>) target(%dma_start3A_82 : memref<64x128xf32, #tpu.memory_space<vmem>>) target_semaphore(%arg12 : memref<!tpu.dma_semaphore, #tpu.memory_space<semaphore_mem>>)
      %cond3A_85 = arith.constant 0 : i32
      scf.yield %cond3A_85 : i32
    } else {
      %min3A = arith.constant 1952 : i32
      %min3A_64 = arith.minsi %add3A_30, %min3A : i32
      %mul3A_65 = arith.constant 512 : i32
      %mul3A_66 = arith.muli %min3A_64, %mul3A_65 : i32
      %multiple_of3A = tpu.assume_multiple %mul3A_66, 128 : i32
      %dma_start3A = arith.constant 1 : i32
      %dma_start3A_67 = arith.constant 0 : i32
      %dma_start3A_68 = arith.constant 0 : i32
      %dma_start3A_69 = tpu.memref_slice %arg7[%dma_start3A, %dma_start3A_67, %dma_start3A_68] : memref<3x64x512xf32, #tpu.memory_space<vmem>> -> memref<1x64x512xf32, #tpu.memory_space<vmem>>
      %dma_start3A_70 = tpu.memref_squeeze %dma_start3A_69 : memref<1x64x512xf32, #tpu.memory_space<vmem>> -> memref<64x512xf32, #tpu.memory_space<vmem>>
      %dma_start3A_71 = arith.constant 0 : i32
      %dma_start3A_72 = tpu.memref_slice %arg3[%dma_start3A_71, %multiple_of3A] : memref<64x1000000xf32, #tpu.memory_space<hbm>> -> memref<64x512xf32, #tpu.memory_space<hbm>>
      %dma_start3A_73 = arith.constant 0 : i32
      %dma_start3A_74 = arith.constant 0 : i32
      %dma_start3A_75 = tpu.memref_slice %arg7[%dma_start3A, %dma_start3A_73, %dma_start3A_74] : memref<3x64x512xf32, #tpu.memory_space<vmem>> -> memref<1x64x512xf32, #tpu.memory_space<vmem>>
      %dma_start3A_76 = tpu.memref_squeeze %dma_start3A_75 : memref<1x64x512xf32, #tpu.memory_space<vmem>> -> memref<64x512xf32, #tpu.memory_space<vmem>>
      %dma_start3A_77 = arith.constant 0 : i32
      %dma_start3A_78 = tpu.memref_slice %arg3[%dma_start3A_77, %multiple_of3A] : memref<64x1000000xf32, #tpu.memory_space<hbm>> -> memref<64x512xf32, #tpu.memory_space<hbm>>
      tpu.enqueue_dma source(%dma_start3A_78 : memref<64x512xf32, #tpu.memory_space<hbm>>) target(%dma_start3A_76 : memref<64x512xf32, #tpu.memory_space<vmem>>) target_semaphore(%arg12 : memref<!tpu.dma_semaphore, #tpu.memory_space<semaphore_mem>>)
      %cond3A_79 = arith.constant 0 : i32
      scf.yield %cond3A_79 : i32
    }
    %scan3A = arith.constant 0 : i32
    %scan3A_37 = arith.constant 0 : i32
    %scan3A_38 = arith.constant 8 : i32
    %scan3A_39 = arith.addi %scan3A_37, %scan3A_38 : i32
    %scan3A_40 = arith.constant 1 : i32
    %scan3A_41 = scf.for %scan3A_64 = %scan3A_37 to %scan3A_39 step %scan3A_40 iter_args(%scan3A_65 = %scan3A) -> (i32)  : i32 {
      %mul3A_66 = arith.constant 16 : i32
      %mul3A_67 = arith.muli %scan3A_64, %mul3A_66 : i32
      %multiple_of3A = tpu.assume_multiple %mul3A_67, 16 : i32
      "tpu.region"() ({
        %run_scoped3A = tpu.sem_alloc : memref<!tpu.dma_semaphore, #tpu.memory_space<semaphore_mem>>
        %dma_start3A = arith.constant 0 : i32
        %dma_start3A_74 = tpu.memref_slice %arg2[%multiple_of3A, %dma_start3A] : memref<128x128xi32, #tpu.memory_space<hbm>> -> memref<16x128xi32, #tpu.memory_space<hbm>>
        %dma_start3A_75 = arith.constant 0 : i32
        %dma_start3A_76 = tpu.memref_slice %arg2[%multiple_of3A, %dma_start3A_75] : memref<128x128xi32, #tpu.memory_space<hbm>> -> memref<16x128xi32, #tpu.memory_space<hbm>>
        tpu.enqueue_dma source(%dma_start3A_76 : memref<16x128xi32, #tpu.memory_space<hbm>>) target(%arg5 : memref<16x128xi32, #tpu.memory_space<vmem>>) target_semaphore(%run_scoped3A : memref<!tpu.dma_semaphore, #tpu.memory_space<semaphore_mem>>)
        %dma_wait3A = arith.constant 0 : i32
        %dma_wait3A_77 = tpu.memref_slice %arg2[%multiple_of3A, %dma_wait3A] : memref<128x128xi32, #tpu.memory_space<hbm>> -> memref<16x128xi32, #tpu.memory_space<hbm>>
        %dma_wait3A_78 = arith.constant 0 : i32
        %dma_wait3A_79 = tpu.memref_slice %arg2[%multiple_of3A, %dma_wait3A_78] : memref<128x128xi32, #tpu.memory_space<hbm>> -> memref<16x128xi32, #tpu.memory_space<hbm>>
        tpu.wait_dma2 semaphore(%run_scoped3A : memref<!tpu.dma_semaphore, #tpu.memory_space<semaphore_mem>>) src(%dma_wait3A_79 : memref<16x128xi32, #tpu.memory_space<hbm>>) dst(%arg5 : memref<16x128xi32, #tpu.memory_space<vmem>>)
        tpu.yield
      }) : () -> ()
      %scan3A_68 = arith.constant 0 : i32
      %scan3A_69 = arith.constant 128 : i32
      %scan3A_70 = arith.addi %scan3A_68, %scan3A_69 : i32
      %scan3A_71 = arith.constant 1 : i32
      %scan3A_72 = scf.for %scan3A_74 = %scan3A_68 to %scan3A_70 step %scan3A_71 iter_args(%scan3A_75 = %scan3A_65) -> (i32)  : i32 {
        %shift_right_logical3A_76 = arith.constant 3 : i32
        %shift_right_logical3A_77 = arith.shrui %scan3A_74, %shift_right_logical3A_76 : i32
        %and3A = arith.constant 7 : i32
        %and3A_78 = arith.andi %scan3A_74, %and3A : i32
        %mul3A_79 = arith.constant 16 : i32
        %mul3A_80 = arith.muli %and3A_78, %mul3A_79 : i32
        %multiple_of3A_81 = tpu.assume_multiple %mul3A_80, 16 : i32
        %get3A = arith.index_cast %shift_right_logical3A_77 : i32 to index
        %get3A_82 = arith.index_cast %multiple_of3A_81 : i32 to index
        %get3A_83 = tpu.vector_load %arg5[%get3A, %get3A_82] {strides = array<i32>} : memref<16x128xi32, #tpu.memory_space<vmem>>, vector<16xi32>,
        %shift_right_logical3A_84 = arith.constant 9 : i32
        %shift_right_logical3A_85 = vector.broadcast %shift_right_logical3A_84 : i32 to vector<16xi32>
        %shift_right_logical3A_86 = arith.shrui %get3A_83, %shift_right_logical3A_85 : vector<16xi32>
        %min3A = arith.constant 1953 : i32
        %min3A_87 = vector.broadcast %min3A : i32 to vector<16xi32>
        %min3A_88 = arith.minsi %shift_right_logical3A_86, %min3A_87 : vector<16xi32>
        %and3A_89 = arith.constant 31 : i32
        %and3A_90 = vector.broadcast %and3A_89 : i32 to vector<16xi32>
        %and3A_91 = arith.andi %min3A_88, %and3A_90 : vector<16xi32>
        %eq3A_92 = vector.broadcast %add3A : i32 to vector<16xi32>
        %eq3A_93 = arith.cmpi eq, %and3A_91, %eq3A_92 : vector<16xi32>
        %convert_element_type3A_94 = arith.extui %eq3A_93 : vector<16xi1> to vector<16xi32>
        %broadcast_in_dim3A_95 = arith.constant true
        %broadcast_in_dim3A_96 = vector.broadcast %broadcast_in_dim3A_95 : i1 to vector<16xi1>
        %masked_cumsum3A = tpu.scan <sum>, %convert_element_type3A_94 masked %broadcast_in_dim3A_96 : vector<16xi32>, vector<16xi1> -> vector<16xi32>
        %sub3A_97 = arith.subi %masked_cumsum3A, %convert_element_type3A_94 : vector<16xi32>
        %add3A_98 = vector.broadcast %scan3A_75 : i32 to vector<16xi32>
        %add3A_99 = arith.addi %add3A_98, %sub3A_97 : vector<16xi32>
        %mul3A_100 = arith.constant 512 : i32
        %mul3A_101 = vector.broadcast %mul3A_100 : i32 to vector<16xi32>
        %mul3A_102 = arith.muli %min3A_88, %mul3A_101 : vector<16xi32>
        %sub3A_103 = arith.subi %get3A_83, %mul3A_102 : vector<16xi32>
        %mul3A_104 = arith.constant 2048 : i32
        %mul3A_105 = arith.muli %scan3A_64, %mul3A_104 : i32
        %mul3A_106 = arith.constant 16 : i32
        %mul3A_107 = arith.muli %scan3A_74, %mul3A_106 : i32
        %add3A_108 = arith.addi %mul3A_105, %mul3A_107 : i32
        %add3A_109 = vector.broadcast %add3A_108 : i32 to vector<16xi32>
        %add3A_110 = arith.addi %add3A_109, %iota3A : vector<16xi32>
        %shift_right_logical3A_111 = arith.constant 5 : i32
        %shift_right_logical3A_112 = vector.broadcast %shift_right_logical3A_111 : i32 to vector<16xi32>
        %shift_right_logical3A_113 = arith.shrui %min3A_88, %shift_right_logical3A_112 : vector<16xi32>
        %shift_left3A = arith.constant 24 : i32
        %shift_left3A_114 = vector.broadcast %shift_left3A : i32 to vector<16xi32>
        %shift_left3A_115 = arith.shli %shift_right_logical3A_113, %shift_left3A_114 : vector<16xi32>
        %shift_left3A_116 = arith.constant 14 : i32
        %shift_left3A_117 = vector.broadcast %shift_left3A_116 : i32 to vector<16xi32>
        %shift_left3A_118 = arith.shli %sub3A_103, %shift_left3A_117 : vector<16xi32>
        %or3A = arith.ori %shift_left3A_115, %shift_left3A_118 : vector<16xi32>
        %or3A_119 = arith.ori %or3A, %add3A_110 : vector<16xi32>
        tpu.vector_store_idx %arg6[%add3A_99], %or3A_119 masked %eq3A_93 : memref<16384xi32, #tpu.memory_space<vmem>>[vector<16xi32>], vector<16xi32>, vector<16xi1>
        %reduce_sum3A = arith.constant true
        %reduce_sum3A_120 = vector.broadcast %reduce_sum3A : i1 to vector<16xi1>
        %reduce_sum3A_121 = tpu.scan <sum>, %convert_element_type3A_94 masked %reduce_sum3A_120 : vector<16xi32>, vector<16xi1> -> vector<16xi32>
        %reduce_sum3A_122 = vector.extract %reduce_sum3A_121[15] : i32 from vector<16xi32>
        %add3A_123 = arith.addi %scan3A_75, %reduce_sum3A_122 : i32
        scf.yield %add3A_123 : i32
      }
      %scan3A_73 = arith.constant 128 : i32
      scf.yield %scan3A_72 : i32
    }
    %scan3A_42 = arith.constant 8 : i32
    %add3A_43 = arith.constant 16 : i32
    %add3A_44 = arith.addi %scan3A_41, %add3A_43 : i32
    %sub3A = arith.constant 1 : i32
    %sub3A_45 = arith.subi %add3A_44, %sub3A : i32
    %shift_right_logical3A = arith.constant 4 : i32
    %shift_right_logical3A_46 = arith.shrui %sub3A_45, %shift_right_logical3A : i32
    %while3A = arith.constant 0 : i32
    %while3A_47 = arith.constant 0 : i32
    %while3A_48 = arith.constant 0 : i32
    %while3A_49 = arith.subi %add3A_7, %while3A : i32
    %while3A_50 = arith.addi %while3A, %while3A_49 : i32
    %while3A_51 = arith.constant 1 : i32
    %while3A_52 = arith.divsi %while3A_49, %while3A_51 : i32
    %while3A_53 = arith.muli %while3A_52, %while3A_51 : i32
    %while3A_54 = arith.addi %while3A, %while3A_53 : i32
    %while3A_55 = arith.constant 1 : i32
    %while3A_56:2 = scf.for %while3A_64 = %while3A to %while3A_54 step %while3A_55 iter_args(%while3A_65 = %while3A_47, %while3A_66 = %while3A_48) -> (i32, i32)  : i32 {
      %eq3A_67 = arith.constant 0 : i32
      %eq3A_68 = arith.cmpi eq, %while3A_66, %eq3A_67 : i32
      %sub3A_69 = arith.constant 1 : i32
      %sub3A_70 = arith.subi %while3A_66, %sub3A_69 : i32
      %jit3A_71 = arith.constant 2 : i32
      %select_n3A_72 = arith.select %eq3A_68, %jit3A_71, %sub3A_70 : i32
      %add3A_73 = arith.constant 2 : i32
      %add3A_74 = arith.addi %while3A_64, %add3A_73 : i32
      %lt3A_75 = arith.cmpi slt, %add3A_74, %add3A_7 : i32
      %convert_element_type3A_76 = arith.extui %lt3A_75 : i1 to i32
      %cond3A_77 = arith.constant 0 : i32
      %cond3A_78 = arith.cmpi ne, %convert_element_type3A_76, %cond3A_77 : i32
      scf.if %cond3A_78 {
        %add3A_113 = arith.constant 2 : i32
        %add3A_114 = arith.addi %while3A_64, %add3A_113 : i32
        %mul3A_115 = arith.constant 32 : i32
        %mul3A_116 = arith.muli %mul3A_115, %add3A_114 : i32
        %add3A_117 = arith.addi %add3A, %mul3A_116 : i32
        %eq3A_118 = arith.constant 1953 : i32
        %eq3A_119 = arith.cmpi eq, %add3A_117, %eq3A_118 : i32
        %convert_element_type3A_120 = arith.extui %eq3A_119 : i1 to i32
        %cond3A_121 = arith.constant 0 : i32
        %cond3A_122 = arith.cmpi ne, %convert_element_type3A_120, %cond3A_121 : i32
        %cond3A_123 = scf.if %cond3A_122 -> (i32) {
          %min3A = arith.constant 1953 : i32
          %min3A_124 = arith.minsi %add3A_117, %min3A : i32
          %mul3A_125 = arith.constant 512 : i32
          %mul3A_126 = arith.muli %min3A_124, %mul3A_125 : i32
          %multiple_of3A = tpu.assume_multiple %mul3A_126, 128 : i32
          %dma_start3A = arith.constant 0 : i32
          %dma_start3A_127 = arith.constant 0 : i32
          %dma_start3A_128 = tpu.memref_slice %arg7[%select_n3A_72, %dma_start3A, %dma_start3A_127] : memref<3x64x512xf32, #tpu.memory_space<vmem>> -> memref<1x64x512xf32, #tpu.memory_space<vmem>>
          %dma_start3A_129 = tpu.memref_squeeze %dma_start3A_128 : memref<1x64x512xf32, #tpu.memory_space<vmem>> -> memref<64x512xf32, #tpu.memory_space<vmem>>
          %dma_start3A_130 = arith.constant 0 : i32
          %dma_start3A_131 = arith.constant 0 : i32
          %dma_start3A_132 = tpu.memref_slice %dma_start3A_129[%dma_start3A_130, %dma_start3A_131] : memref<64x512xf32, #tpu.memory_space<vmem>> -> memref<64x128xf32, #tpu.memory_space<vmem>>
          %dma_start3A_133 = arith.constant 0 : i32
          %dma_start3A_134 = tpu.memref_slice %arg3[%dma_start3A_133, %multiple_of3A] : memref<64x1000000xf32, #tpu.memory_space<hbm>> -> memref<64x128xf32, #tpu.memory_space<hbm>>
          %dma_start3A_135 = arith.constant 0 : i32
          %dma_start3A_136 = arith.constant 0 : i32
          %dma_start3A_137 = tpu.memref_slice %arg7[%select_n3A_72, %dma_start3A_135, %dma_start3A_136] : memref<3x64x512xf32, #tpu.memory_space<vmem>> -> memref<1x64x512xf32, #tpu.memory_space<vmem>>
          %dma_start3A_138 = tpu.memref_squeeze %dma_start3A_137 : memref<1x64x512xf32, #tpu.memory_space<vmem>> -> memref<64x512xf32, #tpu.memory_space<vmem>>
          %dma_start3A_139 = arith.constant 0 : i32
          %dma_start3A_140 = arith.constant 0 : i32
          %dma_start3A_141 = tpu.memref_slice %dma_start3A_138[%dma_start3A_139, %dma_start3A_140] : memref<64x512xf32, #tpu.memory_space<vmem>> -> memref<64x128xf32, #tpu.memory_space<vmem>>
          %dma_start3A_142 = arith.constant 0 : i32
          %dma_start3A_143 = tpu.memref_slice %arg3[%dma_start3A_142, %multiple_of3A] : memref<64x1000000xf32, #tpu.memory_space<hbm>> -> memref<64x128xf32, #tpu.memory_space<hbm>>
          tpu.enqueue_dma source(%dma_start3A_143 : memref<64x128xf32, #tpu.memory_space<hbm>>) target(%dma_start3A_141 : memref<64x128xf32, #tpu.memory_space<vmem>>) target_semaphore(%arg12 : memref<!tpu.dma_semaphore, #tpu.memory_space<semaphore_mem>>)
          %cond3A_144 = arith.constant 0 : i32
          scf.yield %cond3A_144 : i32
        } else {
          %min3A = arith.constant 1952 : i32
          %min3A_124 = arith.minsi %add3A_117, %min3A : i32
          %mul3A_125 = arith.constant 512 : i32
          %mul3A_126 = arith.muli %min3A_124, %mul3A_125 : i32
          %multiple_of3A = tpu.assume_multiple %mul3A_126, 128 : i32
          %dma_start3A = arith.constant 0 : i32
          %dma_start3A_127 = arith.constant 0 : i32
          %dma_start3A_128 = tpu.memref_slice %arg7[%select_n3A_72, %dma_start3A, %dma_start3A_127] : memref<3x64x512xf32, #tpu.memory_space<vmem>> -> memref<1x64x512xf32, #tpu.memory_space<vmem>>
          %dma_start3A_129 = tpu.memref_squeeze %dma_start3A_128 : memref<1x64x512xf32, #tpu.memory_space<vmem>> -> memref<64x512xf32, #tpu.memory_space<vmem>>
          %dma_start3A_130 = arith.constant 0 : i32
          %dma_start3A_131 = tpu.memref_slice %arg3[%dma_start3A_130, %multiple_of3A] : memref<64x1000000xf32, #tpu.memory_space<hbm>> -> memref<64x512xf32, #tpu.memory_space<hbm>>
          %dma_start3A_132 = arith.constant 0 : i32
          %dma_start3A_133 = arith.constant 0 : i32
          %dma_start3A_134 = tpu.memref_slice %arg7[%select_n3A_72, %dma_start3A_132, %dma_start3A_133] : memref<3x64x512xf32, #tpu.memory_space<vmem>> -> memref<1x64x512xf32, #tpu.memory_space<vmem>>
          %dma_start3A_135 = tpu.memref_squeeze %dma_start3A_134 : memref<1x64x512xf32, #tpu.memory_space<vmem>> -> memref<64x512xf32, #tpu.memory_space<vmem>>
          %dma_start3A_136 = arith.constant 0 : i32
          %dma_start3A_137 = tpu.memref_slice %arg3[%dma_start3A_136, %multiple_of3A] : memref<64x1000000xf32, #tpu.memory_space<hbm>> -> memref<64x512xf32, #tpu.memory_space<hbm>>
          tpu.enqueue_dma source(%dma_start3A_137 : memref<64x512xf32, #tpu.memory_space<hbm>>) target(%dma_start3A_135 : memref<64x512xf32, #tpu.memory_space<vmem>>) target_semaphore(%arg12 : memref<!tpu.dma_semaphore, #tpu.memory_space<semaphore_mem>>)
          %cond3A_138 = arith.constant 0 : i32
          scf.yield %cond3A_138 : i32
        }
      } else {
      }
      %mul3A_79 = arith.constant 32 : i32
      %mul3A_80 = arith.muli %mul3A_79, %while3A_64 : i32
      %add3A_81 = arith.addi %add3A, %mul3A_80 : i32
      %eq3A_82 = arith.constant 1953 : i32
      %eq3A_83 = arith.cmpi eq, %add3A_81, %eq3A_82 : i32
      %convert_element_type3A_84 = arith.extui %eq3A_83 : i1 to i32
      %cond3A_85 = arith.constant 0 : i32
      %cond3A_86 = arith.cmpi ne, %convert_element_type3A_84, %cond3A_85 : i32
      %cond3A_87 = scf.if %cond3A_86 -> (i32) {
        %dma_wait3A = arith.constant 0 : i32
        %dma_wait3A_113 = arith.constant 0 : i32
        %dma_wait3A_114 = arith.constant 0 : i32
        %dma_wait3A_115 = tpu.memref_slice %arg7[%dma_wait3A, %dma_wait3A_113, %dma_wait3A_114] : memref<3x64x512xf32, #tpu.memory_space<vmem>> -> memref<1x64x512xf32, #tpu.memory_space<vmem>>
        %dma_wait3A_116 = tpu.memref_squeeze %dma_wait3A_115 : memref<1x64x512xf32, #tpu.memory_space<vmem>> -> memref<64x512xf32, #tpu.memory_space<vmem>>
        %dma_wait3A_117 = arith.constant 0 : i32
        %dma_wait3A_118 = arith.constant 0 : i32
        %dma_wait3A_119 = tpu.memref_slice %dma_wait3A_116[%dma_wait3A_117, %dma_wait3A_118] : memref<64x512xf32, #tpu.memory_space<vmem>> -> memref<64x128xf32, #tpu.memory_space<vmem>>
        %dma_wait3A_120 = arith.constant 0 : i32
        %dma_wait3A_121 = arith.constant 0 : i32
        %dma_wait3A_122 = tpu.memref_slice %arg3[%dma_wait3A_120, %dma_wait3A_121] : memref<64x1000000xf32, #tpu.memory_space<hbm>> -> memref<64x128xf32, #tpu.memory_space<hbm>>
        %dma_wait3A_123 = arith.constant 0 : i32
        %dma_wait3A_124 = arith.constant 0 : i32
        %dma_wait3A_125 = tpu.memref_slice %arg7[%dma_wait3A, %dma_wait3A_123, %dma_wait3A_124] : memref<3x64x512xf32, #tpu.memory_space<vmem>> -> memref<1x64x512xf32, #tpu.memory_space<vmem>>
        %dma_wait3A_126 = tpu.memref_squeeze %dma_wait3A_125 : memref<1x64x512xf32, #tpu.memory_space<vmem>> -> memref<64x512xf32, #tpu.memory_space<vmem>>
        %dma_wait3A_127 = arith.constant 0 : i32
        %dma_wait3A_128 = arith.constant 0 : i32
        %dma_wait3A_129 = tpu.memref_slice %dma_wait3A_126[%dma_wait3A_127, %dma_wait3A_128] : memref<64x512xf32, #tpu.memory_space<vmem>> -> memref<64x128xf32, #tpu.memory_space<vmem>>
        %dma_wait3A_130 = arith.constant 0 : i32
        %dma_wait3A_131 = arith.constant 0 : i32
        %dma_wait3A_132 = tpu.memref_slice %arg3[%dma_wait3A_130, %dma_wait3A_131] : memref<64x1000000xf32, #tpu.memory_space<hbm>> -> memref<64x128xf32, #tpu.memory_space<hbm>>
        tpu.wait_dma2 semaphore(%arg12 : memref<!tpu.dma_semaphore, #tpu.memory_space<semaphore_mem>>) src(%dma_wait3A_132 : memref<64x128xf32, #tpu.memory_space<hbm>>) dst(%dma_wait3A_129 : memref<64x128xf32, #tpu.memory_space<vmem>>)
        %cond3A_133 = arith.constant 0 : i32
        scf.yield %cond3A_133 : i32
      } else {
        %dma_wait3A = arith.constant 0 : i32
        %dma_wait3A_113 = arith.constant 0 : i32
        %dma_wait3A_114 = arith.constant 0 : i32
        %dma_wait3A_115 = tpu.memref_slice %arg7[%dma_wait3A, %dma_wait3A_113, %dma_wait3A_114] : memref<3x64x512xf32, #tpu.memory_space<vmem>> -> memref<1x64x512xf32, #tpu.memory_space<vmem>>
        %dma_wait3A_116 = tpu.memref_squeeze %dma_wait3A_115 : memref<1x64x512xf32, #tpu.memory_space<vmem>> -> memref<64x512xf32, #tpu.memory_space<vmem>>
        %dma_wait3A_117 = arith.constant 0 : i32
        %dma_wait3A_118 = arith.constant 0 : i32
        %dma_wait3A_119 = tpu.memref_slice %arg3[%dma_wait3A_117, %dma_wait3A_118] : memref<64x1000000xf32, #tpu.memory_space<hbm>> -> memref<64x512xf32, #tpu.memory_space<hbm>>
        %dma_wait3A_120 = arith.constant 0 : i32
        %dma_wait3A_121 = arith.constant 0 : i32
        %dma_wait3A_122 = tpu.memref_slice %arg7[%dma_wait3A, %dma_wait3A_120, %dma_wait3A_121] : memref<3x64x512xf32, #tpu.memory_space<vmem>> -> memref<1x64x512xf32, #tpu.memory_space<vmem>>
        %dma_wait3A_123 = tpu.memref_squeeze %dma_wait3A_122 : memref<1x64x512xf32, #tpu.memory_space<vmem>> -> memref<64x512xf32, #tpu.memory_space<vmem>>
        %dma_wait3A_124 = arith.constant 0 : i32
        %dma_wait3A_125 = arith.constant 0 : i32
        %dma_wait3A_126 = tpu.memref_slice %arg3[%dma_wait3A_124, %dma_wait3A_125] : memref<64x1000000xf32, #tpu.memory_space<hbm>> -> memref<64x512xf32, #tpu.memory_space<hbm>>
        tpu.wait_dma2 semaphore(%arg12 : memref<!tpu.dma_semaphore, #tpu.memory_space<semaphore_mem>>) src(%dma_wait3A_126 : memref<64x512xf32, #tpu.memory_space<hbm>>) dst(%dma_wait3A_123 : memref<64x512xf32, #tpu.memory_space<vmem>>)
        %cond3A_127 = arith.constant 0 : i32
        scf.yield %cond3A_127 : i32
      }
      %broadcast_in_dim3A_88 = vector.broadcast %while3A_66 : i32 to vector<16xi32>
      %while3A_89 = arith.constant 0 : i32
      %while3A_90 = arith.constant 0 : i32
      %while3A_91 = arith.subi %shift_right_logical3A_46, %while3A_89 : i32
      %while3A_92 = arith.addi %while3A_89, %while3A_91 : i32
      %while3A_93 = arith.constant 1 : i32
      %while3A_94 = arith.divsi %while3A_91, %while3A_93 : i32
      %while3A_95 = arith.muli %while3A_94, %while3A_93 : i32
      %while3A_96 = arith.addi %while3A_89, %while3A_95 : i32
      %while3A_97 = arith.constant 1 : i32
      %while3A_98:2 = scf.for %while3A_113 = %while3A_89 to %while3A_96 step %while3A_97 iter_args(%while3A_114 = %while3A_90, %while3A_115 = %while3A_65) -> (i32, i32)  : i32 {
        %mul3A_116 = arith.constant 16 : i32
        %mul3A_117 = arith.muli %while3A_113, %mul3A_116 : i32
        %multiple_of3A = tpu.assume_multiple %mul3A_117, 16 : i32
        %get3A = arith.index_cast %multiple_of3A : i32 to index
        %get3A_118 = tpu.vector_load %arg6[%get3A] {strides = array<i32>} : memref<16384xi32, #tpu.memory_space<vmem>>, vector<16xi32>,
        %shift_right_logical3A_119 = arith.constant 24 : i32
        %shift_right_logical3A_120 = vector.broadcast %shift_right_logical3A_119 : i32 to vector<16xi32>
        %shift_right_logical3A_121 = arith.shrui %get3A_118, %shift_right_logical3A_120 : vector<16xi32>
        %eq3A_122 = vector.broadcast %while3A_64 : i32 to vector<16xi32>
        %eq3A_123 = arith.cmpi eq, %shift_right_logical3A_121, %eq3A_122 : vector<16xi32>
        %mul3A_124 = arith.constant 16 : i32
        %mul3A_125 = arith.muli %while3A_113, %mul3A_124 : i32
        %add3A_126 = vector.broadcast %mul3A_125 : i32 to vector<16xi32>
        %add3A_127 = arith.addi %add3A_126, %iota3A : vector<16xi32>
        %lt3A_128 = vector.broadcast %scan3A_41 : i32 to vector<16xi32>
        %lt3A_129 = arith.cmpi slt, %add3A_127, %lt3A_128 : vector<16xi32>
        %and3A = arith.andi %eq3A_123, %lt3A_129 : vector<16xi1>
        %convert_element_type3A_130 = arith.extui %and3A : vector<16xi1> to vector<16xi32>
        %broadcast_in_dim3A_131 = arith.constant true
        %broadcast_in_dim3A_132 = vector.broadcast %broadcast_in_dim3A_131 : i1 to vector<16xi1>
        %masked_cumsum3A = tpu.scan <sum>, %convert_element_type3A_130 masked %broadcast_in_dim3A_132 : vector<16xi32>, vector<16xi1> -> vector<16xi32>
        %sub3A_133 = arith.subi %masked_cumsum3A, %convert_element_type3A_130 : vector<16xi32>
        %add3A_134 = vector.broadcast %while3A_114 : i32 to vector<16xi32>
        %add3A_135 = arith.addi %add3A_134, %sub3A_133 : vector<16xi32>
        %shift_right_logical3A_136 = arith.constant 14 : i32
        %shift_right_logical3A_137 = vector.broadcast %shift_right_logical3A_136 : i32 to vector<16xi32>
        %shift_right_logical3A_138 = arith.shrui %get3A_118, %shift_right_logical3A_137 : vector<16xi32>
        %and3A_139 = arith.constant 1023 : i32
        %and3A_140 = vector.broadcast %and3A_139 : i32 to vector<16xi32>
        %and3A_141 = arith.andi %shift_right_logical3A_138, %and3A_140 : vector<16xi32>
        tpu.vector_store_idx %arg8[%add3A_135], %and3A_141 masked %and3A : memref<32xi32, #tpu.memory_space<vmem>>[vector<16xi32>], vector<16xi32>, vector<16xi1>
        %and3A_142 = arith.constant 16383 : i32
        %and3A_143 = vector.broadcast %and3A_142 : i32 to vector<16xi32>
        %and3A_144 = arith.andi %get3A_118, %and3A_143 : vector<16xi32>
        tpu.vector_store_idx %arg9[%add3A_135], %and3A_144 masked %and3A : memref<32xi32, #tpu.memory_space<vmem>>[vector<16xi32>], vector<16xi32>, vector<16xi1>
        %reduce_sum3A = arith.constant true
        %reduce_sum3A_145 = vector.broadcast %reduce_sum3A : i1 to vector<16xi1>
        %reduce_sum3A_146 = tpu.scan <sum>, %convert_element_type3A_130 masked %reduce_sum3A_145 : vector<16xi32>, vector<16xi1> -> vector<16xi32>
        %reduce_sum3A_147 = vector.extract %reduce_sum3A_146[15] : i32 from vector<16xi32>
        %add3A_148 = arith.addi %while3A_114, %reduce_sum3A_147 : i32
        %ge3A = arith.constant 16 : i32
        %ge3A_149 = arith.cmpi sge, %add3A_148, %ge3A : i32
        %convert_element_type3A_150 = arith.extui %ge3A_149 : i1 to i32
        %cond3A_151 = arith.constant 0 : i32
        %cond3A_152 = arith.cmpi ne, %convert_element_type3A_150, %cond3A_151 : i32
        %cond3A_153 = scf.if %cond3A_152 -> (i32) {
          %get3A_160 = arith.constant 0 : index
          %get3A_161 = tpu.vector_load %arg8[%get3A_160] {strides = array<i32>} : memref<32xi32, #tpu.memory_space<vmem>>, vector<16xi32>,
          %get3A_162 = arith.constant 0 : index
          %get3A_163 = tpu.vector_load %arg9[%get3A_162] {strides = array<i32>} : memref<32xi32, #tpu.memory_space<vmem>>, vector<16xi32>,
          %lt3A_164 = arith.constant 16 : i32
          %lt3A_165 = vector.broadcast %lt3A_164 : i32 to vector<16xi32>
          %lt3A_166 = arith.cmpi slt, %iota3A, %lt3A_165 : vector<16xi32>
          %add3A_167 = vector.broadcast %while3A_115 : i32 to vector<16xi32>
          %add3A_168 = arith.addi %add3A_167, %iota3A : vector<16xi32>
          %broadcast_in_dim3A_169 = arith.constant 0 : i32
          %broadcast_in_dim3A_170 = vector.broadcast %broadcast_in_dim3A_169 : i32 to vector<16xi32>
          %gather3A = tpu.vector_load_idx %arg7[%broadcast_in_dim3A_88, %broadcast_in_dim3A_170, %get3A_161] : memref<3x64x512xf32, #tpu.memory_space<vmem>>[vector<16xi32>, vector<16xi32>, vector<16xi32>], vector<16xf32>,
          tpu.vector_store_idx %arg10[%add3A_168, %broadcast_in_dim3A_170], %gather3A masked %lt3A_166 : memref<64x128xf32, #tpu.memory_space<vmem>>[vector<16xi32>, vector<16xi32>], vector<16xf32>, vector<16xi1>
          %broadcast_in_dim3A_171 = arith.constant 1 : i32
          %broadcast_in_dim3A_172 = vector.broadcast %broadcast_in_dim3A_171 : i32 to vector<16xi32>
          %gather3A_173 = tpu.vector_load_idx %arg7[%broadcast_in_dim3A_88, %broadcast_in_dim3A_172, %get3A_161] : memref<3x64x512xf32, #tpu.memory_space<vmem>>[vector<16xi32>, vector<16xi32>, vector<16xi32>], vector<16xf32>,
          tpu.vector_store_idx %arg10[%add3A_168, %broadcast_in_dim3A_172], %gather3A_173 masked %lt3A_166 : memref<64x128xf32, #tpu.memory_space<vmem>>[vector<16xi32>, vector<16xi32>], vector<16xf32>, vector<16xi1>
          %broadcast_in_dim3A_174 = arith.constant 2 : i32
          %broadcast_in_dim3A_175 = vector.broadcast %broadcast_in_dim3A_174 : i32 to vector<16xi32>
          %gather3A_176 = tpu.vector_load_idx %arg7[%broadcast_in_dim3A_88, %broadcast_in_dim3A_175, %get3A_161] : memref<3x64x512xf32, #tpu.memory_space<vmem>>[vector<16xi32>, vector<16xi32>, vector<16xi32>], vector<16xf32>,
          tpu.vector_store_idx %arg10[%add3A_168, %broadcast_in_dim3A_175], %gather3A_176 masked %lt3A_166 : memref<64x128xf32, #tpu.memory_space<vmem>>[vector<16xi32>, vector<16xi32>], vector<16xf32>, vector<16xi1>
          %broadcast_in_dim3A_177 = arith.constant 3 : i32
          %broadcast_in_dim3A_178 = vector.broadcast %broadcast_in_dim3A_177 : i32 to vector<16xi32>
          %gather3A_179 = tpu.vector_load_idx %arg7[%broadcast_in_dim3A_88, %broadcast_in_dim3A_178, %get3A_161] : memref<3x64x512xf32, #tpu.memory_space<vmem>>[vector<16xi32>, vector<16xi32>, vector<16xi32>], vector<16xf32>,
          tpu.vector_store_idx %arg10[%add3A_168, %broadcast_in_dim3A_178], %gather3A_179 masked %lt3A_166 : memref<64x128xf32, #tpu.memory_space<vmem>>[vector<16xi32>, vector<16xi32>], vector<16xf32>, vector<16xi1>
          %broadcast_in_dim3A_180 = arith.constant 4 : i32
          %broadcast_in_dim3A_181 = vector.broadcast %broadcast_in_dim3A_180 : i32 to vector<16xi32>
          %gather3A_182 = tpu.vector_load_idx %arg7[%broadcast_in_dim3A_88, %broadcast_in_dim3A_181, %get3A_161] : memref<3x64x512xf32, #tpu.memory_space<vmem>>[vector<16xi32>, vector<16xi32>, vector<16xi32>], vector<16xf32>,
          tpu.vector_store_idx %arg10[%add3A_168, %broadcast_in_dim3A_181], %gather3A_182 masked %lt3A_166 : memref<64x128xf32, #tpu.memory_space<vmem>>[vector<16xi32>, vector<16xi32>], vector<16xf32>, vector<16xi1>
          %broadcast_in_dim3A_183 = arith.constant 5 : i32
          %broadcast_in_dim3A_184 = vector.broadcast %broadcast_in_dim3A_183 : i32 to vector<16xi32>
          %gather3A_185 = tpu.vector_load_idx %arg7[%broadcast_in_dim3A_88, %broadcast_in_dim3A_184, %get3A_161] : memref<3x64x512xf32, #tpu.memory_space<vmem>>[vector<16xi32>, vector<16xi32>, vector<16xi32>], vector<16xf32>,
          tpu.vector_store_idx %arg10[%add3A_168, %broadcast_in_dim3A_184], %gather3A_185 masked %lt3A_166 : memref<64x128xf32, #tpu.memory_space<vmem>>[vector<16xi32>, vector<16xi32>], vector<16xf32>, vector<16xi1>
          %broadcast_in_dim3A_186 = arith.constant 6 : i32
          %broadcast_in_dim3A_187 = vector.broadcast %broadcast_in_dim3A_186 : i32 to vector<16xi32>
          %gather3A_188 = tpu.vector_load_idx %arg7[%broadcast_in_dim3A_88, %broadcast_in_dim3A_187, %get3A_161] : memref<3x64x512xf32, #tpu.memory_space<vmem>>[vector<16xi32>, vector<16xi32>, vector<16xi32>], vector<16xf32>,
          tpu.vector_store_idx %arg10[%add3A_168, %broadcast_in_dim3A_187], %gather3A_188 masked %lt3A_166 : memref<64x128xf32, #tpu.memory_space<vmem>>[vector<16xi32>, vector<16xi32>], vector<16xf32>, vector<16xi1>
          %broadcast_in_dim3A_189 = arith.constant 7 : i32
          %broadcast_in_dim3A_190 = vector.broadcast %broadcast_in_dim3A_189 : i32 to vector<16xi32>
          %gather3A_191 = tpu.vector_load_idx %arg7[%broadcast_in_dim3A_88, %broadcast_in_dim3A_190, %get3A_161] : memref<3x64x512xf32, #tpu.memory_space<vmem>>[vector<16xi32>, vector<16xi32>, vector<16xi32>], vector<16xf32>,
          tpu.vector_store_idx %arg10[%add3A_168, %broadcast_in_dim3A_190], %gather3A_191 masked %lt3A_166 : memref<64x128xf32, #tpu.memory_space<vmem>>[vector<16xi32>, vector<16xi32>], vector<16xf32>, vector<16xi1>
          %broadcast_in_dim3A_192 = arith.constant 8 : i32
          %broadcast_in_dim3A_193 = vector.broadcast %broadcast_in_dim3A_192 : i32 to vector<16xi32>
          %gather3A_194 = tpu.vector_load_idx %arg7[%broadcast_in_dim3A_88, %broadcast_in_dim3A_193, %get3A_161] : memref<3x64x512xf32, #tpu.memory_space<vmem>>[vector<16xi32>, vector<16xi32>, vector<16xi32>], vector<16xf32>,
          tpu.vector_store_idx %arg10[%add3A_168, %broadcast_in_dim3A_193], %gather3A_194 masked %lt3A_166 : memref<64x128xf32, #tpu.memory_space<vmem>>[vector<16xi32>, vector<16xi32>], vector<16xf32>, vector<16xi1>
          %broadcast_in_dim3A_195 = arith.constant 9 : i32
          %broadcast_in_dim3A_196 = vector.broadcast %broadcast_in_dim3A_195 : i32 to vector<16xi32>
          %gather3A_197 = tpu.vector_load_idx %arg7[%broadcast_in_dim3A_88, %broadcast_in_dim3A_196, %get3A_161] : memref<3x64x512xf32, #tpu.memory_space<vmem>>[vector<16xi32>, vector<16xi32>, vector<16xi32>], vector<16xf32>,
          tpu.vector_store_idx %arg10[%add3A_168, %broadcast_in_dim3A_196], %gather3A_197 masked %lt3A_166 : memref<64x128xf32, #tpu.memory_space<vmem>>[vector<16xi32>, vector<16xi32>], vector<16xf32>, vector<16xi1>
          %broadcast_in_dim3A_198 = arith.constant 10 : i32
          %broadcast_in_dim3A_199 = vector.broadcast %broadcast_in_dim3A_198 : i32 to vector<16xi32>
          %gather3A_200 = tpu.vector_load_idx %arg7[%broadcast_in_dim3A_88, %broadcast_in_dim3A_199, %get3A_161] : memref<3x64x512xf32, #tpu.memory_space<vmem>>[vector<16xi32>, vector<16xi32>, vector<16xi32>], vector<16xf32>,
          tpu.vector_store_idx %arg10[%add3A_168, %broadcast_in_dim3A_199], %gather3A_200 masked %lt3A_166 : memref<64x128xf32, #tpu.memory_space<vmem>>[vector<16xi32>, vector<16xi32>], vector<16xf32>, vector<16xi1>
          %broadcast_in_dim3A_201 = arith.constant 11 : i32
          %broadcast_in_dim3A_202 = vector.broadcast %broadcast_in_dim3A_201 : i32 to vector<16xi32>
          %gather3A_203 = tpu.vector_load_idx %arg7[%broadcast_in_dim3A_88, %broadcast_in_dim3A_202, %get3A_161] : memref<3x64x512xf32, #tpu.memory_space<vmem>>[vector<16xi32>, vector<16xi32>, vector<16xi32>], vector<16xf32>,
          tpu.vector_store_idx %arg10[%add3A_168, %broadcast_in_dim3A_202], %gather3A_203 masked %lt3A_166 : memref<64x128xf32, #tpu.memory_space<vmem>>[vector<16xi32>, vector<16xi32>], vector<16xf32>, vector<16xi1>
          %broadcast_in_dim3A_204 = arith.constant 12 : i32
          %broadcast_in_dim3A_205 = vector.broadcast %broadcast_in_dim3A_204 : i32 to vector<16xi32>
          %gather3A_206 = tpu.vector_load_idx %arg7[%broadcast_in_dim3A_88, %broadcast_in_dim3A_205, %get3A_161] : memref<3x64x512xf32, #tpu.memory_space<vmem>>[vector<16xi32>, vector<16xi32>, vector<16xi32>], vector<16xf32>,
          tpu.vector_store_idx %arg10[%add3A_168, %broadcast_in_dim3A_205], %gather3A_206 masked %lt3A_166 : memref<64x128xf32, #tpu.memory_space<vmem>>[vector<16xi32>, vector<16xi32>], vector<16xf32>, vector<16xi1>
          %broadcast_in_dim3A_207 = arith.constant 13 : i32
          %broadcast_in_dim3A_208 = vector.broadcast %broadcast_in_dim3A_207 : i32 to vector<16xi32>
          %gather3A_209 = tpu.vector_load_idx %arg7[%broadcast_in_dim3A_88, %broadcast_in_dim3A_208, %get3A_161] : memref<3x64x512xf32, #tpu.memory_space<vmem>>[vector<16xi32>, vector<16xi32>, vector<16xi32>], vector<16xf32>,
          tpu.vector_store_idx %arg10[%add3A_168, %broadcast_in_dim3A_208], %gather3A_209 masked %lt3A_166 : memref<64x128xf32, #tpu.memory_space<vmem>>[vector<16xi32>, vector<16xi32>], vector<16xf32>, vector<16xi1>
          %broadcast_in_dim3A_210 = arith.constant 14 : i32
          %broadcast_in_dim3A_211 = vector.broadcast %broadcast_in_dim3A_210 : i32 to vector<16xi32>
          %gather3A_212 = tpu.vector_load_idx %arg7[%broadcast_in_dim3A_88, %broadcast_in_dim3A_211, %get3A_161] : memref<3x64x512xf32, #tpu.memory_space<vmem>>[vector<16xi32>, vector<16xi32>, vector<16xi32>], vector<16xf32>,
          tpu.vector_store_idx %arg10[%add3A_168, %broadcast_in_dim3A_211], %gather3A_212 masked %lt3A_166 : memref<64x128xf32, #tpu.memory_space<vmem>>[vector<16xi32>, vector<16xi32>], vector<16xf32>, vector<16xi1>
          %broadcast_in_dim3A_213 = arith.constant 15 : i32
          %broadcast_in_dim3A_214 = vector.broadcast %broadcast_in_dim3A_213 : i32 to vector<16xi32>
          %gather3A_215 = tpu.vector_load_idx %arg7[%broadcast_in_dim3A_88, %broadcast_in_dim3A_214, %get3A_161] : memref<3x64x512xf32, #tpu.memory_space<vmem>>[vector<16xi32>, vector<16xi32>, vector<16xi32>], vector<16xf32>,
          tpu.vector_store_idx %arg10[%add3A_168, %broadcast_in_dim3A_214], %gather3A_215 masked %lt3A_166 : memref<64x128xf32, #tpu.memory_space<vmem>>[vector<16xi32>, vector<16xi32>], vector<16xf32>, vector<16xi1>
          %broadcast_in_dim3A_216 = arith.constant 16 : i32
          %broadcast_in_dim3A_217 = vector.broadcast %broadcast_in_dim3A_216 : i32 to vector<16xi32>
          %gather3A_218 = tpu.vector_load_idx %arg7[%broadcast_in_dim3A_88, %broadcast_in_dim3A_217, %get3A_161] : memref<3x64x512xf32, #tpu.memory_space<vmem>>[vector<16xi32>, vector<16xi32>, vector<16xi32>], vector<16xf32>,
          tpu.vector_store_idx %arg10[%add3A_168, %broadcast_in_dim3A_217], %gather3A_218 masked %lt3A_166 : memref<64x128xf32, #tpu.memory_space<vmem>>[vector<16xi32>, vector<16xi32>], vector<16xf32>, vector<16xi1>
          %broadcast_in_dim3A_219 = arith.constant 17 : i32
          %broadcast_in_dim3A_220 = vector.broadcast %broadcast_in_dim3A_219 : i32 to vector<16xi32>
          %gather3A_221 = tpu.vector_load_idx %arg7[%broadcast_in_dim3A_88, %broadcast_in_dim3A_220, %get3A_161] : memref<3x64x512xf32, #tpu.memory_space<vmem>>[vector<16xi32>, vector<16xi32>, vector<16xi32>], vector<16xf32>,
          tpu.vector_store_idx %arg10[%add3A_168, %broadcast_in_dim3A_220], %gather3A_221 masked %lt3A_166 : memref<64x128xf32, #tpu.memory_space<vmem>>[vector<16xi32>, vector<16xi32>], vector<16xf32>, vector<16xi1>
          %broadcast_in_dim3A_222 = arith.constant 18 : i32
          %broadcast_in_dim3A_223 = vector.broadcast %broadcast_in_dim3A_222 : i32 to vector<16xi32>
          %gather3A_224 = tpu.vector_load_idx %arg7[%broadcast_in_dim3A_88, %broadcast_in_dim3A_223, %get3A_161] : memref<3x64x512xf32, #tpu.memory_space<vmem>>[vector<16xi32>, vector<16xi32>, vector<16xi32>], vector<16xf32>,
          tpu.vector_store_idx %arg10[%add3A_168, %broadcast_in_dim3A_223], %gather3A_224 masked %lt3A_166 : memref<64x128xf32, #tpu.memory_space<vmem>>[vector<16xi32>, vector<16xi32>], vector<16xf32>, vector<16xi1>
          %broadcast_in_dim3A_225 = arith.constant 19 : i32
          %broadcast_in_dim3A_226 = vector.broadcast %broadcast_in_dim3A_225 : i32 to vector<16xi32>
          %gather3A_227 = tpu.vector_load_idx %arg7[%broadcast_in_dim3A_88, %broadcast_in_dim3A_226, %get3A_161] : memref<3x64x512xf32, #tpu.memory_space<vmem>>[vector<16xi32>, vector<16xi32>, vector<16xi32>], vector<16xf32>,
          tpu.vector_store_idx %arg10[%add3A_168, %broadcast_in_dim3A_226], %gather3A_227 masked %lt3A_166 : memref<64x128xf32, #tpu.memory_space<vmem>>[vector<16xi32>, vector<16xi32>], vector<16xf32>, vector<16xi1>
          %broadcast_in_dim3A_228 = arith.constant 20 : i32
          %broadcast_in_dim3A_229 = vector.broadcast %broadcast_in_dim3A_228 : i32 to vector<16xi32>
          %gather3A_230 = tpu.vector_load_idx %arg7[%broadcast_in_dim3A_88, %broadcast_in_dim3A_229, %get3A_161] : memref<3x64x512xf32, #tpu.memory_space<vmem>>[vector<16xi32>, vector<16xi32>, vector<16xi32>], vector<16xf32>,
          tpu.vector_store_idx %arg10[%add3A_168, %broadcast_in_dim3A_229], %gather3A_230 masked %lt3A_166 : memref<64x128xf32, #tpu.memory_space<vmem>>[vector<16xi32>, vector<16xi32>], vector<16xf32>, vector<16xi1>
          %broadcast_in_dim3A_231 = arith.constant 21 : i32
          %broadcast_in_dim3A_232 = vector.broadcast %broadcast_in_dim3A_231 : i32 to vector<16xi32>
          %gather3A_233 = tpu.vector_load_idx %arg7[%broadcast_in_dim3A_88, %broadcast_in_dim3A_232, %get3A_161] : memref<3x64x512xf32, #tpu.memory_space<vmem>>[vector<16xi32>, vector<16xi32>, vector<16xi32>], vector<16xf32>,
          tpu.vector_store_idx %arg10[%add3A_168, %broadcast_in_dim3A_232], %gather3A_233 masked %lt3A_166 : memref<64x128xf32, #tpu.memory_space<vmem>>[vector<16xi32>, vector<16xi32>], vector<16xf32>, vector<16xi1>
          %broadcast_in_dim3A_234 = arith.constant 22 : i32
          %broadcast_in_dim3A_235 = vector.broadcast %broadcast_in_dim3A_234 : i32 to vector<16xi32>
          %gather3A_236 = tpu.vector_load_idx %arg7[%broadcast_in_dim3A_88, %broadcast_in_dim3A_235, %get3A_161] : memref<3x64x512xf32, #tpu.memory_space<vmem>>[vector<16xi32>, vector<16xi32>, vector<16xi32>], vector<16xf32>,
          tpu.vector_store_idx %arg10[%add3A_168, %broadcast_in_dim3A_235], %gather3A_236 masked %lt3A_166 : memref<64x128xf32, #tpu.memory_space<vmem>>[vector<16xi32>, vector<16xi32>], vector<16xf32>, vector<16xi1>
          %broadcast_in_dim3A_237 = arith.constant 23 : i32
          %broadcast_in_dim3A_238 = vector.broadcast %broadcast_in_dim3A_237 : i32 to vector<16xi32>
          %gather3A_239 = tpu.vector_load_idx %arg7[%broadcast_in_dim3A_88, %broadcast_in_dim3A_238, %get3A_161] : memref<3x64x512xf32, #tpu.memory_space<vmem>>[vector<16xi32>, vector<16xi32>, vector<16xi32>], vector<16xf32>,
          tpu.vector_store_idx %arg10[%add3A_168, %broadcast_in_dim3A_238], %gather3A_239 masked %lt3A_166 : memref<64x128xf32, #tpu.memory_space<vmem>>[vector<16xi32>, vector<16xi32>], vector<16xf32>, vector<16xi1>
          %broadcast_in_dim3A_240 = arith.constant 24 : i32
          %broadcast_in_dim3A_241 = vector.broadcast %broadcast_in_dim3A_240 : i32 to vector<16xi32>
          %gather3A_242 = tpu.vector_load_idx %arg7[%broadcast_in_dim3A_88, %broadcast_in_dim3A_241, %get3A_161] : memref<3x64x512xf32, #tpu.memory_space<vmem>>[vector<16xi32>, vector<16xi32>, vector<16xi32>], vector<16xf32>,
          tpu.vector_store_idx %arg10[%add3A_168, %broadcast_in_dim3A_241], %gather3A_242 masked %lt3A_166 : memref<64x128xf32, #tpu.memory_space<vmem>>[vector<16xi32>, vector<16xi32>], vector<16xf32>, vector<16xi1>
          %broadcast_in_dim3A_243 = arith.constant 25 : i32
          %broadcast_in_dim3A_244 = vector.broadcast %broadcast_in_dim3A_243 : i32 to vector<16xi32>
          %gather3A_245 = tpu.vector_load_idx %arg7[%broadcast_in_dim3A_88, %broadcast_in_dim3A_244, %get3A_161] : memref<3x64x512xf32, #tpu.memory_space<vmem>>[vector<16xi32>, vector<16xi32>, vector<16xi32>], vector<16xf32>,
          tpu.vector_store_idx %arg10[%add3A_168, %broadcast_in_dim3A_244], %gather3A_245 masked %lt3A_166 : memref<64x128xf32, #tpu.memory_space<vmem>>[vector<16xi32>, vector<16xi32>], vector<16xf32>, vector<16xi1>
          %broadcast_in_dim3A_246 = arith.constant 26 : i32
          %broadcast_in_dim3A_247 = vector.broadcast %broadcast_in_dim3A_246 : i32 to vector<16xi32>
          %gather3A_248 = tpu.vector_load_idx %arg7[%broadcast_in_dim3A_88, %broadcast_in_dim3A_247, %get3A_161] : memref<3x64x512xf32, #tpu.memory_space<vmem>>[vector<16xi32>, vector<16xi32>, vector<16xi32>], vector<16xf32>,
          tpu.vector_store_idx %arg10[%add3A_168, %broadcast_in_dim3A_247], %gather3A_248 masked %lt3A_166 : memref<64x128xf32, #tpu.memory_space<vmem>>[vector<16xi32>, vector<16xi32>], vector<16xf32>, vector<16xi1>
          %broadcast_in_dim3A_249 = arith.constant 27 : i32
          %broadcast_in_dim3A_250 = vector.broadcast %broadcast_in_dim3A_249 : i32 to vector<16xi32>
          %gather3A_251 = tpu.vector_load_idx %arg7[%broadcast_in_dim3A_88, %broadcast_in_dim3A_250, %get3A_161] : memref<3x64x512xf32, #tpu.memory_space<vmem>>[vector<16xi32>, vector<16xi32>, vector<16xi32>], vector<16xf32>,
          tpu.vector_store_idx %arg10[%add3A_168, %broadcast_in_dim3A_250], %gather3A_251 masked %lt3A_166 : memref<64x128xf32, #tpu.memory_space<vmem>>[vector<16xi32>, vector<16xi32>], vector<16xf32>, vector<16xi1>
          %broadcast_in_dim3A_252 = arith.constant 28 : i32
          %broadcast_in_dim3A_253 = vector.broadcast %broadcast_in_dim3A_252 : i32 to vector<16xi32>
          %gather3A_254 = tpu.vector_load_idx %arg7[%broadcast_in_dim3A_88, %broadcast_in_dim3A_253, %get3A_161] : memref<3x64x512xf32, #tpu.memory_space<vmem>>[vector<16xi32>, vector<16xi32>, vector<16xi32>], vector<16xf32>,
          tpu.vector_store_idx %arg10[%add3A_168, %broadcast_in_dim3A_253], %gather3A_254 masked %lt3A_166 : memref<64x128xf32, #tpu.memory_space<vmem>>[vector<16xi32>, vector<16xi32>], vector<16xf32>, vector<16xi1>
          %broadcast_in_dim3A_255 = arith.constant 29 : i32
          %broadcast_in_dim3A_256 = vector.broadcast %broadcast_in_dim3A_255 : i32 to vector<16xi32>
          %gather3A_257 = tpu.vector_load_idx %arg7[%broadcast_in_dim3A_88, %broadcast_in_dim3A_256, %get3A_161] : memref<3x64x512xf32, #tpu.memory_space<vmem>>[vector<16xi32>, vector<16xi32>, vector<16xi32>], vector<16xf32>,
          tpu.vector_store_idx %arg10[%add3A_168, %broadcast_in_dim3A_256], %gather3A_257 masked %lt3A_166 : memref<64x128xf32, #tpu.memory_space<vmem>>[vector<16xi32>, vector<16xi32>], vector<16xf32>, vector<16xi1>
          %broadcast_in_dim3A_258 = arith.constant 30 : i32
          %broadcast_in_dim3A_259 = vector.broadcast %broadcast_in_dim3A_258 : i32 to vector<16xi32>
          %gather3A_260 = tpu.vector_load_idx %arg7[%broadcast_in_dim3A_88, %broadcast_in_dim3A_259, %get3A_161] : memref<3x64x512xf32, #tpu.memory_space<vmem>>[vector<16xi32>, vector<16xi32>, vector<16xi32>], vector<16xf32>,
          tpu.vector_store_idx %arg10[%add3A_168, %broadcast_in_dim3A_259], %gather3A_260 masked %lt3A_166 : memref<64x128xf32, #tpu.memory_space<vmem>>[vector<16xi32>, vector<16xi32>], vector<16xf32>, vector<16xi1>
          %broadcast_in_dim3A_261 = arith.constant 31 : i32
          %broadcast_in_dim3A_262 = vector.broadcast %broadcast_in_dim3A_261 : i32 to vector<16xi32>
          %gather3A_263 = tpu.vector_load_idx %arg7[%broadcast_in_dim3A_88, %broadcast_in_dim3A_262, %get3A_161] : memref<3x64x512xf32, #tpu.memory_space<vmem>>[vector<16xi32>, vector<16xi32>, vector<16xi32>], vector<16xf32>,
          tpu.vector_store_idx %arg10[%add3A_168, %broadcast_in_dim3A_262], %gather3A_263 masked %lt3A_166 : memref<64x128xf32, #tpu.memory_space<vmem>>[vector<16xi32>, vector<16xi32>], vector<16xf32>, vector<16xi1>
          %broadcast_in_dim3A_264 = arith.constant 32 : i32
          %broadcast_in_dim3A_265 = vector.broadcast %broadcast_in_dim3A_264 : i32 to vector<16xi32>
          %gather3A_266 = tpu.vector_load_idx %arg7[%broadcast_in_dim3A_88, %broadcast_in_dim3A_265, %get3A_161] : memref<3x64x512xf32, #tpu.memory_space<vmem>>[vector<16xi32>, vector<16xi32>, vector<16xi32>], vector<16xf32>,
          tpu.vector_store_idx %arg10[%add3A_168, %broadcast_in_dim3A_265], %gather3A_266 masked %lt3A_166 : memref<64x128xf32, #tpu.memory_space<vmem>>[vector<16xi32>, vector<16xi32>], vector<16xf32>, vector<16xi1>
          %broadcast_in_dim3A_267 = arith.constant 33 : i32
          %broadcast_in_dim3A_268 = vector.broadcast %broadcast_in_dim3A_267 : i32 to vector<16xi32>
          %gather3A_269 = tpu.vector_load_idx %arg7[%broadcast_in_dim3A_88, %broadcast_in_dim3A_268, %get3A_161] : memref<3x64x512xf32, #tpu.memory_space<vmem>>[vector<16xi32>, vector<16xi32>, vector<16xi32>], vector<16xf32>,
          tpu.vector_store_idx %arg10[%add3A_168, %broadcast_in_dim3A_268], %gather3A_269 masked %lt3A_166 : memref<64x128xf32, #tpu.memory_space<vmem>>[vector<16xi32>, vector<16xi32>], vector<16xf32>, vector<16xi1>
          %broadcast_in_dim3A_270 = arith.constant 34 : i32
          %broadcast_in_dim3A_271 = vector.broadcast %broadcast_in_dim3A_270 : i32 to vector<16xi32>
          %gather3A_272 = tpu.vector_load_idx %arg7[%broadcast_in_dim3A_88, %broadcast_in_dim3A_271, %get3A_161] : memref<3x64x512xf32, #tpu.memory_space<vmem>>[vector<16xi32>, vector<16xi32>, vector<16xi32>], vector<16xf32>,
          tpu.vector_store_idx %arg10[%add3A_168, %broadcast_in_dim3A_271], %gather3A_272 masked %lt3A_166 : memref<64x128xf32, #tpu.memory_space<vmem>>[vector<16xi32>, vector<16xi32>], vector<16xf32>, vector<16xi1>
          %broadcast_in_dim3A_273 = arith.constant 35 : i32
          %broadcast_in_dim3A_274 = vector.broadcast %broadcast_in_dim3A_273 : i32 to vector<16xi32>
          %gather3A_275 = tpu.vector_load_idx %arg7[%broadcast_in_dim3A_88, %broadcast_in_dim3A_274, %get3A_161] : memref<3x64x512xf32, #tpu.memory_space<vmem>>[vector<16xi32>, vector<16xi32>, vector<16xi32>], vector<16xf32>,
          tpu.vector_store_idx %arg10[%add3A_168, %broadcast_in_dim3A_274], %gather3A_275 masked %lt3A_166 : memref<64x128xf32, #tpu.memory_space<vmem>>[vector<16xi32>, vector<16xi32>], vector<16xf32>, vector<16xi1>
          %broadcast_in_dim3A_276 = arith.constant 36 : i32
          %broadcast_in_dim3A_277 = vector.broadcast %broadcast_in_dim3A_276 : i32 to vector<16xi32>
          %gather3A_278 = tpu.vector_load_idx %arg7[%broadcast_in_dim3A_88, %broadcast_in_dim3A_277, %get3A_161] : memref<3x64x512xf32, #tpu.memory_space<vmem>>[vector<16xi32>, vector<16xi32>, vector<16xi32>], vector<16xf32>,
          tpu.vector_store_idx %arg10[%add3A_168, %broadcast_in_dim3A_277], %gather3A_278 masked %lt3A_166 : memref<64x128xf32, #tpu.memory_space<vmem>>[vector<16xi32>, vector<16xi32>], vector<16xf32>, vector<16xi1>
          %broadcast_in_dim3A_279 = arith.constant 37 : i32
          %broadcast_in_dim3A_280 = vector.broadcast %broadcast_in_dim3A_279 : i32 to vector<16xi32>
          %gather3A_281 = tpu.vector_load_idx %arg7[%broadcast_in_dim3A_88, %broadcast_in_dim3A_280, %get3A_161] : memref<3x64x512xf32, #tpu.memory_space<vmem>>[vector<16xi32>, vector<16xi32>, vector<16xi32>], vector<16xf32>,
          tpu.vector_store_idx %arg10[%add3A_168, %broadcast_in_dim3A_280], %gather3A_281 masked %lt3A_166 : memref<64x128xf32, #tpu.memory_space<vmem>>[vector<16xi32>, vector<16xi32>], vector<16xf32>, vector<16xi1>
          %broadcast_in_dim3A_282 = arith.constant 38 : i32
          %broadcast_in_dim3A_283 = vector.broadcast %broadcast_in_dim3A_282 : i32 to vector<16xi32>
          %gather3A_284 = tpu.vector_load_idx %arg7[%broadcast_in_dim3A_88, %broadcast_in_dim3A_283, %get3A_161] : memref<3x64x512xf32, #tpu.memory_space<vmem>>[vector<16xi32>, vector<16xi32>, vector<16xi32>], vector<16xf32>,
          tpu.vector_store_idx %arg10[%add3A_168, %broadcast_in_dim3A_283], %gather3A_284 masked %lt3A_166 : memref<64x128xf32, #tpu.memory_space<vmem>>[vector<16xi32>, vector<16xi32>], vector<16xf32>, vector<16xi1>
          %broadcast_in_dim3A_285 = arith.constant 39 : i32
          %broadcast_in_dim3A_286 = vector.broadcast %broadcast_in_dim3A_285 : i32 to vector<16xi32>
          %gather3A_287 = tpu.vector_load_idx %arg7[%broadcast_in_dim3A_88, %broadcast_in_dim3A_286, %get3A_161] : memref<3x64x512xf32, #tpu.memory_space<vmem>>[vector<16xi32>, vector<16xi32>, vector<16xi32>], vector<16xf32>,
          tpu.vector_store_idx %arg10[%add3A_168, %broadcast_in_dim3A_286], %gather3A_287 masked %lt3A_166 : memref<64x128xf32, #tpu.memory_space<vmem>>[vector<16xi32>, vector<16xi32>], vector<16xf32>, vector<16xi1>
          %broadcast_in_dim3A_288 = arith.constant 40 : i32
          %broadcast_in_dim3A_289 = vector.broadcast %broadcast_in_dim3A_288 : i32 to vector<16xi32>
          %gather3A_290 = tpu.vector_load_idx %arg7[%broadcast_in_dim3A_88, %broadcast_in_dim3A_289, %get3A_161] : memref<3x64x512xf32, #tpu.memory_space<vmem>>[vector<16xi32>, vector<16xi32>, vector<16xi32>], vector<16xf32>,
          tpu.vector_store_idx %arg10[%add3A_168, %broadcast_in_dim3A_289], %gather3A_290 masked %lt3A_166 : memref<64x128xf32, #tpu.memory_space<vmem>>[vector<16xi32>, vector<16xi32>], vector<16xf32>, vector<16xi1>
          %broadcast_in_dim3A_291 = arith.constant 41 : i32
          %broadcast_in_dim3A_292 = vector.broadcast %broadcast_in_dim3A_291 : i32 to vector<16xi32>
          %gather3A_293 = tpu.vector_load_idx %arg7[%broadcast_in_dim3A_88, %broadcast_in_dim3A_292, %get3A_161] : memref<3x64x512xf32, #tpu.memory_space<vmem>>[vector<16xi32>, vector<16xi32>, vector<16xi32>], vector<16xf32>,
          tpu.vector_store_idx %arg10[%add3A_168, %broadcast_in_dim3A_292], %gather3A_293 masked %lt3A_166 : memref<64x128xf32, #tpu.memory_space<vmem>>[vector<16xi32>, vector<16xi32>], vector<16xf32>, vector<16xi1>
          %broadcast_in_dim3A_294 = arith.constant 42 : i32
          %broadcast_in_dim3A_295 = vector.broadcast %broadcast_in_dim3A_294 : i32 to vector<16xi32>
          %gather3A_296 = tpu.vector_load_idx %arg7[%broadcast_in_dim3A_88, %broadcast_in_dim3A_295, %get3A_161] : memref<3x64x512xf32, #tpu.memory_space<vmem>>[vector<16xi32>, vector<16xi32>, vector<16xi32>], vector<16xf32>,
          tpu.vector_store_idx %arg10[%add3A_168, %broadcast_in_dim3A_295], %gather3A_296 masked %lt3A_166 : memref<64x128xf32, #tpu.memory_space<vmem>>[vector<16xi32>, vector<16xi32>], vector<16xf32>, vector<16xi1>
          %broadcast_in_dim3A_297 = arith.constant 43 : i32
          %broadcast_in_dim3A_298 = vector.broadcast %broadcast_in_dim3A_297 : i32 to vector<16xi32>
          %gather3A_299 = tpu.vector_load_idx %arg7[%broadcast_in_dim3A_88, %broadcast_in_dim3A_298, %get3A_161] : memref<3x64x512xf32, #tpu.memory_space<vmem>>[vector<16xi32>, vector<16xi32>, vector<16xi32>], vector<16xf32>,
          tpu.vector_store_idx %arg10[%add3A_168, %broadcast_in_dim3A_298], %gather3A_299 masked %lt3A_166 : memref<64x128xf32, #tpu.memory_space<vmem>>[vector<16xi32>, vector<16xi32>], vector<16xf32>, vector<16xi1>
          %broadcast_in_dim3A_300 = arith.constant 44 : i32
          %broadcast_in_dim3A_301 = vector.broadcast %broadcast_in_dim3A_300 : i32 to vector<16xi32>
          %gather3A_302 = tpu.vector_load_idx %arg7[%broadcast_in_dim3A_88, %broadcast_in_dim3A_301, %get3A_161] : memref<3x64x512xf32, #tpu.memory_space<vmem>>[vector<16xi32>, vector<16xi32>, vector<16xi32>], vector<16xf32>,
          tpu.vector_store_idx %arg10[%add3A_168, %broadcast_in_dim3A_301], %gather3A_302 masked %lt3A_166 : memref<64x128xf32, #tpu.memory_space<vmem>>[vector<16xi32>, vector<16xi32>], vector<16xf32>, vector<16xi1>
          %broadcast_in_dim3A_303 = arith.constant 45 : i32
          %broadcast_in_dim3A_304 = vector.broadcast %broadcast_in_dim3A_303 : i32 to vector<16xi32>
          %gather3A_305 = tpu.vector_load_idx %arg7[%broadcast_in_dim3A_88, %broadcast_in_dim3A_304, %get3A_161] : memref<3x64x512xf32, #tpu.memory_space<vmem>>[vector<16xi32>, vector<16xi32>, vector<16xi32>], vector<16xf32>,
          tpu.vector_store_idx %arg10[%add3A_168, %broadcast_in_dim3A_304], %gather3A_305 masked %lt3A_166 : memref<64x128xf32, #tpu.memory_space<vmem>>[vector<16xi32>, vector<16xi32>], vector<16xf32>, vector<16xi1>
          %broadcast_in_dim3A_306 = arith.constant 46 : i32
          %broadcast_in_dim3A_307 = vector.broadcast %broadcast_in_dim3A_306 : i32 to vector<16xi32>
          %gather3A_308 = tpu.vector_load_idx %arg7[%broadcast_in_dim3A_88, %broadcast_in_dim3A_307, %get3A_161] : memref<3x64x512xf32, #tpu.memory_space<vmem>>[vector<16xi32>, vector<16xi32>, vector<16xi32>], vector<16xf32>,
          tpu.vector_store_idx %arg10[%add3A_168, %broadcast_in_dim3A_307], %gather3A_308 masked %lt3A_166 : memref<64x128xf32, #tpu.memory_space<vmem>>[vector<16xi32>, vector<16xi32>], vector<16xf32>, vector<16xi1>
          %broadcast_in_dim3A_309 = arith.constant 47 : i32
          %broadcast_in_dim3A_310 = vector.broadcast %broadcast_in_dim3A_309 : i32 to vector<16xi32>
          %gather3A_311 = tpu.vector_load_idx %arg7[%broadcast_in_dim3A_88, %broadcast_in_dim3A_310, %get3A_161] : memref<3x64x512xf32, #tpu.memory_space<vmem>>[vector<16xi32>, vector<16xi32>, vector<16xi32>], vector<16xf32>,
          tpu.vector_store_idx %arg10[%add3A_168, %broadcast_in_dim3A_310], %gather3A_311 masked %lt3A_166 : memref<64x128xf32, #tpu.memory_space<vmem>>[vector<16xi32>, vector<16xi32>], vector<16xf32>, vector<16xi1>
          %broadcast_in_dim3A_312 = arith.constant 48 : i32
          %broadcast_in_dim3A_313 = vector.broadcast %broadcast_in_dim3A_312 : i32 to vector<16xi32>
          %gather3A_314 = tpu.vector_load_idx %arg7[%broadcast_in_dim3A_88, %broadcast_in_dim3A_313, %get3A_161] : memref<3x64x512xf32, #tpu.memory_space<vmem>>[vector<16xi32>, vector<16xi32>, vector<16xi32>], vector<16xf32>,
          tpu.vector_store_idx %arg10[%add3A_168, %broadcast_in_dim3A_313], %gather3A_314 masked %lt3A_166 : memref<64x128xf32, #tpu.memory_space<vmem>>[vector<16xi32>, vector<16xi32>], vector<16xf32>, vector<16xi1>
          %broadcast_in_dim3A_315 = arith.constant 49 : i32
          %broadcast_in_dim3A_316 = vector.broadcast %broadcast_in_dim3A_315 : i32 to vector<16xi32>
          %gather3A_317 = tpu.vector_load_idx %arg7[%broadcast_in_dim3A_88, %broadcast_in_dim3A_316, %get3A_161] : memref<3x64x512xf32, #tpu.memory_space<vmem>>[vector<16xi32>, vector<16xi32>, vector<16xi32>], vector<16xf32>,
          tpu.vector_store_idx %arg10[%add3A_168, %broadcast_in_dim3A_316], %gather3A_317 masked %lt3A_166 : memref<64x128xf32, #tpu.memory_space<vmem>>[vector<16xi32>, vector<16xi32>], vector<16xf32>, vector<16xi1>
          %broadcast_in_dim3A_318 = arith.constant 50 : i32
          %broadcast_in_dim3A_319 = vector.broadcast %broadcast_in_dim3A_318 : i32 to vector<16xi32>
          %gather3A_320 = tpu.vector_load_idx %arg7[%broadcast_in_dim3A_88, %broadcast_in_dim3A_319, %get3A_161] : memref<3x64x512xf32, #tpu.memory_space<vmem>>[vector<16xi32>, vector<16xi32>, vector<16xi32>], vector<16xf32>,
          tpu.vector_store_idx %arg10[%add3A_168, %broadcast_in_dim3A_319], %gather3A_320 masked %lt3A_166 : memref<64x128xf32, #tpu.memory_space<vmem>>[vector<16xi32>, vector<16xi32>], vector<16xf32>, vector<16xi1>
          %broadcast_in_dim3A_321 = arith.constant 51 : i32
          %broadcast_in_dim3A_322 = vector.broadcast %broadcast_in_dim3A_321 : i32 to vector<16xi32>
          %gather3A_323 = tpu.vector_load_idx %arg7[%broadcast_in_dim3A_88, %broadcast_in_dim3A_322, %get3A_161] : memref<3x64x512xf32, #tpu.memory_space<vmem>>[vector<16xi32>, vector<16xi32>, vector<16xi32>], vector<16xf32>,
          tpu.vector_store_idx %arg10[%add3A_168, %broadcast_in_dim3A_322], %gather3A_323 masked %lt3A_166 : memref<64x128xf32, #tpu.memory_space<vmem>>[vector<16xi32>, vector<16xi32>], vector<16xf32>, vector<16xi1>
          %broadcast_in_dim3A_324 = arith.constant 52 : i32
          %broadcast_in_dim3A_325 = vector.broadcast %broadcast_in_dim3A_324 : i32 to vector<16xi32>
          %gather3A_326 = tpu.vector_load_idx %arg7[%broadcast_in_dim3A_88, %broadcast_in_dim3A_325, %get3A_161] : memref<3x64x512xf32, #tpu.memory_space<vmem>>[vector<16xi32>, vector<16xi32>, vector<16xi32>], vector<16xf32>,
          tpu.vector_store_idx %arg10[%add3A_168, %broadcast_in_dim3A_325], %gather3A_326 masked %lt3A_166 : memref<64x128xf32, #tpu.memory_space<vmem>>[vector<16xi32>, vector<16xi32>], vector<16xf32>, vector<16xi1>
          %broadcast_in_dim3A_327 = arith.constant 53 : i32
          %broadcast_in_dim3A_328 = vector.broadcast %broadcast_in_dim3A_327 : i32 to vector<16xi32>
          %gather3A_329 = tpu.vector_load_idx %arg7[%broadcast_in_dim3A_88, %broadcast_in_dim3A_328, %get3A_161] : memref<3x64x512xf32, #tpu.memory_space<vmem>>[vector<16xi32>, vector<16xi32>, vector<16xi32>], vector<16xf32>,
          tpu.vector_store_idx %arg10[%add3A_168, %broadcast_in_dim3A_328], %gather3A_329 masked %lt3A_166 : memref<64x128xf32, #tpu.memory_space<vmem>>[vector<16xi32>, vector<16xi32>], vector<16xf32>, vector<16xi1>
          %broadcast_in_dim3A_330 = arith.constant 54 : i32
          %broadcast_in_dim3A_331 = vector.broadcast %broadcast_in_dim3A_330 : i32 to vector<16xi32>
          %gather3A_332 = tpu.vector_load_idx %arg7[%broadcast_in_dim3A_88, %broadcast_in_dim3A_331, %get3A_161] : memref<3x64x512xf32, #tpu.memory_space<vmem>>[vector<16xi32>, vector<16xi32>, vector<16xi32>], vector<16xf32>,
          tpu.vector_store_idx %arg10[%add3A_168, %broadcast_in_dim3A_331], %gather3A_332 masked %lt3A_166 : memref<64x128xf32, #tpu.memory_space<vmem>>[vector<16xi32>, vector<16xi32>], vector<16xf32>, vector<16xi1>
          %broadcast_in_dim3A_333 = arith.constant 55 : i32
          %broadcast_in_dim3A_334 = vector.broadcast %broadcast_in_dim3A_333 : i32 to vector<16xi32>
          %gather3A_335 = tpu.vector_load_idx %arg7[%broadcast_in_dim3A_88, %broadcast_in_dim3A_334, %get3A_161] : memref<3x64x512xf32, #tpu.memory_space<vmem>>[vector<16xi32>, vector<16xi32>, vector<16xi32>], vector<16xf32>,
          tpu.vector_store_idx %arg10[%add3A_168, %broadcast_in_dim3A_334], %gather3A_335 masked %lt3A_166 : memref<64x128xf32, #tpu.memory_space<vmem>>[vector<16xi32>, vector<16xi32>], vector<16xf32>, vector<16xi1>
          %broadcast_in_dim3A_336 = arith.constant 56 : i32
          %broadcast_in_dim3A_337 = vector.broadcast %broadcast_in_dim3A_336 : i32 to vector<16xi32>
          %gather3A_338 = tpu.vector_load_idx %arg7[%broadcast_in_dim3A_88, %broadcast_in_dim3A_337, %get3A_161] : memref<3x64x512xf32, #tpu.memory_space<vmem>>[vector<16xi32>, vector<16xi32>, vector<16xi32>], vector<16xf32>,
          tpu.vector_store_idx %arg10[%add3A_168, %broadcast_in_dim3A_337], %gather3A_338 masked %lt3A_166 : memref<64x128xf32, #tpu.memory_space<vmem>>[vector<16xi32>, vector<16xi32>], vector<16xf32>, vector<16xi1>
          %broadcast_in_dim3A_339 = arith.constant 57 : i32
          %broadcast_in_dim3A_340 = vector.broadcast %broadcast_in_dim3A_339 : i32 to vector<16xi32>
          %gather3A_341 = tpu.vector_load_idx %arg7[%broadcast_in_dim3A_88, %broadcast_in_dim3A_340, %get3A_161] : memref<3x64x512xf32, #tpu.memory_space<vmem>>[vector<16xi32>, vector<16xi32>, vector<16xi32>], vector<16xf32>,
          tpu.vector_store_idx %arg10[%add3A_168, %broadcast_in_dim3A_340], %gather3A_341 masked %lt3A_166 : memref<64x128xf32, #tpu.memory_space<vmem>>[vector<16xi32>, vector<16xi32>], vector<16xf32>, vector<16xi1>
          %broadcast_in_dim3A_342 = arith.constant 58 : i32
          %broadcast_in_dim3A_343 = vector.broadcast %broadcast_in_dim3A_342 : i32 to vector<16xi32>
          %gather3A_344 = tpu.vector_load_idx %arg7[%broadcast_in_dim3A_88, %broadcast_in_dim3A_343, %get3A_161] : memref<3x64x512xf32, #tpu.memory_space<vmem>>[vector<16xi32>, vector<16xi32>, vector<16xi32>], vector<16xf32>,
          tpu.vector_store_idx %arg10[%add3A_168, %broadcast_in_dim3A_343], %gather3A_344 masked %lt3A_166 : memref<64x128xf32, #tpu.memory_space<vmem>>[vector<16xi32>, vector<16xi32>], vector<16xf32>, vector<16xi1>
          %broadcast_in_dim3A_345 = arith.constant 59 : i32
          %broadcast_in_dim3A_346 = vector.broadcast %broadcast_in_dim3A_345 : i32 to vector<16xi32>
          %gather3A_347 = tpu.vector_load_idx %arg7[%broadcast_in_dim3A_88, %broadcast_in_dim3A_346, %get3A_161] : memref<3x64x512xf32, #tpu.memory_space<vmem>>[vector<16xi32>, vector<16xi32>, vector<16xi32>], vector<16xf32>,
          tpu.vector_store_idx %arg10[%add3A_168, %broadcast_in_dim3A_346], %gather3A_347 masked %lt3A_166 : memref<64x128xf32, #tpu.memory_space<vmem>>[vector<16xi32>, vector<16xi32>], vector<16xf32>, vector<16xi1>
          %broadcast_in_dim3A_348 = arith.constant 60 : i32
          %broadcast_in_dim3A_349 = vector.broadcast %broadcast_in_dim3A_348 : i32 to vector<16xi32>
          %gather3A_350 = tpu.vector_load_idx %arg7[%broadcast_in_dim3A_88, %broadcast_in_dim3A_349, %get3A_161] : memref<3x64x512xf32, #tpu.memory_space<vmem>>[vector<16xi32>, vector<16xi32>, vector<16xi32>], vector<16xf32>,
          tpu.vector_store_idx %arg10[%add3A_168, %broadcast_in_dim3A_349], %gather3A_350 masked %lt3A_166 : memref<64x128xf32, #tpu.memory_space<vmem>>[vector<16xi32>, vector<16xi32>], vector<16xf32>, vector<16xi1>
          %broadcast_in_dim3A_351 = arith.constant 61 : i32
          %broadcast_in_dim3A_352 = vector.broadcast %broadcast_in_dim3A_351 : i32 to vector<16xi32>
          %gather3A_353 = tpu.vector_load_idx %arg7[%broadcast_in_dim3A_88, %broadcast_in_dim3A_352, %get3A_161] : memref<3x64x512xf32, #tpu.memory_space<vmem>>[vector<16xi32>, vector<16xi32>, vector<16xi32>], vector<16xf32>,
          tpu.vector_store_idx %arg10[%add3A_168, %broadcast_in_dim3A_352], %gather3A_353 masked %lt3A_166 : memref<64x128xf32, #tpu.memory_space<vmem>>[vector<16xi32>, vector<16xi32>], vector<16xf32>, vector<16xi1>
          %broadcast_in_dim3A_354 = arith.constant 62 : i32
          %broadcast_in_dim3A_355 = vector.broadcast %broadcast_in_dim3A_354 : i32 to vector<16xi32>
          %gather3A_356 = tpu.vector_load_idx %arg7[%broadcast_in_dim3A_88, %broadcast_in_dim3A_355, %get3A_161] : memref<3x64x512xf32, #tpu.memory_space<vmem>>[vector<16xi32>, vector<16xi32>, vector<16xi32>], vector<16xf32>,
          tpu.vector_store_idx %arg10[%add3A_168, %broadcast_in_dim3A_355], %gather3A_356 masked %lt3A_166 : memref<64x128xf32, #tpu.memory_space<vmem>>[vector<16xi32>, vector<16xi32>], vector<16xf32>, vector<16xi1>
          %broadcast_in_dim3A_357 = arith.constant 63 : i32
          %broadcast_in_dim3A_358 = vector.broadcast %broadcast_in_dim3A_357 : i32 to vector<16xi32>
          %gather3A_359 = tpu.vector_load_idx %arg7[%broadcast_in_dim3A_88, %broadcast_in_dim3A_358, %get3A_161] : memref<3x64x512xf32, #tpu.memory_space<vmem>>[vector<16xi32>, vector<16xi32>, vector<16xi32>], vector<16xf32>,
          tpu.vector_store_idx %arg10[%add3A_168, %broadcast_in_dim3A_358], %gather3A_359 masked %lt3A_166 : memref<64x128xf32, #tpu.memory_space<vmem>>[vector<16xi32>, vector<16xi32>], vector<16xf32>, vector<16xi1>
          %broadcast_in_dim3A_360 = vector.broadcast %add3A_2 : i32 to vector<16xi32>
          %select_n3A_361 = arith.select %lt3A_166, %get3A_163, %broadcast_in_dim3A_360 : vector<16xi1>, vector<16xi32>
          tpu.vector_store_idx %arg11[%add3A_168], %select_n3A_361 : memref<64xi32, #tpu.memory_space<vmem>>[vector<16xi32>], vector<16xi32>,
          %get3A_362 = arith.constant 16 : index
          %get3A_363 = tpu.vector_load %arg8[%get3A_362] {strides = array<i32>} : memref<32xi32, #tpu.memory_space<vmem>>, vector<16xi32>,
          %swap3A_364 = arith.constant 0 : index
          %swap3A_365 = tpu.vector_load %arg8[%swap3A_364] {strides = array<i32>} : memref<32xi32, #tpu.memory_space<vmem>>, vector<16xi32>,
          tpu.vector_store %arg8[%swap3A_364], %get3A_363 {strides = array<i32>} : memref<32xi32, #tpu.memory_space<vmem>>, vector<16xi32>,
          %get3A_366 = arith.constant 16 : index
          %get3A_367 = tpu.vector_load %arg9[%get3A_366] {strides = array<i32>} : memref<32xi32, #tpu.memory_space<vmem>>, vector<16xi32>,
          %swap3A_368 = arith.constant 0 : index
          %swap3A_369 = tpu.vector_load %arg9[%swap3A_368] {strides = array<i32>} : memref<32xi32, #tpu.memory_space<vmem>>, vector<16xi32>,
          tpu.vector_store %arg9[%swap3A_368], %get3A_367 {strides = array<i32>} : memref<32xi32, #tpu.memory_space<vmem>>, vector<16xi32>,
          %add3A_370 = arith.constant 16 : i32
          %add3A_371 = arith.addi %while3A_115, %add3A_370 : i32
          %gt3A_372 = arith.constant 48 : i32
          %gt3A_373 = arith.cmpi sgt, %add3A_371, %gt3A_372 : i32
          %convert_element_type3A_374 = arith.extui %gt3A_373 : i1 to i32
          %cond3A_375 = arith.constant 0 : i32
          %cond3A_376 = arith.cmpi ne, %convert_element_type3A_374, %cond3A_375 : i32
          %cond3A_377 = scf.if %cond3A_376 -> (i32) {
            "tpu.region"() ({
              %run_scoped3A = tpu.sem_alloc : memref<!tpu.dma_semaphore, #tpu.memory_space<semaphore_mem>>
              %dma_start3A = arith.constant 0 : i32
              %dma_start3A_389 = arith.constant 0 : i32
              %dma_start3A_390 = tpu.memref_slice %arg4[%dma_start3A, %dma_start3A_389] : memref<16416x128xf32, #tpu.memory_space<hbm>> -> memref<16416x128xf32, #tpu.memory_space<hbm>>
              tpu.enqueue_indirect_dma source(%arg10 : memref<64x128xf32, #tpu.memory_space<vmem>>) target(%dma_start3A_390 : memref<16416x128xf32, #tpu.memory_space<hbm>>) offsets(%arg11 : memref<64xi32, #tpu.memory_space<vmem>>) semaphore(%run_scoped3A : memref<!tpu.dma_semaphore, #tpu.memory_space<semaphore_mem>>)
              %dma_wait3A = arith.constant 0 : i32
              %dma_wait3A_391 = arith.constant 0 : i32
              %dma_wait3A_392 = tpu.memref_slice %arg4[%dma_wait3A, %dma_wait3A_391] : memref<16416x128xf32, #tpu.memory_space<hbm>> -> memref<16416x128xf32, #tpu.memory_space<hbm>>
              tpu.wait_indirect_dma semaphore(%run_scoped3A : memref<!tpu.dma_semaphore, #tpu.memory_space<semaphore_mem>>) src(%arg10 : memref<64x128xf32, #tpu.memory_space<vmem>>) dst(%dma_wait3A_392 : memref<16416x128xf32, #tpu.memory_space<hbm>>)
              tpu.yield
            }) : () -> ()
            %broadcast_in_dim3A_378 = vector.broadcast %add3A_2 : i32 to vector<16xi32>
            %swap3A_379 = arith.constant 0 : index
            %swap3A_380 = tpu.vector_load %arg11[%swap3A_379] {strides = array<i32>} : memref<64xi32, #tpu.memory_space<vmem>>, vector<16xi32>,
            tpu.vector_store %arg11[%swap3A_379], %broadcast_in_dim3A_378 {strides = array<i32>} : memref<64xi32, #tpu.memory_space<vmem>>, vector<16xi32>,
            %swap3A_381 = arith.constant 16 : index
            %swap3A_382 = tpu.vector_load %arg11[%swap3A_381] {strides = array<i32>} : memref<64xi32, #tpu.memory_space<vmem>>, vector<16xi32>,
            tpu.vector_store %arg11[%swap3A_381], %broadcast_in_dim3A_378 {strides = array<i32>} : memref<64xi32, #tpu.memory_space<vmem>>, vector<16xi32>,
            %swap3A_383 = arith.constant 32 : index
            %swap3A_384 = tpu.vector_load %arg11[%swap3A_383] {strides = array<i32>} : memref<64xi32, #tpu.memory_space<vmem>>, vector<16xi32>,
            tpu.vector_store %arg11[%swap3A_383], %broadcast_in_dim3A_378 {strides = array<i32>} : memref<64xi32, #tpu.memory_space<vmem>>, vector<16xi32>,
            %swap3A_385 = arith.constant 48 : index
            %swap3A_386 = tpu.vector_load %arg11[%swap3A_385] {strides = array<i32>} : memref<64xi32, #tpu.memory_space<vmem>>, vector<16xi32>,
            tpu.vector_store %arg11[%swap3A_385], %broadcast_in_dim3A_378 {strides = array<i32>} : memref<64xi32, #tpu.memory_space<vmem>>, vector<16xi32>,
            %mul3A_387 = arith.constant 0 : i32
            %mul3A_388 = arith.muli %mul3A_387, %add3A_371 : i32
            scf.yield %mul3A_388 : i32
          } else {
            scf.yield %add3A_371 : i32
          }
          scf.yield %cond3A_377 : i32
        } else {
          scf.yield %while3A_115 : i32
        }
        %ge3A_154 = arith.constant 16 : i32
        %ge3A_155 = arith.cmpi sge, %add3A_148, %ge3A_154 : i32
        %convert_element_type3A_156 = arith.extui %ge3A_155 : i1 to i32
        %cond3A_157 = arith.constant 0 : i32
        %cond3A_158 = arith.cmpi ne, %convert_element_type3A_156, %cond3A_157 : i32
        %cond3A_159 = scf.if %cond3A_158 -> (i32) {
          %sub3A_160 = arith.constant 16 : i32
          %sub3A_161 = arith.subi %add3A_148, %sub3A_160 : i32
          scf.yield %sub3A_161 : i32
        } else {
          scf.yield %add3A_148 : i32
        }
        scf.yield %cond3A_159, %cond3A_153 : i32, i32
      }
      %while3A_99 = arith.constant 1 : i32
      %while3A_100:2 = scf.for %while3A_113 = %while3A_96 to %while3A_92 step %while3A_99 iter_args(%while3A_114 = %while3A_98#0, %while3A_115 = %while3A_98#1) -> (i32, i32)  : i32 {
        %mul3A_116 = arith.constant 16 : i32
        %mul3A_117 = arith.muli %while3A_113, %mul3A_116 : i32
        %multiple_of3A = tpu.assume_multiple %mul3A_117, 16 : i32
        %get3A = arith.index_cast %multiple_of3A : i32 to index
        %get3A_118 = tpu.vector_load %arg6[%get3A] {strides = array<i32>} : memref<16384xi32, #tpu.memory_space<vmem>>, vector<16xi32>,
        %shift_right_logical3A_119 = arith.constant 24 : i32
        %shift_right_logical3A_120 = vector.broadcast %shift_right_logical3A_119 : i32 to vector<16xi32>
        %shift_right_logical3A_121 = arith.shrui %get3A_118, %shift_right_logical3A_120 : vector<16xi32>
        %eq3A_122 = vector.broadcast %while3A_64 : i32 to vector<16xi32>
        %eq3A_123 = arith.cmpi eq, %shift_right_logical3A_121, %eq3A_122 : vector<16xi32>
        %mul3A_124 = arith.constant 16 : i32
        %mul3A_125 = arith.muli %while3A_113, %mul3A_124 : i32
        %add3A_126 = vector.broadcast %mul3A_125 : i32 to vector<16xi32>
        %add3A_127 = arith.addi %add3A_126, %iota3A : vector<16xi32>
        %lt3A_128 = vector.broadcast %scan3A_41 : i32 to vector<16xi32>
        %lt3A_129 = arith.cmpi slt, %add3A_127, %lt3A_128 : vector<16xi32>
        %and3A = arith.andi %eq3A_123, %lt3A_129 : vector<16xi1>
        %convert_element_type3A_130 = arith.extui %and3A : vector<16xi1> to vector<16xi32>
        %broadcast_in_dim3A_131 = arith.constant true
        %broadcast_in_dim3A_132 = vector.broadcast %broadcast_in_dim3A_131 : i1 to vector<16xi1>
        %masked_cumsum3A = tpu.scan <sum>, %convert_element_type3A_130 masked %broadcast_in_dim3A_132 : vector<16xi32>, vector<16xi1> -> vector<16xi32>
        %sub3A_133 = arith.subi %masked_cumsum3A, %convert_element_type3A_130 : vector<16xi32>
        %add3A_134 = vector.broadcast %while3A_114 : i32 to vector<16xi32>
        %add3A_135 = arith.addi %add3A_134, %sub3A_133 : vector<16xi32>
        %shift_right_logical3A_136 = arith.constant 14 : i32
        %shift_right_logical3A_137 = vector.broadcast %shift_right_logical3A_136 : i32 to vector<16xi32>
        %shift_right_logical3A_138 = arith.shrui %get3A_118, %shift_right_logical3A_137 : vector<16xi32>
        %and3A_139 = arith.constant 1023 : i32
        %and3A_140 = vector.broadcast %and3A_139 : i32 to vector<16xi32>
        %and3A_141 = arith.andi %shift_right_logical3A_138, %and3A_140 : vector<16xi32>
        tpu.vector_store_idx %arg8[%add3A_135], %and3A_141 masked %and3A : memref<32xi32, #tpu.memory_space<vmem>>[vector<16xi32>], vector<16xi32>, vector<16xi1>
        %and3A_142 = arith.constant 16383 : i32
        %and3A_143 = vector.broadcast %and3A_142 : i32 to vector<16xi32>
        %and3A_144 = arith.andi %get3A_118, %and3A_143 : vector<16xi32>
        tpu.vector_store_idx %arg9[%add3A_135], %and3A_144 masked %and3A : memref<32xi32, #tpu.memory_space<vmem>>[vector<16xi32>], vector<16xi32>, vector<16xi1>
        %reduce_sum3A = arith.constant true
        %reduce_sum3A_145 = vector.broadcast %reduce_sum3A : i1 to vector<16xi1>
        %reduce_sum3A_146 = tpu.scan <sum>, %convert_element_type3A_130 masked %reduce_sum3A_145 : vector<16xi32>, vector<16xi1> -> vector<16xi32>
        %reduce_sum3A_147 = vector.extract %reduce_sum3A_146[15] : i32 from vector<16xi32>
        %add3A_148 = arith.addi %while3A_114, %reduce_sum3A_147 : i32
        %ge3A = arith.constant 16 : i32
        %ge3A_149 = arith.cmpi sge, %add3A_148, %ge3A : i32
        %convert_element_type3A_150 = arith.extui %ge3A_149 : i1 to i32
        %cond3A_151 = arith.constant 0 : i32
        %cond3A_152 = arith.cmpi ne, %convert_element_type3A_150, %cond3A_151 : i32
        %cond3A_153 = scf.if %cond3A_152 -> (i32) {
          %get3A_160 = arith.constant 0 : index
          %get3A_161 = tpu.vector_load %arg8[%get3A_160] {strides = array<i32>} : memref<32xi32, #tpu.memory_space<vmem>>, vector<16xi32>,
          %get3A_162 = arith.constant 0 : index
          %get3A_163 = tpu.vector_load %arg9[%get3A_162] {strides = array<i32>} : memref<32xi32, #tpu.memory_space<vmem>>, vector<16xi32>,
          %lt3A_164 = arith.constant 16 : i32
          %lt3A_165 = vector.broadcast %lt3A_164 : i32 to vector<16xi32>
          %lt3A_166 = arith.cmpi slt, %iota3A, %lt3A_165 : vector<16xi32>
          %add3A_167 = vector.broadcast %while3A_115 : i32 to vector<16xi32>
          %add3A_168 = arith.addi %add3A_167, %iota3A : vector<16xi32>
          %broadcast_in_dim3A_169 = arith.constant 0 : i32
          %broadcast_in_dim3A_170 = vector.broadcast %broadcast_in_dim3A_169 : i32 to vector<16xi32>
          %gather3A = tpu.vector_load_idx %arg7[%broadcast_in_dim3A_88, %broadcast_in_dim3A_170, %get3A_161] : memref<3x64x512xf32, #tpu.memory_space<vmem>>[vector<16xi32>, vector<16xi32>, vector<16xi32>], vector<16xf32>,
          tpu.vector_store_idx %arg10[%add3A_168, %broadcast_in_dim3A_170], %gather3A masked %lt3A_166 : memref<64x128xf32, #tpu.memory_space<vmem>>[vector<16xi32>, vector<16xi32>], vector<16xf32>, vector<16xi1>
          %broadcast_in_dim3A_171 = arith.constant 1 : i32
          %broadcast_in_dim3A_172 = vector.broadcast %broadcast_in_dim3A_171 : i32 to vector<16xi32>
          %gather3A_173 = tpu.vector_load_idx %arg7[%broadcast_in_dim3A_88, %broadcast_in_dim3A_172, %get3A_161] : memref<3x64x512xf32, #tpu.memory_space<vmem>>[vector<16xi32>, vector<16xi32>, vector<16xi32>], vector<16xf32>,
          tpu.vector_store_idx %arg10[%add3A_168, %broadcast_in_dim3A_172], %gather3A_173 masked %lt3A_166 : memref<64x128xf32, #tpu.memory_space<vmem>>[vector<16xi32>, vector<16xi32>], vector<16xf32>, vector<16xi1>
          %broadcast_in_dim3A_174 = arith.constant 2 : i32
          %broadcast_in_dim3A_175 = vector.broadcast %broadcast_in_dim3A_174 : i32 to vector<16xi32>
          %gather3A_176 = tpu.vector_load_idx %arg7[%broadcast_in_dim3A_88, %broadcast_in_dim3A_175, %get3A_161] : memref<3x64x512xf32, #tpu.memory_space<vmem>>[vector<16xi32>, vector<16xi32>, vector<16xi32>], vector<16xf32>,
          tpu.vector_store_idx %arg10[%add3A_168, %broadcast_in_dim3A_175], %gather3A_176 masked %lt3A_166 : memref<64x128xf32, #tpu.memory_space<vmem>>[vector<16xi32>, vector<16xi32>], vector<16xf32>, vector<16xi1>
          %broadcast_in_dim3A_177 = arith.constant 3 : i32
          %broadcast_in_dim3A_178 = vector.broadcast %broadcast_in_dim3A_177 : i32 to vector<16xi32>
          %gather3A_179 = tpu.vector_load_idx %arg7[%broadcast_in_dim3A_88, %broadcast_in_dim3A_178, %get3A_161] : memref<3x64x512xf32, #tpu.memory_space<vmem>>[vector<16xi32>, vector<16xi32>, vector<16xi32>], vector<16xf32>,
          tpu.vector_store_idx %arg10[%add3A_168, %broadcast_in_dim3A_178], %gather3A_179 masked %lt3A_166 : memref<64x128xf32, #tpu.memory_space<vmem>>[vector<16xi32>, vector<16xi32>], vector<16xf32>, vector<16xi1>
          %broadcast_in_dim3A_180 = arith.constant 4 : i32
          %broadcast_in_dim3A_181 = vector.broadcast %broadcast_in_dim3A_180 : i32 to vector<16xi32>
          %gather3A_182 = tpu.vector_load_idx %arg7[%broadcast_in_dim3A_88, %broadcast_in_dim3A_181, %get3A_161] : memref<3x64x512xf32, #tpu.memory_space<vmem>>[vector<16xi32>, vector<16xi32>, vector<16xi32>], vector<16xf32>,
          tpu.vector_store_idx %arg10[%add3A_168, %broadcast_in_dim3A_181], %gather3A_182 masked %lt3A_166 : memref<64x128xf32, #tpu.memory_space<vmem>>[vector<16xi32>, vector<16xi32>], vector<16xf32>, vector<16xi1>
          %broadcast_in_dim3A_183 = arith.constant 5 : i32
          %broadcast_in_dim3A_184 = vector.broadcast %broadcast_in_dim3A_183 : i32 to vector<16xi32>
          %gather3A_185 = tpu.vector_load_idx %arg7[%broadcast_in_dim3A_88, %broadcast_in_dim3A_184, %get3A_161] : memref<3x64x512xf32, #tpu.memory_space<vmem>>[vector<16xi32>, vector<16xi32>, vector<16xi32>], vector<16xf32>,
          tpu.vector_store_idx %arg10[%add3A_168, %broadcast_in_dim3A_184], %gather3A_185 masked %lt3A_166 : memref<64x128xf32, #tpu.memory_space<vmem>>[vector<16xi32>, vector<16xi32>], vector<16xf32>, vector<16xi1>
          %broadcast_in_dim3A_186 = arith.constant 6 : i32
          %broadcast_in_dim3A_187 = vector.broadcast %broadcast_in_dim3A_186 : i32 to vector<16xi32>
          %gather3A_188 = tpu.vector_load_idx %arg7[%broadcast_in_dim3A_88, %broadcast_in_dim3A_187, %get3A_161] : memref<3x64x512xf32, #tpu.memory_space<vmem>>[vector<16xi32>, vector<16xi32>, vector<16xi32>], vector<16xf32>,
          tpu.vector_store_idx %arg10[%add3A_168, %broadcast_in_dim3A_187], %gather3A_188 masked %lt3A_166 : memref<64x128xf32, #tpu.memory_space<vmem>>[vector<16xi32>, vector<16xi32>], vector<16xf32>, vector<16xi1>
          %broadcast_in_dim3A_189 = arith.constant 7 : i32
          %broadcast_in_dim3A_190 = vector.broadcast %broadcast_in_dim3A_189 : i32 to vector<16xi32>
          %gather3A_191 = tpu.vector_load_idx %arg7[%broadcast_in_dim3A_88, %broadcast_in_dim3A_190, %get3A_161] : memref<3x64x512xf32, #tpu.memory_space<vmem>>[vector<16xi32>, vector<16xi32>, vector<16xi32>], vector<16xf32>,
          tpu.vector_store_idx %arg10[%add3A_168, %broadcast_in_dim3A_190], %gather3A_191 masked %lt3A_166 : memref<64x128xf32, #tpu.memory_space<vmem>>[vector<16xi32>, vector<16xi32>], vector<16xf32>, vector<16xi1>
          %broadcast_in_dim3A_192 = arith.constant 8 : i32
          %broadcast_in_dim3A_193 = vector.broadcast %broadcast_in_dim3A_192 : i32 to vector<16xi32>
          %gather3A_194 = tpu.vector_load_idx %arg7[%broadcast_in_dim3A_88, %broadcast_in_dim3A_193, %get3A_161] : memref<3x64x512xf32, #tpu.memory_space<vmem>>[vector<16xi32>, vector<16xi32>, vector<16xi32>], vector<16xf32>,
          tpu.vector_store_idx %arg10[%add3A_168, %broadcast_in_dim3A_193], %gather3A_194 masked %lt3A_166 : memref<64x128xf32, #tpu.memory_space<vmem>>[vector<16xi32>, vector<16xi32>], vector<16xf32>, vector<16xi1>
          %broadcast_in_dim3A_195 = arith.constant 9 : i32
          %broadcast_in_dim3A_196 = vector.broadcast %broadcast_in_dim3A_195 : i32 to vector<16xi32>
          %gather3A_197 = tpu.vector_load_idx %arg7[%broadcast_in_dim3A_88, %broadcast_in_dim3A_196, %get3A_161] : memref<3x64x512xf32, #tpu.memory_space<vmem>>[vector<16xi32>, vector<16xi32>, vector<16xi32>], vector<16xf32>,
          tpu.vector_store_idx %arg10[%add3A_168, %broadcast_in_dim3A_196], %gather3A_197 masked %lt3A_166 : memref<64x128xf32, #tpu.memory_space<vmem>>[vector<16xi32>, vector<16xi32>], vector<16xf32>, vector<16xi1>
          %broadcast_in_dim3A_198 = arith.constant 10 : i32
          %broadcast_in_dim3A_199 = vector.broadcast %broadcast_in_dim3A_198 : i32 to vector<16xi32>
          %gather3A_200 = tpu.vector_load_idx %arg7[%broadcast_in_dim3A_88, %broadcast_in_dim3A_199, %get3A_161] : memref<3x64x512xf32, #tpu.memory_space<vmem>>[vector<16xi32>, vector<16xi32>, vector<16xi32>], vector<16xf32>,
          tpu.vector_store_idx %arg10[%add3A_168, %broadcast_in_dim3A_199], %gather3A_200 masked %lt3A_166 : memref<64x128xf32, #tpu.memory_space<vmem>>[vector<16xi32>, vector<16xi32>], vector<16xf32>, vector<16xi1>
          %broadcast_in_dim3A_201 = arith.constant 11 : i32
          %broadcast_in_dim3A_202 = vector.broadcast %broadcast_in_dim3A_201 : i32 to vector<16xi32>
          %gather3A_203 = tpu.vector_load_idx %arg7[%broadcast_in_dim3A_88, %broadcast_in_dim3A_202, %get3A_161] : memref<3x64x512xf32, #tpu.memory_space<vmem>>[vector<16xi32>, vector<16xi32>, vector<16xi32>], vector<16xf32>,
          tpu.vector_store_idx %arg10[%add3A_168, %broadcast_in_dim3A_202], %gather3A_203 masked %lt3A_166 : memref<64x128xf32, #tpu.memory_space<vmem>>[vector<16xi32>, vector<16xi32>], vector<16xf32>, vector<16xi1>
          %broadcast_in_dim3A_204 = arith.constant 12 : i32
          %broadcast_in_dim3A_205 = vector.broadcast %broadcast_in_dim3A_204 : i32 to vector<16xi32>
          %gather3A_206 = tpu.vector_load_idx %arg7[%broadcast_in_dim3A_88, %broadcast_in_dim3A_205, %get3A_161] : memref<3x64x512xf32, #tpu.memory_space<vmem>>[vector<16xi32>, vector<16xi32>, vector<16xi32>], vector<16xf32>,
          tpu.vector_store_idx %arg10[%add3A_168, %broadcast_in_dim3A_205], %gather3A_206 masked %lt3A_166 : memref<64x128xf32, #tpu.memory_space<vmem>>[vector<16xi32>, vector<16xi32>], vector<16xf32>, vector<16xi1>
          %broadcast_in_dim3A_207 = arith.constant 13 : i32
          %broadcast_in_dim3A_208 = vector.broadcast %broadcast_in_dim3A_207 : i32 to vector<16xi32>
          %gather3A_209 = tpu.vector_load_idx %arg7[%broadcast_in_dim3A_88, %broadcast_in_dim3A_208, %get3A_161] : memref<3x64x512xf32, #tpu.memory_space<vmem>>[vector<16xi32>, vector<16xi32>, vector<16xi32>], vector<16xf32>,
          tpu.vector_store_idx %arg10[%add3A_168, %broadcast_in_dim3A_208], %gather3A_209 masked %lt3A_166 : memref<64x128xf32, #tpu.memory_space<vmem>>[vector<16xi32>, vector<16xi32>], vector<16xf32>, vector<16xi1>
          %broadcast_in_dim3A_210 = arith.constant 14 : i32
          %broadcast_in_dim3A_211 = vector.broadcast %broadcast_in_dim3A_210 : i32 to vector<16xi32>
          %gather3A_212 = tpu.vector_load_idx %arg7[%broadcast_in_dim3A_88, %broadcast_in_dim3A_211, %get3A_161] : memref<3x64x512xf32, #tpu.memory_space<vmem>>[vector<16xi32>, vector<16xi32>, vector<16xi32>], vector<16xf32>,
          tpu.vector_store_idx %arg10[%add3A_168, %broadcast_in_dim3A_211], %gather3A_212 masked %lt3A_166 : memref<64x128xf32, #tpu.memory_space<vmem>>[vector<16xi32>, vector<16xi32>], vector<16xf32>, vector<16xi1>
          %broadcast_in_dim3A_213 = arith.constant 15 : i32
          %broadcast_in_dim3A_214 = vector.broadcast %broadcast_in_dim3A_213 : i32 to vector<16xi32>
          %gather3A_215 = tpu.vector_load_idx %arg7[%broadcast_in_dim3A_88, %broadcast_in_dim3A_214, %get3A_161] : memref<3x64x512xf32, #tpu.memory_space<vmem>>[vector<16xi32>, vector<16xi32>, vector<16xi32>], vector<16xf32>,
          tpu.vector_store_idx %arg10[%add3A_168, %broadcast_in_dim3A_214], %gather3A_215 masked %lt3A_166 : memref<64x128xf32, #tpu.memory_space<vmem>>[vector<16xi32>, vector<16xi32>], vector<16xf32>, vector<16xi1>
          %broadcast_in_dim3A_216 = arith.constant 16 : i32
          %broadcast_in_dim3A_217 = vector.broadcast %broadcast_in_dim3A_216 : i32 to vector<16xi32>
          %gather3A_218 = tpu.vector_load_idx %arg7[%broadcast_in_dim3A_88, %broadcast_in_dim3A_217, %get3A_161] : memref<3x64x512xf32, #tpu.memory_space<vmem>>[vector<16xi32>, vector<16xi32>, vector<16xi32>], vector<16xf32>,
          tpu.vector_store_idx %arg10[%add3A_168, %broadcast_in_dim3A_217], %gather3A_218 masked %lt3A_166 : memref<64x128xf32, #tpu.memory_space<vmem>>[vector<16xi32>, vector<16xi32>], vector<16xf32>, vector<16xi1>
          %broadcast_in_dim3A_219 = arith.constant 17 : i32
          %broadcast_in_dim3A_220 = vector.broadcast %broadcast_in_dim3A_219 : i32 to vector<16xi32>
          %gather3A_221 = tpu.vector_load_idx %arg7[%broadcast_in_dim3A_88, %broadcast_in_dim3A_220, %get3A_161] : memref<3x64x512xf32, #tpu.memory_space<vmem>>[vector<16xi32>, vector<16xi32>, vector<16xi32>], vector<16xf32>,
          tpu.vector_store_idx %arg10[%add3A_168, %broadcast_in_dim3A_220], %gather3A_221 masked %lt3A_166 : memref<64x128xf32, #tpu.memory_space<vmem>>[vector<16xi32>, vector<16xi32>], vector<16xf32>, vector<16xi1>
          %broadcast_in_dim3A_222 = arith.constant 18 : i32
          %broadcast_in_dim3A_223 = vector.broadcast %broadcast_in_dim3A_222 : i32 to vector<16xi32>
          %gather3A_224 = tpu.vector_load_idx %arg7[%broadcast_in_dim3A_88, %broadcast_in_dim3A_223, %get3A_161] : memref<3x64x512xf32, #tpu.memory_space<vmem>>[vector<16xi32>, vector<16xi32>, vector<16xi32>], vector<16xf32>,
          tpu.vector_store_idx %arg10[%add3A_168, %broadcast_in_dim3A_223], %gather3A_224 masked %lt3A_166 : memref<64x128xf32, #tpu.memory_space<vmem>>[vector<16xi32>, vector<16xi32>], vector<16xf32>, vector<16xi1>
          %broadcast_in_dim3A_225 = arith.constant 19 : i32
          %broadcast_in_dim3A_226 = vector.broadcast %broadcast_in_dim3A_225 : i32 to vector<16xi32>
          %gather3A_227 = tpu.vector_load_idx %arg7[%broadcast_in_dim3A_88, %broadcast_in_dim3A_226, %get3A_161] : memref<3x64x512xf32, #tpu.memory_space<vmem>>[vector<16xi32>, vector<16xi32>, vector<16xi32>], vector<16xf32>,
          tpu.vector_store_idx %arg10[%add3A_168, %broadcast_in_dim3A_226], %gather3A_227 masked %lt3A_166 : memref<64x128xf32, #tpu.memory_space<vmem>>[vector<16xi32>, vector<16xi32>], vector<16xf32>, vector<16xi1>
          %broadcast_in_dim3A_228 = arith.constant 20 : i32
          %broadcast_in_dim3A_229 = vector.broadcast %broadcast_in_dim3A_228 : i32 to vector<16xi32>
          %gather3A_230 = tpu.vector_load_idx %arg7[%broadcast_in_dim3A_88, %broadcast_in_dim3A_229, %get3A_161] : memref<3x64x512xf32, #tpu.memory_space<vmem>>[vector<16xi32>, vector<16xi32>, vector<16xi32>], vector<16xf32>,
          tpu.vector_store_idx %arg10[%add3A_168, %broadcast_in_dim3A_229], %gather3A_230 masked %lt3A_166 : memref<64x128xf32, #tpu.memory_space<vmem>>[vector<16xi32>, vector<16xi32>], vector<16xf32>, vector<16xi1>
          %broadcast_in_dim3A_231 = arith.constant 21 : i32
          %broadcast_in_dim3A_232 = vector.broadcast %broadcast_in_dim3A_231 : i32 to vector<16xi32>
          %gather3A_233 = tpu.vector_load_idx %arg7[%broadcast_in_dim3A_88, %broadcast_in_dim3A_232, %get3A_161] : memref<3x64x512xf32, #tpu.memory_space<vmem>>[vector<16xi32>, vector<16xi32>, vector<16xi32>], vector<16xf32>,
          tpu.vector_store_idx %arg10[%add3A_168, %broadcast_in_dim3A_232], %gather3A_233 masked %lt3A_166 : memref<64x128xf32, #tpu.memory_space<vmem>>[vector<16xi32>, vector<16xi32>], vector<16xf32>, vector<16xi1>
          %broadcast_in_dim3A_234 = arith.constant 22 : i32
          %broadcast_in_dim3A_235 = vector.broadcast %broadcast_in_dim3A_234 : i32 to vector<16xi32>
          %gather3A_236 = tpu.vector_load_idx %arg7[%broadcast_in_dim3A_88, %broadcast_in_dim3A_235, %get3A_161] : memref<3x64x512xf32, #tpu.memory_space<vmem>>[vector<16xi32>, vector<16xi32>, vector<16xi32>], vector<16xf32>,
          tpu.vector_store_idx %arg10[%add3A_168, %broadcast_in_dim3A_235], %gather3A_236 masked %lt3A_166 : memref<64x128xf32, #tpu.memory_space<vmem>>[vector<16xi32>, vector<16xi32>], vector<16xf32>, vector<16xi1>
          %broadcast_in_dim3A_237 = arith.constant 23 : i32
          %broadcast_in_dim3A_238 = vector.broadcast %broadcast_in_dim3A_237 : i32 to vector<16xi32>
          %gather3A_239 = tpu.vector_load_idx %arg7[%broadcast_in_dim3A_88, %broadcast_in_dim3A_238, %get3A_161] : memref<3x64x512xf32, #tpu.memory_space<vmem>>[vector<16xi32>, vector<16xi32>, vector<16xi32>], vector<16xf32>,
          tpu.vector_store_idx %arg10[%add3A_168, %broadcast_in_dim3A_238], %gather3A_239 masked %lt3A_166 : memref<64x128xf32, #tpu.memory_space<vmem>>[vector<16xi32>, vector<16xi32>], vector<16xf32>, vector<16xi1>
          %broadcast_in_dim3A_240 = arith.constant 24 : i32
          %broadcast_in_dim3A_241 = vector.broadcast %broadcast_in_dim3A_240 : i32 to vector<16xi32>
          %gather3A_242 = tpu.vector_load_idx %arg7[%broadcast_in_dim3A_88, %broadcast_in_dim3A_241, %get3A_161] : memref<3x64x512xf32, #tpu.memory_space<vmem>>[vector<16xi32>, vector<16xi32>, vector<16xi32>], vector<16xf32>,
          tpu.vector_store_idx %arg10[%add3A_168, %broadcast_in_dim3A_241], %gather3A_242 masked %lt3A_166 : memref<64x128xf32, #tpu.memory_space<vmem>>[vector<16xi32>, vector<16xi32>], vector<16xf32>, vector<16xi1>
          %broadcast_in_dim3A_243 = arith.constant 25 : i32
          %broadcast_in_dim3A_244 = vector.broadcast %broadcast_in_dim3A_243 : i32 to vector<16xi32>
          %gather3A_245 = tpu.vector_load_idx %arg7[%broadcast_in_dim3A_88, %broadcast_in_dim3A_244, %get3A_161] : memref<3x64x512xf32, #tpu.memory_space<vmem>>[vector<16xi32>, vector<16xi32>, vector<16xi32>], vector<16xf32>,
          tpu.vector_store_idx %arg10[%add3A_168, %broadcast_in_dim3A_244], %gather3A_245 masked %lt3A_166 : memref<64x128xf32, #tpu.memory_space<vmem>>[vector<16xi32>, vector<16xi32>], vector<16xf32>, vector<16xi1>
          %broadcast_in_dim3A_246 = arith.constant 26 : i32
          %broadcast_in_dim3A_247 = vector.broadcast %broadcast_in_dim3A_246 : i32 to vector<16xi32>
          %gather3A_248 = tpu.vector_load_idx %arg7[%broadcast_in_dim3A_88, %broadcast_in_dim3A_247, %get3A_161] : memref<3x64x512xf32, #tpu.memory_space<vmem>>[vector<16xi32>, vector<16xi32>, vector<16xi32>], vector<16xf32>,
          tpu.vector_store_idx %arg10[%add3A_168, %broadcast_in_dim3A_247], %gather3A_248 masked %lt3A_166 : memref<64x128xf32, #tpu.memory_space<vmem>>[vector<16xi32>, vector<16xi32>], vector<16xf32>, vector<16xi1>
          %broadcast_in_dim3A_249 = arith.constant 27 : i32
          %broadcast_in_dim3A_250 = vector.broadcast %broadcast_in_dim3A_249 : i32 to vector<16xi32>
          %gather3A_251 = tpu.vector_load_idx %arg7[%broadcast_in_dim3A_88, %broadcast_in_dim3A_250, %get3A_161] : memref<3x64x512xf32, #tpu.memory_space<vmem>>[vector<16xi32>, vector<16xi32>, vector<16xi32>], vector<16xf32>,
          tpu.vector_store_idx %arg10[%add3A_168, %broadcast_in_dim3A_250], %gather3A_251 masked %lt3A_166 : memref<64x128xf32, #tpu.memory_space<vmem>>[vector<16xi32>, vector<16xi32>], vector<16xf32>, vector<16xi1>
          %broadcast_in_dim3A_252 = arith.constant 28 : i32
          %broadcast_in_dim3A_253 = vector.broadcast %broadcast_in_dim3A_252 : i32 to vector<16xi32>
          %gather3A_254 = tpu.vector_load_idx %arg7[%broadcast_in_dim3A_88, %broadcast_in_dim3A_253, %get3A_161] : memref<3x64x512xf32, #tpu.memory_space<vmem>>[vector<16xi32>, vector<16xi32>, vector<16xi32>], vector<16xf32>,
          tpu.vector_store_idx %arg10[%add3A_168, %broadcast_in_dim3A_253], %gather3A_254 masked %lt3A_166 : memref<64x128xf32, #tpu.memory_space<vmem>>[vector<16xi32>, vector<16xi32>], vector<16xf32>, vector<16xi1>
          %broadcast_in_dim3A_255 = arith.constant 29 : i32
          %broadcast_in_dim3A_256 = vector.broadcast %broadcast_in_dim3A_255 : i32 to vector<16xi32>
          %gather3A_257 = tpu.vector_load_idx %arg7[%broadcast_in_dim3A_88, %broadcast_in_dim3A_256, %get3A_161] : memref<3x64x512xf32, #tpu.memory_space<vmem>>[vector<16xi32>, vector<16xi32>, vector<16xi32>], vector<16xf32>,
          tpu.vector_store_idx %arg10[%add3A_168, %broadcast_in_dim3A_256], %gather3A_257 masked %lt3A_166 : memref<64x128xf32, #tpu.memory_space<vmem>>[vector<16xi32>, vector<16xi32>], vector<16xf32>, vector<16xi1>
          %broadcast_in_dim3A_258 = arith.constant 30 : i32
          %broadcast_in_dim3A_259 = vector.broadcast %broadcast_in_dim3A_258 : i32 to vector<16xi32>
          %gather3A_260 = tpu.vector_load_idx %arg7[%broadcast_in_dim3A_88, %broadcast_in_dim3A_259, %get3A_161] : memref<3x64x512xf32, #tpu.memory_space<vmem>>[vector<16xi32>, vector<16xi32>, vector<16xi32>], vector<16xf32>,
          tpu.vector_store_idx %arg10[%add3A_168, %broadcast_in_dim3A_259], %gather3A_260 masked %lt3A_166 : memref<64x128xf32, #tpu.memory_space<vmem>>[vector<16xi32>, vector<16xi32>], vector<16xf32>, vector<16xi1>
          %broadcast_in_dim3A_261 = arith.constant 31 : i32
          %broadcast_in_dim3A_262 = vector.broadcast %broadcast_in_dim3A_261 : i32 to vector<16xi32>
          %gather3A_263 = tpu.vector_load_idx %arg7[%broadcast_in_dim3A_88, %broadcast_in_dim3A_262, %get3A_161] : memref<3x64x512xf32, #tpu.memory_space<vmem>>[vector<16xi32>, vector<16xi32>, vector<16xi32>], vector<16xf32>,
          tpu.vector_store_idx %arg10[%add3A_168, %broadcast_in_dim3A_262], %gather3A_263 masked %lt3A_166 : memref<64x128xf32, #tpu.memory_space<vmem>>[vector<16xi32>, vector<16xi32>], vector<16xf32>, vector<16xi1>
          %broadcast_in_dim3A_264 = arith.constant 32 : i32
          %broadcast_in_dim3A_265 = vector.broadcast %broadcast_in_dim3A_264 : i32 to vector<16xi32>
          %gather3A_266 = tpu.vector_load_idx %arg7[%broadcast_in_dim3A_88, %broadcast_in_dim3A_265, %get3A_161] : memref<3x64x512xf32, #tpu.memory_space<vmem>>[vector<16xi32>, vector<16xi32>, vector<16xi32>], vector<16xf32>,
          tpu.vector_store_idx %arg10[%add3A_168, %broadcast_in_dim3A_265], %gather3A_266 masked %lt3A_166 : memref<64x128xf32, #tpu.memory_space<vmem>>[vector<16xi32>, vector<16xi32>], vector<16xf32>, vector<16xi1>
          %broadcast_in_dim3A_267 = arith.constant 33 : i32
          %broadcast_in_dim3A_268 = vector.broadcast %broadcast_in_dim3A_267 : i32 to vector<16xi32>
          %gather3A_269 = tpu.vector_load_idx %arg7[%broadcast_in_dim3A_88, %broadcast_in_dim3A_268, %get3A_161] : memref<3x64x512xf32, #tpu.memory_space<vmem>>[vector<16xi32>, vector<16xi32>, vector<16xi32>], vector<16xf32>,
          tpu.vector_store_idx %arg10[%add3A_168, %broadcast_in_dim3A_268], %gather3A_269 masked %lt3A_166 : memref<64x128xf32, #tpu.memory_space<vmem>>[vector<16xi32>, vector<16xi32>], vector<16xf32>, vector<16xi1>
          %broadcast_in_dim3A_270 = arith.constant 34 : i32
          %broadcast_in_dim3A_271 = vector.broadcast %broadcast_in_dim3A_270 : i32 to vector<16xi32>
          %gather3A_272 = tpu.vector_load_idx %arg7[%broadcast_in_dim3A_88, %broadcast_in_dim3A_271, %get3A_161] : memref<3x64x512xf32, #tpu.memory_space<vmem>>[vector<16xi32>, vector<16xi32>, vector<16xi32>], vector<16xf32>,
          tpu.vector_store_idx %arg10[%add3A_168, %broadcast_in_dim3A_271], %gather3A_272 masked %lt3A_166 : memref<64x128xf32, #tpu.memory_space<vmem>>[vector<16xi32>, vector<16xi32>], vector<16xf32>, vector<16xi1>
          %broadcast_in_dim3A_273 = arith.constant 35 : i32
          %broadcast_in_dim3A_274 = vector.broadcast %broadcast_in_dim3A_273 : i32 to vector<16xi32>
          %gather3A_275 = tpu.vector_load_idx %arg7[%broadcast_in_dim3A_88, %broadcast_in_dim3A_274, %get3A_161] : memref<3x64x512xf32, #tpu.memory_space<vmem>>[vector<16xi32>, vector<16xi32>, vector<16xi32>], vector<16xf32>,
          tpu.vector_store_idx %arg10[%add3A_168, %broadcast_in_dim3A_274], %gather3A_275 masked %lt3A_166 : memref<64x128xf32, #tpu.memory_space<vmem>>[vector<16xi32>, vector<16xi32>], vector<16xf32>, vector<16xi1>
          %broadcast_in_dim3A_276 = arith.constant 36 : i32
          %broadcast_in_dim3A_277 = vector.broadcast %broadcast_in_dim3A_276 : i32 to vector<16xi32>
          %gather3A_278 = tpu.vector_load_idx %arg7[%broadcast_in_dim3A_88, %broadcast_in_dim3A_277, %get3A_161] : memref<3x64x512xf32, #tpu.memory_space<vmem>>[vector<16xi32>, vector<16xi32>, vector<16xi32>], vector<16xf32>,
          tpu.vector_store_idx %arg10[%add3A_168, %broadcast_in_dim3A_277], %gather3A_278 masked %lt3A_166 : memref<64x128xf32, #tpu.memory_space<vmem>>[vector<16xi32>, vector<16xi32>], vector<16xf32>, vector<16xi1>
          %broadcast_in_dim3A_279 = arith.constant 37 : i32
          %broadcast_in_dim3A_280 = vector.broadcast %broadcast_in_dim3A_279 : i32 to vector<16xi32>
          %gather3A_281 = tpu.vector_load_idx %arg7[%broadcast_in_dim3A_88, %broadcast_in_dim3A_280, %get3A_161] : memref<3x64x512xf32, #tpu.memory_space<vmem>>[vector<16xi32>, vector<16xi32>, vector<16xi32>], vector<16xf32>,
          tpu.vector_store_idx %arg10[%add3A_168, %broadcast_in_dim3A_280], %gather3A_281 masked %lt3A_166 : memref<64x128xf32, #tpu.memory_space<vmem>>[vector<16xi32>, vector<16xi32>], vector<16xf32>, vector<16xi1>
          %broadcast_in_dim3A_282 = arith.constant 38 : i32
          %broadcast_in_dim3A_283 = vector.broadcast %broadcast_in_dim3A_282 : i32 to vector<16xi32>
          %gather3A_284 = tpu.vector_load_idx %arg7[%broadcast_in_dim3A_88, %broadcast_in_dim3A_283, %get3A_161] : memref<3x64x512xf32, #tpu.memory_space<vmem>>[vector<16xi32>, vector<16xi32>, vector<16xi32>], vector<16xf32>,
          tpu.vector_store_idx %arg10[%add3A_168, %broadcast_in_dim3A_283], %gather3A_284 masked %lt3A_166 : memref<64x128xf32, #tpu.memory_space<vmem>>[vector<16xi32>, vector<16xi32>], vector<16xf32>, vector<16xi1>
          %broadcast_in_dim3A_285 = arith.constant 39 : i32
          %broadcast_in_dim3A_286 = vector.broadcast %broadcast_in_dim3A_285 : i32 to vector<16xi32>
          %gather3A_287 = tpu.vector_load_idx %arg7[%broadcast_in_dim3A_88, %broadcast_in_dim3A_286, %get3A_161] : memref<3x64x512xf32, #tpu.memory_space<vmem>>[vector<16xi32>, vector<16xi32>, vector<16xi32>], vector<16xf32>,
          tpu.vector_store_idx %arg10[%add3A_168, %broadcast_in_dim3A_286], %gather3A_287 masked %lt3A_166 : memref<64x128xf32, #tpu.memory_space<vmem>>[vector<16xi32>, vector<16xi32>], vector<16xf32>, vector<16xi1>
          %broadcast_in_dim3A_288 = arith.constant 40 : i32
          %broadcast_in_dim3A_289 = vector.broadcast %broadcast_in_dim3A_288 : i32 to vector<16xi32>
          %gather3A_290 = tpu.vector_load_idx %arg7[%broadcast_in_dim3A_88, %broadcast_in_dim3A_289, %get3A_161] : memref<3x64x512xf32, #tpu.memory_space<vmem>>[vector<16xi32>, vector<16xi32>, vector<16xi32>], vector<16xf32>,
          tpu.vector_store_idx %arg10[%add3A_168, %broadcast_in_dim3A_289], %gather3A_290 masked %lt3A_166 : memref<64x128xf32, #tpu.memory_space<vmem>>[vector<16xi32>, vector<16xi32>], vector<16xf32>, vector<16xi1>
          %broadcast_in_dim3A_291 = arith.constant 41 : i32
          %broadcast_in_dim3A_292 = vector.broadcast %broadcast_in_dim3A_291 : i32 to vector<16xi32>
          %gather3A_293 = tpu.vector_load_idx %arg7[%broadcast_in_dim3A_88, %broadcast_in_dim3A_292, %get3A_161] : memref<3x64x512xf32, #tpu.memory_space<vmem>>[vector<16xi32>, vector<16xi32>, vector<16xi32>], vector<16xf32>,
          tpu.vector_store_idx %arg10[%add3A_168, %broadcast_in_dim3A_292], %gather3A_293 masked %lt3A_166 : memref<64x128xf32, #tpu.memory_space<vmem>>[vector<16xi32>, vector<16xi32>], vector<16xf32>, vector<16xi1>
          %broadcast_in_dim3A_294 = arith.constant 42 : i32
          %broadcast_in_dim3A_295 = vector.broadcast %broadcast_in_dim3A_294 : i32 to vector<16xi32>
          %gather3A_296 = tpu.vector_load_idx %arg7[%broadcast_in_dim3A_88, %broadcast_in_dim3A_295, %get3A_161] : memref<3x64x512xf32, #tpu.memory_space<vmem>>[vector<16xi32>, vector<16xi32>, vector<16xi32>], vector<16xf32>,
          tpu.vector_store_idx %arg10[%add3A_168, %broadcast_in_dim3A_295], %gather3A_296 masked %lt3A_166 : memref<64x128xf32, #tpu.memory_space<vmem>>[vector<16xi32>, vector<16xi32>], vector<16xf32>, vector<16xi1>
          %broadcast_in_dim3A_297 = arith.constant 43 : i32
          %broadcast_in_dim3A_298 = vector.broadcast %broadcast_in_dim3A_297 : i32 to vector<16xi32>
          %gather3A_299 = tpu.vector_load_idx %arg7[%broadcast_in_dim3A_88, %broadcast_in_dim3A_298, %get3A_161] : memref<3x64x512xf32, #tpu.memory_space<vmem>>[vector<16xi32>, vector<16xi32>, vector<16xi32>], vector<16xf32>,
          tpu.vector_store_idx %arg10[%add3A_168, %broadcast_in_dim3A_298], %gather3A_299 masked %lt3A_166 : memref<64x128xf32, #tpu.memory_space<vmem>>[vector<16xi32>, vector<16xi32>], vector<16xf32>, vector<16xi1>
          %broadcast_in_dim3A_300 = arith.constant 44 : i32
          %broadcast_in_dim3A_301 = vector.broadcast %broadcast_in_dim3A_300 : i32 to vector<16xi32>
          %gather3A_302 = tpu.vector_load_idx %arg7[%broadcast_in_dim3A_88, %broadcast_in_dim3A_301, %get3A_161] : memref<3x64x512xf32, #tpu.memory_space<vmem>>[vector<16xi32>, vector<16xi32>, vector<16xi32>], vector<16xf32>,
          tpu.vector_store_idx %arg10[%add3A_168, %broadcast_in_dim3A_301], %gather3A_302 masked %lt3A_166 : memref<64x128xf32, #tpu.memory_space<vmem>>[vector<16xi32>, vector<16xi32>], vector<16xf32>, vector<16xi1>
          %broadcast_in_dim3A_303 = arith.constant 45 : i32
          %broadcast_in_dim3A_304 = vector.broadcast %broadcast_in_dim3A_303 : i32 to vector<16xi32>
          %gather3A_305 = tpu.vector_load_idx %arg7[%broadcast_in_dim3A_88, %broadcast_in_dim3A_304, %get3A_161] : memref<3x64x512xf32, #tpu.memory_space<vmem>>[vector<16xi32>, vector<16xi32>, vector<16xi32>], vector<16xf32>,
          tpu.vector_store_idx %arg10[%add3A_168, %broadcast_in_dim3A_304], %gather3A_305 masked %lt3A_166 : memref<64x128xf32, #tpu.memory_space<vmem>>[vector<16xi32>, vector<16xi32>], vector<16xf32>, vector<16xi1>
          %broadcast_in_dim3A_306 = arith.constant 46 : i32
          %broadcast_in_dim3A_307 = vector.broadcast %broadcast_in_dim3A_306 : i32 to vector<16xi32>
          %gather3A_308 = tpu.vector_load_idx %arg7[%broadcast_in_dim3A_88, %broadcast_in_dim3A_307, %get3A_161] : memref<3x64x512xf32, #tpu.memory_space<vmem>>[vector<16xi32>, vector<16xi32>, vector<16xi32>], vector<16xf32>,
          tpu.vector_store_idx %arg10[%add3A_168, %broadcast_in_dim3A_307], %gather3A_308 masked %lt3A_166 : memref<64x128xf32, #tpu.memory_space<vmem>>[vector<16xi32>, vector<16xi32>], vector<16xf32>, vector<16xi1>
          %broadcast_in_dim3A_309 = arith.constant 47 : i32
          %broadcast_in_dim3A_310 = vector.broadcast %broadcast_in_dim3A_309 : i32 to vector<16xi32>
          %gather3A_311 = tpu.vector_load_idx %arg7[%broadcast_in_dim3A_88, %broadcast_in_dim3A_310, %get3A_161] : memref<3x64x512xf32, #tpu.memory_space<vmem>>[vector<16xi32>, vector<16xi32>, vector<16xi32>], vector<16xf32>,
          tpu.vector_store_idx %arg10[%add3A_168, %broadcast_in_dim3A_310], %gather3A_311 masked %lt3A_166 : memref<64x128xf32, #tpu.memory_space<vmem>>[vector<16xi32>, vector<16xi32>], vector<16xf32>, vector<16xi1>
          %broadcast_in_dim3A_312 = arith.constant 48 : i32
          %broadcast_in_dim3A_313 = vector.broadcast %broadcast_in_dim3A_312 : i32 to vector<16xi32>
          %gather3A_314 = tpu.vector_load_idx %arg7[%broadcast_in_dim3A_88, %broadcast_in_dim3A_313, %get3A_161] : memref<3x64x512xf32, #tpu.memory_space<vmem>>[vector<16xi32>, vector<16xi32>, vector<16xi32>], vector<16xf32>,
          tpu.vector_store_idx %arg10[%add3A_168, %broadcast_in_dim3A_313], %gather3A_314 masked %lt3A_166 : memref<64x128xf32, #tpu.memory_space<vmem>>[vector<16xi32>, vector<16xi32>], vector<16xf32>, vector<16xi1>
          %broadcast_in_dim3A_315 = arith.constant 49 : i32
          %broadcast_in_dim3A_316 = vector.broadcast %broadcast_in_dim3A_315 : i32 to vector<16xi32>
          %gather3A_317 = tpu.vector_load_idx %arg7[%broadcast_in_dim3A_88, %broadcast_in_dim3A_316, %get3A_161] : memref<3x64x512xf32, #tpu.memory_space<vmem>>[vector<16xi32>, vector<16xi32>, vector<16xi32>], vector<16xf32>,
          tpu.vector_store_idx %arg10[%add3A_168, %broadcast_in_dim3A_316], %gather3A_317 masked %lt3A_166 : memref<64x128xf32, #tpu.memory_space<vmem>>[vector<16xi32>, vector<16xi32>], vector<16xf32>, vector<16xi1>
          %broadcast_in_dim3A_318 = arith.constant 50 : i32
          %broadcast_in_dim3A_319 = vector.broadcast %broadcast_in_dim3A_318 : i32 to vector<16xi32>
          %gather3A_320 = tpu.vector_load_idx %arg7[%broadcast_in_dim3A_88, %broadcast_in_dim3A_319, %get3A_161] : memref<3x64x512xf32, #tpu.memory_space<vmem>>[vector<16xi32>, vector<16xi32>, vector<16xi32>], vector<16xf32>,
          tpu.vector_store_idx %arg10[%add3A_168, %broadcast_in_dim3A_319], %gather3A_320 masked %lt3A_166 : memref<64x128xf32, #tpu.memory_space<vmem>>[vector<16xi32>, vector<16xi32>], vector<16xf32>, vector<16xi1>
          %broadcast_in_dim3A_321 = arith.constant 51 : i32
          %broadcast_in_dim3A_322 = vector.broadcast %broadcast_in_dim3A_321 : i32 to vector<16xi32>
          %gather3A_323 = tpu.vector_load_idx %arg7[%broadcast_in_dim3A_88, %broadcast_in_dim3A_322, %get3A_161] : memref<3x64x512xf32, #tpu.memory_space<vmem>>[vector<16xi32>, vector<16xi32>, vector<16xi32>], vector<16xf32>,
          tpu.vector_store_idx %arg10[%add3A_168, %broadcast_in_dim3A_322], %gather3A_323 masked %lt3A_166 : memref<64x128xf32, #tpu.memory_space<vmem>>[vector<16xi32>, vector<16xi32>], vector<16xf32>, vector<16xi1>
          %broadcast_in_dim3A_324 = arith.constant 52 : i32
          %broadcast_in_dim3A_325 = vector.broadcast %broadcast_in_dim3A_324 : i32 to vector<16xi32>
          %gather3A_326 = tpu.vector_load_idx %arg7[%broadcast_in_dim3A_88, %broadcast_in_dim3A_325, %get3A_161] : memref<3x64x512xf32, #tpu.memory_space<vmem>>[vector<16xi32>, vector<16xi32>, vector<16xi32>], vector<16xf32>,
          tpu.vector_store_idx %arg10[%add3A_168, %broadcast_in_dim3A_325], %gather3A_326 masked %lt3A_166 : memref<64x128xf32, #tpu.memory_space<vmem>>[vector<16xi32>, vector<16xi32>], vector<16xf32>, vector<16xi1>
          %broadcast_in_dim3A_327 = arith.constant 53 : i32
          %broadcast_in_dim3A_328 = vector.broadcast %broadcast_in_dim3A_327 : i32 to vector<16xi32>
          %gather3A_329 = tpu.vector_load_idx %arg7[%broadcast_in_dim3A_88, %broadcast_in_dim3A_328, %get3A_161] : memref<3x64x512xf32, #tpu.memory_space<vmem>>[vector<16xi32>, vector<16xi32>, vector<16xi32>], vector<16xf32>,
          tpu.vector_store_idx %arg10[%add3A_168, %broadcast_in_dim3A_328], %gather3A_329 masked %lt3A_166 : memref<64x128xf32, #tpu.memory_space<vmem>>[vector<16xi32>, vector<16xi32>], vector<16xf32>, vector<16xi1>
          %broadcast_in_dim3A_330 = arith.constant 54 : i32
          %broadcast_in_dim3A_331 = vector.broadcast %broadcast_in_dim3A_330 : i32 to vector<16xi32>
          %gather3A_332 = tpu.vector_load_idx %arg7[%broadcast_in_dim3A_88, %broadcast_in_dim3A_331, %get3A_161] : memref<3x64x512xf32, #tpu.memory_space<vmem>>[vector<16xi32>, vector<16xi32>, vector<16xi32>], vector<16xf32>,
          tpu.vector_store_idx %arg10[%add3A_168, %broadcast_in_dim3A_331], %gather3A_332 masked %lt3A_166 : memref<64x128xf32, #tpu.memory_space<vmem>>[vector<16xi32>, vector<16xi32>], vector<16xf32>, vector<16xi1>
          %broadcast_in_dim3A_333 = arith.constant 55 : i32
          %broadcast_in_dim3A_334 = vector.broadcast %broadcast_in_dim3A_333 : i32 to vector<16xi32>
          %gather3A_335 = tpu.vector_load_idx %arg7[%broadcast_in_dim3A_88, %broadcast_in_dim3A_334, %get3A_161] : memref<3x64x512xf32, #tpu.memory_space<vmem>>[vector<16xi32>, vector<16xi32>, vector<16xi32>], vector<16xf32>,
          tpu.vector_store_idx %arg10[%add3A_168, %broadcast_in_dim3A_334], %gather3A_335 masked %lt3A_166 : memref<64x128xf32, #tpu.memory_space<vmem>>[vector<16xi32>, vector<16xi32>], vector<16xf32>, vector<16xi1>
          %broadcast_in_dim3A_336 = arith.constant 56 : i32
          %broadcast_in_dim3A_337 = vector.broadcast %broadcast_in_dim3A_336 : i32 to vector<16xi32>
          %gather3A_338 = tpu.vector_load_idx %arg7[%broadcast_in_dim3A_88, %broadcast_in_dim3A_337, %get3A_161] : memref<3x64x512xf32, #tpu.memory_space<vmem>>[vector<16xi32>, vector<16xi32>, vector<16xi32>], vector<16xf32>,
          tpu.vector_store_idx %arg10[%add3A_168, %broadcast_in_dim3A_337], %gather3A_338 masked %lt3A_166 : memref<64x128xf32, #tpu.memory_space<vmem>>[vector<16xi32>, vector<16xi32>], vector<16xf32>, vector<16xi1>
          %broadcast_in_dim3A_339 = arith.constant 57 : i32
          %broadcast_in_dim3A_340 = vector.broadcast %broadcast_in_dim3A_339 : i32 to vector<16xi32>
          %gather3A_341 = tpu.vector_load_idx %arg7[%broadcast_in_dim3A_88, %broadcast_in_dim3A_340, %get3A_161] : memref<3x64x512xf32, #tpu.memory_space<vmem>>[vector<16xi32>, vector<16xi32>, vector<16xi32>], vector<16xf32>,
          tpu.vector_store_idx %arg10[%add3A_168, %broadcast_in_dim3A_340], %gather3A_341 masked %lt3A_166 : memref<64x128xf32, #tpu.memory_space<vmem>>[vector<16xi32>, vector<16xi32>], vector<16xf32>, vector<16xi1>
          %broadcast_in_dim3A_342 = arith.constant 58 : i32
          %broadcast_in_dim3A_343 = vector.broadcast %broadcast_in_dim3A_342 : i32 to vector<16xi32>
          %gather3A_344 = tpu.vector_load_idx %arg7[%broadcast_in_dim3A_88, %broadcast_in_dim3A_343, %get3A_161] : memref<3x64x512xf32, #tpu.memory_space<vmem>>[vector<16xi32>, vector<16xi32>, vector<16xi32>], vector<16xf32>,
          tpu.vector_store_idx %arg10[%add3A_168, %broadcast_in_dim3A_343], %gather3A_344 masked %lt3A_166 : memref<64x128xf32, #tpu.memory_space<vmem>>[vector<16xi32>, vector<16xi32>], vector<16xf32>, vector<16xi1>
          %broadcast_in_dim3A_345 = arith.constant 59 : i32
          %broadcast_in_dim3A_346 = vector.broadcast %broadcast_in_dim3A_345 : i32 to vector<16xi32>
          %gather3A_347 = tpu.vector_load_idx %arg7[%broadcast_in_dim3A_88, %broadcast_in_dim3A_346, %get3A_161] : memref<3x64x512xf32, #tpu.memory_space<vmem>>[vector<16xi32>, vector<16xi32>, vector<16xi32>], vector<16xf32>,
          tpu.vector_store_idx %arg10[%add3A_168, %broadcast_in_dim3A_346], %gather3A_347 masked %lt3A_166 : memref<64x128xf32, #tpu.memory_space<vmem>>[vector<16xi32>, vector<16xi32>], vector<16xf32>, vector<16xi1>
          %broadcast_in_dim3A_348 = arith.constant 60 : i32
          %broadcast_in_dim3A_349 = vector.broadcast %broadcast_in_dim3A_348 : i32 to vector<16xi32>
          %gather3A_350 = tpu.vector_load_idx %arg7[%broadcast_in_dim3A_88, %broadcast_in_dim3A_349, %get3A_161] : memref<3x64x512xf32, #tpu.memory_space<vmem>>[vector<16xi32>, vector<16xi32>, vector<16xi32>], vector<16xf32>,
          tpu.vector_store_idx %arg10[%add3A_168, %broadcast_in_dim3A_349], %gather3A_350 masked %lt3A_166 : memref<64x128xf32, #tpu.memory_space<vmem>>[vector<16xi32>, vector<16xi32>], vector<16xf32>, vector<16xi1>
          %broadcast_in_dim3A_351 = arith.constant 61 : i32
          %broadcast_in_dim3A_352 = vector.broadcast %broadcast_in_dim3A_351 : i32 to vector<16xi32>
          %gather3A_353 = tpu.vector_load_idx %arg7[%broadcast_in_dim3A_88, %broadcast_in_dim3A_352, %get3A_161] : memref<3x64x512xf32, #tpu.memory_space<vmem>>[vector<16xi32>, vector<16xi32>, vector<16xi32>], vector<16xf32>,
          tpu.vector_store_idx %arg10[%add3A_168, %broadcast_in_dim3A_352], %gather3A_353 masked %lt3A_166 : memref<64x128xf32, #tpu.memory_space<vmem>>[vector<16xi32>, vector<16xi32>], vector<16xf32>, vector<16xi1>
          %broadcast_in_dim3A_354 = arith.constant 62 : i32
          %broadcast_in_dim3A_355 = vector.broadcast %broadcast_in_dim3A_354 : i32 to vector<16xi32>
          %gather3A_356 = tpu.vector_load_idx %arg7[%broadcast_in_dim3A_88, %broadcast_in_dim3A_355, %get3A_161] : memref<3x64x512xf32, #tpu.memory_space<vmem>>[vector<16xi32>, vector<16xi32>, vector<16xi32>], vector<16xf32>,
          tpu.vector_store_idx %arg10[%add3A_168, %broadcast_in_dim3A_355], %gather3A_356 masked %lt3A_166 : memref<64x128xf32, #tpu.memory_space<vmem>>[vector<16xi32>, vector<16xi32>], vector<16xf32>, vector<16xi1>
          %broadcast_in_dim3A_357 = arith.constant 63 : i32
          %broadcast_in_dim3A_358 = vector.broadcast %broadcast_in_dim3A_357 : i32 to vector<16xi32>
          %gather3A_359 = tpu.vector_load_idx %arg7[%broadcast_in_dim3A_88, %broadcast_in_dim3A_358, %get3A_161] : memref<3x64x512xf32, #tpu.memory_space<vmem>>[vector<16xi32>, vector<16xi32>, vector<16xi32>], vector<16xf32>,
          tpu.vector_store_idx %arg10[%add3A_168, %broadcast_in_dim3A_358], %gather3A_359 masked %lt3A_166 : memref<64x128xf32, #tpu.memory_space<vmem>>[vector<16xi32>, vector<16xi32>], vector<16xf32>, vector<16xi1>
          %broadcast_in_dim3A_360 = vector.broadcast %add3A_2 : i32 to vector<16xi32>
          %select_n3A_361 = arith.select %lt3A_166, %get3A_163, %broadcast_in_dim3A_360 : vector<16xi1>, vector<16xi32>
          tpu.vector_store_idx %arg11[%add3A_168], %select_n3A_361 : memref<64xi32, #tpu.memory_space<vmem>>[vector<16xi32>], vector<16xi32>,
          %get3A_362 = arith.constant 16 : index
          %get3A_363 = tpu.vector_load %arg8[%get3A_362] {strides = array<i32>} : memref<32xi32, #tpu.memory_space<vmem>>, vector<16xi32>,
          %swap3A_364 = arith.constant 0 : index
          %swap3A_365 = tpu.vector_load %arg8[%swap3A_364] {strides = array<i32>} : memref<32xi32, #tpu.memory_space<vmem>>, vector<16xi32>,
          tpu.vector_store %arg8[%swap3A_364], %get3A_363 {strides = array<i32>} : memref<32xi32, #tpu.memory_space<vmem>>, vector<16xi32>,
          %get3A_366 = arith.constant 16 : index
          %get3A_367 = tpu.vector_load %arg9[%get3A_366] {strides = array<i32>} : memref<32xi32, #tpu.memory_space<vmem>>, vector<16xi32>,
          %swap3A_368 = arith.constant 0 : index
          %swap3A_369 = tpu.vector_load %arg9[%swap3A_368] {strides = array<i32>} : memref<32xi32, #tpu.memory_space<vmem>>, vector<16xi32>,
          tpu.vector_store %arg9[%swap3A_368], %get3A_367 {strides = array<i32>} : memref<32xi32, #tpu.memory_space<vmem>>, vector<16xi32>,
          %add3A_370 = arith.constant 16 : i32
          %add3A_371 = arith.addi %while3A_115, %add3A_370 : i32
          %gt3A_372 = arith.constant 48 : i32
          %gt3A_373 = arith.cmpi sgt, %add3A_371, %gt3A_372 : i32
          %convert_element_type3A_374 = arith.extui %gt3A_373 : i1 to i32
          %cond3A_375 = arith.constant 0 : i32
          %cond3A_376 = arith.cmpi ne, %convert_element_type3A_374, %cond3A_375 : i32
          %cond3A_377 = scf.if %cond3A_376 -> (i32) {
            "tpu.region"() ({
              %run_scoped3A = tpu.sem_alloc : memref<!tpu.dma_semaphore, #tpu.memory_space<semaphore_mem>>
              %dma_start3A = arith.constant 0 : i32
              %dma_start3A_389 = arith.constant 0 : i32
              %dma_start3A_390 = tpu.memref_slice %arg4[%dma_start3A, %dma_start3A_389] : memref<16416x128xf32, #tpu.memory_space<hbm>> -> memref<16416x128xf32, #tpu.memory_space<hbm>>
              tpu.enqueue_indirect_dma source(%arg10 : memref<64x128xf32, #tpu.memory_space<vmem>>) target(%dma_start3A_390 : memref<16416x128xf32, #tpu.memory_space<hbm>>) offsets(%arg11 : memref<64xi32, #tpu.memory_space<vmem>>) semaphore(%run_scoped3A : memref<!tpu.dma_semaphore, #tpu.memory_space<semaphore_mem>>)
              %dma_wait3A = arith.constant 0 : i32
              %dma_wait3A_391 = arith.constant 0 : i32
              %dma_wait3A_392 = tpu.memref_slice %arg4[%dma_wait3A, %dma_wait3A_391] : memref<16416x128xf32, #tpu.memory_space<hbm>> -> memref<16416x128xf32, #tpu.memory_space<hbm>>
              tpu.wait_indirect_dma semaphore(%run_scoped3A : memref<!tpu.dma_semaphore, #tpu.memory_space<semaphore_mem>>) src(%arg10 : memref<64x128xf32, #tpu.memory_space<vmem>>) dst(%dma_wait3A_392 : memref<16416x128xf32, #tpu.memory_space<hbm>>)
              tpu.yield
            }) : () -> ()
            %broadcast_in_dim3A_378 = vector.broadcast %add3A_2 : i32 to vector<16xi32>
            %swap3A_379 = arith.constant 0 : index
            %swap3A_380 = tpu.vector_load %arg11[%swap3A_379] {strides = array<i32>} : memref<64xi32, #tpu.memory_space<vmem>>, vector<16xi32>,
            tpu.vector_store %arg11[%swap3A_379], %broadcast_in_dim3A_378 {strides = array<i32>} : memref<64xi32, #tpu.memory_space<vmem>>, vector<16xi32>,
            %swap3A_381 = arith.constant 16 : index
            %swap3A_382 = tpu.vector_load %arg11[%swap3A_381] {strides = array<i32>} : memref<64xi32, #tpu.memory_space<vmem>>, vector<16xi32>,
            tpu.vector_store %arg11[%swap3A_381], %broadcast_in_dim3A_378 {strides = array<i32>} : memref<64xi32, #tpu.memory_space<vmem>>, vector<16xi32>,
            %swap3A_383 = arith.constant 32 : index
            %swap3A_384 = tpu.vector_load %arg11[%swap3A_383] {strides = array<i32>} : memref<64xi32, #tpu.memory_space<vmem>>, vector<16xi32>,
            tpu.vector_store %arg11[%swap3A_383], %broadcast_in_dim3A_378 {strides = array<i32>} : memref<64xi32, #tpu.memory_space<vmem>>, vector<16xi32>,
            %swap3A_385 = arith.constant 48 : index
            %swap3A_386 = tpu.vector_load %arg11[%swap3A_385] {strides = array<i32>} : memref<64xi32, #tpu.memory_space<vmem>>, vector<16xi32>,
            tpu.vector_store %arg11[%swap3A_385], %broadcast_in_dim3A_378 {strides = array<i32>} : memref<64xi32, #tpu.memory_space<vmem>>, vector<16xi32>,
            %mul3A_387 = arith.constant 0 : i32
            %mul3A_388 = arith.muli %mul3A_387, %add3A_371 : i32
            scf.yield %mul3A_388 : i32
          } else {
            scf.yield %add3A_371 : i32
          }
          scf.yield %cond3A_377 : i32
        } else {
          scf.yield %while3A_115 : i32
        }
        %ge3A_154 = arith.constant 16 : i32
        %ge3A_155 = arith.cmpi sge, %add3A_148, %ge3A_154 : i32
        %convert_element_type3A_156 = arith.extui %ge3A_155 : i1 to i32
        %cond3A_157 = arith.constant 0 : i32
        %cond3A_158 = arith.cmpi ne, %convert_element_type3A_156, %cond3A_157 : i32
        %cond3A_159 = scf.if %cond3A_158 -> (i32) {
          %sub3A_160 = arith.constant 16 : i32
          %sub3A_161 = arith.subi %add3A_148, %sub3A_160 : i32
          scf.yield %sub3A_161 : i32
        } else {
          scf.yield %add3A_148 : i32
        }
        scf.yield %cond3A_159, %cond3A_153 : i32, i32
      }
      %gt3A_101 = arith.constant 0 : i32
      %gt3A_102 = arith.cmpi sgt, %while3A_100#0, %gt3A_101 : i32
      %convert_element_type3A_103 = arith.extui %gt3A_102 : i1 to i32
      %cond3A_104 = arith.constant 0 : i32
      %cond3A_105 = arith.cmpi ne, %convert_element_type3A_103, %cond3A_104 : i32
      %cond3A_106 = scf.if %cond3A_105 -> (i32) {
        %get3A = arith.constant 0 : index
        %get3A_113 = tpu.vector_load %arg8[%get3A] {strides = array<i32>} : memref<32xi32, #tpu.memory_space<vmem>>, vector<16xi32>,
        %get3A_114 = arith.constant 0 : index
        %get3A_115 = tpu.vector_load %arg9[%get3A_114] {strides = array<i32>} : memref<32xi32, #tpu.memory_space<vmem>>, vector<16xi32>,
        %lt3A_116 = vector.broadcast %while3A_100#0 : i32 to vector<16xi32>
        %lt3A_117 = arith.cmpi slt, %iota3A, %lt3A_116 : vector<16xi32>
        %add3A_118 = vector.broadcast %while3A_100#1 : i32 to vector<16xi32>
        %add3A_119 = arith.addi %add3A_118, %iota3A : vector<16xi32>
        %broadcast_in_dim3A_120 = arith.constant 0 : i32
        %broadcast_in_dim3A_121 = vector.broadcast %broadcast_in_dim3A_120 : i32 to vector<16xi32>
        %gather3A = tpu.vector_load_idx %arg7[%broadcast_in_dim3A_88, %broadcast_in_dim3A_121, %get3A_113] : memref<3x64x512xf32, #tpu.memory_space<vmem>>[vector<16xi32>, vector<16xi32>, vector<16xi32>], vector<16xf32>,
        tpu.vector_store_idx %arg10[%add3A_119, %broadcast_in_dim3A_121], %gather3A masked %lt3A_117 : memref<64x128xf32, #tpu.memory_space<vmem>>[vector<16xi32>, vector<16xi32>], vector<16xf32>, vector<16xi1>
        %broadcast_in_dim3A_122 = arith.constant 1 : i32
        %broadcast_in_dim3A_123 = vector.broadcast %broadcast_in_dim3A_122 : i32 to vector<16xi32>
        %gather3A_124 = tpu.vector_load_idx %arg7[%broadcast_in_dim3A_88, %broadcast_in_dim3A_123, %get3A_113] : memref<3x64x512xf32, #tpu.memory_space<vmem>>[vector<16xi32>, vector<16xi32>, vector<16xi32>], vector<16xf32>,
        tpu.vector_store_idx %arg10[%add3A_119, %broadcast_in_dim3A_123], %gather3A_124 masked %lt3A_117 : memref<64x128xf32, #tpu.memory_space<vmem>>[vector<16xi32>, vector<16xi32>], vector<16xf32>, vector<16xi1>
        %broadcast_in_dim3A_125 = arith.constant 2 : i32
        %broadcast_in_dim3A_126 = vector.broadcast %broadcast_in_dim3A_125 : i32 to vector<16xi32>
        %gather3A_127 = tpu.vector_load_idx %arg7[%broadcast_in_dim3A_88, %broadcast_in_dim3A_126, %get3A_113] : memref<3x64x512xf32, #tpu.memory_space<vmem>>[vector<16xi32>, vector<16xi32>, vector<16xi32>], vector<16xf32>,
        tpu.vector_store_idx %arg10[%add3A_119, %broadcast_in_dim3A_126], %gather3A_127 masked %lt3A_117 : memref<64x128xf32, #tpu.memory_space<vmem>>[vector<16xi32>, vector<16xi32>], vector<16xf32>, vector<16xi1>
        %broadcast_in_dim3A_128 = arith.constant 3 : i32
        %broadcast_in_dim3A_129 = vector.broadcast %broadcast_in_dim3A_128 : i32 to vector<16xi32>
        %gather3A_130 = tpu.vector_load_idx %arg7[%broadcast_in_dim3A_88, %broadcast_in_dim3A_129, %get3A_113] : memref<3x64x512xf32, #tpu.memory_space<vmem>>[vector<16xi32>, vector<16xi32>, vector<16xi32>], vector<16xf32>,
        tpu.vector_store_idx %arg10[%add3A_119, %broadcast_in_dim3A_129], %gather3A_130 masked %lt3A_117 : memref<64x128xf32, #tpu.memory_space<vmem>>[vector<16xi32>, vector<16xi32>], vector<16xf32>, vector<16xi1>
        %broadcast_in_dim3A_131 = arith.constant 4 : i32
        %broadcast_in_dim3A_132 = vector.broadcast %broadcast_in_dim3A_131 : i32 to vector<16xi32>
        %gather3A_133 = tpu.vector_load_idx %arg7[%broadcast_in_dim3A_88, %broadcast_in_dim3A_132, %get3A_113] : memref<3x64x512xf32, #tpu.memory_space<vmem>>[vector<16xi32>, vector<16xi32>, vector<16xi32>], vector<16xf32>,
        tpu.vector_store_idx %arg10[%add3A_119, %broadcast_in_dim3A_132], %gather3A_133 masked %lt3A_117 : memref<64x128xf32, #tpu.memory_space<vmem>>[vector<16xi32>, vector<16xi32>], vector<16xf32>, vector<16xi1>
        %broadcast_in_dim3A_134 = arith.constant 5 : i32
        %broadcast_in_dim3A_135 = vector.broadcast %broadcast_in_dim3A_134 : i32 to vector<16xi32>
        %gather3A_136 = tpu.vector_load_idx %arg7[%broadcast_in_dim3A_88, %broadcast_in_dim3A_135, %get3A_113] : memref<3x64x512xf32, #tpu.memory_space<vmem>>[vector<16xi32>, vector<16xi32>, vector<16xi32>], vector<16xf32>,
        tpu.vector_store_idx %arg10[%add3A_119, %broadcast_in_dim3A_135], %gather3A_136 masked %lt3A_117 : memref<64x128xf32, #tpu.memory_space<vmem>>[vector<16xi32>, vector<16xi32>], vector<16xf32>, vector<16xi1>
        %broadcast_in_dim3A_137 = arith.constant 6 : i32
        %broadcast_in_dim3A_138 = vector.broadcast %broadcast_in_dim3A_137 : i32 to vector<16xi32>
        %gather3A_139 = tpu.vector_load_idx %arg7[%broadcast_in_dim3A_88, %broadcast_in_dim3A_138, %get3A_113] : memref<3x64x512xf32, #tpu.memory_space<vmem>>[vector<16xi32>, vector<16xi32>, vector<16xi32>], vector<16xf32>,
        tpu.vector_store_idx %arg10[%add3A_119, %broadcast_in_dim3A_138], %gather3A_139 masked %lt3A_117 : memref<64x128xf32, #tpu.memory_space<vmem>>[vector<16xi32>, vector<16xi32>], vector<16xf32>, vector<16xi1>
        %broadcast_in_dim3A_140 = arith.constant 7 : i32
        %broadcast_in_dim3A_141 = vector.broadcast %broadcast_in_dim3A_140 : i32 to vector<16xi32>
        %gather3A_142 = tpu.vector_load_idx %arg7[%broadcast_in_dim3A_88, %broadcast_in_dim3A_141, %get3A_113] : memref<3x64x512xf32, #tpu.memory_space<vmem>>[vector<16xi32>, vector<16xi32>, vector<16xi32>], vector<16xf32>,
        tpu.vector_store_idx %arg10[%add3A_119, %broadcast_in_dim3A_141], %gather3A_142 masked %lt3A_117 : memref<64x128xf32, #tpu.memory_space<vmem>>[vector<16xi32>, vector<16xi32>], vector<16xf32>, vector<16xi1>
        %broadcast_in_dim3A_143 = arith.constant 8 : i32
        %broadcast_in_dim3A_144 = vector.broadcast %broadcast_in_dim3A_143 : i32 to vector<16xi32>
        %gather3A_145 = tpu.vector_load_idx %arg7[%broadcast_in_dim3A_88, %broadcast_in_dim3A_144, %get3A_113] : memref<3x64x512xf32, #tpu.memory_space<vmem>>[vector<16xi32>, vector<16xi32>, vector<16xi32>], vector<16xf32>,
        tpu.vector_store_idx %arg10[%add3A_119, %broadcast_in_dim3A_144], %gather3A_145 masked %lt3A_117 : memref<64x128xf32, #tpu.memory_space<vmem>>[vector<16xi32>, vector<16xi32>], vector<16xf32>, vector<16xi1>
        %broadcast_in_dim3A_146 = arith.constant 9 : i32
        %broadcast_in_dim3A_147 = vector.broadcast %broadcast_in_dim3A_146 : i32 to vector<16xi32>
        %gather3A_148 = tpu.vector_load_idx %arg7[%broadcast_in_dim3A_88, %broadcast_in_dim3A_147, %get3A_113] : memref<3x64x512xf32, #tpu.memory_space<vmem>>[vector<16xi32>, vector<16xi32>, vector<16xi32>], vector<16xf32>,
        tpu.vector_store_idx %arg10[%add3A_119, %broadcast_in_dim3A_147], %gather3A_148 masked %lt3A_117 : memref<64x128xf32, #tpu.memory_space<vmem>>[vector<16xi32>, vector<16xi32>], vector<16xf32>, vector<16xi1>
        %broadcast_in_dim3A_149 = arith.constant 10 : i32
        %broadcast_in_dim3A_150 = vector.broadcast %broadcast_in_dim3A_149 : i32 to vector<16xi32>
        %gather3A_151 = tpu.vector_load_idx %arg7[%broadcast_in_dim3A_88, %broadcast_in_dim3A_150, %get3A_113] : memref<3x64x512xf32, #tpu.memory_space<vmem>>[vector<16xi32>, vector<16xi32>, vector<16xi32>], vector<16xf32>,
        tpu.vector_store_idx %arg10[%add3A_119, %broadcast_in_dim3A_150], %gather3A_151 masked %lt3A_117 : memref<64x128xf32, #tpu.memory_space<vmem>>[vector<16xi32>, vector<16xi32>], vector<16xf32>, vector<16xi1>
        %broadcast_in_dim3A_152 = arith.constant 11 : i32
        %broadcast_in_dim3A_153 = vector.broadcast %broadcast_in_dim3A_152 : i32 to vector<16xi32>
        %gather3A_154 = tpu.vector_load_idx %arg7[%broadcast_in_dim3A_88, %broadcast_in_dim3A_153, %get3A_113] : memref<3x64x512xf32, #tpu.memory_space<vmem>>[vector<16xi32>, vector<16xi32>, vector<16xi32>], vector<16xf32>,
        tpu.vector_store_idx %arg10[%add3A_119, %broadcast_in_dim3A_153], %gather3A_154 masked %lt3A_117 : memref<64x128xf32, #tpu.memory_space<vmem>>[vector<16xi32>, vector<16xi32>], vector<16xf32>, vector<16xi1>
        %broadcast_in_dim3A_155 = arith.constant 12 : i32
        %broadcast_in_dim3A_156 = vector.broadcast %broadcast_in_dim3A_155 : i32 to vector<16xi32>
        %gather3A_157 = tpu.vector_load_idx %arg7[%broadcast_in_dim3A_88, %broadcast_in_dim3A_156, %get3A_113] : memref<3x64x512xf32, #tpu.memory_space<vmem>>[vector<16xi32>, vector<16xi32>, vector<16xi32>], vector<16xf32>,
        tpu.vector_store_idx %arg10[%add3A_119, %broadcast_in_dim3A_156], %gather3A_157 masked %lt3A_117 : memref<64x128xf32, #tpu.memory_space<vmem>>[vector<16xi32>, vector<16xi32>], vector<16xf32>, vector<16xi1>
        %broadcast_in_dim3A_158 = arith.constant 13 : i32
        %broadcast_in_dim3A_159 = vector.broadcast %broadcast_in_dim3A_158 : i32 to vector<16xi32>
        %gather3A_160 = tpu.vector_load_idx %arg7[%broadcast_in_dim3A_88, %broadcast_in_dim3A_159, %get3A_113] : memref<3x64x512xf32, #tpu.memory_space<vmem>>[vector<16xi32>, vector<16xi32>, vector<16xi32>], vector<16xf32>,
        tpu.vector_store_idx %arg10[%add3A_119, %broadcast_in_dim3A_159], %gather3A_160 masked %lt3A_117 : memref<64x128xf32, #tpu.memory_space<vmem>>[vector<16xi32>, vector<16xi32>], vector<16xf32>, vector<16xi1>
        %broadcast_in_dim3A_161 = arith.constant 14 : i32
        %broadcast_in_dim3A_162 = vector.broadcast %broadcast_in_dim3A_161 : i32 to vector<16xi32>
        %gather3A_163 = tpu.vector_load_idx %arg7[%broadcast_in_dim3A_88, %broadcast_in_dim3A_162, %get3A_113] : memref<3x64x512xf32, #tpu.memory_space<vmem>>[vector<16xi32>, vector<16xi32>, vector<16xi32>], vector<16xf32>,
        tpu.vector_store_idx %arg10[%add3A_119, %broadcast_in_dim3A_162], %gather3A_163 masked %lt3A_117 : memref<64x128xf32, #tpu.memory_space<vmem>>[vector<16xi32>, vector<16xi32>], vector<16xf32>, vector<16xi1>
        %broadcast_in_dim3A_164 = arith.constant 15 : i32
        %broadcast_in_dim3A_165 = vector.broadcast %broadcast_in_dim3A_164 : i32 to vector<16xi32>
        %gather3A_166 = tpu.vector_load_idx %arg7[%broadcast_in_dim3A_88, %broadcast_in_dim3A_165, %get3A_113] : memref<3x64x512xf32, #tpu.memory_space<vmem>>[vector<16xi32>, vector<16xi32>, vector<16xi32>], vector<16xf32>,
        tpu.vector_store_idx %arg10[%add3A_119, %broadcast_in_dim3A_165], %gather3A_166 masked %lt3A_117 : memref<64x128xf32, #tpu.memory_space<vmem>>[vector<16xi32>, vector<16xi32>], vector<16xf32>, vector<16xi1>
        %broadcast_in_dim3A_167 = arith.constant 16 : i32
        %broadcast_in_dim3A_168 = vector.broadcast %broadcast_in_dim3A_167 : i32 to vector<16xi32>
        %gather3A_169 = tpu.vector_load_idx %arg7[%broadcast_in_dim3A_88, %broadcast_in_dim3A_168, %get3A_113] : memref<3x64x512xf32, #tpu.memory_space<vmem>>[vector<16xi32>, vector<16xi32>, vector<16xi32>], vector<16xf32>,
        tpu.vector_store_idx %arg10[%add3A_119, %broadcast_in_dim3A_168], %gather3A_169 masked %lt3A_117 : memref<64x128xf32, #tpu.memory_space<vmem>>[vector<16xi32>, vector<16xi32>], vector<16xf32>, vector<16xi1>
        %broadcast_in_dim3A_170 = arith.constant 17 : i32
        %broadcast_in_dim3A_171 = vector.broadcast %broadcast_in_dim3A_170 : i32 to vector<16xi32>
        %gather3A_172 = tpu.vector_load_idx %arg7[%broadcast_in_dim3A_88, %broadcast_in_dim3A_171, %get3A_113] : memref<3x64x512xf32, #tpu.memory_space<vmem>>[vector<16xi32>, vector<16xi32>, vector<16xi32>], vector<16xf32>,
        tpu.vector_store_idx %arg10[%add3A_119, %broadcast_in_dim3A_171], %gather3A_172 masked %lt3A_117 : memref<64x128xf32, #tpu.memory_space<vmem>>[vector<16xi32>, vector<16xi32>], vector<16xf32>, vector<16xi1>
        %broadcast_in_dim3A_173 = arith.constant 18 : i32
        %broadcast_in_dim3A_174 = vector.broadcast %broadcast_in_dim3A_173 : i32 to vector<16xi32>
        %gather3A_175 = tpu.vector_load_idx %arg7[%broadcast_in_dim3A_88, %broadcast_in_dim3A_174, %get3A_113] : memref<3x64x512xf32, #tpu.memory_space<vmem>>[vector<16xi32>, vector<16xi32>, vector<16xi32>], vector<16xf32>,
        tpu.vector_store_idx %arg10[%add3A_119, %broadcast_in_dim3A_174], %gather3A_175 masked %lt3A_117 : memref<64x128xf32, #tpu.memory_space<vmem>>[vector<16xi32>, vector<16xi32>], vector<16xf32>, vector<16xi1>
        %broadcast_in_dim3A_176 = arith.constant 19 : i32
        %broadcast_in_dim3A_177 = vector.broadcast %broadcast_in_dim3A_176 : i32 to vector<16xi32>
        %gather3A_178 = tpu.vector_load_idx %arg7[%broadcast_in_dim3A_88, %broadcast_in_dim3A_177, %get3A_113] : memref<3x64x512xf32, #tpu.memory_space<vmem>>[vector<16xi32>, vector<16xi32>, vector<16xi32>], vector<16xf32>,
        tpu.vector_store_idx %arg10[%add3A_119, %broadcast_in_dim3A_177], %gather3A_178 masked %lt3A_117 : memref<64x128xf32, #tpu.memory_space<vmem>>[vector<16xi32>, vector<16xi32>], vector<16xf32>, vector<16xi1>
        %broadcast_in_dim3A_179 = arith.constant 20 : i32
        %broadcast_in_dim3A_180 = vector.broadcast %broadcast_in_dim3A_179 : i32 to vector<16xi32>
        %gather3A_181 = tpu.vector_load_idx %arg7[%broadcast_in_dim3A_88, %broadcast_in_dim3A_180, %get3A_113] : memref<3x64x512xf32, #tpu.memory_space<vmem>>[vector<16xi32>, vector<16xi32>, vector<16xi32>], vector<16xf32>,
        tpu.vector_store_idx %arg10[%add3A_119, %broadcast_in_dim3A_180], %gather3A_181 masked %lt3A_117 : memref<64x128xf32, #tpu.memory_space<vmem>>[vector<16xi32>, vector<16xi32>], vector<16xf32>, vector<16xi1>
        %broadcast_in_dim3A_182 = arith.constant 21 : i32
        %broadcast_in_dim3A_183 = vector.broadcast %broadcast_in_dim3A_182 : i32 to vector<16xi32>
        %gather3A_184 = tpu.vector_load_idx %arg7[%broadcast_in_dim3A_88, %broadcast_in_dim3A_183, %get3A_113] : memref<3x64x512xf32, #tpu.memory_space<vmem>>[vector<16xi32>, vector<16xi32>, vector<16xi32>], vector<16xf32>,
        tpu.vector_store_idx %arg10[%add3A_119, %broadcast_in_dim3A_183], %gather3A_184 masked %lt3A_117 : memref<64x128xf32, #tpu.memory_space<vmem>>[vector<16xi32>, vector<16xi32>], vector<16xf32>, vector<16xi1>
        %broadcast_in_dim3A_185 = arith.constant 22 : i32
        %broadcast_in_dim3A_186 = vector.broadcast %broadcast_in_dim3A_185 : i32 to vector<16xi32>
        %gather3A_187 = tpu.vector_load_idx %arg7[%broadcast_in_dim3A_88, %broadcast_in_dim3A_186, %get3A_113] : memref<3x64x512xf32, #tpu.memory_space<vmem>>[vector<16xi32>, vector<16xi32>, vector<16xi32>], vector<16xf32>,
        tpu.vector_store_idx %arg10[%add3A_119, %broadcast_in_dim3A_186], %gather3A_187 masked %lt3A_117 : memref<64x128xf32, #tpu.memory_space<vmem>>[vector<16xi32>, vector<16xi32>], vector<16xf32>, vector<16xi1>
        %broadcast_in_dim3A_188 = arith.constant 23 : i32
        %broadcast_in_dim3A_189 = vector.broadcast %broadcast_in_dim3A_188 : i32 to vector<16xi32>
        %gather3A_190 = tpu.vector_load_idx %arg7[%broadcast_in_dim3A_88, %broadcast_in_dim3A_189, %get3A_113] : memref<3x64x512xf32, #tpu.memory_space<vmem>>[vector<16xi32>, vector<16xi32>, vector<16xi32>], vector<16xf32>,
        tpu.vector_store_idx %arg10[%add3A_119, %broadcast_in_dim3A_189], %gather3A_190 masked %lt3A_117 : memref<64x128xf32, #tpu.memory_space<vmem>>[vector<16xi32>, vector<16xi32>], vector<16xf32>, vector<16xi1>
        %broadcast_in_dim3A_191 = arith.constant 24 : i32
        %broadcast_in_dim3A_192 = vector.broadcast %broadcast_in_dim3A_191 : i32 to vector<16xi32>
        %gather3A_193 = tpu.vector_load_idx %arg7[%broadcast_in_dim3A_88, %broadcast_in_dim3A_192, %get3A_113] : memref<3x64x512xf32, #tpu.memory_space<vmem>>[vector<16xi32>, vector<16xi32>, vector<16xi32>], vector<16xf32>,
        tpu.vector_store_idx %arg10[%add3A_119, %broadcast_in_dim3A_192], %gather3A_193 masked %lt3A_117 : memref<64x128xf32, #tpu.memory_space<vmem>>[vector<16xi32>, vector<16xi32>], vector<16xf32>, vector<16xi1>
        %broadcast_in_dim3A_194 = arith.constant 25 : i32
        %broadcast_in_dim3A_195 = vector.broadcast %broadcast_in_dim3A_194 : i32 to vector<16xi32>
        %gather3A_196 = tpu.vector_load_idx %arg7[%broadcast_in_dim3A_88, %broadcast_in_dim3A_195, %get3A_113] : memref<3x64x512xf32, #tpu.memory_space<vmem>>[vector<16xi32>, vector<16xi32>, vector<16xi32>], vector<16xf32>,
        tpu.vector_store_idx %arg10[%add3A_119, %broadcast_in_dim3A_195], %gather3A_196 masked %lt3A_117 : memref<64x128xf32, #tpu.memory_space<vmem>>[vector<16xi32>, vector<16xi32>], vector<16xf32>, vector<16xi1>
        %broadcast_in_dim3A_197 = arith.constant 26 : i32
        %broadcast_in_dim3A_198 = vector.broadcast %broadcast_in_dim3A_197 : i32 to vector<16xi32>
        %gather3A_199 = tpu.vector_load_idx %arg7[%broadcast_in_dim3A_88, %broadcast_in_dim3A_198, %get3A_113] : memref<3x64x512xf32, #tpu.memory_space<vmem>>[vector<16xi32>, vector<16xi32>, vector<16xi32>], vector<16xf32>,
        tpu.vector_store_idx %arg10[%add3A_119, %broadcast_in_dim3A_198], %gather3A_199 masked %lt3A_117 : memref<64x128xf32, #tpu.memory_space<vmem>>[vector<16xi32>, vector<16xi32>], vector<16xf32>, vector<16xi1>
        %broadcast_in_dim3A_200 = arith.constant 27 : i32
        %broadcast_in_dim3A_201 = vector.broadcast %broadcast_in_dim3A_200 : i32 to vector<16xi32>
        %gather3A_202 = tpu.vector_load_idx %arg7[%broadcast_in_dim3A_88, %broadcast_in_dim3A_201, %get3A_113] : memref<3x64x512xf32, #tpu.memory_space<vmem>>[vector<16xi32>, vector<16xi32>, vector<16xi32>], vector<16xf32>,
        tpu.vector_store_idx %arg10[%add3A_119, %broadcast_in_dim3A_201], %gather3A_202 masked %lt3A_117 : memref<64x128xf32, #tpu.memory_space<vmem>>[vector<16xi32>, vector<16xi32>], vector<16xf32>, vector<16xi1>
        %broadcast_in_dim3A_203 = arith.constant 28 : i32
        %broadcast_in_dim3A_204 = vector.broadcast %broadcast_in_dim3A_203 : i32 to vector<16xi32>
        %gather3A_205 = tpu.vector_load_idx %arg7[%broadcast_in_dim3A_88, %broadcast_in_dim3A_204, %get3A_113] : memref<3x64x512xf32, #tpu.memory_space<vmem>>[vector<16xi32>, vector<16xi32>, vector<16xi32>], vector<16xf32>,
        tpu.vector_store_idx %arg10[%add3A_119, %broadcast_in_dim3A_204], %gather3A_205 masked %lt3A_117 : memref<64x128xf32, #tpu.memory_space<vmem>>[vector<16xi32>, vector<16xi32>], vector<16xf32>, vector<16xi1>
        %broadcast_in_dim3A_206 = arith.constant 29 : i32
        %broadcast_in_dim3A_207 = vector.broadcast %broadcast_in_dim3A_206 : i32 to vector<16xi32>
        %gather3A_208 = tpu.vector_load_idx %arg7[%broadcast_in_dim3A_88, %broadcast_in_dim3A_207, %get3A_113] : memref<3x64x512xf32, #tpu.memory_space<vmem>>[vector<16xi32>, vector<16xi32>, vector<16xi32>], vector<16xf32>,
        tpu.vector_store_idx %arg10[%add3A_119, %broadcast_in_dim3A_207], %gather3A_208 masked %lt3A_117 : memref<64x128xf32, #tpu.memory_space<vmem>>[vector<16xi32>, vector<16xi32>], vector<16xf32>, vector<16xi1>
        %broadcast_in_dim3A_209 = arith.constant 30 : i32
        %broadcast_in_dim3A_210 = vector.broadcast %broadcast_in_dim3A_209 : i32 to vector<16xi32>
        %gather3A_211 = tpu.vector_load_idx %arg7[%broadcast_in_dim3A_88, %broadcast_in_dim3A_210, %get3A_113] : memref<3x64x512xf32, #tpu.memory_space<vmem>>[vector<16xi32>, vector<16xi32>, vector<16xi32>], vector<16xf32>,
        tpu.vector_store_idx %arg10[%add3A_119, %broadcast_in_dim3A_210], %gather3A_211 masked %lt3A_117 : memref<64x128xf32, #tpu.memory_space<vmem>>[vector<16xi32>, vector<16xi32>], vector<16xf32>, vector<16xi1>
        %broadcast_in_dim3A_212 = arith.constant 31 : i32
        %broadcast_in_dim3A_213 = vector.broadcast %broadcast_in_dim3A_212 : i32 to vector<16xi32>
        %gather3A_214 = tpu.vector_load_idx %arg7[%broadcast_in_dim3A_88, %broadcast_in_dim3A_213, %get3A_113] : memref<3x64x512xf32, #tpu.memory_space<vmem>>[vector<16xi32>, vector<16xi32>, vector<16xi32>], vector<16xf32>,
        tpu.vector_store_idx %arg10[%add3A_119, %broadcast_in_dim3A_213], %gather3A_214 masked %lt3A_117 : memref<64x128xf32, #tpu.memory_space<vmem>>[vector<16xi32>, vector<16xi32>], vector<16xf32>, vector<16xi1>
        %broadcast_in_dim3A_215 = arith.constant 32 : i32
        %broadcast_in_dim3A_216 = vector.broadcast %broadcast_in_dim3A_215 : i32 to vector<16xi32>
        %gather3A_217 = tpu.vector_load_idx %arg7[%broadcast_in_dim3A_88, %broadcast_in_dim3A_216, %get3A_113] : memref<3x64x512xf32, #tpu.memory_space<vmem>>[vector<16xi32>, vector<16xi32>, vector<16xi32>], vector<16xf32>,
        tpu.vector_store_idx %arg10[%add3A_119, %broadcast_in_dim3A_216], %gather3A_217 masked %lt3A_117 : memref<64x128xf32, #tpu.memory_space<vmem>>[vector<16xi32>, vector<16xi32>], vector<16xf32>, vector<16xi1>
        %broadcast_in_dim3A_218 = arith.constant 33 : i32
        %broadcast_in_dim3A_219 = vector.broadcast %broadcast_in_dim3A_218 : i32 to vector<16xi32>
        %gather3A_220 = tpu.vector_load_idx %arg7[%broadcast_in_dim3A_88, %broadcast_in_dim3A_219, %get3A_113] : memref<3x64x512xf32, #tpu.memory_space<vmem>>[vector<16xi32>, vector<16xi32>, vector<16xi32>], vector<16xf32>,
        tpu.vector_store_idx %arg10[%add3A_119, %broadcast_in_dim3A_219], %gather3A_220 masked %lt3A_117 : memref<64x128xf32, #tpu.memory_space<vmem>>[vector<16xi32>, vector<16xi32>], vector<16xf32>, vector<16xi1>
        %broadcast_in_dim3A_221 = arith.constant 34 : i32
        %broadcast_in_dim3A_222 = vector.broadcast %broadcast_in_dim3A_221 : i32 to vector<16xi32>
        %gather3A_223 = tpu.vector_load_idx %arg7[%broadcast_in_dim3A_88, %broadcast_in_dim3A_222, %get3A_113] : memref<3x64x512xf32, #tpu.memory_space<vmem>>[vector<16xi32>, vector<16xi32>, vector<16xi32>], vector<16xf32>,
        tpu.vector_store_idx %arg10[%add3A_119, %broadcast_in_dim3A_222], %gather3A_223 masked %lt3A_117 : memref<64x128xf32, #tpu.memory_space<vmem>>[vector<16xi32>, vector<16xi32>], vector<16xf32>, vector<16xi1>
        %broadcast_in_dim3A_224 = arith.constant 35 : i32
        %broadcast_in_dim3A_225 = vector.broadcast %broadcast_in_dim3A_224 : i32 to vector<16xi32>
        %gather3A_226 = tpu.vector_load_idx %arg7[%broadcast_in_dim3A_88, %broadcast_in_dim3A_225, %get3A_113] : memref<3x64x512xf32, #tpu.memory_space<vmem>>[vector<16xi32>, vector<16xi32>, vector<16xi32>], vector<16xf32>,
        tpu.vector_store_idx %arg10[%add3A_119, %broadcast_in_dim3A_225], %gather3A_226 masked %lt3A_117 : memref<64x128xf32, #tpu.memory_space<vmem>>[vector<16xi32>, vector<16xi32>], vector<16xf32>, vector<16xi1>
        %broadcast_in_dim3A_227 = arith.constant 36 : i32
        %broadcast_in_dim3A_228 = vector.broadcast %broadcast_in_dim3A_227 : i32 to vector<16xi32>
        %gather3A_229 = tpu.vector_load_idx %arg7[%broadcast_in_dim3A_88, %broadcast_in_dim3A_228, %get3A_113] : memref<3x64x512xf32, #tpu.memory_space<vmem>>[vector<16xi32>, vector<16xi32>, vector<16xi32>], vector<16xf32>,
        tpu.vector_store_idx %arg10[%add3A_119, %broadcast_in_dim3A_228], %gather3A_229 masked %lt3A_117 : memref<64x128xf32, #tpu.memory_space<vmem>>[vector<16xi32>, vector<16xi32>], vector<16xf32>, vector<16xi1>
        %broadcast_in_dim3A_230 = arith.constant 37 : i32
        %broadcast_in_dim3A_231 = vector.broadcast %broadcast_in_dim3A_230 : i32 to vector<16xi32>
        %gather3A_232 = tpu.vector_load_idx %arg7[%broadcast_in_dim3A_88, %broadcast_in_dim3A_231, %get3A_113] : memref<3x64x512xf32, #tpu.memory_space<vmem>>[vector<16xi32>, vector<16xi32>, vector<16xi32>], vector<16xf32>,
        tpu.vector_store_idx %arg10[%add3A_119, %broadcast_in_dim3A_231], %gather3A_232 masked %lt3A_117 : memref<64x128xf32, #tpu.memory_space<vmem>>[vector<16xi32>, vector<16xi32>], vector<16xf32>, vector<16xi1>
        %broadcast_in_dim3A_233 = arith.constant 38 : i32
        %broadcast_in_dim3A_234 = vector.broadcast %broadcast_in_dim3A_233 : i32 to vector<16xi32>
        %gather3A_235 = tpu.vector_load_idx %arg7[%broadcast_in_dim3A_88, %broadcast_in_dim3A_234, %get3A_113] : memref<3x64x512xf32, #tpu.memory_space<vmem>>[vector<16xi32>, vector<16xi32>, vector<16xi32>], vector<16xf32>,
        tpu.vector_store_idx %arg10[%add3A_119, %broadcast_in_dim3A_234], %gather3A_235 masked %lt3A_117 : memref<64x128xf32, #tpu.memory_space<vmem>>[vector<16xi32>, vector<16xi32>], vector<16xf32>, vector<16xi1>
        %broadcast_in_dim3A_236 = arith.constant 39 : i32
        %broadcast_in_dim3A_237 = vector.broadcast %broadcast_in_dim3A_236 : i32 to vector<16xi32>
        %gather3A_238 = tpu.vector_load_idx %arg7[%broadcast_in_dim3A_88, %broadcast_in_dim3A_237, %get3A_113] : memref<3x64x512xf32, #tpu.memory_space<vmem>>[vector<16xi32>, vector<16xi32>, vector<16xi32>], vector<16xf32>,
        tpu.vector_store_idx %arg10[%add3A_119, %broadcast_in_dim3A_237], %gather3A_238 masked %lt3A_117 : memref<64x128xf32, #tpu.memory_space<vmem>>[vector<16xi32>, vector<16xi32>], vector<16xf32>, vector<16xi1>
        %broadcast_in_dim3A_239 = arith.constant 40 : i32
        %broadcast_in_dim3A_240 = vector.broadcast %broadcast_in_dim3A_239 : i32 to vector<16xi32>
        %gather3A_241 = tpu.vector_load_idx %arg7[%broadcast_in_dim3A_88, %broadcast_in_dim3A_240, %get3A_113] : memref<3x64x512xf32, #tpu.memory_space<vmem>>[vector<16xi32>, vector<16xi32>, vector<16xi32>], vector<16xf32>,
        tpu.vector_store_idx %arg10[%add3A_119, %broadcast_in_dim3A_240], %gather3A_241 masked %lt3A_117 : memref<64x128xf32, #tpu.memory_space<vmem>>[vector<16xi32>, vector<16xi32>], vector<16xf32>, vector<16xi1>
        %broadcast_in_dim3A_242 = arith.constant 41 : i32
        %broadcast_in_dim3A_243 = vector.broadcast %broadcast_in_dim3A_242 : i32 to vector<16xi32>
        %gather3A_244 = tpu.vector_load_idx %arg7[%broadcast_in_dim3A_88, %broadcast_in_dim3A_243, %get3A_113] : memref<3x64x512xf32, #tpu.memory_space<vmem>>[vector<16xi32>, vector<16xi32>, vector<16xi32>], vector<16xf32>,
        tpu.vector_store_idx %arg10[%add3A_119, %broadcast_in_dim3A_243], %gather3A_244 masked %lt3A_117 : memref<64x128xf32, #tpu.memory_space<vmem>>[vector<16xi32>, vector<16xi32>], vector<16xf32>, vector<16xi1>
        %broadcast_in_dim3A_245 = arith.constant 42 : i32
        %broadcast_in_dim3A_246 = vector.broadcast %broadcast_in_dim3A_245 : i32 to vector<16xi32>
        %gather3A_247 = tpu.vector_load_idx %arg7[%broadcast_in_dim3A_88, %broadcast_in_dim3A_246, %get3A_113] : memref<3x64x512xf32, #tpu.memory_space<vmem>>[vector<16xi32>, vector<16xi32>, vector<16xi32>], vector<16xf32>,
        tpu.vector_store_idx %arg10[%add3A_119, %broadcast_in_dim3A_246], %gather3A_247 masked %lt3A_117 : memref<64x128xf32, #tpu.memory_space<vmem>>[vector<16xi32>, vector<16xi32>], vector<16xf32>, vector<16xi1>
        %broadcast_in_dim3A_248 = arith.constant 43 : i32
        %broadcast_in_dim3A_249 = vector.broadcast %broadcast_in_dim3A_248 : i32 to vector<16xi32>
        %gather3A_250 = tpu.vector_load_idx %arg7[%broadcast_in_dim3A_88, %broadcast_in_dim3A_249, %get3A_113] : memref<3x64x512xf32, #tpu.memory_space<vmem>>[vector<16xi32>, vector<16xi32>, vector<16xi32>], vector<16xf32>,
        tpu.vector_store_idx %arg10[%add3A_119, %broadcast_in_dim3A_249], %gather3A_250 masked %lt3A_117 : memref<64x128xf32, #tpu.memory_space<vmem>>[vector<16xi32>, vector<16xi32>], vector<16xf32>, vector<16xi1>
        %broadcast_in_dim3A_251 = arith.constant 44 : i32
        %broadcast_in_dim3A_252 = vector.broadcast %broadcast_in_dim3A_251 : i32 to vector<16xi32>
        %gather3A_253 = tpu.vector_load_idx %arg7[%broadcast_in_dim3A_88, %broadcast_in_dim3A_252, %get3A_113] : memref<3x64x512xf32, #tpu.memory_space<vmem>>[vector<16xi32>, vector<16xi32>, vector<16xi32>], vector<16xf32>,
        tpu.vector_store_idx %arg10[%add3A_119, %broadcast_in_dim3A_252], %gather3A_253 masked %lt3A_117 : memref<64x128xf32, #tpu.memory_space<vmem>>[vector<16xi32>, vector<16xi32>], vector<16xf32>, vector<16xi1>
        %broadcast_in_dim3A_254 = arith.constant 45 : i32
        %broadcast_in_dim3A_255 = vector.broadcast %broadcast_in_dim3A_254 : i32 to vector<16xi32>
        %gather3A_256 = tpu.vector_load_idx %arg7[%broadcast_in_dim3A_88, %broadcast_in_dim3A_255, %get3A_113] : memref<3x64x512xf32, #tpu.memory_space<vmem>>[vector<16xi32>, vector<16xi32>, vector<16xi32>], vector<16xf32>,
        tpu.vector_store_idx %arg10[%add3A_119, %broadcast_in_dim3A_255], %gather3A_256 masked %lt3A_117 : memref<64x128xf32, #tpu.memory_space<vmem>>[vector<16xi32>, vector<16xi32>], vector<16xf32>, vector<16xi1>
        %broadcast_in_dim3A_257 = arith.constant 46 : i32
        %broadcast_in_dim3A_258 = vector.broadcast %broadcast_in_dim3A_257 : i32 to vector<16xi32>
        %gather3A_259 = tpu.vector_load_idx %arg7[%broadcast_in_dim3A_88, %broadcast_in_dim3A_258, %get3A_113] : memref<3x64x512xf32, #tpu.memory_space<vmem>>[vector<16xi32>, vector<16xi32>, vector<16xi32>], vector<16xf32>,
        tpu.vector_store_idx %arg10[%add3A_119, %broadcast_in_dim3A_258], %gather3A_259 masked %lt3A_117 : memref<64x128xf32, #tpu.memory_space<vmem>>[vector<16xi32>, vector<16xi32>], vector<16xf32>, vector<16xi1>
        %broadcast_in_dim3A_260 = arith.constant 47 : i32
        %broadcast_in_dim3A_261 = vector.broadcast %broadcast_in_dim3A_260 : i32 to vector<16xi32>
        %gather3A_262 = tpu.vector_load_idx %arg7[%broadcast_in_dim3A_88, %broadcast_in_dim3A_261, %get3A_113] : memref<3x64x512xf32, #tpu.memory_space<vmem>>[vector<16xi32>, vector<16xi32>, vector<16xi32>], vector<16xf32>,
        tpu.vector_store_idx %arg10[%add3A_119, %broadcast_in_dim3A_261], %gather3A_262 masked %lt3A_117 : memref<64x128xf32, #tpu.memory_space<vmem>>[vector<16xi32>, vector<16xi32>], vector<16xf32>, vector<16xi1>
        %broadcast_in_dim3A_263 = arith.constant 48 : i32
        %broadcast_in_dim3A_264 = vector.broadcast %broadcast_in_dim3A_263 : i32 to vector<16xi32>
        %gather3A_265 = tpu.vector_load_idx %arg7[%broadcast_in_dim3A_88, %broadcast_in_dim3A_264, %get3A_113] : memref<3x64x512xf32, #tpu.memory_space<vmem>>[vector<16xi32>, vector<16xi32>, vector<16xi32>], vector<16xf32>,
        tpu.vector_store_idx %arg10[%add3A_119, %broadcast_in_dim3A_264], %gather3A_265 masked %lt3A_117 : memref<64x128xf32, #tpu.memory_space<vmem>>[vector<16xi32>, vector<16xi32>], vector<16xf32>, vector<16xi1>
        %broadcast_in_dim3A_266 = arith.constant 49 : i32
        %broadcast_in_dim3A_267 = vector.broadcast %broadcast_in_dim3A_266 : i32 to vector<16xi32>
        %gather3A_268 = tpu.vector_load_idx %arg7[%broadcast_in_dim3A_88, %broadcast_in_dim3A_267, %get3A_113] : memref<3x64x512xf32, #tpu.memory_space<vmem>>[vector<16xi32>, vector<16xi32>, vector<16xi32>], vector<16xf32>,
        tpu.vector_store_idx %arg10[%add3A_119, %broadcast_in_dim3A_267], %gather3A_268 masked %lt3A_117 : memref<64x128xf32, #tpu.memory_space<vmem>>[vector<16xi32>, vector<16xi32>], vector<16xf32>, vector<16xi1>
        %broadcast_in_dim3A_269 = arith.constant 50 : i32
        %broadcast_in_dim3A_270 = vector.broadcast %broadcast_in_dim3A_269 : i32 to vector<16xi32>
        %gather3A_271 = tpu.vector_load_idx %arg7[%broadcast_in_dim3A_88, %broadcast_in_dim3A_270, %get3A_113] : memref<3x64x512xf32, #tpu.memory_space<vmem>>[vector<16xi32>, vector<16xi32>, vector<16xi32>], vector<16xf32>,
        tpu.vector_store_idx %arg10[%add3A_119, %broadcast_in_dim3A_270], %gather3A_271 masked %lt3A_117 : memref<64x128xf32, #tpu.memory_space<vmem>>[vector<16xi32>, vector<16xi32>], vector<16xf32>, vector<16xi1>
        %broadcast_in_dim3A_272 = arith.constant 51 : i32
        %broadcast_in_dim3A_273 = vector.broadcast %broadcast_in_dim3A_272 : i32 to vector<16xi32>
        %gather3A_274 = tpu.vector_load_idx %arg7[%broadcast_in_dim3A_88, %broadcast_in_dim3A_273, %get3A_113] : memref<3x64x512xf32, #tpu.memory_space<vmem>>[vector<16xi32>, vector<16xi32>, vector<16xi32>], vector<16xf32>,
        tpu.vector_store_idx %arg10[%add3A_119, %broadcast_in_dim3A_273], %gather3A_274 masked %lt3A_117 : memref<64x128xf32, #tpu.memory_space<vmem>>[vector<16xi32>, vector<16xi32>], vector<16xf32>, vector<16xi1>
        %broadcast_in_dim3A_275 = arith.constant 52 : i32
        %broadcast_in_dim3A_276 = vector.broadcast %broadcast_in_dim3A_275 : i32 to vector<16xi32>
        %gather3A_277 = tpu.vector_load_idx %arg7[%broadcast_in_dim3A_88, %broadcast_in_dim3A_276, %get3A_113] : memref<3x64x512xf32, #tpu.memory_space<vmem>>[vector<16xi32>, vector<16xi32>, vector<16xi32>], vector<16xf32>,
        tpu.vector_store_idx %arg10[%add3A_119, %broadcast_in_dim3A_276], %gather3A_277 masked %lt3A_117 : memref<64x128xf32, #tpu.memory_space<vmem>>[vector<16xi32>, vector<16xi32>], vector<16xf32>, vector<16xi1>
        %broadcast_in_dim3A_278 = arith.constant 53 : i32
        %broadcast_in_dim3A_279 = vector.broadcast %broadcast_in_dim3A_278 : i32 to vector<16xi32>
        %gather3A_280 = tpu.vector_load_idx %arg7[%broadcast_in_dim3A_88, %broadcast_in_dim3A_279, %get3A_113] : memref<3x64x512xf32, #tpu.memory_space<vmem>>[vector<16xi32>, vector<16xi32>, vector<16xi32>], vector<16xf32>,
        tpu.vector_store_idx %arg10[%add3A_119, %broadcast_in_dim3A_279], %gather3A_280 masked %lt3A_117 : memref<64x128xf32, #tpu.memory_space<vmem>>[vector<16xi32>, vector<16xi32>], vector<16xf32>, vector<16xi1>
        %broadcast_in_dim3A_281 = arith.constant 54 : i32
        %broadcast_in_dim3A_282 = vector.broadcast %broadcast_in_dim3A_281 : i32 to vector<16xi32>
        %gather3A_283 = tpu.vector_load_idx %arg7[%broadcast_in_dim3A_88, %broadcast_in_dim3A_282, %get3A_113] : memref<3x64x512xf32, #tpu.memory_space<vmem>>[vector<16xi32>, vector<16xi32>, vector<16xi32>], vector<16xf32>,
        tpu.vector_store_idx %arg10[%add3A_119, %broadcast_in_dim3A_282], %gather3A_283 masked %lt3A_117 : memref<64x128xf32, #tpu.memory_space<vmem>>[vector<16xi32>, vector<16xi32>], vector<16xf32>, vector<16xi1>
        %broadcast_in_dim3A_284 = arith.constant 55 : i32
        %broadcast_in_dim3A_285 = vector.broadcast %broadcast_in_dim3A_284 : i32 to vector<16xi32>
        %gather3A_286 = tpu.vector_load_idx %arg7[%broadcast_in_dim3A_88, %broadcast_in_dim3A_285, %get3A_113] : memref<3x64x512xf32, #tpu.memory_space<vmem>>[vector<16xi32>, vector<16xi32>, vector<16xi32>], vector<16xf32>,
        tpu.vector_store_idx %arg10[%add3A_119, %broadcast_in_dim3A_285], %gather3A_286 masked %lt3A_117 : memref<64x128xf32, #tpu.memory_space<vmem>>[vector<16xi32>, vector<16xi32>], vector<16xf32>, vector<16xi1>
        %broadcast_in_dim3A_287 = arith.constant 56 : i32
        %broadcast_in_dim3A_288 = vector.broadcast %broadcast_in_dim3A_287 : i32 to vector<16xi32>
        %gather3A_289 = tpu.vector_load_idx %arg7[%broadcast_in_dim3A_88, %broadcast_in_dim3A_288, %get3A_113] : memref<3x64x512xf32, #tpu.memory_space<vmem>>[vector<16xi32>, vector<16xi32>, vector<16xi32>], vector<16xf32>,
        tpu.vector_store_idx %arg10[%add3A_119, %broadcast_in_dim3A_288], %gather3A_289 masked %lt3A_117 : memref<64x128xf32, #tpu.memory_space<vmem>>[vector<16xi32>, vector<16xi32>], vector<16xf32>, vector<16xi1>
        %broadcast_in_dim3A_290 = arith.constant 57 : i32
        %broadcast_in_dim3A_291 = vector.broadcast %broadcast_in_dim3A_290 : i32 to vector<16xi32>
        %gather3A_292 = tpu.vector_load_idx %arg7[%broadcast_in_dim3A_88, %broadcast_in_dim3A_291, %get3A_113] : memref<3x64x512xf32, #tpu.memory_space<vmem>>[vector<16xi32>, vector<16xi32>, vector<16xi32>], vector<16xf32>,
        tpu.vector_store_idx %arg10[%add3A_119, %broadcast_in_dim3A_291], %gather3A_292 masked %lt3A_117 : memref<64x128xf32, #tpu.memory_space<vmem>>[vector<16xi32>, vector<16xi32>], vector<16xf32>, vector<16xi1>
        %broadcast_in_dim3A_293 = arith.constant 58 : i32
        %broadcast_in_dim3A_294 = vector.broadcast %broadcast_in_dim3A_293 : i32 to vector<16xi32>
        %gather3A_295 = tpu.vector_load_idx %arg7[%broadcast_in_dim3A_88, %broadcast_in_dim3A_294, %get3A_113] : memref<3x64x512xf32, #tpu.memory_space<vmem>>[vector<16xi32>, vector<16xi32>, vector<16xi32>], vector<16xf32>,
        tpu.vector_store_idx %arg10[%add3A_119, %broadcast_in_dim3A_294], %gather3A_295 masked %lt3A_117 : memref<64x128xf32, #tpu.memory_space<vmem>>[vector<16xi32>, vector<16xi32>], vector<16xf32>, vector<16xi1>
        %broadcast_in_dim3A_296 = arith.constant 59 : i32
        %broadcast_in_dim3A_297 = vector.broadcast %broadcast_in_dim3A_296 : i32 to vector<16xi32>
        %gather3A_298 = tpu.vector_load_idx %arg7[%broadcast_in_dim3A_88, %broadcast_in_dim3A_297, %get3A_113] : memref<3x64x512xf32, #tpu.memory_space<vmem>>[vector<16xi32>, vector<16xi32>, vector<16xi32>], vector<16xf32>,
        tpu.vector_store_idx %arg10[%add3A_119, %broadcast_in_dim3A_297], %gather3A_298 masked %lt3A_117 : memref<64x128xf32, #tpu.memory_space<vmem>>[vector<16xi32>, vector<16xi32>], vector<16xf32>, vector<16xi1>
        %broadcast_in_dim3A_299 = arith.constant 60 : i32
        %broadcast_in_dim3A_300 = vector.broadcast %broadcast_in_dim3A_299 : i32 to vector<16xi32>
        %gather3A_301 = tpu.vector_load_idx %arg7[%broadcast_in_dim3A_88, %broadcast_in_dim3A_300, %get3A_113] : memref<3x64x512xf32, #tpu.memory_space<vmem>>[vector<16xi32>, vector<16xi32>, vector<16xi32>], vector<16xf32>,
        tpu.vector_store_idx %arg10[%add3A_119, %broadcast_in_dim3A_300], %gather3A_301 masked %lt3A_117 : memref<64x128xf32, #tpu.memory_space<vmem>>[vector<16xi32>, vector<16xi32>], vector<16xf32>, vector<16xi1>
        %broadcast_in_dim3A_302 = arith.constant 61 : i32
        %broadcast_in_dim3A_303 = vector.broadcast %broadcast_in_dim3A_302 : i32 to vector<16xi32>
        %gather3A_304 = tpu.vector_load_idx %arg7[%broadcast_in_dim3A_88, %broadcast_in_dim3A_303, %get3A_113] : memref<3x64x512xf32, #tpu.memory_space<vmem>>[vector<16xi32>, vector<16xi32>, vector<16xi32>], vector<16xf32>,
        tpu.vector_store_idx %arg10[%add3A_119, %broadcast_in_dim3A_303], %gather3A_304 masked %lt3A_117 : memref<64x128xf32, #tpu.memory_space<vmem>>[vector<16xi32>, vector<16xi32>], vector<16xf32>, vector<16xi1>
        %broadcast_in_dim3A_305 = arith.constant 62 : i32
        %broadcast_in_dim3A_306 = vector.broadcast %broadcast_in_dim3A_305 : i32 to vector<16xi32>
        %gather3A_307 = tpu.vector_load_idx %arg7[%broadcast_in_dim3A_88, %broadcast_in_dim3A_306, %get3A_113] : memref<3x64x512xf32, #tpu.memory_space<vmem>>[vector<16xi32>, vector<16xi32>, vector<16xi32>], vector<16xf32>,
        tpu.vector_store_idx %arg10[%add3A_119, %broadcast_in_dim3A_306], %gather3A_307 masked %lt3A_117 : memref<64x128xf32, #tpu.memory_space<vmem>>[vector<16xi32>, vector<16xi32>], vector<16xf32>, vector<16xi1>
        %broadcast_in_dim3A_308 = arith.constant 63 : i32
        %broadcast_in_dim3A_309 = vector.broadcast %broadcast_in_dim3A_308 : i32 to vector<16xi32>
        %gather3A_310 = tpu.vector_load_idx %arg7[%broadcast_in_dim3A_88, %broadcast_in_dim3A_309, %get3A_113] : memref<3x64x512xf32, #tpu.memory_space<vmem>>[vector<16xi32>, vector<16xi32>, vector<16xi32>], vector<16xf32>,
        tpu.vector_store_idx %arg10[%add3A_119, %broadcast_in_dim3A_309], %gather3A_310 masked %lt3A_117 : memref<64x128xf32, #tpu.memory_space<vmem>>[vector<16xi32>, vector<16xi32>], vector<16xf32>, vector<16xi1>
        %broadcast_in_dim3A_311 = vector.broadcast %add3A_2 : i32 to vector<16xi32>
        %select_n3A_312 = arith.select %lt3A_117, %get3A_115, %broadcast_in_dim3A_311 : vector<16xi1>, vector<16xi32>
        tpu.vector_store_idx %arg11[%add3A_119], %select_n3A_312 : memref<64xi32, #tpu.memory_space<vmem>>[vector<16xi32>], vector<16xi32>,
        %get3A_313 = arith.constant 16 : index
        %get3A_314 = tpu.vector_load %arg8[%get3A_313] {strides = array<i32>} : memref<32xi32, #tpu.memory_space<vmem>>, vector<16xi32>,
        %swap3A_315 = arith.constant 0 : index
        %swap3A_316 = tpu.vector_load %arg8[%swap3A_315] {strides = array<i32>} : memref<32xi32, #tpu.memory_space<vmem>>, vector<16xi32>,
        tpu.vector_store %arg8[%swap3A_315], %get3A_314 {strides = array<i32>} : memref<32xi32, #tpu.memory_space<vmem>>, vector<16xi32>,
        %get3A_317 = arith.constant 16 : index
        %get3A_318 = tpu.vector_load %arg9[%get3A_317] {strides = array<i32>} : memref<32xi32, #tpu.memory_space<vmem>>, vector<16xi32>,
        %swap3A_319 = arith.constant 0 : index
        %swap3A_320 = tpu.vector_load %arg9[%swap3A_319] {strides = array<i32>} : memref<32xi32, #tpu.memory_space<vmem>>, vector<16xi32>,
        tpu.vector_store %arg9[%swap3A_319], %get3A_318 {strides = array<i32>} : memref<32xi32, #tpu.memory_space<vmem>>, vector<16xi32>,
        %add3A_321 = arith.addi %while3A_100#1, %while3A_100#0 : i32
        %gt3A_322 = arith.constant 48 : i32
        %gt3A_323 = arith.cmpi sgt, %add3A_321, %gt3A_322 : i32
        %convert_element_type3A_324 = arith.extui %gt3A_323 : i1 to i32
        %cond3A_325 = arith.constant 0 : i32
        %cond3A_326 = arith.cmpi ne, %convert_element_type3A_324, %cond3A_325 : i32
        %cond3A_327 = scf.if %cond3A_326 -> (i32) {
          "tpu.region"() ({
            %run_scoped3A = tpu.sem_alloc : memref<!tpu.dma_semaphore, #tpu.memory_space<semaphore_mem>>
            %dma_start3A = arith.constant 0 : i32
            %dma_start3A_339 = arith.constant 0 : i32
            %dma_start3A_340 = tpu.memref_slice %arg4[%dma_start3A, %dma_start3A_339] : memref<16416x128xf32, #tpu.memory_space<hbm>> -> memref<16416x128xf32, #tpu.memory_space<hbm>>
            tpu.enqueue_indirect_dma source(%arg10 : memref<64x128xf32, #tpu.memory_space<vmem>>) target(%dma_start3A_340 : memref<16416x128xf32, #tpu.memory_space<hbm>>) offsets(%arg11 : memref<64xi32, #tpu.memory_space<vmem>>) semaphore(%run_scoped3A : memref<!tpu.dma_semaphore, #tpu.memory_space<semaphore_mem>>)
            %dma_wait3A = arith.constant 0 : i32
            %dma_wait3A_341 = arith.constant 0 : i32
            %dma_wait3A_342 = tpu.memref_slice %arg4[%dma_wait3A, %dma_wait3A_341] : memref<16416x128xf32, #tpu.memory_space<hbm>> -> memref<16416x128xf32, #tpu.memory_space<hbm>>
            tpu.wait_indirect_dma semaphore(%run_scoped3A : memref<!tpu.dma_semaphore, #tpu.memory_space<semaphore_mem>>) src(%arg10 : memref<64x128xf32, #tpu.memory_space<vmem>>) dst(%dma_wait3A_342 : memref<16416x128xf32, #tpu.memory_space<hbm>>)
            tpu.yield
          }) : () -> ()
          %broadcast_in_dim3A_328 = vector.broadcast %add3A_2 : i32 to vector<16xi32>
          %swap3A_329 = arith.constant 0 : index
          %swap3A_330 = tpu.vector_load %arg11[%swap3A_329] {strides = array<i32>} : memref<64xi32, #tpu.memory_space<vmem>>, vector<16xi32>,
          tpu.vector_store %arg11[%swap3A_329], %broadcast_in_dim3A_328 {strides = array<i32>} : memref<64xi32, #tpu.memory_space<vmem>>, vector<16xi32>,
          %swap3A_331 = arith.constant 16 : index
          %swap3A_332 = tpu.vector_load %arg11[%swap3A_331] {strides = array<i32>} : memref<64xi32, #tpu.memory_space<vmem>>, vector<16xi32>,
          tpu.vector_store %arg11[%swap3A_331], %broadcast_in_dim3A_328 {strides = array<i32>} : memref<64xi32, #tpu.memory_space<vmem>>, vector<16xi32>,
          %swap3A_333 = arith.constant 32 : index
          %swap3A_334 = tpu.vector_load %arg11[%swap3A_333] {strides = array<i32>} : memref<64xi32, #tpu.memory_space<vmem>>, vector<16xi32>,
          tpu.vector_store %arg11[%swap3A_333], %broadcast_in_dim3A_328 {strides = array<i32>} : memref<64xi32, #tpu.memory_space<vmem>>, vector<16xi32>,
          %swap3A_335 = arith.constant 48 : index
          %swap3A_336 = tpu.vector_load %arg11[%swap3A_335] {strides = array<i32>} : memref<64xi32, #tpu.memory_space<vmem>>, vector<16xi32>,
          tpu.vector_store %arg11[%swap3A_335], %broadcast_in_dim3A_328 {strides = array<i32>} : memref<64xi32, #tpu.memory_space<vmem>>, vector<16xi32>,
          %mul3A_337 = arith.constant 0 : i32
          %mul3A_338 = arith.muli %mul3A_337, %add3A_321 : i32
          scf.yield %mul3A_338 : i32
        } else {
          scf.yield %add3A_321 : i32
        }
        scf.yield %cond3A_327 : i32
      } else {
        scf.yield %while3A_100#1 : i32
      }
      %eq3A_107 = arith.constant 2 : i32
      %eq3A_108 = arith.cmpi eq, %while3A_66, %eq3A_107 : i32
      %add3A_109 = arith.constant 1 : i32
      %add3A_110 = arith.addi %while3A_66, %add3A_109 : i32
      %jit3A_111 = arith.constant 0 : i32
      %select_n3A_112 = arith.select %eq3A_108, %jit3A_111, %add3A_110 : i32
      scf.yield %cond3A_106, %select_n3A_112 : i32, i32
    }
    %while3A_57 = arith.constant 1 : i32
    %while3A_58:2 = scf.for %while3A_64 = %while3A_54 to %while3A_50 step %while3A_57 iter_args(%while3A_65 = %while3A_56#0, %while3A_66 = %while3A_56#1) -> (i32, i32)  : i32 {
      %eq3A_67 = arith.constant 0 : i32
      %eq3A_68 = arith.cmpi eq, %while3A_66, %eq3A_67 : i32
      %sub3A_69 = arith.constant 1 : i32
      %sub3A_70 = arith.subi %while3A_66, %sub3A_69 : i32
      %jit3A_71 = arith.constant 2 : i32
      %select_n3A_72 = arith.select %eq3A_68, %jit3A_71, %sub3A_70 : i32
      %add3A_73 = arith.constant 2 : i32
      %add3A_74 = arith.addi %while3A_64, %add3A_73 : i32
      %lt3A_75 = arith.cmpi slt, %add3A_74, %add3A_7 : i32
      %convert_element_type3A_76 = arith.extui %lt3A_75 : i1 to i32
      %cond3A_77 = arith.constant 0 : i32
      %cond3A_78 = arith.cmpi ne, %convert_element_type3A_76, %cond3A_77 : i32
      scf.if %cond3A_78 {
        %add3A_113 = arith.constant 2 : i32
        %add3A_114 = arith.addi %while3A_64, %add3A_113 : i32
        %mul3A_115 = arith.constant 32 : i32
        %mul3A_116 = arith.muli %mul3A_115, %add3A_114 : i32
        %add3A_117 = arith.addi %add3A, %mul3A_116 : i32
        %eq3A_118 = arith.constant 1953 : i32
        %eq3A_119 = arith.cmpi eq, %add3A_117, %eq3A_118 : i32
        %convert_element_type3A_120 = arith.extui %eq3A_119 : i1 to i32
        %cond3A_121 = arith.constant 0 : i32
        %cond3A_122 = arith.cmpi ne, %convert_element_type3A_120, %cond3A_121 : i32
        %cond3A_123 = scf.if %cond3A_122 -> (i32) {
          %min3A = arith.constant 1953 : i32
          %min3A_124 = arith.minsi %add3A_117, %min3A : i32
          %mul3A_125 = arith.constant 512 : i32
          %mul3A_126 = arith.muli %min3A_124, %mul3A_125 : i32
          %multiple_of3A = tpu.assume_multiple %mul3A_126, 128 : i32
          %dma_start3A = arith.constant 0 : i32
          %dma_start3A_127 = arith.constant 0 : i32
          %dma_start3A_128 = tpu.memref_slice %arg7[%select_n3A_72, %dma_start3A, %dma_start3A_127] : memref<3x64x512xf32, #tpu.memory_space<vmem>> -> memref<1x64x512xf32, #tpu.memory_space<vmem>>
          %dma_start3A_129 = tpu.memref_squeeze %dma_start3A_128 : memref<1x64x512xf32, #tpu.memory_space<vmem>> -> memref<64x512xf32, #tpu.memory_space<vmem>>
          %dma_start3A_130 = arith.constant 0 : i32
          %dma_start3A_131 = arith.constant 0 : i32
          %dma_start3A_132 = tpu.memref_slice %dma_start3A_129[%dma_start3A_130, %dma_start3A_131] : memref<64x512xf32, #tpu.memory_space<vmem>> -> memref<64x128xf32, #tpu.memory_space<vmem>>
          %dma_start3A_133 = arith.constant 0 : i32
          %dma_start3A_134 = tpu.memref_slice %arg3[%dma_start3A_133, %multiple_of3A] : memref<64x1000000xf32, #tpu.memory_space<hbm>> -> memref<64x128xf32, #tpu.memory_space<hbm>>
          %dma_start3A_135 = arith.constant 0 : i32
          %dma_start3A_136 = arith.constant 0 : i32
          %dma_start3A_137 = tpu.memref_slice %arg7[%select_n3A_72, %dma_start3A_135, %dma_start3A_136] : memref<3x64x512xf32, #tpu.memory_space<vmem>> -> memref<1x64x512xf32, #tpu.memory_space<vmem>>
          %dma_start3A_138 = tpu.memref_squeeze %dma_start3A_137 : memref<1x64x512xf32, #tpu.memory_space<vmem>> -> memref<64x512xf32, #tpu.memory_space<vmem>>
          %dma_start3A_139 = arith.constant 0 : i32
          %dma_start3A_140 = arith.constant 0 : i32
          %dma_start3A_141 = tpu.memref_slice %dma_start3A_138[%dma_start3A_139, %dma_start3A_140] : memref<64x512xf32, #tpu.memory_space<vmem>> -> memref<64x128xf32, #tpu.memory_space<vmem>>
          %dma_start3A_142 = arith.constant 0 : i32
          %dma_start3A_143 = tpu.memref_slice %arg3[%dma_start3A_142, %multiple_of3A] : memref<64x1000000xf32, #tpu.memory_space<hbm>> -> memref<64x128xf32, #tpu.memory_space<hbm>>
          tpu.enqueue_dma source(%dma_start3A_143 : memref<64x128xf32, #tpu.memory_space<hbm>>) target(%dma_start3A_141 : memref<64x128xf32, #tpu.memory_space<vmem>>) target_semaphore(%arg12 : memref<!tpu.dma_semaphore, #tpu.memory_space<semaphore_mem>>)
          %cond3A_144 = arith.constant 0 : i32
          scf.yield %cond3A_144 : i32
        } else {
          %min3A = arith.constant 1952 : i32
          %min3A_124 = arith.minsi %add3A_117, %min3A : i32
          %mul3A_125 = arith.constant 512 : i32
          %mul3A_126 = arith.muli %min3A_124, %mul3A_125 : i32
          %multiple_of3A = tpu.assume_multiple %mul3A_126, 128 : i32
          %dma_start3A = arith.constant 0 : i32
          %dma_start3A_127 = arith.constant 0 : i32
          %dma_start3A_128 = tpu.memref_slice %arg7[%select_n3A_72, %dma_start3A, %dma_start3A_127] : memref<3x64x512xf32, #tpu.memory_space<vmem>> -> memref<1x64x512xf32, #tpu.memory_space<vmem>>
          %dma_start3A_129 = tpu.memref_squeeze %dma_start3A_128 : memref<1x64x512xf32, #tpu.memory_space<vmem>> -> memref<64x512xf32, #tpu.memory_space<vmem>>
          %dma_start3A_130 = arith.constant 0 : i32
          %dma_start3A_131 = tpu.memref_slice %arg3[%dma_start3A_130, %multiple_of3A] : memref<64x1000000xf32, #tpu.memory_space<hbm>> -> memref<64x512xf32, #tpu.memory_space<hbm>>
          %dma_start3A_132 = arith.constant 0 : i32
          %dma_start3A_133 = arith.constant 0 : i32
          %dma_start3A_134 = tpu.memref_slice %arg7[%select_n3A_72, %dma_start3A_132, %dma_start3A_133] : memref<3x64x512xf32, #tpu.memory_space<vmem>> -> memref<1x64x512xf32, #tpu.memory_space<vmem>>
          %dma_start3A_135 = tpu.memref_squeeze %dma_start3A_134 : memref<1x64x512xf32, #tpu.memory_space<vmem>> -> memref<64x512xf32, #tpu.memory_space<vmem>>
          %dma_start3A_136 = arith.constant 0 : i32
          %dma_start3A_137 = tpu.memref_slice %arg3[%dma_start3A_136, %multiple_of3A] : memref<64x1000000xf32, #tpu.memory_space<hbm>> -> memref<64x512xf32, #tpu.memory_space<hbm>>
          tpu.enqueue_dma source(%dma_start3A_137 : memref<64x512xf32, #tpu.memory_space<hbm>>) target(%dma_start3A_135 : memref<64x512xf32, #tpu.memory_space<vmem>>) target_semaphore(%arg12 : memref<!tpu.dma_semaphore, #tpu.memory_space<semaphore_mem>>)
          %cond3A_138 = arith.constant 0 : i32
          scf.yield %cond3A_138 : i32
        }
      } else {
      }
      %mul3A_79 = arith.constant 32 : i32
      %mul3A_80 = arith.muli %mul3A_79, %while3A_64 : i32
      %add3A_81 = arith.addi %add3A, %mul3A_80 : i32
      %eq3A_82 = arith.constant 1953 : i32
      %eq3A_83 = arith.cmpi eq, %add3A_81, %eq3A_82 : i32
      %convert_element_type3A_84 = arith.extui %eq3A_83 : i1 to i32
      %cond3A_85 = arith.constant 0 : i32
      %cond3A_86 = arith.cmpi ne, %convert_element_type3A_84, %cond3A_85 : i32
      %cond3A_87 = scf.if %cond3A_86 -> (i32) {
        %dma_wait3A = arith.constant 0 : i32
        %dma_wait3A_113 = arith.constant 0 : i32
        %dma_wait3A_114 = arith.constant 0 : i32
        %dma_wait3A_115 = tpu.memref_slice %arg7[%dma_wait3A, %dma_wait3A_113, %dma_wait3A_114] : memref<3x64x512xf32, #tpu.memory_space<vmem>> -> memref<1x64x512xf32, #tpu.memory_space<vmem>>
        %dma_wait3A_116 = tpu.memref_squeeze %dma_wait3A_115 : memref<1x64x512xf32, #tpu.memory_space<vmem>> -> memref<64x512xf32, #tpu.memory_space<vmem>>
        %dma_wait3A_117 = arith.constant 0 : i32
        %dma_wait3A_118 = arith.constant 0 : i32
        %dma_wait3A_119 = tpu.memref_slice %dma_wait3A_116[%dma_wait3A_117, %dma_wait3A_118] : memref<64x512xf32, #tpu.memory_space<vmem>> -> memref<64x128xf32, #tpu.memory_space<vmem>>
        %dma_wait3A_120 = arith.constant 0 : i32
        %dma_wait3A_121 = arith.constant 0 : i32
        %dma_wait3A_122 = tpu.memref_slice %arg3[%dma_wait3A_120, %dma_wait3A_121] : memref<64x1000000xf32, #tpu.memory_space<hbm>> -> memref<64x128xf32, #tpu.memory_space<hbm>>
        %dma_wait3A_123 = arith.constant 0 : i32
        %dma_wait3A_124 = arith.constant 0 : i32
        %dma_wait3A_125 = tpu.memref_slice %arg7[%dma_wait3A, %dma_wait3A_123, %dma_wait3A_124] : memref<3x64x512xf32, #tpu.memory_space<vmem>> -> memref<1x64x512xf32, #tpu.memory_space<vmem>>
        %dma_wait3A_126 = tpu.memref_squeeze %dma_wait3A_125 : memref<1x64x512xf32, #tpu.memory_space<vmem>> -> memref<64x512xf32, #tpu.memory_space<vmem>>
        %dma_wait3A_127 = arith.constant 0 : i32
        %dma_wait3A_128 = arith.constant 0 : i32
        %dma_wait3A_129 = tpu.memref_slice %dma_wait3A_126[%dma_wait3A_127, %dma_wait3A_128] : memref<64x512xf32, #tpu.memory_space<vmem>> -> memref<64x128xf32, #tpu.memory_space<vmem>>
        %dma_wait3A_130 = arith.constant 0 : i32
        %dma_wait3A_131 = arith.constant 0 : i32
        %dma_wait3A_132 = tpu.memref_slice %arg3[%dma_wait3A_130, %dma_wait3A_131] : memref<64x1000000xf32, #tpu.memory_space<hbm>> -> memref<64x128xf32, #tpu.memory_space<hbm>>
        tpu.wait_dma2 semaphore(%arg12 : memref<!tpu.dma_semaphore, #tpu.memory_space<semaphore_mem>>) src(%dma_wait3A_132 : memref<64x128xf32, #tpu.memory_space<hbm>>) dst(%dma_wait3A_129 : memref<64x128xf32, #tpu.memory_space<vmem>>)
        %cond3A_133 = arith.constant 0 : i32
        scf.yield %cond3A_133 : i32
      } else {
        %dma_wait3A = arith.constant 0 : i32
        %dma_wait3A_113 = arith.constant 0 : i32
        %dma_wait3A_114 = arith.constant 0 : i32
        %dma_wait3A_115 = tpu.memref_slice %arg7[%dma_wait3A, %dma_wait3A_113, %dma_wait3A_114] : memref<3x64x512xf32, #tpu.memory_space<vmem>> -> memref<1x64x512xf32, #tpu.memory_space<vmem>>
        %dma_wait3A_116 = tpu.memref_squeeze %dma_wait3A_115 : memref<1x64x512xf32, #tpu.memory_space<vmem>> -> memref<64x512xf32, #tpu.memory_space<vmem>>
        %dma_wait3A_117 = arith.constant 0 : i32
        %dma_wait3A_118 = arith.constant 0 : i32
        %dma_wait3A_119 = tpu.memref_slice %arg3[%dma_wait3A_117, %dma_wait3A_118] : memref<64x1000000xf32, #tpu.memory_space<hbm>> -> memref<64x512xf32, #tpu.memory_space<hbm>>
        %dma_wait3A_120 = arith.constant 0 : i32
        %dma_wait3A_121 = arith.constant 0 : i32
        %dma_wait3A_122 = tpu.memref_slice %arg7[%dma_wait3A, %dma_wait3A_120, %dma_wait3A_121] : memref<3x64x512xf32, #tpu.memory_space<vmem>> -> memref<1x64x512xf32, #tpu.memory_space<vmem>>
        %dma_wait3A_123 = tpu.memref_squeeze %dma_wait3A_122 : memref<1x64x512xf32, #tpu.memory_space<vmem>> -> memref<64x512xf32, #tpu.memory_space<vmem>>
        %dma_wait3A_124 = arith.constant 0 : i32
        %dma_wait3A_125 = arith.constant 0 : i32
        %dma_wait3A_126 = tpu.memref_slice %arg3[%dma_wait3A_124, %dma_wait3A_125] : memref<64x1000000xf32, #tpu.memory_space<hbm>> -> memref<64x512xf32, #tpu.memory_space<hbm>>
        tpu.wait_dma2 semaphore(%arg12 : memref<!tpu.dma_semaphore, #tpu.memory_space<semaphore_mem>>) src(%dma_wait3A_126 : memref<64x512xf32, #tpu.memory_space<hbm>>) dst(%dma_wait3A_123 : memref<64x512xf32, #tpu.memory_space<vmem>>)
        %cond3A_127 = arith.constant 0 : i32
        scf.yield %cond3A_127 : i32
      }
      %broadcast_in_dim3A_88 = vector.broadcast %while3A_66 : i32 to vector<16xi32>
      %while3A_89 = arith.constant 0 : i32
      %while3A_90 = arith.constant 0 : i32
      %while3A_91 = arith.subi %shift_right_logical3A_46, %while3A_89 : i32
      %while3A_92 = arith.addi %while3A_89, %while3A_91 : i32
      %while3A_93 = arith.constant 1 : i32
      %while3A_94 = arith.divsi %while3A_91, %while3A_93 : i32
      %while3A_95 = arith.muli %while3A_94, %while3A_93 : i32
      %while3A_96 = arith.addi %while3A_89, %while3A_95 : i32
      %while3A_97 = arith.constant 1 : i32
      %while3A_98:2 = scf.for %while3A_113 = %while3A_89 to %while3A_96 step %while3A_97 iter_args(%while3A_114 = %while3A_90, %while3A_115 = %while3A_65) -> (i32, i32)  : i32 {
        %mul3A_116 = arith.constant 16 : i32
        %mul3A_117 = arith.muli %while3A_113, %mul3A_116 : i32
        %multiple_of3A = tpu.assume_multiple %mul3A_117, 16 : i32
        %get3A = arith.index_cast %multiple_of3A : i32 to index
        %get3A_118 = tpu.vector_load %arg6[%get3A] {strides = array<i32>} : memref<16384xi32, #tpu.memory_space<vmem>>, vector<16xi32>,
        %shift_right_logical3A_119 = arith.constant 24 : i32
        %shift_right_logical3A_120 = vector.broadcast %shift_right_logical3A_119 : i32 to vector<16xi32>
        %shift_right_logical3A_121 = arith.shrui %get3A_118, %shift_right_logical3A_120 : vector<16xi32>
        %eq3A_122 = vector.broadcast %while3A_64 : i32 to vector<16xi32>
        %eq3A_123 = arith.cmpi eq, %shift_right_logical3A_121, %eq3A_122 : vector<16xi32>
        %mul3A_124 = arith.constant 16 : i32
        %mul3A_125 = arith.muli %while3A_113, %mul3A_124 : i32
        %add3A_126 = vector.broadcast %mul3A_125 : i32 to vector<16xi32>
        %add3A_127 = arith.addi %add3A_126, %iota3A : vector<16xi32>
        %lt3A_128 = vector.broadcast %scan3A_41 : i32 to vector<16xi32>
        %lt3A_129 = arith.cmpi slt, %add3A_127, %lt3A_128 : vector<16xi32>
        %and3A = arith.andi %eq3A_123, %lt3A_129 : vector<16xi1>
        %convert_element_type3A_130 = arith.extui %and3A : vector<16xi1> to vector<16xi32>
        %broadcast_in_dim3A_131 = arith.constant true
        %broadcast_in_dim3A_132 = vector.broadcast %broadcast_in_dim3A_131 : i1 to vector<16xi1>
        %masked_cumsum3A = tpu.scan <sum>, %convert_element_type3A_130 masked %broadcast_in_dim3A_132 : vector<16xi32>, vector<16xi1> -> vector<16xi32>
        %sub3A_133 = arith.subi %masked_cumsum3A, %convert_element_type3A_130 : vector<16xi32>
        %add3A_134 = vector.broadcast %while3A_114 : i32 to vector<16xi32>
        %add3A_135 = arith.addi %add3A_134, %sub3A_133 : vector<16xi32>
        %shift_right_logical3A_136 = arith.constant 14 : i32
        %shift_right_logical3A_137 = vector.broadcast %shift_right_logical3A_136 : i32 to vector<16xi32>
        %shift_right_logical3A_138 = arith.shrui %get3A_118, %shift_right_logical3A_137 : vector<16xi32>
        %and3A_139 = arith.constant 1023 : i32
        %and3A_140 = vector.broadcast %and3A_139 : i32 to vector<16xi32>
        %and3A_141 = arith.andi %shift_right_logical3A_138, %and3A_140 : vector<16xi32>
        tpu.vector_store_idx %arg8[%add3A_135], %and3A_141 masked %and3A : memref<32xi32, #tpu.memory_space<vmem>>[vector<16xi32>], vector<16xi32>, vector<16xi1>
        %and3A_142 = arith.constant 16383 : i32
        %and3A_143 = vector.broadcast %and3A_142 : i32 to vector<16xi32>
        %and3A_144 = arith.andi %get3A_118, %and3A_143 : vector<16xi32>
        tpu.vector_store_idx %arg9[%add3A_135], %and3A_144 masked %and3A : memref<32xi32, #tpu.memory_space<vmem>>[vector<16xi32>], vector<16xi32>, vector<16xi1>
        %reduce_sum3A = arith.constant true
        %reduce_sum3A_145 = vector.broadcast %reduce_sum3A : i1 to vector<16xi1>
        %reduce_sum3A_146 = tpu.scan <sum>, %convert_element_type3A_130 masked %reduce_sum3A_145 : vector<16xi32>, vector<16xi1> -> vector<16xi32>
        %reduce_sum3A_147 = vector.extract %reduce_sum3A_146[15] : i32 from vector<16xi32>
        %add3A_148 = arith.addi %while3A_114, %reduce_sum3A_147 : i32
        %ge3A = arith.constant 16 : i32
        %ge3A_149 = arith.cmpi sge, %add3A_148, %ge3A : i32
        %convert_element_type3A_150 = arith.extui %ge3A_149 : i1 to i32
        %cond3A_151 = arith.constant 0 : i32
        %cond3A_152 = arith.cmpi ne, %convert_element_type3A_150, %cond3A_151 : i32
        %cond3A_153 = scf.if %cond3A_152 -> (i32) {
          %get3A_160 = arith.constant 0 : index
          %get3A_161 = tpu.vector_load %arg8[%get3A_160] {strides = array<i32>} : memref<32xi32, #tpu.memory_space<vmem>>, vector<16xi32>,
          %get3A_162 = arith.constant 0 : index
          %get3A_163 = tpu.vector_load %arg9[%get3A_162] {strides = array<i32>} : memref<32xi32, #tpu.memory_space<vmem>>, vector<16xi32>,
          %lt3A_164 = arith.constant 16 : i32
          %lt3A_165 = vector.broadcast %lt3A_164 : i32 to vector<16xi32>
          %lt3A_166 = arith.cmpi slt, %iota3A, %lt3A_165 : vector<16xi32>
          %add3A_167 = vector.broadcast %while3A_115 : i32 to vector<16xi32>
          %add3A_168 = arith.addi %add3A_167, %iota3A : vector<16xi32>
          %broadcast_in_dim3A_169 = arith.constant 0 : i32
          %broadcast_in_dim3A_170 = vector.broadcast %broadcast_in_dim3A_169 : i32 to vector<16xi32>
          %gather3A = tpu.vector_load_idx %arg7[%broadcast_in_dim3A_88, %broadcast_in_dim3A_170, %get3A_161] : memref<3x64x512xf32, #tpu.memory_space<vmem>>[vector<16xi32>, vector<16xi32>, vector<16xi32>], vector<16xf32>,
          tpu.vector_store_idx %arg10[%add3A_168, %broadcast_in_dim3A_170], %gather3A masked %lt3A_166 : memref<64x128xf32, #tpu.memory_space<vmem>>[vector<16xi32>, vector<16xi32>], vector<16xf32>, vector<16xi1>
          %broadcast_in_dim3A_171 = arith.constant 1 : i32
          %broadcast_in_dim3A_172 = vector.broadcast %broadcast_in_dim3A_171 : i32 to vector<16xi32>
          %gather3A_173 = tpu.vector_load_idx %arg7[%broadcast_in_dim3A_88, %broadcast_in_dim3A_172, %get3A_161] : memref<3x64x512xf32, #tpu.memory_space<vmem>>[vector<16xi32>, vector<16xi32>, vector<16xi32>], vector<16xf32>,
          tpu.vector_store_idx %arg10[%add3A_168, %broadcast_in_dim3A_172], %gather3A_173 masked %lt3A_166 : memref<64x128xf32, #tpu.memory_space<vmem>>[vector<16xi32>, vector<16xi32>], vector<16xf32>, vector<16xi1>
          %broadcast_in_dim3A_174 = arith.constant 2 : i32
          %broadcast_in_dim3A_175 = vector.broadcast %broadcast_in_dim3A_174 : i32 to vector<16xi32>
          %gather3A_176 = tpu.vector_load_idx %arg7[%broadcast_in_dim3A_88, %broadcast_in_dim3A_175, %get3A_161] : memref<3x64x512xf32, #tpu.memory_space<vmem>>[vector<16xi32>, vector<16xi32>, vector<16xi32>], vector<16xf32>,
          tpu.vector_store_idx %arg10[%add3A_168, %broadcast_in_dim3A_175], %gather3A_176 masked %lt3A_166 : memref<64x128xf32, #tpu.memory_space<vmem>>[vector<16xi32>, vector<16xi32>], vector<16xf32>, vector<16xi1>
          %broadcast_in_dim3A_177 = arith.constant 3 : i32
          %broadcast_in_dim3A_178 = vector.broadcast %broadcast_in_dim3A_177 : i32 to vector<16xi32>
          %gather3A_179 = tpu.vector_load_idx %arg7[%broadcast_in_dim3A_88, %broadcast_in_dim3A_178, %get3A_161] : memref<3x64x512xf32, #tpu.memory_space<vmem>>[vector<16xi32>, vector<16xi32>, vector<16xi32>], vector<16xf32>,
          tpu.vector_store_idx %arg10[%add3A_168, %broadcast_in_dim3A_178], %gather3A_179 masked %lt3A_166 : memref<64x128xf32, #tpu.memory_space<vmem>>[vector<16xi32>, vector<16xi32>], vector<16xf32>, vector<16xi1>
          %broadcast_in_dim3A_180 = arith.constant 4 : i32
          %broadcast_in_dim3A_181 = vector.broadcast %broadcast_in_dim3A_180 : i32 to vector<16xi32>
          %gather3A_182 = tpu.vector_load_idx %arg7[%broadcast_in_dim3A_88, %broadcast_in_dim3A_181, %get3A_161] : memref<3x64x512xf32, #tpu.memory_space<vmem>>[vector<16xi32>, vector<16xi32>, vector<16xi32>], vector<16xf32>,
          tpu.vector_store_idx %arg10[%add3A_168, %broadcast_in_dim3A_181], %gather3A_182 masked %lt3A_166 : memref<64x128xf32, #tpu.memory_space<vmem>>[vector<16xi32>, vector<16xi32>], vector<16xf32>, vector<16xi1>
          %broadcast_in_dim3A_183 = arith.constant 5 : i32
          %broadcast_in_dim3A_184 = vector.broadcast %broadcast_in_dim3A_183 : i32 to vector<16xi32>
          %gather3A_185 = tpu.vector_load_idx %arg7[%broadcast_in_dim3A_88, %broadcast_in_dim3A_184, %get3A_161] : memref<3x64x512xf32, #tpu.memory_space<vmem>>[vector<16xi32>, vector<16xi32>, vector<16xi32>], vector<16xf32>,
          tpu.vector_store_idx %arg10[%add3A_168, %broadcast_in_dim3A_184], %gather3A_185 masked %lt3A_166 : memref<64x128xf32, #tpu.memory_space<vmem>>[vector<16xi32>, vector<16xi32>], vector<16xf32>, vector<16xi1>
          %broadcast_in_dim3A_186 = arith.constant 6 : i32
          %broadcast_in_dim3A_187 = vector.broadcast %broadcast_in_dim3A_186 : i32 to vector<16xi32>
          %gather3A_188 = tpu.vector_load_idx %arg7[%broadcast_in_dim3A_88, %broadcast_in_dim3A_187, %get3A_161] : memref<3x64x512xf32, #tpu.memory_space<vmem>>[vector<16xi32>, vector<16xi32>, vector<16xi32>], vector<16xf32>,
          tpu.vector_store_idx %arg10[%add3A_168, %broadcast_in_dim3A_187], %gather3A_188 masked %lt3A_166 : memref<64x128xf32, #tpu.memory_space<vmem>>[vector<16xi32>, vector<16xi32>], vector<16xf32>, vector<16xi1>
          %broadcast_in_dim3A_189 = arith.constant 7 : i32
          %broadcast_in_dim3A_190 = vector.broadcast %broadcast_in_dim3A_189 : i32 to vector<16xi32>
          %gather3A_191 = tpu.vector_load_idx %arg7[%broadcast_in_dim3A_88, %broadcast_in_dim3A_190, %get3A_161] : memref<3x64x512xf32, #tpu.memory_space<vmem>>[vector<16xi32>, vector<16xi32>, vector<16xi32>], vector<16xf32>,
          tpu.vector_store_idx %arg10[%add3A_168, %broadcast_in_dim3A_190], %gather3A_191 masked %lt3A_166 : memref<64x128xf32, #tpu.memory_space<vmem>>[vector<16xi32>, vector<16xi32>], vector<16xf32>, vector<16xi1>
          %broadcast_in_dim3A_192 = arith.constant 8 : i32
          %broadcast_in_dim3A_193 = vector.broadcast %broadcast_in_dim3A_192 : i32 to vector<16xi32>
          %gather3A_194 = tpu.vector_load_idx %arg7[%broadcast_in_dim3A_88, %broadcast_in_dim3A_193, %get3A_161] : memref<3x64x512xf32, #tpu.memory_space<vmem>>[vector<16xi32>, vector<16xi32>, vector<16xi32>], vector<16xf32>,
          tpu.vector_store_idx %arg10[%add3A_168, %broadcast_in_dim3A_193], %gather3A_194 masked %lt3A_166 : memref<64x128xf32, #tpu.memory_space<vmem>>[vector<16xi32>, vector<16xi32>], vector<16xf32>, vector<16xi1>
          %broadcast_in_dim3A_195 = arith.constant 9 : i32
          %broadcast_in_dim3A_196 = vector.broadcast %broadcast_in_dim3A_195 : i32 to vector<16xi32>
          %gather3A_197 = tpu.vector_load_idx %arg7[%broadcast_in_dim3A_88, %broadcast_in_dim3A_196, %get3A_161] : memref<3x64x512xf32, #tpu.memory_space<vmem>>[vector<16xi32>, vector<16xi32>, vector<16xi32>], vector<16xf32>,
          tpu.vector_store_idx %arg10[%add3A_168, %broadcast_in_dim3A_196], %gather3A_197 masked %lt3A_166 : memref<64x128xf32, #tpu.memory_space<vmem>>[vector<16xi32>, vector<16xi32>], vector<16xf32>, vector<16xi1>
          %broadcast_in_dim3A_198 = arith.constant 10 : i32
          %broadcast_in_dim3A_199 = vector.broadcast %broadcast_in_dim3A_198 : i32 to vector<16xi32>
          %gather3A_200 = tpu.vector_load_idx %arg7[%broadcast_in_dim3A_88, %broadcast_in_dim3A_199, %get3A_161] : memref<3x64x512xf32, #tpu.memory_space<vmem>>[vector<16xi32>, vector<16xi32>, vector<16xi32>], vector<16xf32>,
          tpu.vector_store_idx %arg10[%add3A_168, %broadcast_in_dim3A_199], %gather3A_200 masked %lt3A_166 : memref<64x128xf32, #tpu.memory_space<vmem>>[vector<16xi32>, vector<16xi32>], vector<16xf32>, vector<16xi1>
          %broadcast_in_dim3A_201 = arith.constant 11 : i32
          %broadcast_in_dim3A_202 = vector.broadcast %broadcast_in_dim3A_201 : i32 to vector<16xi32>
          %gather3A_203 = tpu.vector_load_idx %arg7[%broadcast_in_dim3A_88, %broadcast_in_dim3A_202, %get3A_161] : memref<3x64x512xf32, #tpu.memory_space<vmem>>[vector<16xi32>, vector<16xi32>, vector<16xi32>], vector<16xf32>,
          tpu.vector_store_idx %arg10[%add3A_168, %broadcast_in_dim3A_202], %gather3A_203 masked %lt3A_166 : memref<64x128xf32, #tpu.memory_space<vmem>>[vector<16xi32>, vector<16xi32>], vector<16xf32>, vector<16xi1>
          %broadcast_in_dim3A_204 = arith.constant 12 : i32
          %broadcast_in_dim3A_205 = vector.broadcast %broadcast_in_dim3A_204 : i32 to vector<16xi32>
          %gather3A_206 = tpu.vector_load_idx %arg7[%broadcast_in_dim3A_88, %broadcast_in_dim3A_205, %get3A_161] : memref<3x64x512xf32, #tpu.memory_space<vmem>>[vector<16xi32>, vector<16xi32>, vector<16xi32>], vector<16xf32>,
          tpu.vector_store_idx %arg10[%add3A_168, %broadcast_in_dim3A_205], %gather3A_206 masked %lt3A_166 : memref<64x128xf32, #tpu.memory_space<vmem>>[vector<16xi32>, vector<16xi32>], vector<16xf32>, vector<16xi1>
          %broadcast_in_dim3A_207 = arith.constant 13 : i32
          %broadcast_in_dim3A_208 = vector.broadcast %broadcast_in_dim3A_207 : i32 to vector<16xi32>
          %gather3A_209 = tpu.vector_load_idx %arg7[%broadcast_in_dim3A_88, %broadcast_in_dim3A_208, %get3A_161] : memref<3x64x512xf32, #tpu.memory_space<vmem>>[vector<16xi32>, vector<16xi32>, vector<16xi32>], vector<16xf32>,
          tpu.vector_store_idx %arg10[%add3A_168, %broadcast_in_dim3A_208], %gather3A_209 masked %lt3A_166 : memref<64x128xf32, #tpu.memory_space<vmem>>[vector<16xi32>, vector<16xi32>], vector<16xf32>, vector<16xi1>
          %broadcast_in_dim3A_210 = arith.constant 14 : i32
          %broadcast_in_dim3A_211 = vector.broadcast %broadcast_in_dim3A_210 : i32 to vector<16xi32>
          %gather3A_212 = tpu.vector_load_idx %arg7[%broadcast_in_dim3A_88, %broadcast_in_dim3A_211, %get3A_161] : memref<3x64x512xf32, #tpu.memory_space<vmem>>[vector<16xi32>, vector<16xi32>, vector<16xi32>], vector<16xf32>,
          tpu.vector_store_idx %arg10[%add3A_168, %broadcast_in_dim3A_211], %gather3A_212 masked %lt3A_166 : memref<64x128xf32, #tpu.memory_space<vmem>>[vector<16xi32>, vector<16xi32>], vector<16xf32>, vector<16xi1>
          %broadcast_in_dim3A_213 = arith.constant 15 : i32
          %broadcast_in_dim3A_214 = vector.broadcast %broadcast_in_dim3A_213 : i32 to vector<16xi32>
          %gather3A_215 = tpu.vector_load_idx %arg7[%broadcast_in_dim3A_88, %broadcast_in_dim3A_214, %get3A_161] : memref<3x64x512xf32, #tpu.memory_space<vmem>>[vector<16xi32>, vector<16xi32>, vector<16xi32>], vector<16xf32>,
          tpu.vector_store_idx %arg10[%add3A_168, %broadcast_in_dim3A_214], %gather3A_215 masked %lt3A_166 : memref<64x128xf32, #tpu.memory_space<vmem>>[vector<16xi32>, vector<16xi32>], vector<16xf32>, vector<16xi1>
          %broadcast_in_dim3A_216 = arith.constant 16 : i32
          %broadcast_in_dim3A_217 = vector.broadcast %broadcast_in_dim3A_216 : i32 to vector<16xi32>
          %gather3A_218 = tpu.vector_load_idx %arg7[%broadcast_in_dim3A_88, %broadcast_in_dim3A_217, %get3A_161] : memref<3x64x512xf32, #tpu.memory_space<vmem>>[vector<16xi32>, vector<16xi32>, vector<16xi32>], vector<16xf32>,
          tpu.vector_store_idx %arg10[%add3A_168, %broadcast_in_dim3A_217], %gather3A_218 masked %lt3A_166 : memref<64x128xf32, #tpu.memory_space<vmem>>[vector<16xi32>, vector<16xi32>], vector<16xf32>, vector<16xi1>
          %broadcast_in_dim3A_219 = arith.constant 17 : i32
          %broadcast_in_dim3A_220 = vector.broadcast %broadcast_in_dim3A_219 : i32 to vector<16xi32>
          %gather3A_221 = tpu.vector_load_idx %arg7[%broadcast_in_dim3A_88, %broadcast_in_dim3A_220, %get3A_161] : memref<3x64x512xf32, #tpu.memory_space<vmem>>[vector<16xi32>, vector<16xi32>, vector<16xi32>], vector<16xf32>,
          tpu.vector_store_idx %arg10[%add3A_168, %broadcast_in_dim3A_220], %gather3A_221 masked %lt3A_166 : memref<64x128xf32, #tpu.memory_space<vmem>>[vector<16xi32>, vector<16xi32>], vector<16xf32>, vector<16xi1>
          %broadcast_in_dim3A_222 = arith.constant 18 : i32
          %broadcast_in_dim3A_223 = vector.broadcast %broadcast_in_dim3A_222 : i32 to vector<16xi32>
          %gather3A_224 = tpu.vector_load_idx %arg7[%broadcast_in_dim3A_88, %broadcast_in_dim3A_223, %get3A_161] : memref<3x64x512xf32, #tpu.memory_space<vmem>>[vector<16xi32>, vector<16xi32>, vector<16xi32>], vector<16xf32>,
          tpu.vector_store_idx %arg10[%add3A_168, %broadcast_in_dim3A_223], %gather3A_224 masked %lt3A_166 : memref<64x128xf32, #tpu.memory_space<vmem>>[vector<16xi32>, vector<16xi32>], vector<16xf32>, vector<16xi1>
          %broadcast_in_dim3A_225 = arith.constant 19 : i32
          %broadcast_in_dim3A_226 = vector.broadcast %broadcast_in_dim3A_225 : i32 to vector<16xi32>
          %gather3A_227 = tpu.vector_load_idx %arg7[%broadcast_in_dim3A_88, %broadcast_in_dim3A_226, %get3A_161] : memref<3x64x512xf32, #tpu.memory_space<vmem>>[vector<16xi32>, vector<16xi32>, vector<16xi32>], vector<16xf32>,
          tpu.vector_store_idx %arg10[%add3A_168, %broadcast_in_dim3A_226], %gather3A_227 masked %lt3A_166 : memref<64x128xf32, #tpu.memory_space<vmem>>[vector<16xi32>, vector<16xi32>], vector<16xf32>, vector<16xi1>
          %broadcast_in_dim3A_228 = arith.constant 20 : i32
          %broadcast_in_dim3A_229 = vector.broadcast %broadcast_in_dim3A_228 : i32 to vector<16xi32>
          %gather3A_230 = tpu.vector_load_idx %arg7[%broadcast_in_dim3A_88, %broadcast_in_dim3A_229, %get3A_161] : memref<3x64x512xf32, #tpu.memory_space<vmem>>[vector<16xi32>, vector<16xi32>, vector<16xi32>], vector<16xf32>,
          tpu.vector_store_idx %arg10[%add3A_168, %broadcast_in_dim3A_229], %gather3A_230 masked %lt3A_166 : memref<64x128xf32, #tpu.memory_space<vmem>>[vector<16xi32>, vector<16xi32>], vector<16xf32>, vector<16xi1>
          %broadcast_in_dim3A_231 = arith.constant 21 : i32
          %broadcast_in_dim3A_232 = vector.broadcast %broadcast_in_dim3A_231 : i32 to vector<16xi32>
          %gather3A_233 = tpu.vector_load_idx %arg7[%broadcast_in_dim3A_88, %broadcast_in_dim3A_232, %get3A_161] : memref<3x64x512xf32, #tpu.memory_space<vmem>>[vector<16xi32>, vector<16xi32>, vector<16xi32>], vector<16xf32>,
          tpu.vector_store_idx %arg10[%add3A_168, %broadcast_in_dim3A_232], %gather3A_233 masked %lt3A_166 : memref<64x128xf32, #tpu.memory_space<vmem>>[vector<16xi32>, vector<16xi32>], vector<16xf32>, vector<16xi1>
          %broadcast_in_dim3A_234 = arith.constant 22 : i32
          %broadcast_in_dim3A_235 = vector.broadcast %broadcast_in_dim3A_234 : i32 to vector<16xi32>
          %gather3A_236 = tpu.vector_load_idx %arg7[%broadcast_in_dim3A_88, %broadcast_in_dim3A_235, %get3A_161] : memref<3x64x512xf32, #tpu.memory_space<vmem>>[vector<16xi32>, vector<16xi32>, vector<16xi32>], vector<16xf32>,
          tpu.vector_store_idx %arg10[%add3A_168, %broadcast_in_dim3A_235], %gather3A_236 masked %lt3A_166 : memref<64x128xf32, #tpu.memory_space<vmem>>[vector<16xi32>, vector<16xi32>], vector<16xf32>, vector<16xi1>
          %broadcast_in_dim3A_237 = arith.constant 23 : i32
          %broadcast_in_dim3A_238 = vector.broadcast %broadcast_in_dim3A_237 : i32 to vector<16xi32>
          %gather3A_239 = tpu.vector_load_idx %arg7[%broadcast_in_dim3A_88, %broadcast_in_dim3A_238, %get3A_161] : memref<3x64x512xf32, #tpu.memory_space<vmem>>[vector<16xi32>, vector<16xi32>, vector<16xi32>], vector<16xf32>,
          tpu.vector_store_idx %arg10[%add3A_168, %broadcast_in_dim3A_238], %gather3A_239 masked %lt3A_166 : memref<64x128xf32, #tpu.memory_space<vmem>>[vector<16xi32>, vector<16xi32>], vector<16xf32>, vector<16xi1>
          %broadcast_in_dim3A_240 = arith.constant 24 : i32
          %broadcast_in_dim3A_241 = vector.broadcast %broadcast_in_dim3A_240 : i32 to vector<16xi32>
          %gather3A_242 = tpu.vector_load_idx %arg7[%broadcast_in_dim3A_88, %broadcast_in_dim3A_241, %get3A_161] : memref<3x64x512xf32, #tpu.memory_space<vmem>>[vector<16xi32>, vector<16xi32>, vector<16xi32>], vector<16xf32>,
          tpu.vector_store_idx %arg10[%add3A_168, %broadcast_in_dim3A_241], %gather3A_242 masked %lt3A_166 : memref<64x128xf32, #tpu.memory_space<vmem>>[vector<16xi32>, vector<16xi32>], vector<16xf32>, vector<16xi1>
          %broadcast_in_dim3A_243 = arith.constant 25 : i32
          %broadcast_in_dim3A_244 = vector.broadcast %broadcast_in_dim3A_243 : i32 to vector<16xi32>
          %gather3A_245 = tpu.vector_load_idx %arg7[%broadcast_in_dim3A_88, %broadcast_in_dim3A_244, %get3A_161] : memref<3x64x512xf32, #tpu.memory_space<vmem>>[vector<16xi32>, vector<16xi32>, vector<16xi32>], vector<16xf32>,
          tpu.vector_store_idx %arg10[%add3A_168, %broadcast_in_dim3A_244], %gather3A_245 masked %lt3A_166 : memref<64x128xf32, #tpu.memory_space<vmem>>[vector<16xi32>, vector<16xi32>], vector<16xf32>, vector<16xi1>
          %broadcast_in_dim3A_246 = arith.constant 26 : i32
          %broadcast_in_dim3A_247 = vector.broadcast %broadcast_in_dim3A_246 : i32 to vector<16xi32>
          %gather3A_248 = tpu.vector_load_idx %arg7[%broadcast_in_dim3A_88, %broadcast_in_dim3A_247, %get3A_161] : memref<3x64x512xf32, #tpu.memory_space<vmem>>[vector<16xi32>, vector<16xi32>, vector<16xi32>], vector<16xf32>,
          tpu.vector_store_idx %arg10[%add3A_168, %broadcast_in_dim3A_247], %gather3A_248 masked %lt3A_166 : memref<64x128xf32, #tpu.memory_space<vmem>>[vector<16xi32>, vector<16xi32>], vector<16xf32>, vector<16xi1>
          %broadcast_in_dim3A_249 = arith.constant 27 : i32
          %broadcast_in_dim3A_250 = vector.broadcast %broadcast_in_dim3A_249 : i32 to vector<16xi32>
          %gather3A_251 = tpu.vector_load_idx %arg7[%broadcast_in_dim3A_88, %broadcast_in_dim3A_250, %get3A_161] : memref<3x64x512xf32, #tpu.memory_space<vmem>>[vector<16xi32>, vector<16xi32>, vector<16xi32>], vector<16xf32>,
          tpu.vector_store_idx %arg10[%add3A_168, %broadcast_in_dim3A_250], %gather3A_251 masked %lt3A_166 : memref<64x128xf32, #tpu.memory_space<vmem>>[vector<16xi32>, vector<16xi32>], vector<16xf32>, vector<16xi1>
          %broadcast_in_dim3A_252 = arith.constant 28 : i32
          %broadcast_in_dim3A_253 = vector.broadcast %broadcast_in_dim3A_252 : i32 to vector<16xi32>
          %gather3A_254 = tpu.vector_load_idx %arg7[%broadcast_in_dim3A_88, %broadcast_in_dim3A_253, %get3A_161] : memref<3x64x512xf32, #tpu.memory_space<vmem>>[vector<16xi32>, vector<16xi32>, vector<16xi32>], vector<16xf32>,
          tpu.vector_store_idx %arg10[%add3A_168, %broadcast_in_dim3A_253], %gather3A_254 masked %lt3A_166 : memref<64x128xf32, #tpu.memory_space<vmem>>[vector<16xi32>, vector<16xi32>], vector<16xf32>, vector<16xi1>
          %broadcast_in_dim3A_255 = arith.constant 29 : i32
          %broadcast_in_dim3A_256 = vector.broadcast %broadcast_in_dim3A_255 : i32 to vector<16xi32>
          %gather3A_257 = tpu.vector_load_idx %arg7[%broadcast_in_dim3A_88, %broadcast_in_dim3A_256, %get3A_161] : memref<3x64x512xf32, #tpu.memory_space<vmem>>[vector<16xi32>, vector<16xi32>, vector<16xi32>], vector<16xf32>,
          tpu.vector_store_idx %arg10[%add3A_168, %broadcast_in_dim3A_256], %gather3A_257 masked %lt3A_166 : memref<64x128xf32, #tpu.memory_space<vmem>>[vector<16xi32>, vector<16xi32>], vector<16xf32>, vector<16xi1>
          %broadcast_in_dim3A_258 = arith.constant 30 : i32
          %broadcast_in_dim3A_259 = vector.broadcast %broadcast_in_dim3A_258 : i32 to vector<16xi32>
          %gather3A_260 = tpu.vector_load_idx %arg7[%broadcast_in_dim3A_88, %broadcast_in_dim3A_259, %get3A_161] : memref<3x64x512xf32, #tpu.memory_space<vmem>>[vector<16xi32>, vector<16xi32>, vector<16xi32>], vector<16xf32>,
          tpu.vector_store_idx %arg10[%add3A_168, %broadcast_in_dim3A_259], %gather3A_260 masked %lt3A_166 : memref<64x128xf32, #tpu.memory_space<vmem>>[vector<16xi32>, vector<16xi32>], vector<16xf32>, vector<16xi1>
          %broadcast_in_dim3A_261 = arith.constant 31 : i32
          %broadcast_in_dim3A_262 = vector.broadcast %broadcast_in_dim3A_261 : i32 to vector<16xi32>
          %gather3A_263 = tpu.vector_load_idx %arg7[%broadcast_in_dim3A_88, %broadcast_in_dim3A_262, %get3A_161] : memref<3x64x512xf32, #tpu.memory_space<vmem>>[vector<16xi32>, vector<16xi32>, vector<16xi32>], vector<16xf32>,
          tpu.vector_store_idx %arg10[%add3A_168, %broadcast_in_dim3A_262], %gather3A_263 masked %lt3A_166 : memref<64x128xf32, #tpu.memory_space<vmem>>[vector<16xi32>, vector<16xi32>], vector<16xf32>, vector<16xi1>
          %broadcast_in_dim3A_264 = arith.constant 32 : i32
          %broadcast_in_dim3A_265 = vector.broadcast %broadcast_in_dim3A_264 : i32 to vector<16xi32>
          %gather3A_266 = tpu.vector_load_idx %arg7[%broadcast_in_dim3A_88, %broadcast_in_dim3A_265, %get3A_161] : memref<3x64x512xf32, #tpu.memory_space<vmem>>[vector<16xi32>, vector<16xi32>, vector<16xi32>], vector<16xf32>,
          tpu.vector_store_idx %arg10[%add3A_168, %broadcast_in_dim3A_265], %gather3A_266 masked %lt3A_166 : memref<64x128xf32, #tpu.memory_space<vmem>>[vector<16xi32>, vector<16xi32>], vector<16xf32>, vector<16xi1>
          %broadcast_in_dim3A_267 = arith.constant 33 : i32
          %broadcast_in_dim3A_268 = vector.broadcast %broadcast_in_dim3A_267 : i32 to vector<16xi32>
          %gather3A_269 = tpu.vector_load_idx %arg7[%broadcast_in_dim3A_88, %broadcast_in_dim3A_268, %get3A_161] : memref<3x64x512xf32, #tpu.memory_space<vmem>>[vector<16xi32>, vector<16xi32>, vector<16xi32>], vector<16xf32>,
          tpu.vector_store_idx %arg10[%add3A_168, %broadcast_in_dim3A_268], %gather3A_269 masked %lt3A_166 : memref<64x128xf32, #tpu.memory_space<vmem>>[vector<16xi32>, vector<16xi32>], vector<16xf32>, vector<16xi1>
          %broadcast_in_dim3A_270 = arith.constant 34 : i32
          %broadcast_in_dim3A_271 = vector.broadcast %broadcast_in_dim3A_270 : i32 to vector<16xi32>
          %gather3A_272 = tpu.vector_load_idx %arg7[%broadcast_in_dim3A_88, %broadcast_in_dim3A_271, %get3A_161] : memref<3x64x512xf32, #tpu.memory_space<vmem>>[vector<16xi32>, vector<16xi32>, vector<16xi32>], vector<16xf32>,
          tpu.vector_store_idx %arg10[%add3A_168, %broadcast_in_dim3A_271], %gather3A_272 masked %lt3A_166 : memref<64x128xf32, #tpu.memory_space<vmem>>[vector<16xi32>, vector<16xi32>], vector<16xf32>, vector<16xi1>
          %broadcast_in_dim3A_273 = arith.constant 35 : i32
          %broadcast_in_dim3A_274 = vector.broadcast %broadcast_in_dim3A_273 : i32 to vector<16xi32>
          %gather3A_275 = tpu.vector_load_idx %arg7[%broadcast_in_dim3A_88, %broadcast_in_dim3A_274, %get3A_161] : memref<3x64x512xf32, #tpu.memory_space<vmem>>[vector<16xi32>, vector<16xi32>, vector<16xi32>], vector<16xf32>,
          tpu.vector_store_idx %arg10[%add3A_168, %broadcast_in_dim3A_274], %gather3A_275 masked %lt3A_166 : memref<64x128xf32, #tpu.memory_space<vmem>>[vector<16xi32>, vector<16xi32>], vector<16xf32>, vector<16xi1>
          %broadcast_in_dim3A_276 = arith.constant 36 : i32
          %broadcast_in_dim3A_277 = vector.broadcast %broadcast_in_dim3A_276 : i32 to vector<16xi32>
          %gather3A_278 = tpu.vector_load_idx %arg7[%broadcast_in_dim3A_88, %broadcast_in_dim3A_277, %get3A_161] : memref<3x64x512xf32, #tpu.memory_space<vmem>>[vector<16xi32>, vector<16xi32>, vector<16xi32>], vector<16xf32>,
          tpu.vector_store_idx %arg10[%add3A_168, %broadcast_in_dim3A_277], %gather3A_278 masked %lt3A_166 : memref<64x128xf32, #tpu.memory_space<vmem>>[vector<16xi32>, vector<16xi32>], vector<16xf32>, vector<16xi1>
          %broadcast_in_dim3A_279 = arith.constant 37 : i32
          %broadcast_in_dim3A_280 = vector.broadcast %broadcast_in_dim3A_279 : i32 to vector<16xi32>
          %gather3A_281 = tpu.vector_load_idx %arg7[%broadcast_in_dim3A_88, %broadcast_in_dim3A_280, %get3A_161] : memref<3x64x512xf32, #tpu.memory_space<vmem>>[vector<16xi32>, vector<16xi32>, vector<16xi32>], vector<16xf32>,
          tpu.vector_store_idx %arg10[%add3A_168, %broadcast_in_dim3A_280], %gather3A_281 masked %lt3A_166 : memref<64x128xf32, #tpu.memory_space<vmem>>[vector<16xi32>, vector<16xi32>], vector<16xf32>, vector<16xi1>
          %broadcast_in_dim3A_282 = arith.constant 38 : i32
          %broadcast_in_dim3A_283 = vector.broadcast %broadcast_in_dim3A_282 : i32 to vector<16xi32>
          %gather3A_284 = tpu.vector_load_idx %arg7[%broadcast_in_dim3A_88, %broadcast_in_dim3A_283, %get3A_161] : memref<3x64x512xf32, #tpu.memory_space<vmem>>[vector<16xi32>, vector<16xi32>, vector<16xi32>], vector<16xf32>,
          tpu.vector_store_idx %arg10[%add3A_168, %broadcast_in_dim3A_283], %gather3A_284 masked %lt3A_166 : memref<64x128xf32, #tpu.memory_space<vmem>>[vector<16xi32>, vector<16xi32>], vector<16xf32>, vector<16xi1>
          %broadcast_in_dim3A_285 = arith.constant 39 : i32
          %broadcast_in_dim3A_286 = vector.broadcast %broadcast_in_dim3A_285 : i32 to vector<16xi32>
          %gather3A_287 = tpu.vector_load_idx %arg7[%broadcast_in_dim3A_88, %broadcast_in_dim3A_286, %get3A_161] : memref<3x64x512xf32, #tpu.memory_space<vmem>>[vector<16xi32>, vector<16xi32>, vector<16xi32>], vector<16xf32>,
          tpu.vector_store_idx %arg10[%add3A_168, %broadcast_in_dim3A_286], %gather3A_287 masked %lt3A_166 : memref<64x128xf32, #tpu.memory_space<vmem>>[vector<16xi32>, vector<16xi32>], vector<16xf32>, vector<16xi1>
          %broadcast_in_dim3A_288 = arith.constant 40 : i32
          %broadcast_in_dim3A_289 = vector.broadcast %broadcast_in_dim3A_288 : i32 to vector<16xi32>
          %gather3A_290 = tpu.vector_load_idx %arg7[%broadcast_in_dim3A_88, %broadcast_in_dim3A_289, %get3A_161] : memref<3x64x512xf32, #tpu.memory_space<vmem>>[vector<16xi32>, vector<16xi32>, vector<16xi32>], vector<16xf32>,
          tpu.vector_store_idx %arg10[%add3A_168, %broadcast_in_dim3A_289], %gather3A_290 masked %lt3A_166 : memref<64x128xf32, #tpu.memory_space<vmem>>[vector<16xi32>, vector<16xi32>], vector<16xf32>, vector<16xi1>
          %broadcast_in_dim3A_291 = arith.constant 41 : i32
          %broadcast_in_dim3A_292 = vector.broadcast %broadcast_in_dim3A_291 : i32 to vector<16xi32>
          %gather3A_293 = tpu.vector_load_idx %arg7[%broadcast_in_dim3A_88, %broadcast_in_dim3A_292, %get3A_161] : memref<3x64x512xf32, #tpu.memory_space<vmem>>[vector<16xi32>, vector<16xi32>, vector<16xi32>], vector<16xf32>,
          tpu.vector_store_idx %arg10[%add3A_168, %broadcast_in_dim3A_292], %gather3A_293 masked %lt3A_166 : memref<64x128xf32, #tpu.memory_space<vmem>>[vector<16xi32>, vector<16xi32>], vector<16xf32>, vector<16xi1>
          %broadcast_in_dim3A_294 = arith.constant 42 : i32
          %broadcast_in_dim3A_295 = vector.broadcast %broadcast_in_dim3A_294 : i32 to vector<16xi32>
          %gather3A_296 = tpu.vector_load_idx %arg7[%broadcast_in_dim3A_88, %broadcast_in_dim3A_295, %get3A_161] : memref<3x64x512xf32, #tpu.memory_space<vmem>>[vector<16xi32>, vector<16xi32>, vector<16xi32>], vector<16xf32>,
          tpu.vector_store_idx %arg10[%add3A_168, %broadcast_in_dim3A_295], %gather3A_296 masked %lt3A_166 : memref<64x128xf32, #tpu.memory_space<vmem>>[vector<16xi32>, vector<16xi32>], vector<16xf32>, vector<16xi1>
          %broadcast_in_dim3A_297 = arith.constant 43 : i32
          %broadcast_in_dim3A_298 = vector.broadcast %broadcast_in_dim3A_297 : i32 to vector<16xi32>
          %gather3A_299 = tpu.vector_load_idx %arg7[%broadcast_in_dim3A_88, %broadcast_in_dim3A_298, %get3A_161] : memref<3x64x512xf32, #tpu.memory_space<vmem>>[vector<16xi32>, vector<16xi32>, vector<16xi32>], vector<16xf32>,
          tpu.vector_store_idx %arg10[%add3A_168, %broadcast_in_dim3A_298], %gather3A_299 masked %lt3A_166 : memref<64x128xf32, #tpu.memory_space<vmem>>[vector<16xi32>, vector<16xi32>], vector<16xf32>, vector<16xi1>
          %broadcast_in_dim3A_300 = arith.constant 44 : i32
          %broadcast_in_dim3A_301 = vector.broadcast %broadcast_in_dim3A_300 : i32 to vector<16xi32>
          %gather3A_302 = tpu.vector_load_idx %arg7[%broadcast_in_dim3A_88, %broadcast_in_dim3A_301, %get3A_161] : memref<3x64x512xf32, #tpu.memory_space<vmem>>[vector<16xi32>, vector<16xi32>, vector<16xi32>], vector<16xf32>,
          tpu.vector_store_idx %arg10[%add3A_168, %broadcast_in_dim3A_301], %gather3A_302 masked %lt3A_166 : memref<64x128xf32, #tpu.memory_space<vmem>>[vector<16xi32>, vector<16xi32>], vector<16xf32>, vector<16xi1>
          %broadcast_in_dim3A_303 = arith.constant 45 : i32
          %broadcast_in_dim3A_304 = vector.broadcast %broadcast_in_dim3A_303 : i32 to vector<16xi32>
          %gather3A_305 = tpu.vector_load_idx %arg7[%broadcast_in_dim3A_88, %broadcast_in_dim3A_304, %get3A_161] : memref<3x64x512xf32, #tpu.memory_space<vmem>>[vector<16xi32>, vector<16xi32>, vector<16xi32>], vector<16xf32>,
          tpu.vector_store_idx %arg10[%add3A_168, %broadcast_in_dim3A_304], %gather3A_305 masked %lt3A_166 : memref<64x128xf32, #tpu.memory_space<vmem>>[vector<16xi32>, vector<16xi32>], vector<16xf32>, vector<16xi1>
          %broadcast_in_dim3A_306 = arith.constant 46 : i32
          %broadcast_in_dim3A_307 = vector.broadcast %broadcast_in_dim3A_306 : i32 to vector<16xi32>
          %gather3A_308 = tpu.vector_load_idx %arg7[%broadcast_in_dim3A_88, %broadcast_in_dim3A_307, %get3A_161] : memref<3x64x512xf32, #tpu.memory_space<vmem>>[vector<16xi32>, vector<16xi32>, vector<16xi32>], vector<16xf32>,
          tpu.vector_store_idx %arg10[%add3A_168, %broadcast_in_dim3A_307], %gather3A_308 masked %lt3A_166 : memref<64x128xf32, #tpu.memory_space<vmem>>[vector<16xi32>, vector<16xi32>], vector<16xf32>, vector<16xi1>
          %broadcast_in_dim3A_309 = arith.constant 47 : i32
          %broadcast_in_dim3A_310 = vector.broadcast %broadcast_in_dim3A_309 : i32 to vector<16xi32>
          %gather3A_311 = tpu.vector_load_idx %arg7[%broadcast_in_dim3A_88, %broadcast_in_dim3A_310, %get3A_161] : memref<3x64x512xf32, #tpu.memory_space<vmem>>[vector<16xi32>, vector<16xi32>, vector<16xi32>], vector<16xf32>,
          tpu.vector_store_idx %arg10[%add3A_168, %broadcast_in_dim3A_310], %gather3A_311 masked %lt3A_166 : memref<64x128xf32, #tpu.memory_space<vmem>>[vector<16xi32>, vector<16xi32>], vector<16xf32>, vector<16xi1>
          %broadcast_in_dim3A_312 = arith.constant 48 : i32
          %broadcast_in_dim3A_313 = vector.broadcast %broadcast_in_dim3A_312 : i32 to vector<16xi32>
          %gather3A_314 = tpu.vector_load_idx %arg7[%broadcast_in_dim3A_88, %broadcast_in_dim3A_313, %get3A_161] : memref<3x64x512xf32, #tpu.memory_space<vmem>>[vector<16xi32>, vector<16xi32>, vector<16xi32>], vector<16xf32>,
          tpu.vector_store_idx %arg10[%add3A_168, %broadcast_in_dim3A_313], %gather3A_314 masked %lt3A_166 : memref<64x128xf32, #tpu.memory_space<vmem>>[vector<16xi32>, vector<16xi32>], vector<16xf32>, vector<16xi1>
          %broadcast_in_dim3A_315 = arith.constant 49 : i32
          %broadcast_in_dim3A_316 = vector.broadcast %broadcast_in_dim3A_315 : i32 to vector<16xi32>
          %gather3A_317 = tpu.vector_load_idx %arg7[%broadcast_in_dim3A_88, %broadcast_in_dim3A_316, %get3A_161] : memref<3x64x512xf32, #tpu.memory_space<vmem>>[vector<16xi32>, vector<16xi32>, vector<16xi32>], vector<16xf32>,
          tpu.vector_store_idx %arg10[%add3A_168, %broadcast_in_dim3A_316], %gather3A_317 masked %lt3A_166 : memref<64x128xf32, #tpu.memory_space<vmem>>[vector<16xi32>, vector<16xi32>], vector<16xf32>, vector<16xi1>
          %broadcast_in_dim3A_318 = arith.constant 50 : i32
          %broadcast_in_dim3A_319 = vector.broadcast %broadcast_in_dim3A_318 : i32 to vector<16xi32>
          %gather3A_320 = tpu.vector_load_idx %arg7[%broadcast_in_dim3A_88, %broadcast_in_dim3A_319, %get3A_161] : memref<3x64x512xf32, #tpu.memory_space<vmem>>[vector<16xi32>, vector<16xi32>, vector<16xi32>], vector<16xf32>,
          tpu.vector_store_idx %arg10[%add3A_168, %broadcast_in_dim3A_319], %gather3A_320 masked %lt3A_166 : memref<64x128xf32, #tpu.memory_space<vmem>>[vector<16xi32>, vector<16xi32>], vector<16xf32>, vector<16xi1>
          %broadcast_in_dim3A_321 = arith.constant 51 : i32
          %broadcast_in_dim3A_322 = vector.broadcast %broadcast_in_dim3A_321 : i32 to vector<16xi32>
          %gather3A_323 = tpu.vector_load_idx %arg7[%broadcast_in_dim3A_88, %broadcast_in_dim3A_322, %get3A_161] : memref<3x64x512xf32, #tpu.memory_space<vmem>>[vector<16xi32>, vector<16xi32>, vector<16xi32>], vector<16xf32>,
          tpu.vector_store_idx %arg10[%add3A_168, %broadcast_in_dim3A_322], %gather3A_323 masked %lt3A_166 : memref<64x128xf32, #tpu.memory_space<vmem>>[vector<16xi32>, vector<16xi32>], vector<16xf32>, vector<16xi1>
          %broadcast_in_dim3A_324 = arith.constant 52 : i32
          %broadcast_in_dim3A_325 = vector.broadcast %broadcast_in_dim3A_324 : i32 to vector<16xi32>
          %gather3A_326 = tpu.vector_load_idx %arg7[%broadcast_in_dim3A_88, %broadcast_in_dim3A_325, %get3A_161] : memref<3x64x512xf32, #tpu.memory_space<vmem>>[vector<16xi32>, vector<16xi32>, vector<16xi32>], vector<16xf32>,
          tpu.vector_store_idx %arg10[%add3A_168, %broadcast_in_dim3A_325], %gather3A_326 masked %lt3A_166 : memref<64x128xf32, #tpu.memory_space<vmem>>[vector<16xi32>, vector<16xi32>], vector<16xf32>, vector<16xi1>
          %broadcast_in_dim3A_327 = arith.constant 53 : i32
          %broadcast_in_dim3A_328 = vector.broadcast %broadcast_in_dim3A_327 : i32 to vector<16xi32>
          %gather3A_329 = tpu.vector_load_idx %arg7[%broadcast_in_dim3A_88, %broadcast_in_dim3A_328, %get3A_161] : memref<3x64x512xf32, #tpu.memory_space<vmem>>[vector<16xi32>, vector<16xi32>, vector<16xi32>], vector<16xf32>,
          tpu.vector_store_idx %arg10[%add3A_168, %broadcast_in_dim3A_328], %gather3A_329 masked %lt3A_166 : memref<64x128xf32, #tpu.memory_space<vmem>>[vector<16xi32>, vector<16xi32>], vector<16xf32>, vector<16xi1>
          %broadcast_in_dim3A_330 = arith.constant 54 : i32
          %broadcast_in_dim3A_331 = vector.broadcast %broadcast_in_dim3A_330 : i32 to vector<16xi32>
          %gather3A_332 = tpu.vector_load_idx %arg7[%broadcast_in_dim3A_88, %broadcast_in_dim3A_331, %get3A_161] : memref<3x64x512xf32, #tpu.memory_space<vmem>>[vector<16xi32>, vector<16xi32>, vector<16xi32>], vector<16xf32>,
          tpu.vector_store_idx %arg10[%add3A_168, %broadcast_in_dim3A_331], %gather3A_332 masked %lt3A_166 : memref<64x128xf32, #tpu.memory_space<vmem>>[vector<16xi32>, vector<16xi32>], vector<16xf32>, vector<16xi1>
          %broadcast_in_dim3A_333 = arith.constant 55 : i32
          %broadcast_in_dim3A_334 = vector.broadcast %broadcast_in_dim3A_333 : i32 to vector<16xi32>
          %gather3A_335 = tpu.vector_load_idx %arg7[%broadcast_in_dim3A_88, %broadcast_in_dim3A_334, %get3A_161] : memref<3x64x512xf32, #tpu.memory_space<vmem>>[vector<16xi32>, vector<16xi32>, vector<16xi32>], vector<16xf32>,
          tpu.vector_store_idx %arg10[%add3A_168, %broadcast_in_dim3A_334], %gather3A_335 masked %lt3A_166 : memref<64x128xf32, #tpu.memory_space<vmem>>[vector<16xi32>, vector<16xi32>], vector<16xf32>, vector<16xi1>
          %broadcast_in_dim3A_336 = arith.constant 56 : i32
          %broadcast_in_dim3A_337 = vector.broadcast %broadcast_in_dim3A_336 : i32 to vector<16xi32>
          %gather3A_338 = tpu.vector_load_idx %arg7[%broadcast_in_dim3A_88, %broadcast_in_dim3A_337, %get3A_161] : memref<3x64x512xf32, #tpu.memory_space<vmem>>[vector<16xi32>, vector<16xi32>, vector<16xi32>], vector<16xf32>,
          tpu.vector_store_idx %arg10[%add3A_168, %broadcast_in_dim3A_337], %gather3A_338 masked %lt3A_166 : memref<64x128xf32, #tpu.memory_space<vmem>>[vector<16xi32>, vector<16xi32>], vector<16xf32>, vector<16xi1>
          %broadcast_in_dim3A_339 = arith.constant 57 : i32
          %broadcast_in_dim3A_340 = vector.broadcast %broadcast_in_dim3A_339 : i32 to vector<16xi32>
          %gather3A_341 = tpu.vector_load_idx %arg7[%broadcast_in_dim3A_88, %broadcast_in_dim3A_340, %get3A_161] : memref<3x64x512xf32, #tpu.memory_space<vmem>>[vector<16xi32>, vector<16xi32>, vector<16xi32>], vector<16xf32>,
          tpu.vector_store_idx %arg10[%add3A_168, %broadcast_in_dim3A_340], %gather3A_341 masked %lt3A_166 : memref<64x128xf32, #tpu.memory_space<vmem>>[vector<16xi32>, vector<16xi32>], vector<16xf32>, vector<16xi1>
          %broadcast_in_dim3A_342 = arith.constant 58 : i32
          %broadcast_in_dim3A_343 = vector.broadcast %broadcast_in_dim3A_342 : i32 to vector<16xi32>
          %gather3A_344 = tpu.vector_load_idx %arg7[%broadcast_in_dim3A_88, %broadcast_in_dim3A_343, %get3A_161] : memref<3x64x512xf32, #tpu.memory_space<vmem>>[vector<16xi32>, vector<16xi32>, vector<16xi32>], vector<16xf32>,
          tpu.vector_store_idx %arg10[%add3A_168, %broadcast_in_dim3A_343], %gather3A_344 masked %lt3A_166 : memref<64x128xf32, #tpu.memory_space<vmem>>[vector<16xi32>, vector<16xi32>], vector<16xf32>, vector<16xi1>
          %broadcast_in_dim3A_345 = arith.constant 59 : i32
          %broadcast_in_dim3A_346 = vector.broadcast %broadcast_in_dim3A_345 : i32 to vector<16xi32>
          %gather3A_347 = tpu.vector_load_idx %arg7[%broadcast_in_dim3A_88, %broadcast_in_dim3A_346, %get3A_161] : memref<3x64x512xf32, #tpu.memory_space<vmem>>[vector<16xi32>, vector<16xi32>, vector<16xi32>], vector<16xf32>,
          tpu.vector_store_idx %arg10[%add3A_168, %broadcast_in_dim3A_346], %gather3A_347 masked %lt3A_166 : memref<64x128xf32, #tpu.memory_space<vmem>>[vector<16xi32>, vector<16xi32>], vector<16xf32>, vector<16xi1>
          %broadcast_in_dim3A_348 = arith.constant 60 : i32
          %broadcast_in_dim3A_349 = vector.broadcast %broadcast_in_dim3A_348 : i32 to vector<16xi32>
          %gather3A_350 = tpu.vector_load_idx %arg7[%broadcast_in_dim3A_88, %broadcast_in_dim3A_349, %get3A_161] : memref<3x64x512xf32, #tpu.memory_space<vmem>>[vector<16xi32>, vector<16xi32>, vector<16xi32>], vector<16xf32>,
          tpu.vector_store_idx %arg10[%add3A_168, %broadcast_in_dim3A_349], %gather3A_350 masked %lt3A_166 : memref<64x128xf32, #tpu.memory_space<vmem>>[vector<16xi32>, vector<16xi32>], vector<16xf32>, vector<16xi1>
          %broadcast_in_dim3A_351 = arith.constant 61 : i32
          %broadcast_in_dim3A_352 = vector.broadcast %broadcast_in_dim3A_351 : i32 to vector<16xi32>
          %gather3A_353 = tpu.vector_load_idx %arg7[%broadcast_in_dim3A_88, %broadcast_in_dim3A_352, %get3A_161] : memref<3x64x512xf32, #tpu.memory_space<vmem>>[vector<16xi32>, vector<16xi32>, vector<16xi32>], vector<16xf32>,
          tpu.vector_store_idx %arg10[%add3A_168, %broadcast_in_dim3A_352], %gather3A_353 masked %lt3A_166 : memref<64x128xf32, #tpu.memory_space<vmem>>[vector<16xi32>, vector<16xi32>], vector<16xf32>, vector<16xi1>
          %broadcast_in_dim3A_354 = arith.constant 62 : i32
          %broadcast_in_dim3A_355 = vector.broadcast %broadcast_in_dim3A_354 : i32 to vector<16xi32>
          %gather3A_356 = tpu.vector_load_idx %arg7[%broadcast_in_dim3A_88, %broadcast_in_dim3A_355, %get3A_161] : memref<3x64x512xf32, #tpu.memory_space<vmem>>[vector<16xi32>, vector<16xi32>, vector<16xi32>], vector<16xf32>,
          tpu.vector_store_idx %arg10[%add3A_168, %broadcast_in_dim3A_355], %gather3A_356 masked %lt3A_166 : memref<64x128xf32, #tpu.memory_space<vmem>>[vector<16xi32>, vector<16xi32>], vector<16xf32>, vector<16xi1>
          %broadcast_in_dim3A_357 = arith.constant 63 : i32
          %broadcast_in_dim3A_358 = vector.broadcast %broadcast_in_dim3A_357 : i32 to vector<16xi32>
          %gather3A_359 = tpu.vector_load_idx %arg7[%broadcast_in_dim3A_88, %broadcast_in_dim3A_358, %get3A_161] : memref<3x64x512xf32, #tpu.memory_space<vmem>>[vector<16xi32>, vector<16xi32>, vector<16xi32>], vector<16xf32>,
          tpu.vector_store_idx %arg10[%add3A_168, %broadcast_in_dim3A_358], %gather3A_359 masked %lt3A_166 : memref<64x128xf32, #tpu.memory_space<vmem>>[vector<16xi32>, vector<16xi32>], vector<16xf32>, vector<16xi1>
          %broadcast_in_dim3A_360 = vector.broadcast %add3A_2 : i32 to vector<16xi32>
          %select_n3A_361 = arith.select %lt3A_166, %get3A_163, %broadcast_in_dim3A_360 : vector<16xi1>, vector<16xi32>
          tpu.vector_store_idx %arg11[%add3A_168], %select_n3A_361 : memref<64xi32, #tpu.memory_space<vmem>>[vector<16xi32>], vector<16xi32>,
          %get3A_362 = arith.constant 16 : index
          %get3A_363 = tpu.vector_load %arg8[%get3A_362] {strides = array<i32>} : memref<32xi32, #tpu.memory_space<vmem>>, vector<16xi32>,
          %swap3A_364 = arith.constant 0 : index
          %swap3A_365 = tpu.vector_load %arg8[%swap3A_364] {strides = array<i32>} : memref<32xi32, #tpu.memory_space<vmem>>, vector<16xi32>,
          tpu.vector_store %arg8[%swap3A_364], %get3A_363 {strides = array<i32>} : memref<32xi32, #tpu.memory_space<vmem>>, vector<16xi32>,
          %get3A_366 = arith.constant 16 : index
          %get3A_367 = tpu.vector_load %arg9[%get3A_366] {strides = array<i32>} : memref<32xi32, #tpu.memory_space<vmem>>, vector<16xi32>,
          %swap3A_368 = arith.constant 0 : index
          %swap3A_369 = tpu.vector_load %arg9[%swap3A_368] {strides = array<i32>} : memref<32xi32, #tpu.memory_space<vmem>>, vector<16xi32>,
          tpu.vector_store %arg9[%swap3A_368], %get3A_367 {strides = array<i32>} : memref<32xi32, #tpu.memory_space<vmem>>, vector<16xi32>,
          %add3A_370 = arith.constant 16 : i32
          %add3A_371 = arith.addi %while3A_115, %add3A_370 : i32
          %gt3A_372 = arith.constant 48 : i32
          %gt3A_373 = arith.cmpi sgt, %add3A_371, %gt3A_372 : i32
          %convert_element_type3A_374 = arith.extui %gt3A_373 : i1 to i32
          %cond3A_375 = arith.constant 0 : i32
          %cond3A_376 = arith.cmpi ne, %convert_element_type3A_374, %cond3A_375 : i32
          %cond3A_377 = scf.if %cond3A_376 -> (i32) {
            "tpu.region"() ({
              %run_scoped3A = tpu.sem_alloc : memref<!tpu.dma_semaphore, #tpu.memory_space<semaphore_mem>>
              %dma_start3A = arith.constant 0 : i32
              %dma_start3A_389 = arith.constant 0 : i32
              %dma_start3A_390 = tpu.memref_slice %arg4[%dma_start3A, %dma_start3A_389] : memref<16416x128xf32, #tpu.memory_space<hbm>> -> memref<16416x128xf32, #tpu.memory_space<hbm>>
              tpu.enqueue_indirect_dma source(%arg10 : memref<64x128xf32, #tpu.memory_space<vmem>>) target(%dma_start3A_390 : memref<16416x128xf32, #tpu.memory_space<hbm>>) offsets(%arg11 : memref<64xi32, #tpu.memory_space<vmem>>) semaphore(%run_scoped3A : memref<!tpu.dma_semaphore, #tpu.memory_space<semaphore_mem>>)
              %dma_wait3A = arith.constant 0 : i32
              %dma_wait3A_391 = arith.constant 0 : i32
              %dma_wait3A_392 = tpu.memref_slice %arg4[%dma_wait3A, %dma_wait3A_391] : memref<16416x128xf32, #tpu.memory_space<hbm>> -> memref<16416x128xf32, #tpu.memory_space<hbm>>
              tpu.wait_indirect_dma semaphore(%run_scoped3A : memref<!tpu.dma_semaphore, #tpu.memory_space<semaphore_mem>>) src(%arg10 : memref<64x128xf32, #tpu.memory_space<vmem>>) dst(%dma_wait3A_392 : memref<16416x128xf32, #tpu.memory_space<hbm>>)
              tpu.yield
            }) : () -> ()
            %broadcast_in_dim3A_378 = vector.broadcast %add3A_2 : i32 to vector<16xi32>
            %swap3A_379 = arith.constant 0 : index
            %swap3A_380 = tpu.vector_load %arg11[%swap3A_379] {strides = array<i32>} : memref<64xi32, #tpu.memory_space<vmem>>, vector<16xi32>,
            tpu.vector_store %arg11[%swap3A_379], %broadcast_in_dim3A_378 {strides = array<i32>} : memref<64xi32, #tpu.memory_space<vmem>>, vector<16xi32>,
            %swap3A_381 = arith.constant 16 : index
            %swap3A_382 = tpu.vector_load %arg11[%swap3A_381] {strides = array<i32>} : memref<64xi32, #tpu.memory_space<vmem>>, vector<16xi32>,
            tpu.vector_store %arg11[%swap3A_381], %broadcast_in_dim3A_378 {strides = array<i32>} : memref<64xi32, #tpu.memory_space<vmem>>, vector<16xi32>,
            %swap3A_383 = arith.constant 32 : index
            %swap3A_384 = tpu.vector_load %arg11[%swap3A_383] {strides = array<i32>} : memref<64xi32, #tpu.memory_space<vmem>>, vector<16xi32>,
            tpu.vector_store %arg11[%swap3A_383], %broadcast_in_dim3A_378 {strides = array<i32>} : memref<64xi32, #tpu.memory_space<vmem>>, vector<16xi32>,
            %swap3A_385 = arith.constant 48 : index
            %swap3A_386 = tpu.vector_load %arg11[%swap3A_385] {strides = array<i32>} : memref<64xi32, #tpu.memory_space<vmem>>, vector<16xi32>,
            tpu.vector_store %arg11[%swap3A_385], %broadcast_in_dim3A_378 {strides = array<i32>} : memref<64xi32, #tpu.memory_space<vmem>>, vector<16xi32>,
            %mul3A_387 = arith.constant 0 : i32
            %mul3A_388 = arith.muli %mul3A_387, %add3A_371 : i32
            scf.yield %mul3A_388 : i32
          } else {
            scf.yield %add3A_371 : i32
          }
          scf.yield %cond3A_377 : i32
        } else {
          scf.yield %while3A_115 : i32
        }
        %ge3A_154 = arith.constant 16 : i32
        %ge3A_155 = arith.cmpi sge, %add3A_148, %ge3A_154 : i32
        %convert_element_type3A_156 = arith.extui %ge3A_155 : i1 to i32
        %cond3A_157 = arith.constant 0 : i32
        %cond3A_158 = arith.cmpi ne, %convert_element_type3A_156, %cond3A_157 : i32
        %cond3A_159 = scf.if %cond3A_158 -> (i32) {
          %sub3A_160 = arith.constant 16 : i32
          %sub3A_161 = arith.subi %add3A_148, %sub3A_160 : i32
          scf.yield %sub3A_161 : i32
        } else {
          scf.yield %add3A_148 : i32
        }
        scf.yield %cond3A_159, %cond3A_153 : i32, i32
      }
      %while3A_99 = arith.constant 1 : i32
      %while3A_100:2 = scf.for %while3A_113 = %while3A_96 to %while3A_92 step %while3A_99 iter_args(%while3A_114 = %while3A_98#0, %while3A_115 = %while3A_98#1) -> (i32, i32)  : i32 {
        %mul3A_116 = arith.constant 16 : i32
        %mul3A_117 = arith.muli %while3A_113, %mul3A_116 : i32
        %multiple_of3A = tpu.assume_multiple %mul3A_117, 16 : i32
        %get3A = arith.index_cast %multiple_of3A : i32 to index
        %get3A_118 = tpu.vector_load %arg6[%get3A] {strides = array<i32>} : memref<16384xi32, #tpu.memory_space<vmem>>, vector<16xi32>,
        %shift_right_logical3A_119 = arith.constant 24 : i32
        %shift_right_logical3A_120 = vector.broadcast %shift_right_logical3A_119 : i32 to vector<16xi32>
        %shift_right_logical3A_121 = arith.shrui %get3A_118, %shift_right_logical3A_120 : vector<16xi32>
        %eq3A_122 = vector.broadcast %while3A_64 : i32 to vector<16xi32>
        %eq3A_123 = arith.cmpi eq, %shift_right_logical3A_121, %eq3A_122 : vector<16xi32>
        %mul3A_124 = arith.constant 16 : i32
        %mul3A_125 = arith.muli %while3A_113, %mul3A_124 : i32
        %add3A_126 = vector.broadcast %mul3A_125 : i32 to vector<16xi32>
        %add3A_127 = arith.addi %add3A_126, %iota3A : vector<16xi32>
        %lt3A_128 = vector.broadcast %scan3A_41 : i32 to vector<16xi32>
        %lt3A_129 = arith.cmpi slt, %add3A_127, %lt3A_128 : vector<16xi32>
        %and3A = arith.andi %eq3A_123, %lt3A_129 : vector<16xi1>
        %convert_element_type3A_130 = arith.extui %and3A : vector<16xi1> to vector<16xi32>
        %broadcast_in_dim3A_131 = arith.constant true
        %broadcast_in_dim3A_132 = vector.broadcast %broadcast_in_dim3A_131 : i1 to vector<16xi1>
        %masked_cumsum3A = tpu.scan <sum>, %convert_element_type3A_130 masked %broadcast_in_dim3A_132 : vector<16xi32>, vector<16xi1> -> vector<16xi32>
        %sub3A_133 = arith.subi %masked_cumsum3A, %convert_element_type3A_130 : vector<16xi32>
        %add3A_134 = vector.broadcast %while3A_114 : i32 to vector<16xi32>
        %add3A_135 = arith.addi %add3A_134, %sub3A_133 : vector<16xi32>
        %shift_right_logical3A_136 = arith.constant 14 : i32
        %shift_right_logical3A_137 = vector.broadcast %shift_right_logical3A_136 : i32 to vector<16xi32>
        %shift_right_logical3A_138 = arith.shrui %get3A_118, %shift_right_logical3A_137 : vector<16xi32>
        %and3A_139 = arith.constant 1023 : i32
        %and3A_140 = vector.broadcast %and3A_139 : i32 to vector<16xi32>
        %and3A_141 = arith.andi %shift_right_logical3A_138, %and3A_140 : vector<16xi32>
        tpu.vector_store_idx %arg8[%add3A_135], %and3A_141 masked %and3A : memref<32xi32, #tpu.memory_space<vmem>>[vector<16xi32>], vector<16xi32>, vector<16xi1>
        %and3A_142 = arith.constant 16383 : i32
        %and3A_143 = vector.broadcast %and3A_142 : i32 to vector<16xi32>
        %and3A_144 = arith.andi %get3A_118, %and3A_143 : vector<16xi32>
        tpu.vector_store_idx %arg9[%add3A_135], %and3A_144 masked %and3A : memref<32xi32, #tpu.memory_space<vmem>>[vector<16xi32>], vector<16xi32>, vector<16xi1>
        %reduce_sum3A = arith.constant true
        %reduce_sum3A_145 = vector.broadcast %reduce_sum3A : i1 to vector<16xi1>
        %reduce_sum3A_146 = tpu.scan <sum>, %convert_element_type3A_130 masked %reduce_sum3A_145 : vector<16xi32>, vector<16xi1> -> vector<16xi32>
        %reduce_sum3A_147 = vector.extract %reduce_sum3A_146[15] : i32 from vector<16xi32>
        %add3A_148 = arith.addi %while3A_114, %reduce_sum3A_147 : i32
        %ge3A = arith.constant 16 : i32
        %ge3A_149 = arith.cmpi sge, %add3A_148, %ge3A : i32
        %convert_element_type3A_150 = arith.extui %ge3A_149 : i1 to i32
        %cond3A_151 = arith.constant 0 : i32
        %cond3A_152 = arith.cmpi ne, %convert_element_type3A_150, %cond3A_151 : i32
        %cond3A_153 = scf.if %cond3A_152 -> (i32) {
          %get3A_160 = arith.constant 0 : index
          %get3A_161 = tpu.vector_load %arg8[%get3A_160] {strides = array<i32>} : memref<32xi32, #tpu.memory_space<vmem>>, vector<16xi32>,
          %get3A_162 = arith.constant 0 : index
          %get3A_163 = tpu.vector_load %arg9[%get3A_162] {strides = array<i32>} : memref<32xi32, #tpu.memory_space<vmem>>, vector<16xi32>,
          %lt3A_164 = arith.constant 16 : i32
          %lt3A_165 = vector.broadcast %lt3A_164 : i32 to vector<16xi32>
          %lt3A_166 = arith.cmpi slt, %iota3A, %lt3A_165 : vector<16xi32>
          %add3A_167 = vector.broadcast %while3A_115 : i32 to vector<16xi32>
          %add3A_168 = arith.addi %add3A_167, %iota3A : vector<16xi32>
          %broadcast_in_dim3A_169 = arith.constant 0 : i32
          %broadcast_in_dim3A_170 = vector.broadcast %broadcast_in_dim3A_169 : i32 to vector<16xi32>
          %gather3A = tpu.vector_load_idx %arg7[%broadcast_in_dim3A_88, %broadcast_in_dim3A_170, %get3A_161] : memref<3x64x512xf32, #tpu.memory_space<vmem>>[vector<16xi32>, vector<16xi32>, vector<16xi32>], vector<16xf32>,
          tpu.vector_store_idx %arg10[%add3A_168, %broadcast_in_dim3A_170], %gather3A masked %lt3A_166 : memref<64x128xf32, #tpu.memory_space<vmem>>[vector<16xi32>, vector<16xi32>], vector<16xf32>, vector<16xi1>
          %broadcast_in_dim3A_171 = arith.constant 1 : i32
          %broadcast_in_dim3A_172 = vector.broadcast %broadcast_in_dim3A_171 : i32 to vector<16xi32>
          %gather3A_173 = tpu.vector_load_idx %arg7[%broadcast_in_dim3A_88, %broadcast_in_dim3A_172, %get3A_161] : memref<3x64x512xf32, #tpu.memory_space<vmem>>[vector<16xi32>, vector<16xi32>, vector<16xi32>], vector<16xf32>,
          tpu.vector_store_idx %arg10[%add3A_168, %broadcast_in_dim3A_172], %gather3A_173 masked %lt3A_166 : memref<64x128xf32, #tpu.memory_space<vmem>>[vector<16xi32>, vector<16xi32>], vector<16xf32>, vector<16xi1>
          %broadcast_in_dim3A_174 = arith.constant 2 : i32
          %broadcast_in_dim3A_175 = vector.broadcast %broadcast_in_dim3A_174 : i32 to vector<16xi32>
          %gather3A_176 = tpu.vector_load_idx %arg7[%broadcast_in_dim3A_88, %broadcast_in_dim3A_175, %get3A_161] : memref<3x64x512xf32, #tpu.memory_space<vmem>>[vector<16xi32>, vector<16xi32>, vector<16xi32>], vector<16xf32>,
          tpu.vector_store_idx %arg10[%add3A_168, %broadcast_in_dim3A_175], %gather3A_176 masked %lt3A_166 : memref<64x128xf32, #tpu.memory_space<vmem>>[vector<16xi32>, vector<16xi32>], vector<16xf32>, vector<16xi1>
          %broadcast_in_dim3A_177 = arith.constant 3 : i32
          %broadcast_in_dim3A_178 = vector.broadcast %broadcast_in_dim3A_177 : i32 to vector<16xi32>
          %gather3A_179 = tpu.vector_load_idx %arg7[%broadcast_in_dim3A_88, %broadcast_in_dim3A_178, %get3A_161] : memref<3x64x512xf32, #tpu.memory_space<vmem>>[vector<16xi32>, vector<16xi32>, vector<16xi32>], vector<16xf32>,
          tpu.vector_store_idx %arg10[%add3A_168, %broadcast_in_dim3A_178], %gather3A_179 masked %lt3A_166 : memref<64x128xf32, #tpu.memory_space<vmem>>[vector<16xi32>, vector<16xi32>], vector<16xf32>, vector<16xi1>
          %broadcast_in_dim3A_180 = arith.constant 4 : i32
          %broadcast_in_dim3A_181 = vector.broadcast %broadcast_in_dim3A_180 : i32 to vector<16xi32>
          %gather3A_182 = tpu.vector_load_idx %arg7[%broadcast_in_dim3A_88, %broadcast_in_dim3A_181, %get3A_161] : memref<3x64x512xf32, #tpu.memory_space<vmem>>[vector<16xi32>, vector<16xi32>, vector<16xi32>], vector<16xf32>,
          tpu.vector_store_idx %arg10[%add3A_168, %broadcast_in_dim3A_181], %gather3A_182 masked %lt3A_166 : memref<64x128xf32, #tpu.memory_space<vmem>>[vector<16xi32>, vector<16xi32>], vector<16xf32>, vector<16xi1>
          %broadcast_in_dim3A_183 = arith.constant 5 : i32
          %broadcast_in_dim3A_184 = vector.broadcast %broadcast_in_dim3A_183 : i32 to vector<16xi32>
          %gather3A_185 = tpu.vector_load_idx %arg7[%broadcast_in_dim3A_88, %broadcast_in_dim3A_184, %get3A_161] : memref<3x64x512xf32, #tpu.memory_space<vmem>>[vector<16xi32>, vector<16xi32>, vector<16xi32>], vector<16xf32>,
          tpu.vector_store_idx %arg10[%add3A_168, %broadcast_in_dim3A_184], %gather3A_185 masked %lt3A_166 : memref<64x128xf32, #tpu.memory_space<vmem>>[vector<16xi32>, vector<16xi32>], vector<16xf32>, vector<16xi1>
          %broadcast_in_dim3A_186 = arith.constant 6 : i32
          %broadcast_in_dim3A_187 = vector.broadcast %broadcast_in_dim3A_186 : i32 to vector<16xi32>
          %gather3A_188 = tpu.vector_load_idx %arg7[%broadcast_in_dim3A_88, %broadcast_in_dim3A_187, %get3A_161] : memref<3x64x512xf32, #tpu.memory_space<vmem>>[vector<16xi32>, vector<16xi32>, vector<16xi32>], vector<16xf32>,
          tpu.vector_store_idx %arg10[%add3A_168, %broadcast_in_dim3A_187], %gather3A_188 masked %lt3A_166 : memref<64x128xf32, #tpu.memory_space<vmem>>[vector<16xi32>, vector<16xi32>], vector<16xf32>, vector<16xi1>
          %broadcast_in_dim3A_189 = arith.constant 7 : i32
          %broadcast_in_dim3A_190 = vector.broadcast %broadcast_in_dim3A_189 : i32 to vector<16xi32>
          %gather3A_191 = tpu.vector_load_idx %arg7[%broadcast_in_dim3A_88, %broadcast_in_dim3A_190, %get3A_161] : memref<3x64x512xf32, #tpu.memory_space<vmem>>[vector<16xi32>, vector<16xi32>, vector<16xi32>], vector<16xf32>,
          tpu.vector_store_idx %arg10[%add3A_168, %broadcast_in_dim3A_190], %gather3A_191 masked %lt3A_166 : memref<64x128xf32, #tpu.memory_space<vmem>>[vector<16xi32>, vector<16xi32>], vector<16xf32>, vector<16xi1>
          %broadcast_in_dim3A_192 = arith.constant 8 : i32
          %broadcast_in_dim3A_193 = vector.broadcast %broadcast_in_dim3A_192 : i32 to vector<16xi32>
          %gather3A_194 = tpu.vector_load_idx %arg7[%broadcast_in_dim3A_88, %broadcast_in_dim3A_193, %get3A_161] : memref<3x64x512xf32, #tpu.memory_space<vmem>>[vector<16xi32>, vector<16xi32>, vector<16xi32>], vector<16xf32>,
          tpu.vector_store_idx %arg10[%add3A_168, %broadcast_in_dim3A_193], %gather3A_194 masked %lt3A_166 : memref<64x128xf32, #tpu.memory_space<vmem>>[vector<16xi32>, vector<16xi32>], vector<16xf32>, vector<16xi1>
          %broadcast_in_dim3A_195 = arith.constant 9 : i32
          %broadcast_in_dim3A_196 = vector.broadcast %broadcast_in_dim3A_195 : i32 to vector<16xi32>
          %gather3A_197 = tpu.vector_load_idx %arg7[%broadcast_in_dim3A_88, %broadcast_in_dim3A_196, %get3A_161] : memref<3x64x512xf32, #tpu.memory_space<vmem>>[vector<16xi32>, vector<16xi32>, vector<16xi32>], vector<16xf32>,
          tpu.vector_store_idx %arg10[%add3A_168, %broadcast_in_dim3A_196], %gather3A_197 masked %lt3A_166 : memref<64x128xf32, #tpu.memory_space<vmem>>[vector<16xi32>, vector<16xi32>], vector<16xf32>, vector<16xi1>
          %broadcast_in_dim3A_198 = arith.constant 10 : i32
          %broadcast_in_dim3A_199 = vector.broadcast %broadcast_in_dim3A_198 : i32 to vector<16xi32>
          %gather3A_200 = tpu.vector_load_idx %arg7[%broadcast_in_dim3A_88, %broadcast_in_dim3A_199, %get3A_161] : memref<3x64x512xf32, #tpu.memory_space<vmem>>[vector<16xi32>, vector<16xi32>, vector<16xi32>], vector<16xf32>,
          tpu.vector_store_idx %arg10[%add3A_168, %broadcast_in_dim3A_199], %gather3A_200 masked %lt3A_166 : memref<64x128xf32, #tpu.memory_space<vmem>>[vector<16xi32>, vector<16xi32>], vector<16xf32>, vector<16xi1>
          %broadcast_in_dim3A_201 = arith.constant 11 : i32
          %broadcast_in_dim3A_202 = vector.broadcast %broadcast_in_dim3A_201 : i32 to vector<16xi32>
          %gather3A_203 = tpu.vector_load_idx %arg7[%broadcast_in_dim3A_88, %broadcast_in_dim3A_202, %get3A_161] : memref<3x64x512xf32, #tpu.memory_space<vmem>>[vector<16xi32>, vector<16xi32>, vector<16xi32>], vector<16xf32>,
          tpu.vector_store_idx %arg10[%add3A_168, %broadcast_in_dim3A_202], %gather3A_203 masked %lt3A_166 : memref<64x128xf32, #tpu.memory_space<vmem>>[vector<16xi32>, vector<16xi32>], vector<16xf32>, vector<16xi1>
          %broadcast_in_dim3A_204 = arith.constant 12 : i32
          %broadcast_in_dim3A_205 = vector.broadcast %broadcast_in_dim3A_204 : i32 to vector<16xi32>
          %gather3A_206 = tpu.vector_load_idx %arg7[%broadcast_in_dim3A_88, %broadcast_in_dim3A_205, %get3A_161] : memref<3x64x512xf32, #tpu.memory_space<vmem>>[vector<16xi32>, vector<16xi32>, vector<16xi32>], vector<16xf32>,
          tpu.vector_store_idx %arg10[%add3A_168, %broadcast_in_dim3A_205], %gather3A_206 masked %lt3A_166 : memref<64x128xf32, #tpu.memory_space<vmem>>[vector<16xi32>, vector<16xi32>], vector<16xf32>, vector<16xi1>
          %broadcast_in_dim3A_207 = arith.constant 13 : i32
          %broadcast_in_dim3A_208 = vector.broadcast %broadcast_in_dim3A_207 : i32 to vector<16xi32>
          %gather3A_209 = tpu.vector_load_idx %arg7[%broadcast_in_dim3A_88, %broadcast_in_dim3A_208, %get3A_161] : memref<3x64x512xf32, #tpu.memory_space<vmem>>[vector<16xi32>, vector<16xi32>, vector<16xi32>], vector<16xf32>,
          tpu.vector_store_idx %arg10[%add3A_168, %broadcast_in_dim3A_208], %gather3A_209 masked %lt3A_166 : memref<64x128xf32, #tpu.memory_space<vmem>>[vector<16xi32>, vector<16xi32>], vector<16xf32>, vector<16xi1>
          %broadcast_in_dim3A_210 = arith.constant 14 : i32
          %broadcast_in_dim3A_211 = vector.broadcast %broadcast_in_dim3A_210 : i32 to vector<16xi32>
          %gather3A_212 = tpu.vector_load_idx %arg7[%broadcast_in_dim3A_88, %broadcast_in_dim3A_211, %get3A_161] : memref<3x64x512xf32, #tpu.memory_space<vmem>>[vector<16xi32>, vector<16xi32>, vector<16xi32>], vector<16xf32>,
          tpu.vector_store_idx %arg10[%add3A_168, %broadcast_in_dim3A_211], %gather3A_212 masked %lt3A_166 : memref<64x128xf32, #tpu.memory_space<vmem>>[vector<16xi32>, vector<16xi32>], vector<16xf32>, vector<16xi1>
          %broadcast_in_dim3A_213 = arith.constant 15 : i32
          %broadcast_in_dim3A_214 = vector.broadcast %broadcast_in_dim3A_213 : i32 to vector<16xi32>
          %gather3A_215 = tpu.vector_load_idx %arg7[%broadcast_in_dim3A_88, %broadcast_in_dim3A_214, %get3A_161] : memref<3x64x512xf32, #tpu.memory_space<vmem>>[vector<16xi32>, vector<16xi32>, vector<16xi32>], vector<16xf32>,
          tpu.vector_store_idx %arg10[%add3A_168, %broadcast_in_dim3A_214], %gather3A_215 masked %lt3A_166 : memref<64x128xf32, #tpu.memory_space<vmem>>[vector<16xi32>, vector<16xi32>], vector<16xf32>, vector<16xi1>
          %broadcast_in_dim3A_216 = arith.constant 16 : i32
          %broadcast_in_dim3A_217 = vector.broadcast %broadcast_in_dim3A_216 : i32 to vector<16xi32>
          %gather3A_218 = tpu.vector_load_idx %arg7[%broadcast_in_dim3A_88, %broadcast_in_dim3A_217, %get3A_161] : memref<3x64x512xf32, #tpu.memory_space<vmem>>[vector<16xi32>, vector<16xi32>, vector<16xi32>], vector<16xf32>,
          tpu.vector_store_idx %arg10[%add3A_168, %broadcast_in_dim3A_217], %gather3A_218 masked %lt3A_166 : memref<64x128xf32, #tpu.memory_space<vmem>>[vector<16xi32>, vector<16xi32>], vector<16xf32>, vector<16xi1>
          %broadcast_in_dim3A_219 = arith.constant 17 : i32
          %broadcast_in_dim3A_220 = vector.broadcast %broadcast_in_dim3A_219 : i32 to vector<16xi32>
          %gather3A_221 = tpu.vector_load_idx %arg7[%broadcast_in_dim3A_88, %broadcast_in_dim3A_220, %get3A_161] : memref<3x64x512xf32, #tpu.memory_space<vmem>>[vector<16xi32>, vector<16xi32>, vector<16xi32>], vector<16xf32>,
          tpu.vector_store_idx %arg10[%add3A_168, %broadcast_in_dim3A_220], %gather3A_221 masked %lt3A_166 : memref<64x128xf32, #tpu.memory_space<vmem>>[vector<16xi32>, vector<16xi32>], vector<16xf32>, vector<16xi1>
          %broadcast_in_dim3A_222 = arith.constant 18 : i32
          %broadcast_in_dim3A_223 = vector.broadcast %broadcast_in_dim3A_222 : i32 to vector<16xi32>
          %gather3A_224 = tpu.vector_load_idx %arg7[%broadcast_in_dim3A_88, %broadcast_in_dim3A_223, %get3A_161] : memref<3x64x512xf32, #tpu.memory_space<vmem>>[vector<16xi32>, vector<16xi32>, vector<16xi32>], vector<16xf32>,
          tpu.vector_store_idx %arg10[%add3A_168, %broadcast_in_dim3A_223], %gather3A_224 masked %lt3A_166 : memref<64x128xf32, #tpu.memory_space<vmem>>[vector<16xi32>, vector<16xi32>], vector<16xf32>, vector<16xi1>
          %broadcast_in_dim3A_225 = arith.constant 19 : i32
          %broadcast_in_dim3A_226 = vector.broadcast %broadcast_in_dim3A_225 : i32 to vector<16xi32>
          %gather3A_227 = tpu.vector_load_idx %arg7[%broadcast_in_dim3A_88, %broadcast_in_dim3A_226, %get3A_161] : memref<3x64x512xf32, #tpu.memory_space<vmem>>[vector<16xi32>, vector<16xi32>, vector<16xi32>], vector<16xf32>,
          tpu.vector_store_idx %arg10[%add3A_168, %broadcast_in_dim3A_226], %gather3A_227 masked %lt3A_166 : memref<64x128xf32, #tpu.memory_space<vmem>>[vector<16xi32>, vector<16xi32>], vector<16xf32>, vector<16xi1>
          %broadcast_in_dim3A_228 = arith.constant 20 : i32
          %broadcast_in_dim3A_229 = vector.broadcast %broadcast_in_dim3A_228 : i32 to vector<16xi32>
          %gather3A_230 = tpu.vector_load_idx %arg7[%broadcast_in_dim3A_88, %broadcast_in_dim3A_229, %get3A_161] : memref<3x64x512xf32, #tpu.memory_space<vmem>>[vector<16xi32>, vector<16xi32>, vector<16xi32>], vector<16xf32>,
          tpu.vector_store_idx %arg10[%add3A_168, %broadcast_in_dim3A_229], %gather3A_230 masked %lt3A_166 : memref<64x128xf32, #tpu.memory_space<vmem>>[vector<16xi32>, vector<16xi32>], vector<16xf32>, vector<16xi1>
          %broadcast_in_dim3A_231 = arith.constant 21 : i32
          %broadcast_in_dim3A_232 = vector.broadcast %broadcast_in_dim3A_231 : i32 to vector<16xi32>
          %gather3A_233 = tpu.vector_load_idx %arg7[%broadcast_in_dim3A_88, %broadcast_in_dim3A_232, %get3A_161] : memref<3x64x512xf32, #tpu.memory_space<vmem>>[vector<16xi32>, vector<16xi32>, vector<16xi32>], vector<16xf32>,
          tpu.vector_store_idx %arg10[%add3A_168, %broadcast_in_dim3A_232], %gather3A_233 masked %lt3A_166 : memref<64x128xf32, #tpu.memory_space<vmem>>[vector<16xi32>, vector<16xi32>], vector<16xf32>, vector<16xi1>
          %broadcast_in_dim3A_234 = arith.constant 22 : i32
          %broadcast_in_dim3A_235 = vector.broadcast %broadcast_in_dim3A_234 : i32 to vector<16xi32>
          %gather3A_236 = tpu.vector_load_idx %arg7[%broadcast_in_dim3A_88, %broadcast_in_dim3A_235, %get3A_161] : memref<3x64x512xf32, #tpu.memory_space<vmem>>[vector<16xi32>, vector<16xi32>, vector<16xi32>], vector<16xf32>,
          tpu.vector_store_idx %arg10[%add3A_168, %broadcast_in_dim3A_235], %gather3A_236 masked %lt3A_166 : memref<64x128xf32, #tpu.memory_space<vmem>>[vector<16xi32>, vector<16xi32>], vector<16xf32>, vector<16xi1>
          %broadcast_in_dim3A_237 = arith.constant 23 : i32
          %broadcast_in_dim3A_238 = vector.broadcast %broadcast_in_dim3A_237 : i32 to vector<16xi32>
          %gather3A_239 = tpu.vector_load_idx %arg7[%broadcast_in_dim3A_88, %broadcast_in_dim3A_238, %get3A_161] : memref<3x64x512xf32, #tpu.memory_space<vmem>>[vector<16xi32>, vector<16xi32>, vector<16xi32>], vector<16xf32>,
          tpu.vector_store_idx %arg10[%add3A_168, %broadcast_in_dim3A_238], %gather3A_239 masked %lt3A_166 : memref<64x128xf32, #tpu.memory_space<vmem>>[vector<16xi32>, vector<16xi32>], vector<16xf32>, vector<16xi1>
          %broadcast_in_dim3A_240 = arith.constant 24 : i32
          %broadcast_in_dim3A_241 = vector.broadcast %broadcast_in_dim3A_240 : i32 to vector<16xi32>
          %gather3A_242 = tpu.vector_load_idx %arg7[%broadcast_in_dim3A_88, %broadcast_in_dim3A_241, %get3A_161] : memref<3x64x512xf32, #tpu.memory_space<vmem>>[vector<16xi32>, vector<16xi32>, vector<16xi32>], vector<16xf32>,
          tpu.vector_store_idx %arg10[%add3A_168, %broadcast_in_dim3A_241], %gather3A_242 masked %lt3A_166 : memref<64x128xf32, #tpu.memory_space<vmem>>[vector<16xi32>, vector<16xi32>], vector<16xf32>, vector<16xi1>
          %broadcast_in_dim3A_243 = arith.constant 25 : i32
          %broadcast_in_dim3A_244 = vector.broadcast %broadcast_in_dim3A_243 : i32 to vector<16xi32>
          %gather3A_245 = tpu.vector_load_idx %arg7[%broadcast_in_dim3A_88, %broadcast_in_dim3A_244, %get3A_161] : memref<3x64x512xf32, #tpu.memory_space<vmem>>[vector<16xi32>, vector<16xi32>, vector<16xi32>], vector<16xf32>,
          tpu.vector_store_idx %arg10[%add3A_168, %broadcast_in_dim3A_244], %gather3A_245 masked %lt3A_166 : memref<64x128xf32, #tpu.memory_space<vmem>>[vector<16xi32>, vector<16xi32>], vector<16xf32>, vector<16xi1>
          %broadcast_in_dim3A_246 = arith.constant 26 : i32
          %broadcast_in_dim3A_247 = vector.broadcast %broadcast_in_dim3A_246 : i32 to vector<16xi32>
          %gather3A_248 = tpu.vector_load_idx %arg7[%broadcast_in_dim3A_88, %broadcast_in_dim3A_247, %get3A_161] : memref<3x64x512xf32, #tpu.memory_space<vmem>>[vector<16xi32>, vector<16xi32>, vector<16xi32>], vector<16xf32>,
          tpu.vector_store_idx %arg10[%add3A_168, %broadcast_in_dim3A_247], %gather3A_248 masked %lt3A_166 : memref<64x128xf32, #tpu.memory_space<vmem>>[vector<16xi32>, vector<16xi32>], vector<16xf32>, vector<16xi1>
          %broadcast_in_dim3A_249 = arith.constant 27 : i32
          %broadcast_in_dim3A_250 = vector.broadcast %broadcast_in_dim3A_249 : i32 to vector<16xi32>
          %gather3A_251 = tpu.vector_load_idx %arg7[%broadcast_in_dim3A_88, %broadcast_in_dim3A_250, %get3A_161] : memref<3x64x512xf32, #tpu.memory_space<vmem>>[vector<16xi32>, vector<16xi32>, vector<16xi32>], vector<16xf32>,
          tpu.vector_store_idx %arg10[%add3A_168, %broadcast_in_dim3A_250], %gather3A_251 masked %lt3A_166 : memref<64x128xf32, #tpu.memory_space<vmem>>[vector<16xi32>, vector<16xi32>], vector<16xf32>, vector<16xi1>
          %broadcast_in_dim3A_252 = arith.constant 28 : i32
          %broadcast_in_dim3A_253 = vector.broadcast %broadcast_in_dim3A_252 : i32 to vector<16xi32>
          %gather3A_254 = tpu.vector_load_idx %arg7[%broadcast_in_dim3A_88, %broadcast_in_dim3A_253, %get3A_161] : memref<3x64x512xf32, #tpu.memory_space<vmem>>[vector<16xi32>, vector<16xi32>, vector<16xi32>], vector<16xf32>,
          tpu.vector_store_idx %arg10[%add3A_168, %broadcast_in_dim3A_253], %gather3A_254 masked %lt3A_166 : memref<64x128xf32, #tpu.memory_space<vmem>>[vector<16xi32>, vector<16xi32>], vector<16xf32>, vector<16xi1>
          %broadcast_in_dim3A_255 = arith.constant 29 : i32
          %broadcast_in_dim3A_256 = vector.broadcast %broadcast_in_dim3A_255 : i32 to vector<16xi32>
          %gather3A_257 = tpu.vector_load_idx %arg7[%broadcast_in_dim3A_88, %broadcast_in_dim3A_256, %get3A_161] : memref<3x64x512xf32, #tpu.memory_space<vmem>>[vector<16xi32>, vector<16xi32>, vector<16xi32>], vector<16xf32>,
          tpu.vector_store_idx %arg10[%add3A_168, %broadcast_in_dim3A_256], %gather3A_257 masked %lt3A_166 : memref<64x128xf32, #tpu.memory_space<vmem>>[vector<16xi32>, vector<16xi32>], vector<16xf32>, vector<16xi1>
          %broadcast_in_dim3A_258 = arith.constant 30 : i32
          %broadcast_in_dim3A_259 = vector.broadcast %broadcast_in_dim3A_258 : i32 to vector<16xi32>
          %gather3A_260 = tpu.vector_load_idx %arg7[%broadcast_in_dim3A_88, %broadcast_in_dim3A_259, %get3A_161] : memref<3x64x512xf32, #tpu.memory_space<vmem>>[vector<16xi32>, vector<16xi32>, vector<16xi32>], vector<16xf32>,
          tpu.vector_store_idx %arg10[%add3A_168, %broadcast_in_dim3A_259], %gather3A_260 masked %lt3A_166 : memref<64x128xf32, #tpu.memory_space<vmem>>[vector<16xi32>, vector<16xi32>], vector<16xf32>, vector<16xi1>
          %broadcast_in_dim3A_261 = arith.constant 31 : i32
          %broadcast_in_dim3A_262 = vector.broadcast %broadcast_in_dim3A_261 : i32 to vector<16xi32>
          %gather3A_263 = tpu.vector_load_idx %arg7[%broadcast_in_dim3A_88, %broadcast_in_dim3A_262, %get3A_161] : memref<3x64x512xf32, #tpu.memory_space<vmem>>[vector<16xi32>, vector<16xi32>, vector<16xi32>], vector<16xf32>,
          tpu.vector_store_idx %arg10[%add3A_168, %broadcast_in_dim3A_262], %gather3A_263 masked %lt3A_166 : memref<64x128xf32, #tpu.memory_space<vmem>>[vector<16xi32>, vector<16xi32>], vector<16xf32>, vector<16xi1>
          %broadcast_in_dim3A_264 = arith.constant 32 : i32
          %broadcast_in_dim3A_265 = vector.broadcast %broadcast_in_dim3A_264 : i32 to vector<16xi32>
          %gather3A_266 = tpu.vector_load_idx %arg7[%broadcast_in_dim3A_88, %broadcast_in_dim3A_265, %get3A_161] : memref<3x64x512xf32, #tpu.memory_space<vmem>>[vector<16xi32>, vector<16xi32>, vector<16xi32>], vector<16xf32>,
          tpu.vector_store_idx %arg10[%add3A_168, %broadcast_in_dim3A_265], %gather3A_266 masked %lt3A_166 : memref<64x128xf32, #tpu.memory_space<vmem>>[vector<16xi32>, vector<16xi32>], vector<16xf32>, vector<16xi1>
          %broadcast_in_dim3A_267 = arith.constant 33 : i32
          %broadcast_in_dim3A_268 = vector.broadcast %broadcast_in_dim3A_267 : i32 to vector<16xi32>
          %gather3A_269 = tpu.vector_load_idx %arg7[%broadcast_in_dim3A_88, %broadcast_in_dim3A_268, %get3A_161] : memref<3x64x512xf32, #tpu.memory_space<vmem>>[vector<16xi32>, vector<16xi32>, vector<16xi32>], vector<16xf32>,
          tpu.vector_store_idx %arg10[%add3A_168, %broadcast_in_dim3A_268], %gather3A_269 masked %lt3A_166 : memref<64x128xf32, #tpu.memory_space<vmem>>[vector<16xi32>, vector<16xi32>], vector<16xf32>, vector<16xi1>
          %broadcast_in_dim3A_270 = arith.constant 34 : i32
          %broadcast_in_dim3A_271 = vector.broadcast %broadcast_in_dim3A_270 : i32 to vector<16xi32>
          %gather3A_272 = tpu.vector_load_idx %arg7[%broadcast_in_dim3A_88, %broadcast_in_dim3A_271, %get3A_161] : memref<3x64x512xf32, #tpu.memory_space<vmem>>[vector<16xi32>, vector<16xi32>, vector<16xi32>], vector<16xf32>,
          tpu.vector_store_idx %arg10[%add3A_168, %broadcast_in_dim3A_271], %gather3A_272 masked %lt3A_166 : memref<64x128xf32, #tpu.memory_space<vmem>>[vector<16xi32>, vector<16xi32>], vector<16xf32>, vector<16xi1>
          %broadcast_in_dim3A_273 = arith.constant 35 : i32
          %broadcast_in_dim3A_274 = vector.broadcast %broadcast_in_dim3A_273 : i32 to vector<16xi32>
          %gather3A_275 = tpu.vector_load_idx %arg7[%broadcast_in_dim3A_88, %broadcast_in_dim3A_274, %get3A_161] : memref<3x64x512xf32, #tpu.memory_space<vmem>>[vector<16xi32>, vector<16xi32>, vector<16xi32>], vector<16xf32>,
          tpu.vector_store_idx %arg10[%add3A_168, %broadcast_in_dim3A_274], %gather3A_275 masked %lt3A_166 : memref<64x128xf32, #tpu.memory_space<vmem>>[vector<16xi32>, vector<16xi32>], vector<16xf32>, vector<16xi1>
          %broadcast_in_dim3A_276 = arith.constant 36 : i32
          %broadcast_in_dim3A_277 = vector.broadcast %broadcast_in_dim3A_276 : i32 to vector<16xi32>
          %gather3A_278 = tpu.vector_load_idx %arg7[%broadcast_in_dim3A_88, %broadcast_in_dim3A_277, %get3A_161] : memref<3x64x512xf32, #tpu.memory_space<vmem>>[vector<16xi32>, vector<16xi32>, vector<16xi32>], vector<16xf32>,
          tpu.vector_store_idx %arg10[%add3A_168, %broadcast_in_dim3A_277], %gather3A_278 masked %lt3A_166 : memref<64x128xf32, #tpu.memory_space<vmem>>[vector<16xi32>, vector<16xi32>], vector<16xf32>, vector<16xi1>
          %broadcast_in_dim3A_279 = arith.constant 37 : i32
          %broadcast_in_dim3A_280 = vector.broadcast %broadcast_in_dim3A_279 : i32 to vector<16xi32>
          %gather3A_281 = tpu.vector_load_idx %arg7[%broadcast_in_dim3A_88, %broadcast_in_dim3A_280, %get3A_161] : memref<3x64x512xf32, #tpu.memory_space<vmem>>[vector<16xi32>, vector<16xi32>, vector<16xi32>], vector<16xf32>,
          tpu.vector_store_idx %arg10[%add3A_168, %broadcast_in_dim3A_280], %gather3A_281 masked %lt3A_166 : memref<64x128xf32, #tpu.memory_space<vmem>>[vector<16xi32>, vector<16xi32>], vector<16xf32>, vector<16xi1>
          %broadcast_in_dim3A_282 = arith.constant 38 : i32
          %broadcast_in_dim3A_283 = vector.broadcast %broadcast_in_dim3A_282 : i32 to vector<16xi32>
          %gather3A_284 = tpu.vector_load_idx %arg7[%broadcast_in_dim3A_88, %broadcast_in_dim3A_283, %get3A_161] : memref<3x64x512xf32, #tpu.memory_space<vmem>>[vector<16xi32>, vector<16xi32>, vector<16xi32>], vector<16xf32>,
          tpu.vector_store_idx %arg10[%add3A_168, %broadcast_in_dim3A_283], %gather3A_284 masked %lt3A_166 : memref<64x128xf32, #tpu.memory_space<vmem>>[vector<16xi32>, vector<16xi32>], vector<16xf32>, vector<16xi1>
          %broadcast_in_dim3A_285 = arith.constant 39 : i32
          %broadcast_in_dim3A_286 = vector.broadcast %broadcast_in_dim3A_285 : i32 to vector<16xi32>
          %gather3A_287 = tpu.vector_load_idx %arg7[%broadcast_in_dim3A_88, %broadcast_in_dim3A_286, %get3A_161] : memref<3x64x512xf32, #tpu.memory_space<vmem>>[vector<16xi32>, vector<16xi32>, vector<16xi32>], vector<16xf32>,
          tpu.vector_store_idx %arg10[%add3A_168, %broadcast_in_dim3A_286], %gather3A_287 masked %lt3A_166 : memref<64x128xf32, #tpu.memory_space<vmem>>[vector<16xi32>, vector<16xi32>], vector<16xf32>, vector<16xi1>
          %broadcast_in_dim3A_288 = arith.constant 40 : i32
          %broadcast_in_dim3A_289 = vector.broadcast %broadcast_in_dim3A_288 : i32 to vector<16xi32>
          %gather3A_290 = tpu.vector_load_idx %arg7[%broadcast_in_dim3A_88, %broadcast_in_dim3A_289, %get3A_161] : memref<3x64x512xf32, #tpu.memory_space<vmem>>[vector<16xi32>, vector<16xi32>, vector<16xi32>], vector<16xf32>,
          tpu.vector_store_idx %arg10[%add3A_168, %broadcast_in_dim3A_289], %gather3A_290 masked %lt3A_166 : memref<64x128xf32, #tpu.memory_space<vmem>>[vector<16xi32>, vector<16xi32>], vector<16xf32>, vector<16xi1>
          %broadcast_in_dim3A_291 = arith.constant 41 : i32
          %broadcast_in_dim3A_292 = vector.broadcast %broadcast_in_dim3A_291 : i32 to vector<16xi32>
          %gather3A_293 = tpu.vector_load_idx %arg7[%broadcast_in_dim3A_88, %broadcast_in_dim3A_292, %get3A_161] : memref<3x64x512xf32, #tpu.memory_space<vmem>>[vector<16xi32>, vector<16xi32>, vector<16xi32>], vector<16xf32>,
          tpu.vector_store_idx %arg10[%add3A_168, %broadcast_in_dim3A_292], %gather3A_293 masked %lt3A_166 : memref<64x128xf32, #tpu.memory_space<vmem>>[vector<16xi32>, vector<16xi32>], vector<16xf32>, vector<16xi1>
          %broadcast_in_dim3A_294 = arith.constant 42 : i32
          %broadcast_in_dim3A_295 = vector.broadcast %broadcast_in_dim3A_294 : i32 to vector<16xi32>
          %gather3A_296 = tpu.vector_load_idx %arg7[%broadcast_in_dim3A_88, %broadcast_in_dim3A_295, %get3A_161] : memref<3x64x512xf32, #tpu.memory_space<vmem>>[vector<16xi32>, vector<16xi32>, vector<16xi32>], vector<16xf32>,
          tpu.vector_store_idx %arg10[%add3A_168, %broadcast_in_dim3A_295], %gather3A_296 masked %lt3A_166 : memref<64x128xf32, #tpu.memory_space<vmem>>[vector<16xi32>, vector<16xi32>], vector<16xf32>, vector<16xi1>
          %broadcast_in_dim3A_297 = arith.constant 43 : i32
          %broadcast_in_dim3A_298 = vector.broadcast %broadcast_in_dim3A_297 : i32 to vector<16xi32>
          %gather3A_299 = tpu.vector_load_idx %arg7[%broadcast_in_dim3A_88, %broadcast_in_dim3A_298, %get3A_161] : memref<3x64x512xf32, #tpu.memory_space<vmem>>[vector<16xi32>, vector<16xi32>, vector<16xi32>], vector<16xf32>,
          tpu.vector_store_idx %arg10[%add3A_168, %broadcast_in_dim3A_298], %gather3A_299 masked %lt3A_166 : memref<64x128xf32, #tpu.memory_space<vmem>>[vector<16xi32>, vector<16xi32>], vector<16xf32>, vector<16xi1>
          %broadcast_in_dim3A_300 = arith.constant 44 : i32
          %broadcast_in_dim3A_301 = vector.broadcast %broadcast_in_dim3A_300 : i32 to vector<16xi32>
          %gather3A_302 = tpu.vector_load_idx %arg7[%broadcast_in_dim3A_88, %broadcast_in_dim3A_301, %get3A_161] : memref<3x64x512xf32, #tpu.memory_space<vmem>>[vector<16xi32>, vector<16xi32>, vector<16xi32>], vector<16xf32>,
          tpu.vector_store_idx %arg10[%add3A_168, %broadcast_in_dim3A_301], %gather3A_302 masked %lt3A_166 : memref<64x128xf32, #tpu.memory_space<vmem>>[vector<16xi32>, vector<16xi32>], vector<16xf32>, vector<16xi1>
          %broadcast_in_dim3A_303 = arith.constant 45 : i32
          %broadcast_in_dim3A_304 = vector.broadcast %broadcast_in_dim3A_303 : i32 to vector<16xi32>
          %gather3A_305 = tpu.vector_load_idx %arg7[%broadcast_in_dim3A_88, %broadcast_in_dim3A_304, %get3A_161] : memref<3x64x512xf32, #tpu.memory_space<vmem>>[vector<16xi32>, vector<16xi32>, vector<16xi32>], vector<16xf32>,
          tpu.vector_store_idx %arg10[%add3A_168, %broadcast_in_dim3A_304], %gather3A_305 masked %lt3A_166 : memref<64x128xf32, #tpu.memory_space<vmem>>[vector<16xi32>, vector<16xi32>], vector<16xf32>, vector<16xi1>
          %broadcast_in_dim3A_306 = arith.constant 46 : i32
          %broadcast_in_dim3A_307 = vector.broadcast %broadcast_in_dim3A_306 : i32 to vector<16xi32>
          %gather3A_308 = tpu.vector_load_idx %arg7[%broadcast_in_dim3A_88, %broadcast_in_dim3A_307, %get3A_161] : memref<3x64x512xf32, #tpu.memory_space<vmem>>[vector<16xi32>, vector<16xi32>, vector<16xi32>], vector<16xf32>,
          tpu.vector_store_idx %arg10[%add3A_168, %broadcast_in_dim3A_307], %gather3A_308 masked %lt3A_166 : memref<64x128xf32, #tpu.memory_space<vmem>>[vector<16xi32>, vector<16xi32>], vector<16xf32>, vector<16xi1>
          %broadcast_in_dim3A_309 = arith.constant 47 : i32
          %broadcast_in_dim3A_310 = vector.broadcast %broadcast_in_dim3A_309 : i32 to vector<16xi32>
          %gather3A_311 = tpu.vector_load_idx %arg7[%broadcast_in_dim3A_88, %broadcast_in_dim3A_310, %get3A_161] : memref<3x64x512xf32, #tpu.memory_space<vmem>>[vector<16xi32>, vector<16xi32>, vector<16xi32>], vector<16xf32>,
          tpu.vector_store_idx %arg10[%add3A_168, %broadcast_in_dim3A_310], %gather3A_311 masked %lt3A_166 : memref<64x128xf32, #tpu.memory_space<vmem>>[vector<16xi32>, vector<16xi32>], vector<16xf32>, vector<16xi1>
          %broadcast_in_dim3A_312 = arith.constant 48 : i32
          %broadcast_in_dim3A_313 = vector.broadcast %broadcast_in_dim3A_312 : i32 to vector<16xi32>
          %gather3A_314 = tpu.vector_load_idx %arg7[%broadcast_in_dim3A_88, %broadcast_in_dim3A_313, %get3A_161] : memref<3x64x512xf32, #tpu.memory_space<vmem>>[vector<16xi32>, vector<16xi32>, vector<16xi32>], vector<16xf32>,
          tpu.vector_store_idx %arg10[%add3A_168, %broadcast_in_dim3A_313], %gather3A_314 masked %lt3A_166 : memref<64x128xf32, #tpu.memory_space<vmem>>[vector<16xi32>, vector<16xi32>], vector<16xf32>, vector<16xi1>
          %broadcast_in_dim3A_315 = arith.constant 49 : i32
          %broadcast_in_dim3A_316 = vector.broadcast %broadcast_in_dim3A_315 : i32 to vector<16xi32>
          %gather3A_317 = tpu.vector_load_idx %arg7[%broadcast_in_dim3A_88, %broadcast_in_dim3A_316, %get3A_161] : memref<3x64x512xf32, #tpu.memory_space<vmem>>[vector<16xi32>, vector<16xi32>, vector<16xi32>], vector<16xf32>,
          tpu.vector_store_idx %arg10[%add3A_168, %broadcast_in_dim3A_316], %gather3A_317 masked %lt3A_166 : memref<64x128xf32, #tpu.memory_space<vmem>>[vector<16xi32>, vector<16xi32>], vector<16xf32>, vector<16xi1>
          %broadcast_in_dim3A_318 = arith.constant 50 : i32
          %broadcast_in_dim3A_319 = vector.broadcast %broadcast_in_dim3A_318 : i32 to vector<16xi32>
          %gather3A_320 = tpu.vector_load_idx %arg7[%broadcast_in_dim3A_88, %broadcast_in_dim3A_319, %get3A_161] : memref<3x64x512xf32, #tpu.memory_space<vmem>>[vector<16xi32>, vector<16xi32>, vector<16xi32>], vector<16xf32>,
          tpu.vector_store_idx %arg10[%add3A_168, %broadcast_in_dim3A_319], %gather3A_320 masked %lt3A_166 : memref<64x128xf32, #tpu.memory_space<vmem>>[vector<16xi32>, vector<16xi32>], vector<16xf32>, vector<16xi1>
          %broadcast_in_dim3A_321 = arith.constant 51 : i32
          %broadcast_in_dim3A_322 = vector.broadcast %broadcast_in_dim3A_321 : i32 to vector<16xi32>
          %gather3A_323 = tpu.vector_load_idx %arg7[%broadcast_in_dim3A_88, %broadcast_in_dim3A_322, %get3A_161] : memref<3x64x512xf32, #tpu.memory_space<vmem>>[vector<16xi32>, vector<16xi32>, vector<16xi32>], vector<16xf32>,
          tpu.vector_store_idx %arg10[%add3A_168, %broadcast_in_dim3A_322], %gather3A_323 masked %lt3A_166 : memref<64x128xf32, #tpu.memory_space<vmem>>[vector<16xi32>, vector<16xi32>], vector<16xf32>, vector<16xi1>
          %broadcast_in_dim3A_324 = arith.constant 52 : i32
          %broadcast_in_dim3A_325 = vector.broadcast %broadcast_in_dim3A_324 : i32 to vector<16xi32>
          %gather3A_326 = tpu.vector_load_idx %arg7[%broadcast_in_dim3A_88, %broadcast_in_dim3A_325, %get3A_161] : memref<3x64x512xf32, #tpu.memory_space<vmem>>[vector<16xi32>, vector<16xi32>, vector<16xi32>], vector<16xf32>,
          tpu.vector_store_idx %arg10[%add3A_168, %broadcast_in_dim3A_325], %gather3A_326 masked %lt3A_166 : memref<64x128xf32, #tpu.memory_space<vmem>>[vector<16xi32>, vector<16xi32>], vector<16xf32>, vector<16xi1>
          %broadcast_in_dim3A_327 = arith.constant 53 : i32
          %broadcast_in_dim3A_328 = vector.broadcast %broadcast_in_dim3A_327 : i32 to vector<16xi32>
          %gather3A_329 = tpu.vector_load_idx %arg7[%broadcast_in_dim3A_88, %broadcast_in_dim3A_328, %get3A_161] : memref<3x64x512xf32, #tpu.memory_space<vmem>>[vector<16xi32>, vector<16xi32>, vector<16xi32>], vector<16xf32>,
          tpu.vector_store_idx %arg10[%add3A_168, %broadcast_in_dim3A_328], %gather3A_329 masked %lt3A_166 : memref<64x128xf32, #tpu.memory_space<vmem>>[vector<16xi32>, vector<16xi32>], vector<16xf32>, vector<16xi1>
          %broadcast_in_dim3A_330 = arith.constant 54 : i32
          %broadcast_in_dim3A_331 = vector.broadcast %broadcast_in_dim3A_330 : i32 to vector<16xi32>
          %gather3A_332 = tpu.vector_load_idx %arg7[%broadcast_in_dim3A_88, %broadcast_in_dim3A_331, %get3A_161] : memref<3x64x512xf32, #tpu.memory_space<vmem>>[vector<16xi32>, vector<16xi32>, vector<16xi32>], vector<16xf32>,
          tpu.vector_store_idx %arg10[%add3A_168, %broadcast_in_dim3A_331], %gather3A_332 masked %lt3A_166 : memref<64x128xf32, #tpu.memory_space<vmem>>[vector<16xi32>, vector<16xi32>], vector<16xf32>, vector<16xi1>
          %broadcast_in_dim3A_333 = arith.constant 55 : i32
          %broadcast_in_dim3A_334 = vector.broadcast %broadcast_in_dim3A_333 : i32 to vector<16xi32>
          %gather3A_335 = tpu.vector_load_idx %arg7[%broadcast_in_dim3A_88, %broadcast_in_dim3A_334, %get3A_161] : memref<3x64x512xf32, #tpu.memory_space<vmem>>[vector<16xi32>, vector<16xi32>, vector<16xi32>], vector<16xf32>,
          tpu.vector_store_idx %arg10[%add3A_168, %broadcast_in_dim3A_334], %gather3A_335 masked %lt3A_166 : memref<64x128xf32, #tpu.memory_space<vmem>>[vector<16xi32>, vector<16xi32>], vector<16xf32>, vector<16xi1>
          %broadcast_in_dim3A_336 = arith.constant 56 : i32
          %broadcast_in_dim3A_337 = vector.broadcast %broadcast_in_dim3A_336 : i32 to vector<16xi32>
          %gather3A_338 = tpu.vector_load_idx %arg7[%broadcast_in_dim3A_88, %broadcast_in_dim3A_337, %get3A_161] : memref<3x64x512xf32, #tpu.memory_space<vmem>>[vector<16xi32>, vector<16xi32>, vector<16xi32>], vector<16xf32>,
          tpu.vector_store_idx %arg10[%add3A_168, %broadcast_in_dim3A_337], %gather3A_338 masked %lt3A_166 : memref<64x128xf32, #tpu.memory_space<vmem>>[vector<16xi32>, vector<16xi32>], vector<16xf32>, vector<16xi1>
          %broadcast_in_dim3A_339 = arith.constant 57 : i32
          %broadcast_in_dim3A_340 = vector.broadcast %broadcast_in_dim3A_339 : i32 to vector<16xi32>
          %gather3A_341 = tpu.vector_load_idx %arg7[%broadcast_in_dim3A_88, %broadcast_in_dim3A_340, %get3A_161] : memref<3x64x512xf32, #tpu.memory_space<vmem>>[vector<16xi32>, vector<16xi32>, vector<16xi32>], vector<16xf32>,
          tpu.vector_store_idx %arg10[%add3A_168, %broadcast_in_dim3A_340], %gather3A_341 masked %lt3A_166 : memref<64x128xf32, #tpu.memory_space<vmem>>[vector<16xi32>, vector<16xi32>], vector<16xf32>, vector<16xi1>
          %broadcast_in_dim3A_342 = arith.constant 58 : i32
          %broadcast_in_dim3A_343 = vector.broadcast %broadcast_in_dim3A_342 : i32 to vector<16xi32>
          %gather3A_344 = tpu.vector_load_idx %arg7[%broadcast_in_dim3A_88, %broadcast_in_dim3A_343, %get3A_161] : memref<3x64x512xf32, #tpu.memory_space<vmem>>[vector<16xi32>, vector<16xi32>, vector<16xi32>], vector<16xf32>,
          tpu.vector_store_idx %arg10[%add3A_168, %broadcast_in_dim3A_343], %gather3A_344 masked %lt3A_166 : memref<64x128xf32, #tpu.memory_space<vmem>>[vector<16xi32>, vector<16xi32>], vector<16xf32>, vector<16xi1>
          %broadcast_in_dim3A_345 = arith.constant 59 : i32
          %broadcast_in_dim3A_346 = vector.broadcast %broadcast_in_dim3A_345 : i32 to vector<16xi32>
          %gather3A_347 = tpu.vector_load_idx %arg7[%broadcast_in_dim3A_88, %broadcast_in_dim3A_346, %get3A_161] : memref<3x64x512xf32, #tpu.memory_space<vmem>>[vector<16xi32>, vector<16xi32>, vector<16xi32>], vector<16xf32>,
          tpu.vector_store_idx %arg10[%add3A_168, %broadcast_in_dim3A_346], %gather3A_347 masked %lt3A_166 : memref<64x128xf32, #tpu.memory_space<vmem>>[vector<16xi32>, vector<16xi32>], vector<16xf32>, vector<16xi1>
          %broadcast_in_dim3A_348 = arith.constant 60 : i32
          %broadcast_in_dim3A_349 = vector.broadcast %broadcast_in_dim3A_348 : i32 to vector<16xi32>
          %gather3A_350 = tpu.vector_load_idx %arg7[%broadcast_in_dim3A_88, %broadcast_in_dim3A_349, %get3A_161] : memref<3x64x512xf32, #tpu.memory_space<vmem>>[vector<16xi32>, vector<16xi32>, vector<16xi32>], vector<16xf32>,
          tpu.vector_store_idx %arg10[%add3A_168, %broadcast_in_dim3A_349], %gather3A_350 masked %lt3A_166 : memref<64x128xf32, #tpu.memory_space<vmem>>[vector<16xi32>, vector<16xi32>], vector<16xf32>, vector<16xi1>
          %broadcast_in_dim3A_351 = arith.constant 61 : i32
          %broadcast_in_dim3A_352 = vector.broadcast %broadcast_in_dim3A_351 : i32 to vector<16xi32>
          %gather3A_353 = tpu.vector_load_idx %arg7[%broadcast_in_dim3A_88, %broadcast_in_dim3A_352, %get3A_161] : memref<3x64x512xf32, #tpu.memory_space<vmem>>[vector<16xi32>, vector<16xi32>, vector<16xi32>], vector<16xf32>,
          tpu.vector_store_idx %arg10[%add3A_168, %broadcast_in_dim3A_352], %gather3A_353 masked %lt3A_166 : memref<64x128xf32, #tpu.memory_space<vmem>>[vector<16xi32>, vector<16xi32>], vector<16xf32>, vector<16xi1>
          %broadcast_in_dim3A_354 = arith.constant 62 : i32
          %broadcast_in_dim3A_355 = vector.broadcast %broadcast_in_dim3A_354 : i32 to vector<16xi32>
          %gather3A_356 = tpu.vector_load_idx %arg7[%broadcast_in_dim3A_88, %broadcast_in_dim3A_355, %get3A_161] : memref<3x64x512xf32, #tpu.memory_space<vmem>>[vector<16xi32>, vector<16xi32>, vector<16xi32>], vector<16xf32>,
          tpu.vector_store_idx %arg10[%add3A_168, %broadcast_in_dim3A_355], %gather3A_356 masked %lt3A_166 : memref<64x128xf32, #tpu.memory_space<vmem>>[vector<16xi32>, vector<16xi32>], vector<16xf32>, vector<16xi1>
          %broadcast_in_dim3A_357 = arith.constant 63 : i32
          %broadcast_in_dim3A_358 = vector.broadcast %broadcast_in_dim3A_357 : i32 to vector<16xi32>
          %gather3A_359 = tpu.vector_load_idx %arg7[%broadcast_in_dim3A_88, %broadcast_in_dim3A_358, %get3A_161] : memref<3x64x512xf32, #tpu.memory_space<vmem>>[vector<16xi32>, vector<16xi32>, vector<16xi32>], vector<16xf32>,
          tpu.vector_store_idx %arg10[%add3A_168, %broadcast_in_dim3A_358], %gather3A_359 masked %lt3A_166 : memref<64x128xf32, #tpu.memory_space<vmem>>[vector<16xi32>, vector<16xi32>], vector<16xf32>, vector<16xi1>
          %broadcast_in_dim3A_360 = vector.broadcast %add3A_2 : i32 to vector<16xi32>
          %select_n3A_361 = arith.select %lt3A_166, %get3A_163, %broadcast_in_dim3A_360 : vector<16xi1>, vector<16xi32>
          tpu.vector_store_idx %arg11[%add3A_168], %select_n3A_361 : memref<64xi32, #tpu.memory_space<vmem>>[vector<16xi32>], vector<16xi32>,
          %get3A_362 = arith.constant 16 : index
          %get3A_363 = tpu.vector_load %arg8[%get3A_362] {strides = array<i32>} : memref<32xi32, #tpu.memory_space<vmem>>, vector<16xi32>,
          %swap3A_364 = arith.constant 0 : index
          %swap3A_365 = tpu.vector_load %arg8[%swap3A_364] {strides = array<i32>} : memref<32xi32, #tpu.memory_space<vmem>>, vector<16xi32>,
          tpu.vector_store %arg8[%swap3A_364], %get3A_363 {strides = array<i32>} : memref<32xi32, #tpu.memory_space<vmem>>, vector<16xi32>,
          %get3A_366 = arith.constant 16 : index
          %get3A_367 = tpu.vector_load %arg9[%get3A_366] {strides = array<i32>} : memref<32xi32, #tpu.memory_space<vmem>>, vector<16xi32>,
          %swap3A_368 = arith.constant 0 : index
          %swap3A_369 = tpu.vector_load %arg9[%swap3A_368] {strides = array<i32>} : memref<32xi32, #tpu.memory_space<vmem>>, vector<16xi32>,
          tpu.vector_store %arg9[%swap3A_368], %get3A_367 {strides = array<i32>} : memref<32xi32, #tpu.memory_space<vmem>>, vector<16xi32>,
          %add3A_370 = arith.constant 16 : i32
          %add3A_371 = arith.addi %while3A_115, %add3A_370 : i32
          %gt3A_372 = arith.constant 48 : i32
          %gt3A_373 = arith.cmpi sgt, %add3A_371, %gt3A_372 : i32
          %convert_element_type3A_374 = arith.extui %gt3A_373 : i1 to i32
          %cond3A_375 = arith.constant 0 : i32
          %cond3A_376 = arith.cmpi ne, %convert_element_type3A_374, %cond3A_375 : i32
          %cond3A_377 = scf.if %cond3A_376 -> (i32) {
            "tpu.region"() ({
              %run_scoped3A = tpu.sem_alloc : memref<!tpu.dma_semaphore, #tpu.memory_space<semaphore_mem>>
              %dma_start3A = arith.constant 0 : i32
              %dma_start3A_389 = arith.constant 0 : i32
              %dma_start3A_390 = tpu.memref_slice %arg4[%dma_start3A, %dma_start3A_389] : memref<16416x128xf32, #tpu.memory_space<hbm>> -> memref<16416x128xf32, #tpu.memory_space<hbm>>
              tpu.enqueue_indirect_dma source(%arg10 : memref<64x128xf32, #tpu.memory_space<vmem>>) target(%dma_start3A_390 : memref<16416x128xf32, #tpu.memory_space<hbm>>) offsets(%arg11 : memref<64xi32, #tpu.memory_space<vmem>>) semaphore(%run_scoped3A : memref<!tpu.dma_semaphore, #tpu.memory_space<semaphore_mem>>)
              %dma_wait3A = arith.constant 0 : i32
              %dma_wait3A_391 = arith.constant 0 : i32
              %dma_wait3A_392 = tpu.memref_slice %arg4[%dma_wait3A, %dma_wait3A_391] : memref<16416x128xf32, #tpu.memory_space<hbm>> -> memref<16416x128xf32, #tpu.memory_space<hbm>>
              tpu.wait_indirect_dma semaphore(%run_scoped3A : memref<!tpu.dma_semaphore, #tpu.memory_space<semaphore_mem>>) src(%arg10 : memref<64x128xf32, #tpu.memory_space<vmem>>) dst(%dma_wait3A_392 : memref<16416x128xf32, #tpu.memory_space<hbm>>)
              tpu.yield
            }) : () -> ()
            %broadcast_in_dim3A_378 = vector.broadcast %add3A_2 : i32 to vector<16xi32>
            %swap3A_379 = arith.constant 0 : index
            %swap3A_380 = tpu.vector_load %arg11[%swap3A_379] {strides = array<i32>} : memref<64xi32, #tpu.memory_space<vmem>>, vector<16xi32>,
            tpu.vector_store %arg11[%swap3A_379], %broadcast_in_dim3A_378 {strides = array<i32>} : memref<64xi32, #tpu.memory_space<vmem>>, vector<16xi32>,
            %swap3A_381 = arith.constant 16 : index
            %swap3A_382 = tpu.vector_load %arg11[%swap3A_381] {strides = array<i32>} : memref<64xi32, #tpu.memory_space<vmem>>, vector<16xi32>,
            tpu.vector_store %arg11[%swap3A_381], %broadcast_in_dim3A_378 {strides = array<i32>} : memref<64xi32, #tpu.memory_space<vmem>>, vector<16xi32>,
            %swap3A_383 = arith.constant 32 : index
            %swap3A_384 = tpu.vector_load %arg11[%swap3A_383] {strides = array<i32>} : memref<64xi32, #tpu.memory_space<vmem>>, vector<16xi32>,
            tpu.vector_store %arg11[%swap3A_383], %broadcast_in_dim3A_378 {strides = array<i32>} : memref<64xi32, #tpu.memory_space<vmem>>, vector<16xi32>,
            %swap3A_385 = arith.constant 48 : index
            %swap3A_386 = tpu.vector_load %arg11[%swap3A_385] {strides = array<i32>} : memref<64xi32, #tpu.memory_space<vmem>>, vector<16xi32>,
            tpu.vector_store %arg11[%swap3A_385], %broadcast_in_dim3A_378 {strides = array<i32>} : memref<64xi32, #tpu.memory_space<vmem>>, vector<16xi32>,
            %mul3A_387 = arith.constant 0 : i32
            %mul3A_388 = arith.muli %mul3A_387, %add3A_371 : i32
            scf.yield %mul3A_388 : i32
          } else {
            scf.yield %add3A_371 : i32
          }
          scf.yield %cond3A_377 : i32
        } else {
          scf.yield %while3A_115 : i32
        }
        %ge3A_154 = arith.constant 16 : i32
        %ge3A_155 = arith.cmpi sge, %add3A_148, %ge3A_154 : i32
        %convert_element_type3A_156 = arith.extui %ge3A_155 : i1 to i32
        %cond3A_157 = arith.constant 0 : i32
        %cond3A_158 = arith.cmpi ne, %convert_element_type3A_156, %cond3A_157 : i32
        %cond3A_159 = scf.if %cond3A_158 -> (i32) {
          %sub3A_160 = arith.constant 16 : i32
          %sub3A_161 = arith.subi %add3A_148, %sub3A_160 : i32
          scf.yield %sub3A_161 : i32
        } else {
          scf.yield %add3A_148 : i32
        }
        scf.yield %cond3A_159, %cond3A_153 : i32, i32
      }
      %gt3A_101 = arith.constant 0 : i32
      %gt3A_102 = arith.cmpi sgt, %while3A_100#0, %gt3A_101 : i32
      %convert_element_type3A_103 = arith.extui %gt3A_102 : i1 to i32
      %cond3A_104 = arith.constant 0 : i32
      %cond3A_105 = arith.cmpi ne, %convert_element_type3A_103, %cond3A_104 : i32
      %cond3A_106 = scf.if %cond3A_105 -> (i32) {
        %get3A = arith.constant 0 : index
        %get3A_113 = tpu.vector_load %arg8[%get3A] {strides = array<i32>} : memref<32xi32, #tpu.memory_space<vmem>>, vector<16xi32>,
        %get3A_114 = arith.constant 0 : index
        %get3A_115 = tpu.vector_load %arg9[%get3A_114] {strides = array<i32>} : memref<32xi32, #tpu.memory_space<vmem>>, vector<16xi32>,
        %lt3A_116 = vector.broadcast %while3A_100#0 : i32 to vector<16xi32>
        %lt3A_117 = arith.cmpi slt, %iota3A, %lt3A_116 : vector<16xi32>
        %add3A_118 = vector.broadcast %while3A_100#1 : i32 to vector<16xi32>
        %add3A_119 = arith.addi %add3A_118, %iota3A : vector<16xi32>
        %broadcast_in_dim3A_120 = arith.constant 0 : i32
        %broadcast_in_dim3A_121 = vector.broadcast %broadcast_in_dim3A_120 : i32 to vector<16xi32>
        %gather3A = tpu.vector_load_idx %arg7[%broadcast_in_dim3A_88, %broadcast_in_dim3A_121, %get3A_113] : memref<3x64x512xf32, #tpu.memory_space<vmem>>[vector<16xi32>, vector<16xi32>, vector<16xi32>], vector<16xf32>,
        tpu.vector_store_idx %arg10[%add3A_119, %broadcast_in_dim3A_121], %gather3A masked %lt3A_117 : memref<64x128xf32, #tpu.memory_space<vmem>>[vector<16xi32>, vector<16xi32>], vector<16xf32>, vector<16xi1>
        %broadcast_in_dim3A_122 = arith.constant 1 : i32
        %broadcast_in_dim3A_123 = vector.broadcast %broadcast_in_dim3A_122 : i32 to vector<16xi32>
        %gather3A_124 = tpu.vector_load_idx %arg7[%broadcast_in_dim3A_88, %broadcast_in_dim3A_123, %get3A_113] : memref<3x64x512xf32, #tpu.memory_space<vmem>>[vector<16xi32>, vector<16xi32>, vector<16xi32>], vector<16xf32>,
        tpu.vector_store_idx %arg10[%add3A_119, %broadcast_in_dim3A_123], %gather3A_124 masked %lt3A_117 : memref<64x128xf32, #tpu.memory_space<vmem>>[vector<16xi32>, vector<16xi32>], vector<16xf32>, vector<16xi1>
        %broadcast_in_dim3A_125 = arith.constant 2 : i32
        %broadcast_in_dim3A_126 = vector.broadcast %broadcast_in_dim3A_125 : i32 to vector<16xi32>
        %gather3A_127 = tpu.vector_load_idx %arg7[%broadcast_in_dim3A_88, %broadcast_in_dim3A_126, %get3A_113] : memref<3x64x512xf32, #tpu.memory_space<vmem>>[vector<16xi32>, vector<16xi32>, vector<16xi32>], vector<16xf32>,
        tpu.vector_store_idx %arg10[%add3A_119, %broadcast_in_dim3A_126], %gather3A_127 masked %lt3A_117 : memref<64x128xf32, #tpu.memory_space<vmem>>[vector<16xi32>, vector<16xi32>], vector<16xf32>, vector<16xi1>
        %broadcast_in_dim3A_128 = arith.constant 3 : i32
        %broadcast_in_dim3A_129 = vector.broadcast %broadcast_in_dim3A_128 : i32 to vector<16xi32>
        %gather3A_130 = tpu.vector_load_idx %arg7[%broadcast_in_dim3A_88, %broadcast_in_dim3A_129, %get3A_113] : memref<3x64x512xf32, #tpu.memory_space<vmem>>[vector<16xi32>, vector<16xi32>, vector<16xi32>], vector<16xf32>,
        tpu.vector_store_idx %arg10[%add3A_119, %broadcast_in_dim3A_129], %gather3A_130 masked %lt3A_117 : memref<64x128xf32, #tpu.memory_space<vmem>>[vector<16xi32>, vector<16xi32>], vector<16xf32>, vector<16xi1>
        %broadcast_in_dim3A_131 = arith.constant 4 : i32
        %broadcast_in_dim3A_132 = vector.broadcast %broadcast_in_dim3A_131 : i32 to vector<16xi32>
        %gather3A_133 = tpu.vector_load_idx %arg7[%broadcast_in_dim3A_88, %broadcast_in_dim3A_132, %get3A_113] : memref<3x64x512xf32, #tpu.memory_space<vmem>>[vector<16xi32>, vector<16xi32>, vector<16xi32>], vector<16xf32>,
        tpu.vector_store_idx %arg10[%add3A_119, %broadcast_in_dim3A_132], %gather3A_133 masked %lt3A_117 : memref<64x128xf32, #tpu.memory_space<vmem>>[vector<16xi32>, vector<16xi32>], vector<16xf32>, vector<16xi1>
        %broadcast_in_dim3A_134 = arith.constant 5 : i32
        %broadcast_in_dim3A_135 = vector.broadcast %broadcast_in_dim3A_134 : i32 to vector<16xi32>
        %gather3A_136 = tpu.vector_load_idx %arg7[%broadcast_in_dim3A_88, %broadcast_in_dim3A_135, %get3A_113] : memref<3x64x512xf32, #tpu.memory_space<vmem>>[vector<16xi32>, vector<16xi32>, vector<16xi32>], vector<16xf32>,
        tpu.vector_store_idx %arg10[%add3A_119, %broadcast_in_dim3A_135], %gather3A_136 masked %lt3A_117 : memref<64x128xf32, #tpu.memory_space<vmem>>[vector<16xi32>, vector<16xi32>], vector<16xf32>, vector<16xi1>
        %broadcast_in_dim3A_137 = arith.constant 6 : i32
        %broadcast_in_dim3A_138 = vector.broadcast %broadcast_in_dim3A_137 : i32 to vector<16xi32>
        %gather3A_139 = tpu.vector_load_idx %arg7[%broadcast_in_dim3A_88, %broadcast_in_dim3A_138, %get3A_113] : memref<3x64x512xf32, #tpu.memory_space<vmem>>[vector<16xi32>, vector<16xi32>, vector<16xi32>], vector<16xf32>,
        tpu.vector_store_idx %arg10[%add3A_119, %broadcast_in_dim3A_138], %gather3A_139 masked %lt3A_117 : memref<64x128xf32, #tpu.memory_space<vmem>>[vector<16xi32>, vector<16xi32>], vector<16xf32>, vector<16xi1>
        %broadcast_in_dim3A_140 = arith.constant 7 : i32
        %broadcast_in_dim3A_141 = vector.broadcast %broadcast_in_dim3A_140 : i32 to vector<16xi32>
        %gather3A_142 = tpu.vector_load_idx %arg7[%broadcast_in_dim3A_88, %broadcast_in_dim3A_141, %get3A_113] : memref<3x64x512xf32, #tpu.memory_space<vmem>>[vector<16xi32>, vector<16xi32>, vector<16xi32>], vector<16xf32>,
        tpu.vector_store_idx %arg10[%add3A_119, %broadcast_in_dim3A_141], %gather3A_142 masked %lt3A_117 : memref<64x128xf32, #tpu.memory_space<vmem>>[vector<16xi32>, vector<16xi32>], vector<16xf32>, vector<16xi1>
        %broadcast_in_dim3A_143 = arith.constant 8 : i32
        %broadcast_in_dim3A_144 = vector.broadcast %broadcast_in_dim3A_143 : i32 to vector<16xi32>
        %gather3A_145 = tpu.vector_load_idx %arg7[%broadcast_in_dim3A_88, %broadcast_in_dim3A_144, %get3A_113] : memref<3x64x512xf32, #tpu.memory_space<vmem>>[vector<16xi32>, vector<16xi32>, vector<16xi32>], vector<16xf32>,
        tpu.vector_store_idx %arg10[%add3A_119, %broadcast_in_dim3A_144], %gather3A_145 masked %lt3A_117 : memref<64x128xf32, #tpu.memory_space<vmem>>[vector<16xi32>, vector<16xi32>], vector<16xf32>, vector<16xi1>
        %broadcast_in_dim3A_146 = arith.constant 9 : i32
        %broadcast_in_dim3A_147 = vector.broadcast %broadcast_in_dim3A_146 : i32 to vector<16xi32>
        %gather3A_148 = tpu.vector_load_idx %arg7[%broadcast_in_dim3A_88, %broadcast_in_dim3A_147, %get3A_113] : memref<3x64x512xf32, #tpu.memory_space<vmem>>[vector<16xi32>, vector<16xi32>, vector<16xi32>], vector<16xf32>,
        tpu.vector_store_idx %arg10[%add3A_119, %broadcast_in_dim3A_147], %gather3A_148 masked %lt3A_117 : memref<64x128xf32, #tpu.memory_space<vmem>>[vector<16xi32>, vector<16xi32>], vector<16xf32>, vector<16xi1>
        %broadcast_in_dim3A_149 = arith.constant 10 : i32
        %broadcast_in_dim3A_150 = vector.broadcast %broadcast_in_dim3A_149 : i32 to vector<16xi32>
        %gather3A_151 = tpu.vector_load_idx %arg7[%broadcast_in_dim3A_88, %broadcast_in_dim3A_150, %get3A_113] : memref<3x64x512xf32, #tpu.memory_space<vmem>>[vector<16xi32>, vector<16xi32>, vector<16xi32>], vector<16xf32>,
        tpu.vector_store_idx %arg10[%add3A_119, %broadcast_in_dim3A_150], %gather3A_151 masked %lt3A_117 : memref<64x128xf32, #tpu.memory_space<vmem>>[vector<16xi32>, vector<16xi32>], vector<16xf32>, vector<16xi1>
        %broadcast_in_dim3A_152 = arith.constant 11 : i32
        %broadcast_in_dim3A_153 = vector.broadcast %broadcast_in_dim3A_152 : i32 to vector<16xi32>
        %gather3A_154 = tpu.vector_load_idx %arg7[%broadcast_in_dim3A_88, %broadcast_in_dim3A_153, %get3A_113] : memref<3x64x512xf32, #tpu.memory_space<vmem>>[vector<16xi32>, vector<16xi32>, vector<16xi32>], vector<16xf32>,
        tpu.vector_store_idx %arg10[%add3A_119, %broadcast_in_dim3A_153], %gather3A_154 masked %lt3A_117 : memref<64x128xf32, #tpu.memory_space<vmem>>[vector<16xi32>, vector<16xi32>], vector<16xf32>, vector<16xi1>
        %broadcast_in_dim3A_155 = arith.constant 12 : i32
        %broadcast_in_dim3A_156 = vector.broadcast %broadcast_in_dim3A_155 : i32 to vector<16xi32>
        %gather3A_157 = tpu.vector_load_idx %arg7[%broadcast_in_dim3A_88, %broadcast_in_dim3A_156, %get3A_113] : memref<3x64x512xf32, #tpu.memory_space<vmem>>[vector<16xi32>, vector<16xi32>, vector<16xi32>], vector<16xf32>,
        tpu.vector_store_idx %arg10[%add3A_119, %broadcast_in_dim3A_156], %gather3A_157 masked %lt3A_117 : memref<64x128xf32, #tpu.memory_space<vmem>>[vector<16xi32>, vector<16xi32>], vector<16xf32>, vector<16xi1>
        %broadcast_in_dim3A_158 = arith.constant 13 : i32
        %broadcast_in_dim3A_159 = vector.broadcast %broadcast_in_dim3A_158 : i32 to vector<16xi32>
        %gather3A_160 = tpu.vector_load_idx %arg7[%broadcast_in_dim3A_88, %broadcast_in_dim3A_159, %get3A_113] : memref<3x64x512xf32, #tpu.memory_space<vmem>>[vector<16xi32>, vector<16xi32>, vector<16xi32>], vector<16xf32>,
        tpu.vector_store_idx %arg10[%add3A_119, %broadcast_in_dim3A_159], %gather3A_160 masked %lt3A_117 : memref<64x128xf32, #tpu.memory_space<vmem>>[vector<16xi32>, vector<16xi32>], vector<16xf32>, vector<16xi1>
        %broadcast_in_dim3A_161 = arith.constant 14 : i32
        %broadcast_in_dim3A_162 = vector.broadcast %broadcast_in_dim3A_161 : i32 to vector<16xi32>
        %gather3A_163 = tpu.vector_load_idx %arg7[%broadcast_in_dim3A_88, %broadcast_in_dim3A_162, %get3A_113] : memref<3x64x512xf32, #tpu.memory_space<vmem>>[vector<16xi32>, vector<16xi32>, vector<16xi32>], vector<16xf32>,
        tpu.vector_store_idx %arg10[%add3A_119, %broadcast_in_dim3A_162], %gather3A_163 masked %lt3A_117 : memref<64x128xf32, #tpu.memory_space<vmem>>[vector<16xi32>, vector<16xi32>], vector<16xf32>, vector<16xi1>
        %broadcast_in_dim3A_164 = arith.constant 15 : i32
        %broadcast_in_dim3A_165 = vector.broadcast %broadcast_in_dim3A_164 : i32 to vector<16xi32>
        %gather3A_166 = tpu.vector_load_idx %arg7[%broadcast_in_dim3A_88, %broadcast_in_dim3A_165, %get3A_113] : memref<3x64x512xf32, #tpu.memory_space<vmem>>[vector<16xi32>, vector<16xi32>, vector<16xi32>], vector<16xf32>,
        tpu.vector_store_idx %arg10[%add3A_119, %broadcast_in_dim3A_165], %gather3A_166 masked %lt3A_117 : memref<64x128xf32, #tpu.memory_space<vmem>>[vector<16xi32>, vector<16xi32>], vector<16xf32>, vector<16xi1>
        %broadcast_in_dim3A_167 = arith.constant 16 : i32
        %broadcast_in_dim3A_168 = vector.broadcast %broadcast_in_dim3A_167 : i32 to vector<16xi32>
        %gather3A_169 = tpu.vector_load_idx %arg7[%broadcast_in_dim3A_88, %broadcast_in_dim3A_168, %get3A_113] : memref<3x64x512xf32, #tpu.memory_space<vmem>>[vector<16xi32>, vector<16xi32>, vector<16xi32>], vector<16xf32>,
        tpu.vector_store_idx %arg10[%add3A_119, %broadcast_in_dim3A_168], %gather3A_169 masked %lt3A_117 : memref<64x128xf32, #tpu.memory_space<vmem>>[vector<16xi32>, vector<16xi32>], vector<16xf32>, vector<16xi1>
        %broadcast_in_dim3A_170 = arith.constant 17 : i32
        %broadcast_in_dim3A_171 = vector.broadcast %broadcast_in_dim3A_170 : i32 to vector<16xi32>
        %gather3A_172 = tpu.vector_load_idx %arg7[%broadcast_in_dim3A_88, %broadcast_in_dim3A_171, %get3A_113] : memref<3x64x512xf32, #tpu.memory_space<vmem>>[vector<16xi32>, vector<16xi32>, vector<16xi32>], vector<16xf32>,
        tpu.vector_store_idx %arg10[%add3A_119, %broadcast_in_dim3A_171], %gather3A_172 masked %lt3A_117 : memref<64x128xf32, #tpu.memory_space<vmem>>[vector<16xi32>, vector<16xi32>], vector<16xf32>, vector<16xi1>
        %broadcast_in_dim3A_173 = arith.constant 18 : i32
        %broadcast_in_dim3A_174 = vector.broadcast %broadcast_in_dim3A_173 : i32 to vector<16xi32>
        %gather3A_175 = tpu.vector_load_idx %arg7[%broadcast_in_dim3A_88, %broadcast_in_dim3A_174, %get3A_113] : memref<3x64x512xf32, #tpu.memory_space<vmem>>[vector<16xi32>, vector<16xi32>, vector<16xi32>], vector<16xf32>,
        tpu.vector_store_idx %arg10[%add3A_119, %broadcast_in_dim3A_174], %gather3A_175 masked %lt3A_117 : memref<64x128xf32, #tpu.memory_space<vmem>>[vector<16xi32>, vector<16xi32>], vector<16xf32>, vector<16xi1>
        %broadcast_in_dim3A_176 = arith.constant 19 : i32
        %broadcast_in_dim3A_177 = vector.broadcast %broadcast_in_dim3A_176 : i32 to vector<16xi32>
        %gather3A_178 = tpu.vector_load_idx %arg7[%broadcast_in_dim3A_88, %broadcast_in_dim3A_177, %get3A_113] : memref<3x64x512xf32, #tpu.memory_space<vmem>>[vector<16xi32>, vector<16xi32>, vector<16xi32>], vector<16xf32>,
        tpu.vector_store_idx %arg10[%add3A_119, %broadcast_in_dim3A_177], %gather3A_178 masked %lt3A_117 : memref<64x128xf32, #tpu.memory_space<vmem>>[vector<16xi32>, vector<16xi32>], vector<16xf32>, vector<16xi1>
        %broadcast_in_dim3A_179 = arith.constant 20 : i32
        %broadcast_in_dim3A_180 = vector.broadcast %broadcast_in_dim3A_179 : i32 to vector<16xi32>
        %gather3A_181 = tpu.vector_load_idx %arg7[%broadcast_in_dim3A_88, %broadcast_in_dim3A_180, %get3A_113] : memref<3x64x512xf32, #tpu.memory_space<vmem>>[vector<16xi32>, vector<16xi32>, vector<16xi32>], vector<16xf32>,
        tpu.vector_store_idx %arg10[%add3A_119, %broadcast_in_dim3A_180], %gather3A_181 masked %lt3A_117 : memref<64x128xf32, #tpu.memory_space<vmem>>[vector<16xi32>, vector<16xi32>], vector<16xf32>, vector<16xi1>
        %broadcast_in_dim3A_182 = arith.constant 21 : i32
        %broadcast_in_dim3A_183 = vector.broadcast %broadcast_in_dim3A_182 : i32 to vector<16xi32>
        %gather3A_184 = tpu.vector_load_idx %arg7[%broadcast_in_dim3A_88, %broadcast_in_dim3A_183, %get3A_113] : memref<3x64x512xf32, #tpu.memory_space<vmem>>[vector<16xi32>, vector<16xi32>, vector<16xi32>], vector<16xf32>,
        tpu.vector_store_idx %arg10[%add3A_119, %broadcast_in_dim3A_183], %gather3A_184 masked %lt3A_117 : memref<64x128xf32, #tpu.memory_space<vmem>>[vector<16xi32>, vector<16xi32>], vector<16xf32>, vector<16xi1>
        %broadcast_in_dim3A_185 = arith.constant 22 : i32
        %broadcast_in_dim3A_186 = vector.broadcast %broadcast_in_dim3A_185 : i32 to vector<16xi32>
        %gather3A_187 = tpu.vector_load_idx %arg7[%broadcast_in_dim3A_88, %broadcast_in_dim3A_186, %get3A_113] : memref<3x64x512xf32, #tpu.memory_space<vmem>>[vector<16xi32>, vector<16xi32>, vector<16xi32>], vector<16xf32>,
        tpu.vector_store_idx %arg10[%add3A_119, %broadcast_in_dim3A_186], %gather3A_187 masked %lt3A_117 : memref<64x128xf32, #tpu.memory_space<vmem>>[vector<16xi32>, vector<16xi32>], vector<16xf32>, vector<16xi1>
        %broadcast_in_dim3A_188 = arith.constant 23 : i32
        %broadcast_in_dim3A_189 = vector.broadcast %broadcast_in_dim3A_188 : i32 to vector<16xi32>
        %gather3A_190 = tpu.vector_load_idx %arg7[%broadcast_in_dim3A_88, %broadcast_in_dim3A_189, %get3A_113] : memref<3x64x512xf32, #tpu.memory_space<vmem>>[vector<16xi32>, vector<16xi32>, vector<16xi32>], vector<16xf32>,
        tpu.vector_store_idx %arg10[%add3A_119, %broadcast_in_dim3A_189], %gather3A_190 masked %lt3A_117 : memref<64x128xf32, #tpu.memory_space<vmem>>[vector<16xi32>, vector<16xi32>], vector<16xf32>, vector<16xi1>
        %broadcast_in_dim3A_191 = arith.constant 24 : i32
        %broadcast_in_dim3A_192 = vector.broadcast %broadcast_in_dim3A_191 : i32 to vector<16xi32>
        %gather3A_193 = tpu.vector_load_idx %arg7[%broadcast_in_dim3A_88, %broadcast_in_dim3A_192, %get3A_113] : memref<3x64x512xf32, #tpu.memory_space<vmem>>[vector<16xi32>, vector<16xi32>, vector<16xi32>], vector<16xf32>,
        tpu.vector_store_idx %arg10[%add3A_119, %broadcast_in_dim3A_192], %gather3A_193 masked %lt3A_117 : memref<64x128xf32, #tpu.memory_space<vmem>>[vector<16xi32>, vector<16xi32>], vector<16xf32>, vector<16xi1>
        %broadcast_in_dim3A_194 = arith.constant 25 : i32
        %broadcast_in_dim3A_195 = vector.broadcast %broadcast_in_dim3A_194 : i32 to vector<16xi32>
        %gather3A_196 = tpu.vector_load_idx %arg7[%broadcast_in_dim3A_88, %broadcast_in_dim3A_195, %get3A_113] : memref<3x64x512xf32, #tpu.memory_space<vmem>>[vector<16xi32>, vector<16xi32>, vector<16xi32>], vector<16xf32>,
        tpu.vector_store_idx %arg10[%add3A_119, %broadcast_in_dim3A_195], %gather3A_196 masked %lt3A_117 : memref<64x128xf32, #tpu.memory_space<vmem>>[vector<16xi32>, vector<16xi32>], vector<16xf32>, vector<16xi1>
        %broadcast_in_dim3A_197 = arith.constant 26 : i32
        %broadcast_in_dim3A_198 = vector.broadcast %broadcast_in_dim3A_197 : i32 to vector<16xi32>
        %gather3A_199 = tpu.vector_load_idx %arg7[%broadcast_in_dim3A_88, %broadcast_in_dim3A_198, %get3A_113] : memref<3x64x512xf32, #tpu.memory_space<vmem>>[vector<16xi32>, vector<16xi32>, vector<16xi32>], vector<16xf32>,
        tpu.vector_store_idx %arg10[%add3A_119, %broadcast_in_dim3A_198], %gather3A_199 masked %lt3A_117 : memref<64x128xf32, #tpu.memory_space<vmem>>[vector<16xi32>, vector<16xi32>], vector<16xf32>, vector<16xi1>
        %broadcast_in_dim3A_200 = arith.constant 27 : i32
        %broadcast_in_dim3A_201 = vector.broadcast %broadcast_in_dim3A_200 : i32 to vector<16xi32>
        %gather3A_202 = tpu.vector_load_idx %arg7[%broadcast_in_dim3A_88, %broadcast_in_dim3A_201, %get3A_113] : memref<3x64x512xf32, #tpu.memory_space<vmem>>[vector<16xi32>, vector<16xi32>, vector<16xi32>], vector<16xf32>,
        tpu.vector_store_idx %arg10[%add3A_119, %broadcast_in_dim3A_201], %gather3A_202 masked %lt3A_117 : memref<64x128xf32, #tpu.memory_space<vmem>>[vector<16xi32>, vector<16xi32>], vector<16xf32>, vector<16xi1>
        %broadcast_in_dim3A_203 = arith.constant 28 : i32
        %broadcast_in_dim3A_204 = vector.broadcast %broadcast_in_dim3A_203 : i32 to vector<16xi32>
        %gather3A_205 = tpu.vector_load_idx %arg7[%broadcast_in_dim3A_88, %broadcast_in_dim3A_204, %get3A_113] : memref<3x64x512xf32, #tpu.memory_space<vmem>>[vector<16xi32>, vector<16xi32>, vector<16xi32>], vector<16xf32>,
        tpu.vector_store_idx %arg10[%add3A_119, %broadcast_in_dim3A_204], %gather3A_205 masked %lt3A_117 : memref<64x128xf32, #tpu.memory_space<vmem>>[vector<16xi32>, vector<16xi32>], vector<16xf32>, vector<16xi1>
        %broadcast_in_dim3A_206 = arith.constant 29 : i32
        %broadcast_in_dim3A_207 = vector.broadcast %broadcast_in_dim3A_206 : i32 to vector<16xi32>
        %gather3A_208 = tpu.vector_load_idx %arg7[%broadcast_in_dim3A_88, %broadcast_in_dim3A_207, %get3A_113] : memref<3x64x512xf32, #tpu.memory_space<vmem>>[vector<16xi32>, vector<16xi32>, vector<16xi32>], vector<16xf32>,
        tpu.vector_store_idx %arg10[%add3A_119, %broadcast_in_dim3A_207], %gather3A_208 masked %lt3A_117 : memref<64x128xf32, #tpu.memory_space<vmem>>[vector<16xi32>, vector<16xi32>], vector<16xf32>, vector<16xi1>
        %broadcast_in_dim3A_209 = arith.constant 30 : i32
        %broadcast_in_dim3A_210 = vector.broadcast %broadcast_in_dim3A_209 : i32 to vector<16xi32>
        %gather3A_211 = tpu.vector_load_idx %arg7[%broadcast_in_dim3A_88, %broadcast_in_dim3A_210, %get3A_113] : memref<3x64x512xf32, #tpu.memory_space<vmem>>[vector<16xi32>, vector<16xi32>, vector<16xi32>], vector<16xf32>,
        tpu.vector_store_idx %arg10[%add3A_119, %broadcast_in_dim3A_210], %gather3A_211 masked %lt3A_117 : memref<64x128xf32, #tpu.memory_space<vmem>>[vector<16xi32>, vector<16xi32>], vector<16xf32>, vector<16xi1>
        %broadcast_in_dim3A_212 = arith.constant 31 : i32
        %broadcast_in_dim3A_213 = vector.broadcast %broadcast_in_dim3A_212 : i32 to vector<16xi32>
        %gather3A_214 = tpu.vector_load_idx %arg7[%broadcast_in_dim3A_88, %broadcast_in_dim3A_213, %get3A_113] : memref<3x64x512xf32, #tpu.memory_space<vmem>>[vector<16xi32>, vector<16xi32>, vector<16xi32>], vector<16xf32>,
        tpu.vector_store_idx %arg10[%add3A_119, %broadcast_in_dim3A_213], %gather3A_214 masked %lt3A_117 : memref<64x128xf32, #tpu.memory_space<vmem>>[vector<16xi32>, vector<16xi32>], vector<16xf32>, vector<16xi1>
        %broadcast_in_dim3A_215 = arith.constant 32 : i32
        %broadcast_in_dim3A_216 = vector.broadcast %broadcast_in_dim3A_215 : i32 to vector<16xi32>
        %gather3A_217 = tpu.vector_load_idx %arg7[%broadcast_in_dim3A_88, %broadcast_in_dim3A_216, %get3A_113] : memref<3x64x512xf32, #tpu.memory_space<vmem>>[vector<16xi32>, vector<16xi32>, vector<16xi32>], vector<16xf32>,
        tpu.vector_store_idx %arg10[%add3A_119, %broadcast_in_dim3A_216], %gather3A_217 masked %lt3A_117 : memref<64x128xf32, #tpu.memory_space<vmem>>[vector<16xi32>, vector<16xi32>], vector<16xf32>, vector<16xi1>
        %broadcast_in_dim3A_218 = arith.constant 33 : i32
        %broadcast_in_dim3A_219 = vector.broadcast %broadcast_in_dim3A_218 : i32 to vector<16xi32>
        %gather3A_220 = tpu.vector_load_idx %arg7[%broadcast_in_dim3A_88, %broadcast_in_dim3A_219, %get3A_113] : memref<3x64x512xf32, #tpu.memory_space<vmem>>[vector<16xi32>, vector<16xi32>, vector<16xi32>], vector<16xf32>,
        tpu.vector_store_idx %arg10[%add3A_119, %broadcast_in_dim3A_219], %gather3A_220 masked %lt3A_117 : memref<64x128xf32, #tpu.memory_space<vmem>>[vector<16xi32>, vector<16xi32>], vector<16xf32>, vector<16xi1>
        %broadcast_in_dim3A_221 = arith.constant 34 : i32
        %broadcast_in_dim3A_222 = vector.broadcast %broadcast_in_dim3A_221 : i32 to vector<16xi32>
        %gather3A_223 = tpu.vector_load_idx %arg7[%broadcast_in_dim3A_88, %broadcast_in_dim3A_222, %get3A_113] : memref<3x64x512xf32, #tpu.memory_space<vmem>>[vector<16xi32>, vector<16xi32>, vector<16xi32>], vector<16xf32>,
        tpu.vector_store_idx %arg10[%add3A_119, %broadcast_in_dim3A_222], %gather3A_223 masked %lt3A_117 : memref<64x128xf32, #tpu.memory_space<vmem>>[vector<16xi32>, vector<16xi32>], vector<16xf32>, vector<16xi1>
        %broadcast_in_dim3A_224 = arith.constant 35 : i32
        %broadcast_in_dim3A_225 = vector.broadcast %broadcast_in_dim3A_224 : i32 to vector<16xi32>
        %gather3A_226 = tpu.vector_load_idx %arg7[%broadcast_in_dim3A_88, %broadcast_in_dim3A_225, %get3A_113] : memref<3x64x512xf32, #tpu.memory_space<vmem>>[vector<16xi32>, vector<16xi32>, vector<16xi32>], vector<16xf32>,
        tpu.vector_store_idx %arg10[%add3A_119, %broadcast_in_dim3A_225], %gather3A_226 masked %lt3A_117 : memref<64x128xf32, #tpu.memory_space<vmem>>[vector<16xi32>, vector<16xi32>], vector<16xf32>, vector<16xi1>
        %broadcast_in_dim3A_227 = arith.constant 36 : i32
        %broadcast_in_dim3A_228 = vector.broadcast %broadcast_in_dim3A_227 : i32 to vector<16xi32>
        %gather3A_229 = tpu.vector_load_idx %arg7[%broadcast_in_dim3A_88, %broadcast_in_dim3A_228, %get3A_113] : memref<3x64x512xf32, #tpu.memory_space<vmem>>[vector<16xi32>, vector<16xi32>, vector<16xi32>], vector<16xf32>,
        tpu.vector_store_idx %arg10[%add3A_119, %broadcast_in_dim3A_228], %gather3A_229 masked %lt3A_117 : memref<64x128xf32, #tpu.memory_space<vmem>>[vector<16xi32>, vector<16xi32>], vector<16xf32>, vector<16xi1>
        %broadcast_in_dim3A_230 = arith.constant 37 : i32
        %broadcast_in_dim3A_231 = vector.broadcast %broadcast_in_dim3A_230 : i32 to vector<16xi32>
        %gather3A_232 = tpu.vector_load_idx %arg7[%broadcast_in_dim3A_88, %broadcast_in_dim3A_231, %get3A_113] : memref<3x64x512xf32, #tpu.memory_space<vmem>>[vector<16xi32>, vector<16xi32>, vector<16xi32>], vector<16xf32>,
        tpu.vector_store_idx %arg10[%add3A_119, %broadcast_in_dim3A_231], %gather3A_232 masked %lt3A_117 : memref<64x128xf32, #tpu.memory_space<vmem>>[vector<16xi32>, vector<16xi32>], vector<16xf32>, vector<16xi1>
        %broadcast_in_dim3A_233 = arith.constant 38 : i32
        %broadcast_in_dim3A_234 = vector.broadcast %broadcast_in_dim3A_233 : i32 to vector<16xi32>
        %gather3A_235 = tpu.vector_load_idx %arg7[%broadcast_in_dim3A_88, %broadcast_in_dim3A_234, %get3A_113] : memref<3x64x512xf32, #tpu.memory_space<vmem>>[vector<16xi32>, vector<16xi32>, vector<16xi32>], vector<16xf32>,
        tpu.vector_store_idx %arg10[%add3A_119, %broadcast_in_dim3A_234], %gather3A_235 masked %lt3A_117 : memref<64x128xf32, #tpu.memory_space<vmem>>[vector<16xi32>, vector<16xi32>], vector<16xf32>, vector<16xi1>
        %broadcast_in_dim3A_236 = arith.constant 39 : i32
        %broadcast_in_dim3A_237 = vector.broadcast %broadcast_in_dim3A_236 : i32 to vector<16xi32>
        %gather3A_238 = tpu.vector_load_idx %arg7[%broadcast_in_dim3A_88, %broadcast_in_dim3A_237, %get3A_113] : memref<3x64x512xf32, #tpu.memory_space<vmem>>[vector<16xi32>, vector<16xi32>, vector<16xi32>], vector<16xf32>,
        tpu.vector_store_idx %arg10[%add3A_119, %broadcast_in_dim3A_237], %gather3A_238 masked %lt3A_117 : memref<64x128xf32, #tpu.memory_space<vmem>>[vector<16xi32>, vector<16xi32>], vector<16xf32>, vector<16xi1>
        %broadcast_in_dim3A_239 = arith.constant 40 : i32
        %broadcast_in_dim3A_240 = vector.broadcast %broadcast_in_dim3A_239 : i32 to vector<16xi32>
        %gather3A_241 = tpu.vector_load_idx %arg7[%broadcast_in_dim3A_88, %broadcast_in_dim3A_240, %get3A_113] : memref<3x64x512xf32, #tpu.memory_space<vmem>>[vector<16xi32>, vector<16xi32>, vector<16xi32>], vector<16xf32>,
        tpu.vector_store_idx %arg10[%add3A_119, %broadcast_in_dim3A_240], %gather3A_241 masked %lt3A_117 : memref<64x128xf32, #tpu.memory_space<vmem>>[vector<16xi32>, vector<16xi32>], vector<16xf32>, vector<16xi1>
        %broadcast_in_dim3A_242 = arith.constant 41 : i32
        %broadcast_in_dim3A_243 = vector.broadcast %broadcast_in_dim3A_242 : i32 to vector<16xi32>
        %gather3A_244 = tpu.vector_load_idx %arg7[%broadcast_in_dim3A_88, %broadcast_in_dim3A_243, %get3A_113] : memref<3x64x512xf32, #tpu.memory_space<vmem>>[vector<16xi32>, vector<16xi32>, vector<16xi32>], vector<16xf32>,
        tpu.vector_store_idx %arg10[%add3A_119, %broadcast_in_dim3A_243], %gather3A_244 masked %lt3A_117 : memref<64x128xf32, #tpu.memory_space<vmem>>[vector<16xi32>, vector<16xi32>], vector<16xf32>, vector<16xi1>
        %broadcast_in_dim3A_245 = arith.constant 42 : i32
        %broadcast_in_dim3A_246 = vector.broadcast %broadcast_in_dim3A_245 : i32 to vector<16xi32>
        %gather3A_247 = tpu.vector_load_idx %arg7[%broadcast_in_dim3A_88, %broadcast_in_dim3A_246, %get3A_113] : memref<3x64x512xf32, #tpu.memory_space<vmem>>[vector<16xi32>, vector<16xi32>, vector<16xi32>], vector<16xf32>,
        tpu.vector_store_idx %arg10[%add3A_119, %broadcast_in_dim3A_246], %gather3A_247 masked %lt3A_117 : memref<64x128xf32, #tpu.memory_space<vmem>>[vector<16xi32>, vector<16xi32>], vector<16xf32>, vector<16xi1>
        %broadcast_in_dim3A_248 = arith.constant 43 : i32
        %broadcast_in_dim3A_249 = vector.broadcast %broadcast_in_dim3A_248 : i32 to vector<16xi32>
        %gather3A_250 = tpu.vector_load_idx %arg7[%broadcast_in_dim3A_88, %broadcast_in_dim3A_249, %get3A_113] : memref<3x64x512xf32, #tpu.memory_space<vmem>>[vector<16xi32>, vector<16xi32>, vector<16xi32>], vector<16xf32>,
        tpu.vector_store_idx %arg10[%add3A_119, %broadcast_in_dim3A_249], %gather3A_250 masked %lt3A_117 : memref<64x128xf32, #tpu.memory_space<vmem>>[vector<16xi32>, vector<16xi32>], vector<16xf32>, vector<16xi1>
        %broadcast_in_dim3A_251 = arith.constant 44 : i32
        %broadcast_in_dim3A_252 = vector.broadcast %broadcast_in_dim3A_251 : i32 to vector<16xi32>
        %gather3A_253 = tpu.vector_load_idx %arg7[%broadcast_in_dim3A_88, %broadcast_in_dim3A_252, %get3A_113] : memref<3x64x512xf32, #tpu.memory_space<vmem>>[vector<16xi32>, vector<16xi32>, vector<16xi32>], vector<16xf32>,
        tpu.vector_store_idx %arg10[%add3A_119, %broadcast_in_dim3A_252], %gather3A_253 masked %lt3A_117 : memref<64x128xf32, #tpu.memory_space<vmem>>[vector<16xi32>, vector<16xi32>], vector<16xf32>, vector<16xi1>
        %broadcast_in_dim3A_254 = arith.constant 45 : i32
        %broadcast_in_dim3A_255 = vector.broadcast %broadcast_in_dim3A_254 : i32 to vector<16xi32>
        %gather3A_256 = tpu.vector_load_idx %arg7[%broadcast_in_dim3A_88, %broadcast_in_dim3A_255, %get3A_113] : memref<3x64x512xf32, #tpu.memory_space<vmem>>[vector<16xi32>, vector<16xi32>, vector<16xi32>], vector<16xf32>,
        tpu.vector_store_idx %arg10[%add3A_119, %broadcast_in_dim3A_255], %gather3A_256 masked %lt3A_117 : memref<64x128xf32, #tpu.memory_space<vmem>>[vector<16xi32>, vector<16xi32>], vector<16xf32>, vector<16xi1>
        %broadcast_in_dim3A_257 = arith.constant 46 : i32
        %broadcast_in_dim3A_258 = vector.broadcast %broadcast_in_dim3A_257 : i32 to vector<16xi32>
        %gather3A_259 = tpu.vector_load_idx %arg7[%broadcast_in_dim3A_88, %broadcast_in_dim3A_258, %get3A_113] : memref<3x64x512xf32, #tpu.memory_space<vmem>>[vector<16xi32>, vector<16xi32>, vector<16xi32>], vector<16xf32>,
        tpu.vector_store_idx %arg10[%add3A_119, %broadcast_in_dim3A_258], %gather3A_259 masked %lt3A_117 : memref<64x128xf32, #tpu.memory_space<vmem>>[vector<16xi32>, vector<16xi32>], vector<16xf32>, vector<16xi1>
        %broadcast_in_dim3A_260 = arith.constant 47 : i32
        %broadcast_in_dim3A_261 = vector.broadcast %broadcast_in_dim3A_260 : i32 to vector<16xi32>
        %gather3A_262 = tpu.vector_load_idx %arg7[%broadcast_in_dim3A_88, %broadcast_in_dim3A_261, %get3A_113] : memref<3x64x512xf32, #tpu.memory_space<vmem>>[vector<16xi32>, vector<16xi32>, vector<16xi32>], vector<16xf32>,
        tpu.vector_store_idx %arg10[%add3A_119, %broadcast_in_dim3A_261], %gather3A_262 masked %lt3A_117 : memref<64x128xf32, #tpu.memory_space<vmem>>[vector<16xi32>, vector<16xi32>], vector<16xf32>, vector<16xi1>
        %broadcast_in_dim3A_263 = arith.constant 48 : i32
        %broadcast_in_dim3A_264 = vector.broadcast %broadcast_in_dim3A_263 : i32 to vector<16xi32>
        %gather3A_265 = tpu.vector_load_idx %arg7[%broadcast_in_dim3A_88, %broadcast_in_dim3A_264, %get3A_113] : memref<3x64x512xf32, #tpu.memory_space<vmem>>[vector<16xi32>, vector<16xi32>, vector<16xi32>], vector<16xf32>,
        tpu.vector_store_idx %arg10[%add3A_119, %broadcast_in_dim3A_264], %gather3A_265 masked %lt3A_117 : memref<64x128xf32, #tpu.memory_space<vmem>>[vector<16xi32>, vector<16xi32>], vector<16xf32>, vector<16xi1>
        %broadcast_in_dim3A_266 = arith.constant 49 : i32
        %broadcast_in_dim3A_267 = vector.broadcast %broadcast_in_dim3A_266 : i32 to vector<16xi32>
        %gather3A_268 = tpu.vector_load_idx %arg7[%broadcast_in_dim3A_88, %broadcast_in_dim3A_267, %get3A_113] : memref<3x64x512xf32, #tpu.memory_space<vmem>>[vector<16xi32>, vector<16xi32>, vector<16xi32>], vector<16xf32>,
        tpu.vector_store_idx %arg10[%add3A_119, %broadcast_in_dim3A_267], %gather3A_268 masked %lt3A_117 : memref<64x128xf32, #tpu.memory_space<vmem>>[vector<16xi32>, vector<16xi32>], vector<16xf32>, vector<16xi1>
        %broadcast_in_dim3A_269 = arith.constant 50 : i32
        %broadcast_in_dim3A_270 = vector.broadcast %broadcast_in_dim3A_269 : i32 to vector<16xi32>
        %gather3A_271 = tpu.vector_load_idx %arg7[%broadcast_in_dim3A_88, %broadcast_in_dim3A_270, %get3A_113] : memref<3x64x512xf32, #tpu.memory_space<vmem>>[vector<16xi32>, vector<16xi32>, vector<16xi32>], vector<16xf32>,
        tpu.vector_store_idx %arg10[%add3A_119, %broadcast_in_dim3A_270], %gather3A_271 masked %lt3A_117 : memref<64x128xf32, #tpu.memory_space<vmem>>[vector<16xi32>, vector<16xi32>], vector<16xf32>, vector<16xi1>
        %broadcast_in_dim3A_272 = arith.constant 51 : i32
        %broadcast_in_dim3A_273 = vector.broadcast %broadcast_in_dim3A_272 : i32 to vector<16xi32>
        %gather3A_274 = tpu.vector_load_idx %arg7[%broadcast_in_dim3A_88, %broadcast_in_dim3A_273, %get3A_113] : memref<3x64x512xf32, #tpu.memory_space<vmem>>[vector<16xi32>, vector<16xi32>, vector<16xi32>], vector<16xf32>,
        tpu.vector_store_idx %arg10[%add3A_119, %broadcast_in_dim3A_273], %gather3A_274 masked %lt3A_117 : memref<64x128xf32, #tpu.memory_space<vmem>>[vector<16xi32>, vector<16xi32>], vector<16xf32>, vector<16xi1>
        %broadcast_in_dim3A_275 = arith.constant 52 : i32
        %broadcast_in_dim3A_276 = vector.broadcast %broadcast_in_dim3A_275 : i32 to vector<16xi32>
        %gather3A_277 = tpu.vector_load_idx %arg7[%broadcast_in_dim3A_88, %broadcast_in_dim3A_276, %get3A_113] : memref<3x64x512xf32, #tpu.memory_space<vmem>>[vector<16xi32>, vector<16xi32>, vector<16xi32>], vector<16xf32>,
        tpu.vector_store_idx %arg10[%add3A_119, %broadcast_in_dim3A_276], %gather3A_277 masked %lt3A_117 : memref<64x128xf32, #tpu.memory_space<vmem>>[vector<16xi32>, vector<16xi32>], vector<16xf32>, vector<16xi1>
        %broadcast_in_dim3A_278 = arith.constant 53 : i32
        %broadcast_in_dim3A_279 = vector.broadcast %broadcast_in_dim3A_278 : i32 to vector<16xi32>
        %gather3A_280 = tpu.vector_load_idx %arg7[%broadcast_in_dim3A_88, %broadcast_in_dim3A_279, %get3A_113] : memref<3x64x512xf32, #tpu.memory_space<vmem>>[vector<16xi32>, vector<16xi32>, vector<16xi32>], vector<16xf32>,
        tpu.vector_store_idx %arg10[%add3A_119, %broadcast_in_dim3A_279], %gather3A_280 masked %lt3A_117 : memref<64x128xf32, #tpu.memory_space<vmem>>[vector<16xi32>, vector<16xi32>], vector<16xf32>, vector<16xi1>
        %broadcast_in_dim3A_281 = arith.constant 54 : i32
        %broadcast_in_dim3A_282 = vector.broadcast %broadcast_in_dim3A_281 : i32 to vector<16xi32>
        %gather3A_283 = tpu.vector_load_idx %arg7[%broadcast_in_dim3A_88, %broadcast_in_dim3A_282, %get3A_113] : memref<3x64x512xf32, #tpu.memory_space<vmem>>[vector<16xi32>, vector<16xi32>, vector<16xi32>], vector<16xf32>,
        tpu.vector_store_idx %arg10[%add3A_119, %broadcast_in_dim3A_282], %gather3A_283 masked %lt3A_117 : memref<64x128xf32, #tpu.memory_space<vmem>>[vector<16xi32>, vector<16xi32>], vector<16xf32>, vector<16xi1>
        %broadcast_in_dim3A_284 = arith.constant 55 : i32
        %broadcast_in_dim3A_285 = vector.broadcast %broadcast_in_dim3A_284 : i32 to vector<16xi32>
        %gather3A_286 = tpu.vector_load_idx %arg7[%broadcast_in_dim3A_88, %broadcast_in_dim3A_285, %get3A_113] : memref<3x64x512xf32, #tpu.memory_space<vmem>>[vector<16xi32>, vector<16xi32>, vector<16xi32>], vector<16xf32>,
        tpu.vector_store_idx %arg10[%add3A_119, %broadcast_in_dim3A_285], %gather3A_286 masked %lt3A_117 : memref<64x128xf32, #tpu.memory_space<vmem>>[vector<16xi32>, vector<16xi32>], vector<16xf32>, vector<16xi1>
        %broadcast_in_dim3A_287 = arith.constant 56 : i32
        %broadcast_in_dim3A_288 = vector.broadcast %broadcast_in_dim3A_287 : i32 to vector<16xi32>
        %gather3A_289 = tpu.vector_load_idx %arg7[%broadcast_in_dim3A_88, %broadcast_in_dim3A_288, %get3A_113] : memref<3x64x512xf32, #tpu.memory_space<vmem>>[vector<16xi32>, vector<16xi32>, vector<16xi32>], vector<16xf32>,
        tpu.vector_store_idx %arg10[%add3A_119, %broadcast_in_dim3A_288], %gather3A_289 masked %lt3A_117 : memref<64x128xf32, #tpu.memory_space<vmem>>[vector<16xi32>, vector<16xi32>], vector<16xf32>, vector<16xi1>
        %broadcast_in_dim3A_290 = arith.constant 57 : i32
        %broadcast_in_dim3A_291 = vector.broadcast %broadcast_in_dim3A_290 : i32 to vector<16xi32>
        %gather3A_292 = tpu.vector_load_idx %arg7[%broadcast_in_dim3A_88, %broadcast_in_dim3A_291, %get3A_113] : memref<3x64x512xf32, #tpu.memory_space<vmem>>[vector<16xi32>, vector<16xi32>, vector<16xi32>], vector<16xf32>,
        tpu.vector_store_idx %arg10[%add3A_119, %broadcast_in_dim3A_291], %gather3A_292 masked %lt3A_117 : memref<64x128xf32, #tpu.memory_space<vmem>>[vector<16xi32>, vector<16xi32>], vector<16xf32>, vector<16xi1>
        %broadcast_in_dim3A_293 = arith.constant 58 : i32
        %broadcast_in_dim3A_294 = vector.broadcast %broadcast_in_dim3A_293 : i32 to vector<16xi32>
        %gather3A_295 = tpu.vector_load_idx %arg7[%broadcast_in_dim3A_88, %broadcast_in_dim3A_294, %get3A_113] : memref<3x64x512xf32, #tpu.memory_space<vmem>>[vector<16xi32>, vector<16xi32>, vector<16xi32>], vector<16xf32>,
        tpu.vector_store_idx %arg10[%add3A_119, %broadcast_in_dim3A_294], %gather3A_295 masked %lt3A_117 : memref<64x128xf32, #tpu.memory_space<vmem>>[vector<16xi32>, vector<16xi32>], vector<16xf32>, vector<16xi1>
        %broadcast_in_dim3A_296 = arith.constant 59 : i32
        %broadcast_in_dim3A_297 = vector.broadcast %broadcast_in_dim3A_296 : i32 to vector<16xi32>
        %gather3A_298 = tpu.vector_load_idx %arg7[%broadcast_in_dim3A_88, %broadcast_in_dim3A_297, %get3A_113] : memref<3x64x512xf32, #tpu.memory_space<vmem>>[vector<16xi32>, vector<16xi32>, vector<16xi32>], vector<16xf32>,
        tpu.vector_store_idx %arg10[%add3A_119, %broadcast_in_dim3A_297], %gather3A_298 masked %lt3A_117 : memref<64x128xf32, #tpu.memory_space<vmem>>[vector<16xi32>, vector<16xi32>], vector<16xf32>, vector<16xi1>
        %broadcast_in_dim3A_299 = arith.constant 60 : i32
        %broadcast_in_dim3A_300 = vector.broadcast %broadcast_in_dim3A_299 : i32 to vector<16xi32>
        %gather3A_301 = tpu.vector_load_idx %arg7[%broadcast_in_dim3A_88, %broadcast_in_dim3A_300, %get3A_113] : memref<3x64x512xf32, #tpu.memory_space<vmem>>[vector<16xi32>, vector<16xi32>, vector<16xi32>], vector<16xf32>,
        tpu.vector_store_idx %arg10[%add3A_119, %broadcast_in_dim3A_300], %gather3A_301 masked %lt3A_117 : memref<64x128xf32, #tpu.memory_space<vmem>>[vector<16xi32>, vector<16xi32>], vector<16xf32>, vector<16xi1>
        %broadcast_in_dim3A_302 = arith.constant 61 : i32
        %broadcast_in_dim3A_303 = vector.broadcast %broadcast_in_dim3A_302 : i32 to vector<16xi32>
        %gather3A_304 = tpu.vector_load_idx %arg7[%broadcast_in_dim3A_88, %broadcast_in_dim3A_303, %get3A_113] : memref<3x64x512xf32, #tpu.memory_space<vmem>>[vector<16xi32>, vector<16xi32>, vector<16xi32>], vector<16xf32>,
        tpu.vector_store_idx %arg10[%add3A_119, %broadcast_in_dim3A_303], %gather3A_304 masked %lt3A_117 : memref<64x128xf32, #tpu.memory_space<vmem>>[vector<16xi32>, vector<16xi32>], vector<16xf32>, vector<16xi1>
        %broadcast_in_dim3A_305 = arith.constant 62 : i32
        %broadcast_in_dim3A_306 = vector.broadcast %broadcast_in_dim3A_305 : i32 to vector<16xi32>
        %gather3A_307 = tpu.vector_load_idx %arg7[%broadcast_in_dim3A_88, %broadcast_in_dim3A_306, %get3A_113] : memref<3x64x512xf32, #tpu.memory_space<vmem>>[vector<16xi32>, vector<16xi32>, vector<16xi32>], vector<16xf32>,
        tpu.vector_store_idx %arg10[%add3A_119, %broadcast_in_dim3A_306], %gather3A_307 masked %lt3A_117 : memref<64x128xf32, #tpu.memory_space<vmem>>[vector<16xi32>, vector<16xi32>], vector<16xf32>, vector<16xi1>
        %broadcast_in_dim3A_308 = arith.constant 63 : i32
        %broadcast_in_dim3A_309 = vector.broadcast %broadcast_in_dim3A_308 : i32 to vector<16xi32>
        %gather3A_310 = tpu.vector_load_idx %arg7[%broadcast_in_dim3A_88, %broadcast_in_dim3A_309, %get3A_113] : memref<3x64x512xf32, #tpu.memory_space<vmem>>[vector<16xi32>, vector<16xi32>, vector<16xi32>], vector<16xf32>,
        tpu.vector_store_idx %arg10[%add3A_119, %broadcast_in_dim3A_309], %gather3A_310 masked %lt3A_117 : memref<64x128xf32, #tpu.memory_space<vmem>>[vector<16xi32>, vector<16xi32>], vector<16xf32>, vector<16xi1>
        %broadcast_in_dim3A_311 = vector.broadcast %add3A_2 : i32 to vector<16xi32>
        %select_n3A_312 = arith.select %lt3A_117, %get3A_115, %broadcast_in_dim3A_311 : vector<16xi1>, vector<16xi32>
        tpu.vector_store_idx %arg11[%add3A_119], %select_n3A_312 : memref<64xi32, #tpu.memory_space<vmem>>[vector<16xi32>], vector<16xi32>,
        %get3A_313 = arith.constant 16 : index
        %get3A_314 = tpu.vector_load %arg8[%get3A_313] {strides = array<i32>} : memref<32xi32, #tpu.memory_space<vmem>>, vector<16xi32>,
        %swap3A_315 = arith.constant 0 : index
        %swap3A_316 = tpu.vector_load %arg8[%swap3A_315] {strides = array<i32>} : memref<32xi32, #tpu.memory_space<vmem>>, vector<16xi32>,
        tpu.vector_store %arg8[%swap3A_315], %get3A_314 {strides = array<i32>} : memref<32xi32, #tpu.memory_space<vmem>>, vector<16xi32>,
        %get3A_317 = arith.constant 16 : index
        %get3A_318 = tpu.vector_load %arg9[%get3A_317] {strides = array<i32>} : memref<32xi32, #tpu.memory_space<vmem>>, vector<16xi32>,
        %swap3A_319 = arith.constant 0 : index
        %swap3A_320 = tpu.vector_load %arg9[%swap3A_319] {strides = array<i32>} : memref<32xi32, #tpu.memory_space<vmem>>, vector<16xi32>,
        tpu.vector_store %arg9[%swap3A_319], %get3A_318 {strides = array<i32>} : memref<32xi32, #tpu.memory_space<vmem>>, vector<16xi32>,
        %add3A_321 = arith.addi %while3A_100#1, %while3A_100#0 : i32
        %gt3A_322 = arith.constant 48 : i32
        %gt3A_323 = arith.cmpi sgt, %add3A_321, %gt3A_322 : i32
        %convert_element_type3A_324 = arith.extui %gt3A_323 : i1 to i32
        %cond3A_325 = arith.constant 0 : i32
        %cond3A_326 = arith.cmpi ne, %convert_element_type3A_324, %cond3A_325 : i32
        %cond3A_327 = scf.if %cond3A_326 -> (i32) {
          "tpu.region"() ({
            %run_scoped3A = tpu.sem_alloc : memref<!tpu.dma_semaphore, #tpu.memory_space<semaphore_mem>>
            %dma_start3A = arith.constant 0 : i32
            %dma_start3A_339 = arith.constant 0 : i32
            %dma_start3A_340 = tpu.memref_slice %arg4[%dma_start3A, %dma_start3A_339] : memref<16416x128xf32, #tpu.memory_space<hbm>> -> memref<16416x128xf32, #tpu.memory_space<hbm>>
            tpu.enqueue_indirect_dma source(%arg10 : memref<64x128xf32, #tpu.memory_space<vmem>>) target(%dma_start3A_340 : memref<16416x128xf32, #tpu.memory_space<hbm>>) offsets(%arg11 : memref<64xi32, #tpu.memory_space<vmem>>) semaphore(%run_scoped3A : memref<!tpu.dma_semaphore, #tpu.memory_space<semaphore_mem>>)
            %dma_wait3A = arith.constant 0 : i32
            %dma_wait3A_341 = arith.constant 0 : i32
            %dma_wait3A_342 = tpu.memref_slice %arg4[%dma_wait3A, %dma_wait3A_341] : memref<16416x128xf32, #tpu.memory_space<hbm>> -> memref<16416x128xf32, #tpu.memory_space<hbm>>
            tpu.wait_indirect_dma semaphore(%run_scoped3A : memref<!tpu.dma_semaphore, #tpu.memory_space<semaphore_mem>>) src(%arg10 : memref<64x128xf32, #tpu.memory_space<vmem>>) dst(%dma_wait3A_342 : memref<16416x128xf32, #tpu.memory_space<hbm>>)
            tpu.yield
          }) : () -> ()
          %broadcast_in_dim3A_328 = vector.broadcast %add3A_2 : i32 to vector<16xi32>
          %swap3A_329 = arith.constant 0 : index
          %swap3A_330 = tpu.vector_load %arg11[%swap3A_329] {strides = array<i32>} : memref<64xi32, #tpu.memory_space<vmem>>, vector<16xi32>,
          tpu.vector_store %arg11[%swap3A_329], %broadcast_in_dim3A_328 {strides = array<i32>} : memref<64xi32, #tpu.memory_space<vmem>>, vector<16xi32>,
          %swap3A_331 = arith.constant 16 : index
          %swap3A_332 = tpu.vector_load %arg11[%swap3A_331] {strides = array<i32>} : memref<64xi32, #tpu.memory_space<vmem>>, vector<16xi32>,
          tpu.vector_store %arg11[%swap3A_331], %broadcast_in_dim3A_328 {strides = array<i32>} : memref<64xi32, #tpu.memory_space<vmem>>, vector<16xi32>,
          %swap3A_333 = arith.constant 32 : index
          %swap3A_334 = tpu.vector_load %arg11[%swap3A_333] {strides = array<i32>} : memref<64xi32, #tpu.memory_space<vmem>>, vector<16xi32>,
          tpu.vector_store %arg11[%swap3A_333], %broadcast_in_dim3A_328 {strides = array<i32>} : memref<64xi32, #tpu.memory_space<vmem>>, vector<16xi32>,
          %swap3A_335 = arith.constant 48 : index
          %swap3A_336 = tpu.vector_load %arg11[%swap3A_335] {strides = array<i32>} : memref<64xi32, #tpu.memory_space<vmem>>, vector<16xi32>,
          tpu.vector_store %arg11[%swap3A_335], %broadcast_in_dim3A_328 {strides = array<i32>} : memref<64xi32, #tpu.memory_space<vmem>>, vector<16xi32>,
          %mul3A_337 = arith.constant 0 : i32
          %mul3A_338 = arith.muli %mul3A_337, %add3A_321 : i32
          scf.yield %mul3A_338 : i32
        } else {
          scf.yield %add3A_321 : i32
        }
        scf.yield %cond3A_327 : i32
      } else {
        scf.yield %while3A_100#1 : i32
      }
      %eq3A_107 = arith.constant 2 : i32
      %eq3A_108 = arith.cmpi eq, %while3A_66, %eq3A_107 : i32
      %add3A_109 = arith.constant 1 : i32
      %add3A_110 = arith.addi %while3A_66, %add3A_109 : i32
      %jit3A_111 = arith.constant 0 : i32
      %select_n3A_112 = arith.select %eq3A_108, %jit3A_111, %add3A_110 : i32
      scf.yield %cond3A_106, %select_n3A_112 : i32, i32
    }
    %gt3A = arith.constant 0 : i32
    %gt3A_59 = arith.cmpi sgt, %while3A_58#0, %gt3A : i32
    %convert_element_type3A_60 = arith.extui %gt3A_59 : i1 to i32
    %cond3A_61 = arith.constant 0 : i32
    %cond3A_62 = arith.cmpi ne, %convert_element_type3A_60, %cond3A_61 : i32
    %cond3A_63 = scf.if %cond3A_62 -> (i32) {
      "tpu.region"() ({
        %run_scoped3A = tpu.sem_alloc : memref<!tpu.dma_semaphore, #tpu.memory_space<semaphore_mem>>
        %dma_start3A = arith.constant 0 : i32
        %dma_start3A_75 = arith.constant 0 : i32
        %dma_start3A_76 = tpu.memref_slice %arg4[%dma_start3A, %dma_start3A_75] : memref<16416x128xf32, #tpu.memory_space<hbm>> -> memref<16416x128xf32, #tpu.memory_space<hbm>>
        tpu.enqueue_indirect_dma source(%arg10 : memref<64x128xf32, #tpu.memory_space<vmem>>) target(%dma_start3A_76 : memref<16416x128xf32, #tpu.memory_space<hbm>>) offsets(%arg11 : memref<64xi32, #tpu.memory_space<vmem>>) semaphore(%run_scoped3A : memref<!tpu.dma_semaphore, #tpu.memory_space<semaphore_mem>>)
        %dma_wait3A = arith.constant 0 : i32
        %dma_wait3A_77 = arith.constant 0 : i32
        %dma_wait3A_78 = tpu.memref_slice %arg4[%dma_wait3A, %dma_wait3A_77] : memref<16416x128xf32, #tpu.memory_space<hbm>> -> memref<16416x128xf32, #tpu.memory_space<hbm>>
        tpu.wait_indirect_dma semaphore(%run_scoped3A : memref<!tpu.dma_semaphore, #tpu.memory_space<semaphore_mem>>) src(%arg10 : memref<64x128xf32, #tpu.memory_space<vmem>>) dst(%dma_wait3A_78 : memref<16416x128xf32, #tpu.memory_space<hbm>>)
        tpu.yield
      }) : () -> ()
      %broadcast_in_dim3A_64 = vector.broadcast %add3A_2 : i32 to vector<16xi32>
      %swap3A_65 = arith.constant 0 : index
      %swap3A_66 = tpu.vector_load %arg11[%swap3A_65] {strides = array<i32>} : memref<64xi32, #tpu.memory_space<vmem>>, vector<16xi32>,
      tpu.vector_store %arg11[%swap3A_65], %broadcast_in_dim3A_64 {strides = array<i32>} : memref<64xi32, #tpu.memory_space<vmem>>, vector<16xi32>,
      %swap3A_67 = arith.constant 16 : index
      %swap3A_68 = tpu.vector_load %arg11[%swap3A_67] {strides = array<i32>} : memref<64xi32, #tpu.memory_space<vmem>>, vector<16xi32>,
      tpu.vector_store %arg11[%swap3A_67], %broadcast_in_dim3A_64 {strides = array<i32>} : memref<64xi32, #tpu.memory_space<vmem>>, vector<16xi32>,
      %swap3A_69 = arith.constant 32 : index
      %swap3A_70 = tpu.vector_load %arg11[%swap3A_69] {strides = array<i32>} : memref<64xi32, #tpu.memory_space<vmem>>, vector<16xi32>,
      tpu.vector_store %arg11[%swap3A_69], %broadcast_in_dim3A_64 {strides = array<i32>} : memref<64xi32, #tpu.memory_space<vmem>>, vector<16xi32>,
      %swap3A_71 = arith.constant 48 : index
      %swap3A_72 = tpu.vector_load %arg11[%swap3A_71] {strides = array<i32>} : memref<64xi32, #tpu.memory_space<vmem>>, vector<16xi32>,
      tpu.vector_store %arg11[%swap3A_71], %broadcast_in_dim3A_64 {strides = array<i32>} : memref<64xi32, #tpu.memory_space<vmem>>, vector<16xi32>,
      %mul3A_73 = arith.constant 0 : i32
      %mul3A_74 = arith.muli %mul3A_73, %while3A_58#0 : i32
      scf.yield %mul3A_74 : i32
    } else {
      scf.yield %while3A_58#0 : i32
    }
    return
  }
}

</mosaic_0001>

<sc_bundles>
// kernel: kernel.3.cloned.1.call-start
scs
__scs_entry_jumppad:
0x0: {  	(pc) =	sbr.rel $0x88, $3  }
0x1: {  	(tag) =	ssettag $0x0;
	lr =	simm.s32 $0x1  }
0x2: {  	[smem:$0x3F9F] =	sst lr;
	_ =	strace $0xD0000000  }
0x3: {  	_ = 	snop  }
0x4: {  	_ = 	snop  }
0x5: {  	_ = 	snop  }
0x6: {  	_ = 	snop  }
0x7: {  	_ = 	snop  }
__scs_overlays_trampoline_lowered:
0x8: {  	[smem:$0x3FAE] =	sst s0  }
0x9: {  	[smem:$0x3FAF] =	sst s1  }
0xa: {  	[smem:$0x3FB0] =	sst s2  }
0xb: {  	[smem:$0x3FB1] =	sst s3  }
0xc: {  	[smem:$0x3FB2] =	sst s4  }
0xd: {  	[smem:$0x3FB3] =	sst s5  }
0xe: {  	[smem:$0x3FB4] =	sst s6  }
0xf: {  	[smem:$0x3FB5] =	sst s7  }
0x10: {  	[smem:$0x3FB6] =	sst s8  }
0x11: {  	[smem:$0x3FB7] =	sst s9;
	s0 =	simm.s32 @!p0 $0x0  }
0x12: {  	s1 =	sld [smem:$0x3F9D];
	s0 =	simm.s32 @p0 $0x1  }
0x13: {  	[smem:$0x3FB8] =	sst s0;
	s0 =	simm.s32 @!p1 $0x0  }
0x14: {  	s2 =	sld [smem:$0x3F9C];
	s0 =	simm.s32 @p1 $0x1  }
0x15: {  	[smem:$0x3FB9] =	sst s0;
	s0 =	simm.s32 @!p2 $0x0  }
0x16: {  	s3 =	sld [smem:$0x3FDB];
	s0 =	simm.s32 @p2 $0x1  }
0x17: {  	s4 =	simm.s32 $0x1BF5;
	[smem:$0x3FBB] =	sst s0  }
0x18: {  	s0 =	sld [smem:$0x3F9E];
	_ =	swait.ge [sflag:s4], $0x0  }
0x19: {  	s7 =	sld [smem:$0x3F9F]  }
0x1a: {  	s8 =	sadd.s32 $0xFFFFE003, lr  }
0x1b: {  	s9 =	sadd.s32 $0xFFFFFEF7, lr;
	s5 =	simm.s32 $0xFFFFFFFF;
	p2 =	slt.u32 s8, $0xFFFFF086  }
0x1c: {  	p1 =	slt.u32 s9, $0xF7A;
	s5 =	simm.s32 @!p2 $0x0  }
0x1d: {  	s5 =	simm.s32 @p1 $0x1;
	p0 =	seq.s32 s7, s2  }
0x1e: {  	s7 =	smul.u32 @!p0 $0xF7A, s2;
	p2 =	seq.s32 @!p0 s5, $0x0  }
0x1f: {  	s9 =	smul.u32 $0xF7A, s1;
	s8 =	simm.s32 @!p0 $0x1BF5;
	p2 =	por !p2, p0  }
0x20: {  	[sflag:s8] =	ssyncset.s32 @!p0 $0xFFFFF086;
	s6 =	sadd.s32 @!p0 s3, s7;
	s7 =	simm.s32 @!p0 $0x108  }
0x21: {  	s3 =	sadd.s32 s3, s9;
	s6 =	sadd.s32 @!p0 $0x88, s6;
	s7 =	simm.s32 @p2 $0x1082  }
0x22: {  	[simem:s7], [sflag:s8] =	dma.local @!p0 [hbm:s6], $0xF7A  }
0x23: {  	s9 =	sor.u32 $0xD0000000, s2;
	s6 =	simm.s32 $0x108;
	_ =	swait.ge @!p0 [sflag:s8], $0x0  }
0x24: {  	s3 =	sadd.s32 $0x88, s3;
	s6 =	simm.s32 @!p1 $0x1082;
	[sflag:s4] =	ssyncset.s32 $0xFFFFF086  }
0x25: {  	[simem:s6], [sflag:s4] =	dma.local [hbm:s3], $0xF7A  }
0x26: {  	[smem:$0x3F9F] =	sst s1;
	(tag) =	ssettag s2;
	_ =	strace s9  }
0x27: {  	s1 =	sld [smem:$0x3FAF]  }
0x28: {  	s2 =	sld [smem:$0x3FB0]  }
0x29: {  	s4 =	sld [smem:$0x3FB2]  }
0x2a: {  	p0 =	seq.s32 s5, $0x0;
	s5 =	sld [smem:$0x3FB3]  }
0x2b: {  	s6 =	sld [smem:$0x3FB4]  }
0x2c: {  	s7 =	sld [smem:$0x3FB5]  }
0x2d: {  	s3 =	simm.s32 $0x108;
	s8 =	sld [smem:$0x3FB6]  }
0x2e: {  	s3 =	simm.s32 @!p0 $0x1082;
	s9 =	sld [smem:$0x3FB7]  }
0x2f: {  	lr =	sadd.s32 s0, s3;
	s0 =	sld [smem:$0x3FAE]  }
0x30: {  	s3 =	sld [smem:$0x3FB1]  }
0x31: {  	[smem:$0x3FBA] =	sst s10  }
0x32: {  	s10 =	sld [smem:$0x3FB8];
	_ =	sdelay $0x3  }
0x33: {  	p0 =	seq.s32 s10, $0x1;
	s10 =	sld [smem:$0x3FBA];
	_ =	sdelay $0x3  }
0x34: {  	[smem:$0x3FBA] =	sst s10  }
0x35: {  	s10 =	sld [smem:$0x3FB9];
	_ =	sdelay $0x3  }
0x36: {  	p1 =	seq.s32 s10, $0x1;
	s10 =	sld [smem:$0x3FBA];
	_ =	sdelay $0x3  }
0x37: {  	[smem:$0x3FBA] =	sst s10  }
0x38: {  	s10 =	sld [smem:$0x3FBB]  }
0x39: {  	_ = 	snop;
	(pc) =	sbr.ind lr, $3  }
0x3a: {  	_ = 	snop  }
0x3b: {  	_ = 	snop  }
0x3c: {  	p2 =	seq.s32 s10, $0x1;
	s10 =	sld [smem:$0x3FBA]  }
0x3d: {  	_ =	shalt  }
0x3e: {  	_ =	shalt  }
0x3f: {  	_ =	shalt  }
0x40: {  	_ =	shalt  }
0x41: {  	_ =	shalt  }
0x42: {  	_ =	shalt  }
0x43: {  	_ =	shalt  }
0x44: {  	_ =	shalt  }
0x45: {  	_ =	shalt  }
0x46: {  	_ =	shalt  }
0x47: {  	_ =	shalt  }
0x48: {  	_ =	shalt  }
0x49: {  	_ =	shalt  }
0x4a: {  	_ =	shalt  }
0x4b: {  	_ =	shalt  }
0x4c: {  	_ =	shalt  }
0x4d: {  	_ =	shalt  }
0x4e: {  	_ =	shalt  }
0x4f: {  	_ =	shalt  }
0x50: {  	_ =	shalt  }
0x51: {  	_ =	shalt  }
0x52: {  	_ =	shalt  }
0x53: {  	_ =	shalt  }
0x54: {  	_ =	shalt  }
0x55: {  	_ =	shalt  }
0x56: {  	_ =	shalt  }
0x57: {  	_ =	shalt  }
0x58: {  	_ =	shalt  }
0x59: {  	_ =	shalt  }
0x5a: {  	_ =	shalt  }
0x5b: {  	_ =	shalt  }
0x5c: {  	_ =	shalt  }
0x5d: {  	_ =	shalt  }
0x5e: {  	_ =	shalt  }
0x5f: {  	_ =	shalt  }
0x60: {  	_ =	shalt  }
0x61: {  	_ =	shalt  }
0x62: {  	_ =	shalt  }
0x63: {  	_ =	shalt  }
0x64: {  	_ =	shalt  }
0x65: {  	_ =	shalt  }
0x66: {  	_ =	shalt  }
0x67: {  	_ =	shalt  }
0x68: {  	_ =	shalt  }
0x69: {  	_ =	shalt  }
0x6a: {  	_ =	shalt  }
0x6b: {  	_ =	shalt  }
0x6c: {  	_ =	shalt  }
0x6d: {  	_ =	shalt  }
0x6e: {  	_ =	shalt  }
0x6f: {  	_ =	shalt  }
0x70: {  	_ =	shalt  }
0x71: {  	_ =	shalt  }
0x72: {  	_ =	shalt  }
0x73: {  	_ =	shalt  }
0x74: {  	_ =	shalt  }
0x75: {  	_ =	shalt  }
0x76: {  	_ =	shalt  }
0x77: {  	_ =	shalt  }
0x78: {  	_ =	shalt  }
0x79: {  	_ =	shalt  }
0x7a: {  	_ =	shalt  }
0x7b: {  	_ =	shalt  }
0x7c: {  	_ =	shalt  }
0x7d: {  	_ =	shalt  }
0x7e: {  	_ =	shalt  }
0x7f: {  	_ =	shalt  }
0x80: {  	_ =	shalt  }
0x81: {  	_ =	shalt  }
0x82: {  	_ =	shalt  }
0x83: {  	_ =	shalt  }
0x84: {  	_ =	shalt  }
0x85: {  	_ =	shalt  }
0x86: {  	_ =	shalt  }
0x87: {  	_ =	shalt  }
.Lfunc_end0:
.L_simem_size_0:
called_computation_lowered:
.L_overlay_start_0:
0x88: {  	s2 =	sld [smem:$0x3FD9]  }
0x89: {  	s3 =	sld [smem:$0x3FFE];
	_ =	sdelay $0x1  }
0x8a: {  	s1 =	srdreg.scid  }
0x8b: {  	s0 =	sand.u32 $0x1, s1  }
0x8c: {  	s17 =	sshll.u32 s0, $0xA;
	s2 =	sadd.s32 s3, s2  }
0x8d: {  	s2 =	sadd.s32 s2, s17  }
0x8e: {  	[smem:$0x3FC6] =	sst s2  }
0x8f: {  	_ = 	snop  }
0x90: {  	s2 =	sld [smem:$0x3FC9]  }
0x91: {  	s18 =	sld [smem:$0x3FC8];
	(tm) =	ssettm $0x1  }
0x92: {  	s4 =	sld [smem:$0x3FFB];
	_ =	sdelay $0x3  }
0x93: {  	_ =	strace s4  }
0x94: {  	s4 =	sld [smem:$0x3FFC];
	_ =	sdelay $0x3  }
0x95: {  	_ =	strace s4  }
0x96: {  	s4 =	sld [smem:$0x3FFD];
	_ =	sdelay $0x3  }
0x97: {  	_ =	strace s4  }
0x98: {  	_ =	strace $0x8FFFFFFF  }
0x99: {  	s19 =	sld [smem:$0x3FDB];
	_ =	sdelay $0x1  }
0x9a: {  	s5 =	simm.s32 $_scs_section_size  }
0x9b: {  	s6 =	simm.s32 $_size__tile_overlayer_lowered;
	s7 =	simm.s32 $_tile_overlayer_lowered  }
0x9c: {  	s22 =	simm.s32 $0x1BFF;
	s21 =	sshll.u32 s7, $0x1;
	s4 =	sadd.s32 s5, s19  }
0x9d: {  	s8 =	simm.s32 $0x0;
	s20 =	sshll.u32 s6, $0x1;
	s6 =	sadd.s32 s21, s4  }
0x9e: {  	[timem:s8], [sflag:s22] =	dma.local [hbm:s6], s20  }
0x9f: {  	_ =	swait.ge [sflag:s22], s20  }
0xa0: {  	s5 =	ssub.s32 $0x0, s20;
	[sflag:s22] =	ssyncset.done $0x0  }
0xa1: {  	[sflag:s22] =	ssyncadd.s32 s5;
	_ =	sdelay $0x1  }
0xa2: {  	s23 =	simm.s32 $0x1B8B  }
0xa3: {  	_ =	swait.ge [sflag:s23], $0x1  }
0xa4: {  	[sflag:s23] =	ssyncset.done $0x0  }
0xa5: {  	s25 =	simm.s32 $0x1B8E;
	s24 =	sld [smem:$0x3FFE];
	[sflag:s23] =	ssyncadd.s32 $0xFFFFFFFF  }
0xa6: {  	s26 =	simm.s32 $execute0_lowered;
	[smem:$0x3FD2] =	sst s25  }
0xa7: {  	s6 =	sshll.u32 s26, $0x1;
	_ =	strace $0x80000046;
	[dreg:$0x1] =	wrdreg $0xFFFFFFFF  }
0xa8: {  	s28 =	simm.s32 $_size_execute0_lowered;
	s4 =	sadd.s32 s4, s6;
	[dreg:$0x0] =	wrdreg $0x0  }
0xa9: {  	s6 =	sshll.u32 s28, $0x1;
	[dreg:$0x2] =	wrdreg s4  }
0xaa: {  	[dreg:$0x3] =	wrdreg s6  }
0xab: {  	[dreg:$0x4] =	wrdreg $0xC0  }
0xac: {  	_ =	task [dreg:s8], $0x5FFFF  }
0xad: {  	[dreg:$0x1] =	wrdreg $0xFFFFFFFF  }
0xae: {  	[dreg:$0x0] =	wrdreg $0x60  }
0xaf: {  	[dreg:$0x2] =	wrdreg s2  }
0xb0: {  	[dreg:$0x3] =	wrdreg s18  }
0xb1: {  	[dreg:$0x4] =	wrdreg s24  }
0xb2: {  	[dreg:$0x5] =	wrdreg $0x9  }
0xb3: {  	_ =	task.clear_ibuf [dreg:s8], $0x6FFFF;
	_ =	strace $0x90000046  }
0xb4: {  	s29 =	simm.s32 $0x9;
	_ =	strace $0x80000048  }
0xb5: {  	_ =	swait.ge [sflag:s29], $0x1  }
0xb6: {  	[sflag:s29] =	ssyncadd.s32 $0xFFFFFFFF  }
0xb7: {  	_ =	strace $0x90000048  }
0xb8: {  	_ =	sfence  }
0xb9: {  	s30 =	sld [smem:$0x0];
	_ =	sdelay $0x2  }
0xba: {  	s31 =	sshll.u32 s1, $0xD;
	s1 =	sshrl.u32 s1, $0x2  }
0xbb: {  	s3 =	sand.u32 $0x4000, s31;
	s1 =	sadd.s32 s1, s30  }
0xbc: {  	s0 =	sor.u32 s3, s0;
	s1 =	sshll.u32 s1, $0x11  }
0xbd: {  	s0 =	sor.u32 s1, s0  }
0xbe: {  	s0 =	sadd.s32 $0x8F2B, s0  }
0xbf: {  	[sflag:s0] =	ssyncadd.remote.s32 $0x1  }
0xc0: {  	_ =	sfence.sel $0xFFFF  }
0xc1: {  	[dreg:$0x0] =	wrdreg $0xFFFFFFFF;
	(pc) =	sbr.abs _section_cstart, $3  }
0xc2: {  	[dreg:$0x1] =	wrdreg $0xFFFFFFFF  }
0xc3: {  	_ =	task.clear_ibuf [dreg:s8], $0x2FFFF;
	_ =	strace $0x9FFFFFFF  }
0xc4: {  	(tm) =	ssettm $0x7FFFFFFF  }
0xc5: {  	_ =	shalt  }
tec
execute0_lowered:
.L_overlay_start_1:
0x0: {  	(tag) =	ssettag $0x1  }
0x1: {  	s1 =	rddreg [dreg:$0x0]  }
0x2: {  	s2 =	rddreg [dreg:$0x1]  }
0x3: {  	s0 =	rddreg [dreg:$0x2];
	s3 =	srdreg.scid;
	s4 =	simm.s32 $0x0  }
0x4: {  	s29 =	stileid.u32;
	s14 =	simm.s32 $0x7A1400;
	s15 =	simm.s32 $0x4800  }
0x5: {  	s17 =	simm.s32 $0x2;
	s19 =	simm.s32 $0x1C800;
	s20 =	simm.s32 $0x1C880  }
0x6: {  	s21 =	simm.s32 $0x1C900;
	s22 =	simm.s32 $0x1E900;
	s23 =	simm.s32 $0x40  }
0x7: {  	s6 =	sand.u32 $0x1, s3;
	[smem:$0x7FF] =	sst s4;
	s9 =	sshll.u32 s29, $0x1  }
0x8: {  	s5 =	sadd.s32 $0x400, s0;
	p0 =	seq.s32 s29, $0x0;
	s11 =	sadd.s32 $0xF4200, s2  }
.Ltmp0:
0x9: {  	s7 =	ssub.s32 $0x2, s6;
	s6 =	sor.u32 s6, s9;
	(pc) =	sbr.rel .LBB2_1-.Ltmp0, $4  }
0xa: {  	_ =	strace $0x80000047;
	s8 =	sshrl.u32 s7, $0x1;
	s31 =	sshll.u32 s6, $0x9  }
0xb: {  	s18 =	sor.u32 $0x4000, s6;
	s10 =	ssub.s32 $0x7A1, s6;
	s30 =	ssub.s32 s7, s8  }
0xc: {  	s7 =	simm.s32 $0x3E;
	s8 =	sadd.s32 s2, s31;
	v0 =	vmov s18;
	s18 =	simm.s32 $0x800  }
0xd: {  	v2 =	vimm.s32 $0x0;
	v3 =	vlaneseq.u32;
	v1 =	vmov s6;
	s7 =	simm.s32 @!p0 $0x3D;
	s9 =	sadd.s32 $0x4000, s8;
	s12 =	smax.u32 s30, $0x1  }
.LBB2_14:
0xe: {  	p0 =	slt.s32 s28, $0x1  }
0xf: {  	s0 =	simm.s32 @!p0 $0x40;
	s3 =	simm.s32 @!p0 $0x1E900;
	s13 =	simm.s32 @!p0 $0x1C900  }
0x10: {  	[hbm4b:s5+s0] =	stream.indirect.scatter @!p0 [tilespmem:s13], [sflag:$0x2], $0x80, s3, s0, $0xb8;
	[tilespmem:$0x1E980] =	vst v63  }
0x11: {  	s0 =	simm.s32 @!p0 $0x2  }
0x12: {  	_ =	swait.ge @!p0 [sflag:s0], $0x2000  }
0x13: {  	[sflag:s0] =	ssyncset.done @!p0 $0x0  }
0x14: {  	[sflag:s0] =	ssyncadd.s32 @!p0 $0xFFFFE000  }
0x15: {  	[tilespmem:$0x1E900] =	vst @!p0 v0  }
0x16: {  	[tilespmem:$0x1E910] =	vst @!p0 v0  }
0x17: {  	[tilespmem:$0x1E920] =	vst @!p0 v0  }
0x18: {  	[tilespmem:$0x1E930] =	vst @!p0 v0  }
.LBB2_15:
0x19: {  	s4 =	sadd.s32 $0x1, s4  }
0x1a: {  	p0 =	sne.s32 s4, s12  }
.Ltmp1:
0x1b: {  	_ = 	snop;
	(pc) =	sbr.rel @!p0 .LBB2_16-.Ltmp1, $1  }
0x1c: {  	_ =	sdelay $0x3  }
.LBB2_1:
0x1d: {  	[tilespmem:$0x1C800] =	vst v2  }
0x1e: {  	[tilespmem:$0x1C810] =	vst v2  }
0x1f: {  	[tilespmem:$0x1C880] =	vst v2  }
0x20: {  	[tilespmem:$0x1C890] =	vst v2  }
0x21: {  	[tilespmem:$0x1E900] =	vst v0  }
0x22: {  	[tilespmem:$0x1E910] =	vst v0  }
0x23: {  	[tilespmem:$0x1E920] =	vst v0  }
0x24: {  	[tilespmem:$0x1E930] =	vst v0;
	s0 =	simm.s32 $0x1000  }
0x25: {  	[tilespmem:s15], [sflag:$0x1] =	stream.strided.gather [hbm4b:s8+s0], $0x8000, s14, s0, $0x38;
	[tilespmem:$0x1E980] =	vst v63  }
0x26: {  	s3 =	simm.s32 $0xC800  }
0x27: {  	[tilespmem:s3], [sflag:$0x1] =	stream.strided.gather [hbm4b:s9+s0], $0x8000, s14, s0, $0x38;
	[tilespmem:$0x1E980] =	vst v63  }
0x28: {  	s25 =	simm.s32 $0x0;
	s24 =	simm.s32 $0x0;
	s0 =	simm.s32 $0x0  }
.LBB2_2:
0x29: {  	s26 =	sshll.u32 s24, $0x8  }
0x2a: {  	s28 =	simm.s32 $0x0;
	s26 =	sadd.s32 s1, s26  }
0x2b: {  	[tilespmem:s28], [sflag:$0x2] =	stream.linear.gather [hbm4b:s26+s28], $0x800, $0x38;
	[tilespmem:$0x1E980] =	vst v63  }
0x2c: {  	_ =	swait.ge [sflag:s17], $0x800  }
0x2d: {  	[sflag:s17] =	ssyncset.done $0x0  }
0x2e: {  	s31 =	sand.u32 $0x7F0, s28;
	[sflag:s17] =	ssyncadd.s32 $0xFFFFF800  }
0x2f: {  	v4 =	vld [tilespmem:s31+$0x0];
	_ =	sdelay $0x4  }
0x30: {  	v5 =	vshrl.u32 v4, $0x9  }
0x31: {  	v5 =	vmin.u32 v5, $0x7A1  }
0x32: {  	v6 =	vand.u32 $0x1F, v5  }
0x33: {  	vm0 =	veq.s32 v6, v1  }
0x34: {  	v6 =	vsel vm0, $0x1, v2  }
0x35: {  	(xrf0) =	vadd.scan.msk.s32 $0xffff, v6  }
0x36: {  	s29 =	simm.s32 $0x20;
	s26 =	simm.s32 $0x10  }
.LBB2_3:
0x37: {  	p0 =	sne.s32 s29, $0x7F0;
	_ =	sdelay $0x2  }
0x38: {  	v6 =	vsel vm0, $0xFFFFFFFF, v2  }
0x39: {  	v6 =	vadd.s32 s25, v6;
	v7, _, _ =	vpop (xrf0)  }
0x3a: {  	v8 =	vshll.u32 v5, $0x17;
	v4 =	vshll.u32 v4, $0xE;
	v6 =	vadd.s32 v7, v6  }
0x3b: {  	s30 =	sadd.s32 s28, s0;
	v5 =	vshll.u32 v5, $0x13;
	s28 =	smov.u32 s26;
	s26 =	smov.u32 s29;
	v4 =	vsub.s32 v4, v8;
	(v2sf) =	vpush v7, $0xF  }
0x3c: {  	v5 =	vand.u32 $0x3F000000, v5;
	v4 =	vor.u32 s30, v4  }
0x3d: {  	v4 =	vor.u32 v5, v4  }
0x3e: {  	v4 =	vor.u32 v3, v4  }
0x3f: {  	s30 =	sand.u32 $0x7F0, s28;
	[tilespmem:v6+s18+$0x0] =	vst.idx.msk vm0, v4  }
0x40: {  	v4 =	vld [tilespmem:s30+$0x0];
	_ =	sdelay $0x4  }
0x41: {  	v5 =	vshrl.u32 v4, $0x9  }
0x42: {  	v5 =	vmin.u32 v5, $0x7A1  }
.Ltmp2:
0x43: {  	v6 =	vand.u32 $0x1F, v5;
	(pc) =	sbr.rel @p0 .LBB2_3-.Ltmp2, $4  }
0x44: {  	vm0 =	veq.s32 v6, v1  }
0x45: {  	v6 =	vsel vm0, $0x1, v2  }
0x46: {  	(xrf0) =	vadd.scan.msk.s32 $0xffff, v6;
	s30 =	spop (v2sf)  }
0x47: {  	s29 =	sadd.s32 $0x10, s29;
	s25 =	sadd.s32 s25, s30  }
0x48: {  	_ =	sdelay $0x2  }
0x49: {  	v6 =	vsel vm0, $0xFFFFFFFF, v2  }
0x4a: {  	v6 =	vadd.s32 s25, v6;
	v7, _, _ =	vpop (xrf0)  }
0x4b: {  	v8 =	vshll.u32 v5, $0x17;
	v4 =	vshll.u32 v4, $0xE;
	v6 =	vadd.s32 v7, v6  }
0x4c: {  	s28 =	sadd.s32 s28, s0;
	v5 =	vshll.u32 v5, $0x13;
	v4 =	vsub.s32 v4, v8  }
0x4d: {  	v5 =	vand.u32 $0x3F000000, v5;
	v4 =	vor.u32 s28, v4  }
0x4e: {  	v4 =	vor.u32 v5, v4  }
0x4f: {  	v4 =	vor.u32 v3, v4  }
0x50: {  	s13 =	sand.u32 $0x7F0, s26;
	[tilespmem:v6+s18+$0x0] =	vst.idx.msk vm0, v4  }
0x51: {  	v4 =	vld [tilespmem:s13+$0x0];
	_ =	sdelay $0x4  }
0x52: {  	v5 =	vshrl.u32 v4, $0x9  }
0x53: {  	v5 =	vmin.u32 v5, $0x7A1  }
0x54: {  	v61 =	vand.u32 $0x1F, v5  }
0x55: {  	vm15 =	veq.s32 v61, v1  }
0x56: {  	v6 =	vsel vm15, $0x1, v2  }
0x57: {  	(v2sf) =	vpush v7, $0xF;
	(xrf0) =	vadd.scan.msk.s32 $0xffff, v6;
	_ =	sdelay $0x5  }
0x58: {  	v6, _, _ =	vpop (xrf0)  }
0x59: {  	(v2sf) =	vpush v6, $0xF;
	_ =	sdelay $0x7  }
0x5a: {  	s16 =	spop (v2sf)  }
0x5b: {  	v62 =	vsel vm15, $0xFFFFFFFF, v2;
	s29 =	sadd.s32 s25, s16  }
0x5c: {  	s24 =	sadd.s32 $0x1, s24;
	v7 =	vadd.s32 s29, v62  }
0x5d: {  	p0 =	sne.s32 s24, $0x8;
	v4 =	vshll.u32 v4, $0xE;
	v63 =	vshll.u32 v5, $0x17;
	v6 =	vadd.s32 v6, v7  }
.Ltmp3:
0x5e: {  	s30 =	sadd.s32 s26, s0;
	v5 =	vshll.u32 v5, $0x13;
	v4 =	vsub.s32 v4, v63;
	(pc) =	sbr.rel @p0 .LBB2_2-.Ltmp3, $4  }
0x5f: {  	v5 =	vand.u32 $0x3F000000, v5;
	v4 =	vor.u32 s30, v4  }
0x60: {  	v4 =	vor.u32 v5, v4  }
0x61: {  	v4 =	vor.u32 v3, v4;
	s31 =	spop (v2sf)  }
0x62: {  	s0 =	sadd.s32 $0x800, s0;
	[tilespmem:v6+s18+$0x0] =	vst.idx.msk vm15, v4;
	s25 =	sadd.s32 s29, s31  }
.Ltmp4:
0x63: {  	(pc) =	sbr.rel .LBB2_6-.Ltmp4, $4  }
0x64: {  	_ = 	snop  }
0x65: {  	s0 =	sadd.s32 $0xF, s25  }
0x66: {  	s28 =	simm.s32 $0x0;
	s0 =	sshrl.u32 s0, $0x4  }
0x67: {  	v4 =	vmov s25;
	s25 =	simm.s32 $0x0;
	s26 =	simm.s32 $0x0;
	p0 =	seq.s32 s0, $0x0  }
.LBB2_12:
0x68: {  	s24 =	smov.u32 @p1 s28  }
0x69: {  	s28 =	smov.u32 s24  }
.LBB2_13:
0x6a: {  	s26 =	sadd.s32 $0x1, s26  }
0x6b: {  	p2 =	seq.s32 s26, s7  }
.Ltmp5:
0x6c: {  	_ = 	snop;
	(pc) =	sbr.rel @p2 .LBB2_14-.Ltmp5, $3  }
0x6d: {  	_ =	sdelay $0x1  }
0x6e: {  	p1 =	seq.s32 s25, $0x2;
	s25 =	sadd.s32 $0x1, s25  }
0x6f: {  	s25 =	simm.s32 @p1 $0x0  }
.LBB2_6:
0x70: {  	s24 =	sadd.s32 $0x2, s26  }
0x71: {  	p1 =	sge.u32 s24, s7  }
0x72: {  	s24 =	sshll.u32 @!p1 s24, $0x5  }
0x73: {  	p2 =	seq.s32 @!p1 s25, $0x0;
	s29 =	sshll.u32 @!p1 s25, $0x11;
	s24 =	sor.u32 @!p1 s6, s24  }
0x74: {  	s29 =	sadd.s32 @!p1 $0xFFFE0000, s29;
	p2 =	por !p2, p1;
	p3 =	sne.s32 @!p1 s24, $0x7A1  }
0x75: {  	s29 =	simm.s32 @!p2 $0x40000;
	p2 =	por !p3, p1  }
0x76: {  	s29 =	sshra.s32 @!p1 s29, $0x2;
	s24 =	smin.u32 @!p2 s24, $0x7A0  }
0x77: {  	s30 =	sor.u32 @!p1 $0x4800, s29;
	s31 =	simm.s32 @!p2 $0x1000;
	s24 =	sshll.u32 @!p2 s24, $0x9  }
0x78: {  	s3 =	simm.s32 @!p2 $0x7A1400;
	p1 =	por p3, p1;
	s24 =	sadd.s32 @!p2 s2, s24  }
0x79: {  	[tilespmem:s30], [sflag:$0x1] =	stream.strided.gather @!p2 [hbm4b:s24+s31], $0x8000, s3, s31, $0x38;
	[tilespmem:$0x1E980] =	vst v63  }
0x7a: {  	s3 =	simm.s32 @!p1 $0x0  }
0x7b: {  	[tilespmem:s30], [sflag:$0x1] =	stream.linear.gather @!p1 [hbm4b:s11+s3], $0x400, $0x38;
	[tilespmem:$0x1E980] =	vst v63  }
0x7c: {  	s24 =	sadd.s32 @!p1 $0xF4280, s11;
	s30 =	sadd.s32 @!p1 $0x5800, s29  }
0x7d: {  	[tilespmem:s30], [sflag:$0x1] =	stream.linear.gather @!p1 [hbm4b:s24+s3], $0x400, $0x38;
	[tilespmem:$0x1E980] =	vst v63  }
0x7e: {  	s24 =	sadd.s32 @!p1 $0x1E8500, s11;
	s30 =	sadd.s32 @!p1 $0x6800, s29  }
0x7f: {  	[tilespmem:s30], [sflag:$0x1] =	stream.linear.gather @!p1 [hbm4b:s24+s3], $0x400, $0x38;
	[tilespmem:$0x1E980] =	vst v63  }
0x80: {  	s24 =	sadd.s32 @!p1 $0x2DC780, s11;
	s30 =	sadd.s32 @!p1 $0x7800, s29  }
0x81: {  	[tilespmem:s30], [sflag:$0x1] =	stream.linear.gather @!p1 [hbm4b:s24+s3], $0x400, $0x38;
	[tilespmem:$0x1E980] =	vst v63  }
0x82: {  	s24 =	sadd.s32 @!p1 $0x3D0A00, s11;
	s30 =	sadd.s32 @!p1 $0x8800, s29  }
0x83: {  	[tilespmem:s30], [sflag:$0x1] =	stream.linear.gather @!p1 [hbm4b:s24+s3], $0x400, $0x38;
	[tilespmem:$0x1E980] =	vst v63  }
0x84: {  	s24 =	sadd.s32 @!p1 $0x4C4C80, s11;
	s30 =	sadd.s32 @!p1 $0x9800, s29  }
0x85: {  	[tilespmem:s30], [sflag:$0x1] =	stream.linear.gather @!p1 [hbm4b:s24+s3], $0x400, $0x38;
	[tilespmem:$0x1E980] =	vst v63  }
0x86: {  	s24 =	sadd.s32 @!p1 $0x5B8F00, s11;
	s30 =	sadd.s32 @!p1 $0xA800, s29  }
0x87: {  	[tilespmem:s30], [sflag:$0x1] =	stream.linear.gather @!p1 [hbm4b:s24+s3], $0x400, $0x38;
	[tilespmem:$0x1E980] =	vst v63  }
0x88: {  	s31 =	sshll.u32 s26, $0x5;
	s29 =	sadd.s32 @!p1 $0xB800, s29;
	s24 =	sadd.s32 @!p1 $0x6AD180, s11  }
0x89: {  	[tilespmem:s29], [sflag:$0x1] =	stream.linear.gather @!p1 [hbm4b:s24+s3], $0x400, $0x38;
	[tilespmem:$0x1E980] =	vst v63  }
0x8a: {  	p1 =	sne.s32 s31, s10  }
0x8b: {  	s3 =	simm.s32 @p1 $0x1  }
0x8c: {  	_ =	swait.ge @p1 [sflag:s3], $0x8000  }
.Ltmp6:
0x8d: {  	[sflag:s3] =	ssyncset.done @p1 $0x0;
	(pc) =	sbr.rel @p0 .LBB2_13-.Ltmp6, $4  }
0x8e: {  	[sflag:s3] =	ssyncadd.s32 @p1 $0xFFFF8000;
	s3 =	simm.s32 @!p1 $0x1  }
0x8f: {  	_ =	swait.ge @!p1 [sflag:s3], $0x2000  }
0x90: {  	[sflag:s3] =	ssyncset.done @!p1 $0x0  }
0x91: {  	[sflag:s3] =	ssyncadd.s32 @!p1 $0xFFFFE000  }
0x92: {  	v5 =	vmov s25  }
0x93: {  	v5 =	vshll.u32 v5, $0xF  }
.Ltmp7:
0x94: {  	v12 =	vbroadcast v5, $0x0;
	(pc) =	sbr.rel .LBB2_8-.Ltmp7, $4  }
0x95: {  	_ = 	snop  }
0x96: {  	v13 =	vmov s26;
	v11 =	vor.u32 $0x1000, v12  }
0x97: {  	s30 =	simm.s32 $0x800;
	v10 =	vor.u32 $0x2000, v12;
	v9 =	vor.u32 $0x3000, v12;
	v8 =	vor.u32 $0x4000, v12  }
0x98: {  	s31 =	simm.s32 $0x0;
	s24 =	smov.u32 s0;
	s29 =	simm.s32 $0x0;
	v7 =	vor.u32 $0x5000, v12;
	v6 =	vor.u32 $0x6000, v12;
	v5 =	vor.u32 $0x7000, v12  }
.LBB2_10:
0x99: {  	s24 =	sadd.s32 $0xFFFFFFFF, s24  }
0x9a: {  	p1 =	sne.s32 s24, $0x0  }
.Ltmp8:
0x9b: {  	_ = 	snop;
	(pc) =	sbr.rel @!p1 .LBB2_11-.Ltmp8, $2  }
0x9c: {  	_ =	sdelay $0x2  }
0x9d: {  	s30 =	sadd.s32 $0x10, s30;
	s31 =	sadd.s32 $0x10, s31  }
.LBB2_8:
0x9e: {  	v14 =	vld [tilespmem:s30+$0x0];
	_ =	sdelay $0x4  }
0x9f: {  	v16 =	vor.u32 s31, v3;
	v15 =	vshrl.u32 v14, $0x18  }
0xa0: {  	vm1 =	vlt.s32 v16, v4;
	vm0 =	veq.s32 v15, v13  }
0xa1: {  	vm0 =	vmand vm1, vm0  }
0xa2: {  	v15 =	vsel vm0, $0x1, v2  }
0xa3: {  	(xrf0) =	vadd.scan.msk.s32 $0xffff, v15;
	_ =	sdelay $0x5  }
0xa4: {  	v62, _, _ =	vpop (xrf0)  }
0xa5: {  	(v2sf) =	vpush v62, $0xF;
	_ =	sdelay $0xe  }
0xa6: {  	v15 =	vsub.s32 v62, v15;
	s3 =	spop (v2sf)  }
0xa7: {  	v15 =	vadd.s32 s29, v15;
	s29 =	sadd.s32 s29, s3  }
0xa8: {  	p1 =	slt.s32 s29, $0x10  }
.Ltmp9:
0xa9: {  	_ = 	snop;
	(pc) =	sbr.rel @p1 .LBB2_10-.Ltmp9, $4  }
0xaa: {  	v63 =	vshrl.u32 v14, $0xE  }
0xab: {  	v16 =	vand.u32 $0x3FF, v63  }
0xac: {  	v14 =	vand.u32 $0x3FFF, v14;
	[tilespmem:v15+s19+$0x0] =	vst.idx.msk vm0, v16  }
0xad: {  	[tilespmem:v15+s20+$0x0] =	vst.idx.msk vm0, v14  }
0xae: {  	v14 =	vld [tilespmem:$0x1C800];
	_ =	sdelay $0x4  }
0xaf: {  	v15 =	vshll.u32 v14, $0x3  }
0xb0: {  	v18 =	vand.u32 $0xFFFFFC00, v15  }
0xb1: {  	v17 =	vand.u32 $0x7F, v14;
	v26 =	vadd.s32 v12, v18  }
0xb2: {  	v15 =	vor.u32 v17, v26;
	_ =	sdelay $0x3  }
0xb3: {  	v14 =	vadd.s32 s28, v3  }
0xb4: {  	v19 =	vor.u32 $0x80, v17;
	v20 =	vld.idx.msk [tilespmem:v15+s15+$0x0], $0xffff;
	v15 =	vshll.u32 v14, $0x7  }
0xb5: {  	v21 =	vor.u32 v26, v19;
	_ =	sdelay $0x3  }
0xb6: {  	v16 =	vld [tilespmem:$0x1C880];
	[tilespmem:v15+s21+$0x0] =	vst.idx.msk $0xffff, v20  }
0xb7: {  	v22 =	vor.u32 $0x1, v15;
	v20 =	vor.u32 $0x100, v17;
	v21 =	vld.idx.msk [tilespmem:v21+s15+$0x0], $0xffff  }
0xb8: {  	v23 =	vor.u32 v26, v20;
	_ =	sdelay $0x3  }
0xb9: {  	[tilespmem:v22+s21+$0x0] =	vst.idx.msk $0xffff, v21  }
0xba: {  	v48 =	vor.u32 $0x2, v15;
	v21 =	vor.u32 $0x180, v17;
	v22 =	vld.idx.msk [tilespmem:v23+s15+$0x0], $0xffff  }
0xbb: {  	v24 =	vor.u32 v26, v21;
	_ =	sdelay $0x3  }
0xbc: {  	[tilespmem:v48+s21+$0x0] =	vst.idx.msk $0xffff, v22  }
0xbd: {  	v49 =	vor.u32 $0x3, v15;
	v22 =	vor.u32 $0x200, v17;
	v23 =	vld.idx.msk [tilespmem:v24+s15+$0x0], $0xffff  }
0xbe: {  	v25 =	vor.u32 v26, v22;
	_ =	sdelay $0x3  }
0xbf: {  	[tilespmem:v49+s21+$0x0] =	vst.idx.msk $0xffff, v23  }
0xc0: {  	v50 =	vor.u32 $0x4, v15;
	v23 =	vor.u32 $0x280, v17;
	v24 =	vld.idx.msk [tilespmem:v25+s15+$0x0], $0xffff  }
0xc1: {  	v27 =	vor.u32 v26, v23;
	_ =	sdelay $0x3  }
0xc2: {  	[tilespmem:v50+s21+$0x0] =	vst.idx.msk $0xffff, v24  }
0xc3: {  	v51 =	vor.u32 $0x5, v15;
	v24 =	vor.u32 $0x300, v17;
	v25 =	vld.idx.msk [tilespmem:v27+s15+$0x0], $0xffff  }
0xc4: {  	v28 =	vor.u32 v26, v24;
	_ =	sdelay $0x3  }
0xc5: {  	[tilespmem:v51+s21+$0x0] =	vst.idx.msk $0xffff, v25  }
0xc6: {  	v52 =	vor.u32 $0x6, v15;
	v25 =	vor.u32 $0x380, v17;
	v27 =	vld.idx.msk [tilespmem:v28+s15+$0x0], $0xffff  }
0xc7: {  	v26 =	vor.u32 v26, v25;
	_ =	sdelay $0x3  }
0xc8: {  	[tilespmem:v52+s21+$0x0] =	vst.idx.msk $0xffff, v27  }
0xc9: {  	v54 =	vadd.s32 v11, v18;
	v53 =	vor.u32 $0x7, v15;
	v26 =	vld.idx.msk [tilespmem:v26+s15+$0x0], $0xffff  }
0xca: {  	v29 =	vor.u32 v17, v54;
	_ =	sdelay $0x3  }
0xcb: {  	[tilespmem:v53+s21+$0x0] =	vst.idx.msk $0xffff, v26  }
0xcc: {  	v55 =	vor.u32 $0x8, v15;
	v26 =	vld.idx.msk [tilespmem:v29+s15+$0x0], $0xffff  }
0xcd: {  	v56 =	vor.u32 v54, v19;
	_ =	sdelay $0x3  }
0xce: {  	[tilespmem:v55+s21+$0x0] =	vst.idx.msk $0xffff, v26  }
0xcf: {  	v57 =	vor.u32 $0x9, v15;
	v26 =	vld.idx.msk [tilespmem:v56+s15+$0x0], $0xffff  }
0xd0: {  	v58 =	vor.u32 v54, v20;
	_ =	sdelay $0x3  }
0xd1: {  	[tilespmem:v57+s21+$0x0] =	vst.idx.msk $0xffff, v26  }
0xd2: {  	v59 =	vor.u32 $0xA, v15;
	v26 =	vld.idx.msk [tilespmem:v58+s15+$0x0], $0xffff  }
0xd3: {  	v60 =	vor.u32 v54, v21;
	_ =	sdelay $0x3  }
0xd4: {  	[tilespmem:v59+s21+$0x0] =	vst.idx.msk $0xffff, v26  }
0xd5: {  	v61 =	vor.u32 $0xB, v15;
	v26 =	vld.idx.msk [tilespmem:v60+s15+$0x0], $0xffff  }
0xd6: {  	v62 =	vor.u32 v54, v22;
	_ =	sdelay $0x3  }
0xd7: {  	[tilespmem:v61+s21+$0x0] =	vst.idx.msk $0xffff, v26  }
0xd8: {  	v63 =	vor.u32 $0xC, v15;
	v26 =	vld.idx.msk [tilespmem:v62+s15+$0x0], $0xffff  }
0xd9: {  	v32 =	vor.u32 v54, v23;
	_ =	sdelay $0x3  }
0xda: {  	[tilespmem:v63+s21+$0x0] =	vst.idx.msk $0xffff, v26  }
0xdb: {  	v33 =	vor.u32 $0xD, v15;
	v26 =	vld.idx.msk [tilespmem:v32+s15+$0x0], $0xffff  }
0xdc: {  	v34 =	vor.u32 v54, v24;
	_ =	sdelay $0x3  }
0xdd: {  	[tilespmem:v33+s21+$0x0] =	vst.idx.msk $0xffff, v26  }
0xde: {  	v35 =	vor.u32 $0xE, v15;
	v26 =	vld.idx.msk [tilespmem:v34+s15+$0x0], $0xffff  }
0xdf: {  	v28 =	vor.u32 v54, v25;
	_ =	sdelay $0x3  }
0xe0: {  	[tilespmem:v35+s21+$0x0] =	vst.idx.msk $0xffff, v26  }
0xe1: {  	v37 =	vadd.s32 v10, v18;
	v36 =	vor.u32 $0xF, v15;
	v26 =	vld.idx.msk [tilespmem:v28+s15+$0x0], $0xffff  }
0xe2: {  	v38 =	vor.u32 v17, v37;
	_ =	sdelay $0x3  }
0xe3: {  	[tilespmem:v36+s21+$0x0] =	vst.idx.msk $0xffff, v26  }
0xe4: {  	v39 =	vor.u32 $0x10, v15;
	v26 =	vld.idx.msk [tilespmem:v38+s15+$0x0], $0xffff  }
0xe5: {  	v40 =	vor.u32 v37, v19;
	_ =	sdelay $0x3  }
0xe6: {  	[tilespmem:v39+s21+$0x0] =	vst.idx.msk $0xffff, v26  }
0xe7: {  	v41 =	vor.u32 $0x11, v15;
	v26 =	vld.idx.msk [tilespmem:v40+s15+$0x0], $0xffff  }
0xe8: {  	v42 =	vor.u32 v37, v20;
	_ =	sdelay $0x3  }
0xe9: {  	[tilespmem:v41+s21+$0x0] =	vst.idx.msk $0xffff, v26  }
0xea: {  	v43 =	vor.u32 $0x12, v15;
	v26 =	vld.idx.msk [tilespmem:v42+s15+$0x0], $0xffff  }
0xeb: {  	v44 =	vor.u32 v37, v21;
	_ =	sdelay $0x3  }
0xec: {  	[tilespmem:v43+s21+$0x0] =	vst.idx.msk $0xffff, v26  }
0xed: {  	v45 =	vor.u32 $0x13, v15;
	v26 =	vld.idx.msk [tilespmem:v44+s15+$0x0], $0xffff  }
0xee: {  	v46 =	vor.u32 v37, v22;
	_ =	sdelay $0x3  }
0xef: {  	[tilespmem:v45+s21+$0x0] =	vst.idx.msk $0xffff, v26  }
0xf0: {  	v47 =	vor.u32 $0x14, v15;
	v26 =	vld.idx.msk [tilespmem:v46+s15+$0x0], $0xffff  }
0xf1: {  	v48 =	vor.u32 v37, v23;
	_ =	sdelay $0x3  }
0xf2: {  	[tilespmem:v47+s21+$0x0] =	vst.idx.msk $0xffff, v26  }
0xf3: {  	v49 =	vor.u32 $0x15, v15;
	v26 =	vld.idx.msk [tilespmem:v48+s15+$0x0], $0xffff  }
0xf4: {  	v50 =	vor.u32 v37, v24;
	_ =	sdelay $0x3  }
0xf5: {  	[tilespmem:v49+s21+$0x0] =	vst.idx.msk $0xffff, v26  }
0xf6: {  	v51 =	vor.u32 $0x16, v15;
	v26 =	vld.idx.msk [tilespmem:v50+s15+$0x0], $0xffff  }
0xf7: {  	v28 =	vor.u32 v37, v25;
	_ =	sdelay $0x3  }
0xf8: {  	[tilespmem:v51+s21+$0x0] =	vst.idx.msk $0xffff, v26  }
0xf9: {  	v52 =	vor.u32 $0x17, v15;
	v53 =	vadd.s32 v9, v18;
	v26 =	vld.idx.msk [tilespmem:v28+s15+$0x0], $0xffff  }
0xfa: {  	v54 =	vor.u32 v17, v53;
	_ =	sdelay $0x3  }
0xfb: {  	[tilespmem:v52+s21+$0x0] =	vst.idx.msk $0xffff, v26  }
0xfc: {  	v55 =	vor.u32 $0x18, v15;
	v26 =	vld.idx.msk [tilespmem:v54+s15+$0x0], $0xffff  }
0xfd: {  	v56 =	vor.u32 v53, v19;
	_ =	sdelay $0x3  }
0xfe: {  	[tilespmem:v55+s21+$0x0] =	vst.idx.msk $0xffff, v26  }
0xff: {  	v57 =	vor.u32 $0x19, v15;
	v26 =	vld.idx.msk [tilespmem:v56+s15+$0x0], $0xffff  }
0x100: {  	v58 =	vor.u32 v53, v20;
	_ =	sdelay $0x3  }
0x101: {  	[tilespmem:v57+s21+$0x0] =	vst.idx.msk $0xffff, v26  }
0x102: {  	v59 =	vor.u32 $0x1A, v15;
	v26 =	vld.idx.msk [tilespmem:v58+s15+$0x0], $0xffff  }
0x103: {  	v60 =	vor.u32 v53, v21;
	_ =	sdelay $0x3  }
0x104: {  	[tilespmem:v59+s21+$0x0] =	vst.idx.msk $0xffff, v26  }
0x105: {  	v61 =	vor.u32 $0x1B, v15;
	v26 =	vld.idx.msk [tilespmem:v60+s15+$0x0], $0xffff  }
0x106: {  	v62 =	vor.u32 v53, v22;
	_ =	sdelay $0x3  }
0x107: {  	[tilespmem:v61+s21+$0x0] =	vst.idx.msk $0xffff, v26  }
0x108: {  	v63 =	vor.u32 $0x1C, v15;
	v26 =	vld.idx.msk [tilespmem:v62+s15+$0x0], $0xffff  }
0x109: {  	v32 =	vor.u32 v53, v23;
	_ =	sdelay $0x3  }
0x10a: {  	[tilespmem:v63+s21+$0x0] =	vst.idx.msk $0xffff, v26  }
0x10b: {  	v33 =	vor.u32 $0x1D, v15;
	v26 =	vld.idx.msk [tilespmem:v32+s15+$0x0], $0xffff  }
0x10c: {  	v34 =	vor.u32 v53, v24;
	_ =	sdelay $0x3  }
0x10d: {  	[tilespmem:v33+s21+$0x0] =	vst.idx.msk $0xffff, v26  }
0x10e: {  	v35 =	vor.u32 $0x1E, v15;
	v26 =	vld.idx.msk [tilespmem:v34+s15+$0x0], $0xffff  }
0x10f: {  	v28 =	vor.u32 v53, v25;
	_ =	sdelay $0x3  }
0x110: {  	[tilespmem:v35+s21+$0x0] =	vst.idx.msk $0xffff, v26  }
0x111: {  	v37 =	vadd.s32 v8, v18;
	v36 =	vor.u32 $0x1F, v15;
	v26 =	vld.idx.msk [tilespmem:v28+s15+$0x0], $0xffff  }
0x112: {  	v38 =	vor.u32 v17, v37;
	_ =	sdelay $0x3  }
0x113: {  	[tilespmem:v36+s21+$0x0] =	vst.idx.msk $0xffff, v26  }
0x114: {  	v39 =	vor.u32 $0x20, v15;
	v26 =	vld.idx.msk [tilespmem:v38+s15+$0x0], $0xffff  }
0x115: {  	v40 =	vor.u32 v37, v19;
	_ =	sdelay $0x3  }
0x116: {  	[tilespmem:v39+s21+$0x0] =	vst.idx.msk $0xffff, v26  }
0x117: {  	v41 =	vor.u32 $0x21, v15;
	v26 =	vld.idx.msk [tilespmem:v40+s15+$0x0], $0xffff  }
0x118: {  	v42 =	vor.u32 v37, v20;
	_ =	sdelay $0x3  }
0x119: {  	[tilespmem:v41+s21+$0x0] =	vst.idx.msk $0xffff, v26  }
0x11a: {  	v43 =	vor.u32 $0x22, v15;
	v26 =	vld.idx.msk [tilespmem:v42+s15+$0x0], $0xffff  }
0x11b: {  	v44 =	vor.u32 v37, v21;
	_ =	sdelay $0x3  }
0x11c: {  	[tilespmem:v43+s21+$0x0] =	vst.idx.msk $0xffff, v26  }
0x11d: {  	v45 =	vor.u32 $0x23, v15;
	v26 =	vld.idx.msk [tilespmem:v44+s15+$0x0], $0xffff  }
0x11e: {  	v46 =	vor.u32 v37, v22;
	_ =	sdelay $0x3  }
0x11f: {  	[tilespmem:v45+s21+$0x0] =	vst.idx.msk $0xffff, v26  }
0x120: {  	v47 =	vor.u32 $0x24, v15;
	v26 =	vld.idx.msk [tilespmem:v46+s15+$0x0], $0xffff  }
0x121: {  	v48 =	vor.u32 v37, v23;
	_ =	sdelay $0x3  }
0x122: {  	[tilespmem:v47+s21+$0x0] =	vst.idx.msk $0xffff, v26  }
0x123: {  	v49 =	vor.u32 $0x25, v15;
	v26 =	vld.idx.msk [tilespmem:v48+s15+$0x0], $0xffff  }
0x124: {  	v50 =	vor.u32 v37, v24;
	_ =	sdelay $0x3  }
0x125: {  	[tilespmem:v49+s21+$0x0] =	vst.idx.msk $0xffff, v26  }
0x126: {  	v51 =	vor.u32 $0x26, v15;
	v26 =	vld.idx.msk [tilespmem:v50+s15+$0x0], $0xffff  }
0x127: {  	v28 =	vor.u32 v37, v25;
	_ =	sdelay $0x3  }
0x128: {  	[tilespmem:v51+s21+$0x0] =	vst.idx.msk $0xffff, v26  }
0x129: {  	v53 =	vadd.s32 v7, v18;
	v52 =	vor.u32 $0x27, v15;
	v26 =	vld.idx.msk [tilespmem:v28+s15+$0x0], $0xffff  }
0x12a: {  	v54 =	vor.u32 v17, v53;
	_ =	sdelay $0x3  }
0x12b: {  	[tilespmem:v52+s21+$0x0] =	vst.idx.msk $0xffff, v26  }
0x12c: {  	v55 =	vor.u32 $0x28, v15;
	v26 =	vld.idx.msk [tilespmem:v54+s15+$0x0], $0xffff  }
0x12d: {  	v56 =	vor.u32 v53, v19;
	_ =	sdelay $0x3  }
0x12e: {  	[tilespmem:v55+s21+$0x0] =	vst.idx.msk $0xffff, v26  }
0x12f: {  	v57 =	vor.u32 $0x29, v15;
	v26 =	vld.idx.msk [tilespmem:v56+s15+$0x0], $0xffff  }
0x130: {  	v58 =	vor.u32 v53, v20;
	_ =	sdelay $0x3  }
0x131: {  	[tilespmem:v57+s21+$0x0] =	vst.idx.msk $0xffff, v26  }
0x132: {  	v59 =	vor.u32 $0x2A, v15;
	v26 =	vld.idx.msk [tilespmem:v58+s15+$0x0], $0xffff  }
0x133: {  	v60 =	vor.u32 v53, v21;
	_ =	sdelay $0x3  }
0x134: {  	[tilespmem:v59+s21+$0x0] =	vst.idx.msk $0xffff, v26  }
0x135: {  	v61 =	vor.u32 $0x2B, v15;
	v26 =	vld.idx.msk [tilespmem:v60+s15+$0x0], $0xffff  }
0x136: {  	v62 =	vor.u32 v53, v22;
	_ =	sdelay $0x3  }
0x137: {  	[tilespmem:v61+s21+$0x0] =	vst.idx.msk $0xffff, v26  }
0x138: {  	v63 =	vor.u32 $0x2C, v15;
	v26 =	vld.idx.msk [tilespmem:v62+s15+$0x0], $0xffff  }
0x139: {  	v32 =	vor.u32 v53, v23;
	_ =	sdelay $0x3  }
0x13a: {  	[tilespmem:v63+s21+$0x0] =	vst.idx.msk $0xffff, v26  }
0x13b: {  	v33 =	vor.u32 $0x2D, v15;
	v26 =	vld.idx.msk [tilespmem:v32+s15+$0x0], $0xffff  }
0x13c: {  	v34 =	vor.u32 v53, v24;
	_ =	sdelay $0x3  }
0x13d: {  	[tilespmem:v33+s21+$0x0] =	vst.idx.msk $0xffff, v26  }
0x13e: {  	v35 =	vor.u32 $0x2E, v15;
	v26 =	vld.idx.msk [tilespmem:v34+s15+$0x0], $0xffff  }
0x13f: {  	v28 =	vor.u32 v53, v25;
	_ =	sdelay $0x3  }
0x140: {  	[tilespmem:v35+s21+$0x0] =	vst.idx.msk $0xffff, v26  }
0x141: {  	v37 =	vadd.s32 v6, v18;
	v36 =	vor.u32 $0x2F, v15;
	v26 =	vld.idx.msk [tilespmem:v28+s15+$0x0], $0xffff  }
0x142: {  	v38 =	vor.u32 v17, v37;
	_ =	sdelay $0x3  }
0x143: {  	[tilespmem:v36+s21+$0x0] =	vst.idx.msk $0xffff, v26  }
0x144: {  	v39 =	vor.u32 $0x30, v15;
	v26 =	vld.idx.msk [tilespmem:v38+s15+$0x0], $0xffff  }
0x145: {  	v40 =	vor.u32 v37, v19;
	_ =	sdelay $0x3  }
0x146: {  	[tilespmem:v39+s21+$0x0] =	vst.idx.msk $0xffff, v26  }
0x147: {  	v41 =	vor.u32 $0x31, v15;
	v26 =	vld.idx.msk [tilespmem:v40+s15+$0x0], $0xffff  }
0x148: {  	v42 =	vor.u32 v37, v20;
	_ =	sdelay $0x3  }
0x149: {  	[tilespmem:v41+s21+$0x0] =	vst.idx.msk $0xffff, v26  }
0x14a: {  	v43 =	vor.u32 $0x32, v15;
	v26 =	vld.idx.msk [tilespmem:v42+s15+$0x0], $0xffff  }
0x14b: {  	v44 =	vor.u32 v37, v21;
	_ =	sdelay $0x3  }
0x14c: {  	[tilespmem:v43+s21+$0x0] =	vst.idx.msk $0xffff, v26  }
0x14d: {  	v45 =	vor.u32 $0x33, v15;
	v26 =	vld.idx.msk [tilespmem:v44+s15+$0x0], $0xffff  }
0x14e: {  	v46 =	vor.u32 v37, v22;
	_ =	sdelay $0x3  }
0x14f: {  	[tilespmem:v45+s21+$0x0] =	vst.idx.msk $0xffff, v26  }
0x150: {  	v47 =	vor.u32 $0x34, v15;
	v26 =	vld.idx.msk [tilespmem:v46+s15+$0x0], $0xffff  }
0x151: {  	v48 =	vor.u32 v37, v23;
	_ =	sdelay $0x3  }
0x152: {  	[tilespmem:v47+s21+$0x0] =	vst.idx.msk $0xffff, v26  }
0x153: {  	v49 =	vor.u32 $0x35, v15;
	v26 =	vld.idx.msk [tilespmem:v48+s15+$0x0], $0xffff  }
0x154: {  	v50 =	vor.u32 v37, v24;
	_ =	sdelay $0x3  }
0x155: {  	[tilespmem:v49+s21+$0x0] =	vst.idx.msk $0xffff, v26  }
0x156: {  	v51 =	vor.u32 $0x36, v15;
	v26 =	vld.idx.msk [tilespmem:v50+s15+$0x0], $0xffff  }
0x157: {  	v28 =	vor.u32 v37, v25;
	_ =	sdelay $0x3  }
0x158: {  	[tilespmem:v51+s21+$0x0] =	vst.idx.msk $0xffff, v26  }
0x159: {  	v18 =	vadd.s32 v5, v18;
	v52 =	vor.u32 $0x37, v15;
	v26 =	vld.idx.msk [tilespmem:v28+s15+$0x0], $0xffff  }
0x15a: {  	v17 =	vor.u32 v17, v18;
	_ =	sdelay $0x3  }
0x15b: {  	[tilespmem:v52+s21+$0x0] =	vst.idx.msk $0xffff, v26  }
0x15c: {  	v53 =	vor.u32 $0x38, v15;
	v17 =	vld.idx.msk [tilespmem:v17+s15+$0x0], $0xffff  }
0x15d: {  	v19 =	vor.u32 v18, v19;
	_ =	sdelay $0x3  }
0x15e: {  	[tilespmem:v53+s21+$0x0] =	vst.idx.msk $0xffff, v17  }
0x15f: {  	v54 =	vor.u32 $0x39, v15;
	v17 =	vld.idx.msk [tilespmem:v19+s15+$0x0], $0xffff  }
0x160: {  	v20 =	vor.u32 v18, v20;
	_ =	sdelay $0x3  }
0x161: {  	[tilespmem:v54+s21+$0x0] =	vst.idx.msk $0xffff, v17  }
0x162: {  	v55 =	vor.u32 $0x3A, v15;
	v17 =	vld.idx.msk [tilespmem:v20+s15+$0x0], $0xffff  }
0x163: {  	v56 =	vor.u32 v18, v21;
	_ =	sdelay $0x3  }
0x164: {  	[tilespmem:v55+s21+$0x0] =	vst.idx.msk $0xffff, v17  }
0x165: {  	v57 =	vor.u32 $0x3B, v15;
	v17 =	vld.idx.msk [tilespmem:v56+s15+$0x0], $0xffff  }
0x166: {  	v58 =	vor.u32 v18, v22;
	_ =	sdelay $0x3  }
0x167: {  	[tilespmem:v57+s21+$0x0] =	vst.idx.msk $0xffff, v17  }
0x168: {  	v59 =	vor.u32 $0x3C, v15;
	v17 =	vld.idx.msk [tilespmem:v58+s15+$0x0], $0xffff  }
0x169: {  	v60 =	vor.u32 v18, v23;
	_ =	sdelay $0x3  }
0x16a: {  	[tilespmem:v59+s21+$0x0] =	vst.idx.msk $0xffff, v17  }
0x16b: {  	v61 =	vor.u32 $0x3D, v15;
	v17 =	vld.idx.msk [tilespmem:v60+s15+$0x0], $0xffff  }
0x16c: {  	v62 =	vor.u32 v18, v24;
	_ =	sdelay $0x3  }
0x16d: {  	[tilespmem:v61+s21+$0x0] =	vst.idx.msk $0xffff, v17  }
0x16e: {  	v63 =	vor.u32 $0x3E, v15;
	v17 =	vld.idx.msk [tilespmem:v62+s15+$0x0], $0xffff  }
0x16f: {  	v18 =	vor.u32 v18, v25;
	_ =	sdelay $0x3  }
0x170: {  	[tilespmem:v63+s21+$0x0] =	vst.idx.msk $0xffff, v17  }
0x171: {  	v15 =	vor.u32 $0x3F, v15;
	v17 =	vld.idx.msk [tilespmem:v18+s15+$0x0], $0xffff;
	_ =	sdelay $0x4  }
0x172: {  	[tilespmem:v15+s21+$0x0] =	vst.idx.msk $0xffff, v17  }
0x173: {  	[tilespmem:v14+s22+$0x0] =	vst.idx.msk $0xffff, v16  }
0x174: {  	v14 =	vld [tilespmem:$0x1C810]  }
0x175: {  	v15 =	vld [tilespmem:$0x1C890];
	_ =	sdelay $0x2  }
0x176: {  	s28 =	sadd.s32 $0x10, s28  }
0x177: {  	p1 =	slt.s32 s28, $0x31;
	[tilespmem:$0x1C800] =	vst v14  }
0x178: {  	s3 =	simm.s32 @!p1 $0x40;
	s16 =	simm.s32 @!p1 $0x1E900;
	s13 =	simm.s32 @!p1 $0x1C900;
	[tilespmem:$0x1C880] =	vst v15  }
0x179: {  	[hbm4b:s5+s3] =	stream.indirect.scatter @!p1 [tilespmem:s13], [sflag:$0x2], $0x80, s16, s3, $0xb8;
	[tilespmem:$0x1E980] =	vst v63  }
0x17a: {  	s3 =	simm.s32 @!p1 $0x2  }
0x17b: {  	_ =	swait.ge @!p1 [sflag:s3], $0x2000  }
0x17c: {  	[sflag:s3] =	ssyncset.done @!p1 $0x0  }
.Ltmp10:
0x17d: {  	[sflag:s3] =	ssyncadd.s32 @!p1 $0xFFFFE000;
	(pc) =	sbr.rel .LBB2_10-.Ltmp10, $4  }
0x17e: {  	[tilespmem:$0x1E900] =	vst @!p1 v0  }
0x17f: {  	[tilespmem:$0x1E910] =	vst @!p1 v0  }
0x180: {  	p2 =	sgt.s32 s28, $0x30;
	[tilespmem:$0x1E920] =	vst @!p1 v0  }
0x181: {  	s29 =	sadd.s32 $0xFFFFFFF0, s29;
	s28 =	simm.s32 @p2 $0x0;
	[tilespmem:$0x1E930] =	vst @!p1 v0  }
.LBB2_11:
0x182: {  	p1 =	slt.s32 s29, $0x1  }
0x183: {  	v13 =	vld @!p1 [tilespmem:$0x1C800];
	_ =	sdelay $0x4  }
0x184: {  	v14 =	vshll.u32 @!p1 v13, $0x3  }
0x185: {  	v16 =	vand.u32 @!p1 $0xFFFFFC00, v14  }
0x186: {  	v15 =	vand.u32 @!p1 $0x7F, v13;
	v24 =	vadd.s32 @!p1 v12, v16  }
0x187: {  	v13 =	vor.u32 @!p1 v15, v24;
	_ =	sdelay $0x2  }
0x188: {  	v14 =	vlaneseq.u32 @!p1;
	v12 =	vmov @!p1 s29  }
0x189: {  	s24 =	simm.s32 @!p1 $0x4800;
	vm0 =	vgt.s32 @!p1 v12, v14;
	v12 =	vadd.s32 @!p1 s28, v14  }
0x18a: {  	v17 =	vor.u32 @!p1 $0x80, v15;
	v18 =	vld.idx.msk @!p1 [tilespmem:v13+s24+$0x0], $0xffff;
	v13 =	vshll.u32 @!p1 v12, $0x7  }
0x18b: {  	v19 =	vor.u32 @!p1 v24, v17;
	_ =	sdelay $0x2  }
0x18c: {  	s30 =	simm.s32 @!p1 $0x1C900  }
0x18d: {  	v14 =	vld @!p1 [tilespmem:$0x1C880];
	[tilespmem:v13+s30+$0x0] =	vst.idx.msk @!p1 vm0, v18  }
0x18e: {  	v20 =	vor.u32 @!p1 $0x1, v13;
	v18 =	vor.u32 @!p1 $0x100, v15;
	v19 =	vld.idx.msk @!p1 [tilespmem:v19+s24+$0x0], $0xffff  }
0x18f: {  	v21 =	vor.u32 @!p1 v24, v18;
	_ =	sdelay $0x3  }
0x190: {  	[tilespmem:v20+s30+$0x0] =	vst.idx.msk @!p1 vm0, v19  }
0x191: {  	v19 =	vor.u32 @!p1 $0x180, v15;
	v20 =	vld.idx.msk @!p1 [tilespmem:v21+s24+$0x0], $0xffff;
	v21 =	vor.u32 @!p1 $0x2, v13  }
0x192: {  	v22 =	vor.u32 @!p1 v24, v19;
	_ =	sdelay $0x3  }
0x193: {  	[tilespmem:v21+s30+$0x0] =	vst.idx.msk @!p1 vm0, v20  }
0x194: {  	v20 =	vor.u32 @!p1 $0x200, v15;
	v21 =	vld.idx.msk @!p1 [tilespmem:v22+s24+$0x0], $0xffff;
	v22 =	vor.u32 @!p1 $0x3, v13  }
0x195: {  	v23 =	vor.u32 @!p1 v24, v20;
	_ =	sdelay $0x3  }
0x196: {  	[tilespmem:v22+s30+$0x0] =	vst.idx.msk @!p1 vm0, v21  }
0x197: {  	v21 =	vor.u32 @!p1 $0x280, v15;
	v22 =	vld.idx.msk @!p1 [tilespmem:v23+s24+$0x0], $0xffff;
	v23 =	vor.u32 @!p1 $0x4, v13  }
0x198: {  	v25 =	vor.u32 @!p1 v24, v21;
	_ =	sdelay $0x3  }
0x199: {  	[tilespmem:v23+s30+$0x0] =	vst.idx.msk @!p1 vm0, v22  }
0x19a: {  	v22 =	vor.u32 @!p1 $0x300, v15;
	v23 =	vld.idx.msk @!p1 [tilespmem:v25+s24+$0x0], $0xffff;
	v25 =	vor.u32 @!p1 $0x5, v13  }
0x19b: {  	v26 =	vor.u32 @!p1 v24, v22;
	_ =	sdelay $0x3  }
0x19c: {  	[tilespmem:v25+s30+$0x0] =	vst.idx.msk @!p1 vm0, v23  }
0x19d: {  	v23 =	vor.u32 @!p1 $0x380, v15;
	v25 =	vld.idx.msk @!p1 [tilespmem:v26+s24+$0x0], $0xffff;
	v26 =	vor.u32 @!p1 $0x6, v13  }
0x19e: {  	v24 =	vor.u32 @!p1 v24, v23;
	_ =	sdelay $0x3  }
0x19f: {  	[tilespmem:v26+s30+$0x0] =	vst.idx.msk @!p1 vm0, v25  }
0x1a0: {  	v11 =	vadd.s32 @!p1 v11, v16;
	v25 =	vor.u32 @!p1 $0x7, v13;
	v24 =	vld.idx.msk @!p1 [tilespmem:v24+s24+$0x0], $0xffff  }
0x1a1: {  	v26 =	vor.u32 @!p1 v15, v11;
	_ =	sdelay $0x3  }
0x1a2: {  	[tilespmem:v25+s30+$0x0] =	vst.idx.msk @!p1 vm0, v24  }
0x1a3: {  	v25 =	vor.u32 @!p1 $0x8, v13;
	v24 =	vld.idx.msk @!p1 [tilespmem:v26+s24+$0x0], $0xffff  }
0x1a4: {  	v26 =	vor.u32 @!p1 v11, v17;
	_ =	sdelay $0x3  }
0x1a5: {  	[tilespmem:v25+s30+$0x0] =	vst.idx.msk @!p1 vm0, v24  }
0x1a6: {  	v25 =	vor.u32 @!p1 $0x9, v13;
	v24 =	vld.idx.msk @!p1 [tilespmem:v26+s24+$0x0], $0xffff  }
0x1a7: {  	v26 =	vor.u32 @!p1 v11, v18;
	_ =	sdelay $0x3  }
0x1a8: {  	[tilespmem:v25+s30+$0x0] =	vst.idx.msk @!p1 vm0, v24  }
0x1a9: {  	v25 =	vor.u32 @!p1 $0xA, v13;
	v24 =	vld.idx.msk @!p1 [tilespmem:v26+s24+$0x0], $0xffff  }
0x1aa: {  	v26 =	vor.u32 @!p1 v11, v19;
	_ =	sdelay $0x3  }
0x1ab: {  	[tilespmem:v25+s30+$0x0] =	vst.idx.msk @!p1 vm0, v24  }
0x1ac: {  	v25 =	vor.u32 @!p1 $0xB, v13;
	v24 =	vld.idx.msk @!p1 [tilespmem:v26+s24+$0x0], $0xffff  }
0x1ad: {  	v26 =	vor.u32 @!p1 v11, v20;
	_ =	sdelay $0x3  }
0x1ae: {  	[tilespmem:v25+s30+$0x0] =	vst.idx.msk @!p1 vm0, v24  }
0x1af: {  	v25 =	vor.u32 @!p1 $0xC, v13;
	v24 =	vld.idx.msk @!p1 [tilespmem:v26+s24+$0x0], $0xffff  }
0x1b0: {  	v26 =	vor.u32 @!p1 v11, v21;
	_ =	sdelay $0x3  }
0x1b1: {  	[tilespmem:v25+s30+$0x0] =	vst.idx.msk @!p1 vm0, v24  }
0x1b2: {  	v25 =	vor.u32 @!p1 $0xD, v13;
	v24 =	vld.idx.msk @!p1 [tilespmem:v26+s24+$0x0], $0xffff  }
0x1b3: {  	v26 =	vor.u32 @!p1 v11, v22;
	_ =	sdelay $0x3  }
0x1b4: {  	[tilespmem:v25+s30+$0x0] =	vst.idx.msk @!p1 vm0, v24  }
0x1b5: {  	v25 =	vor.u32 @!p1 $0xE, v13;
	v24 =	vld.idx.msk @!p1 [tilespmem:v26+s24+$0x0], $0xffff  }
0x1b6: {  	v11 =	vor.u32 @!p1 v11, v23;
	_ =	sdelay $0x3  }
0x1b7: {  	[tilespmem:v25+s30+$0x0] =	vst.idx.msk @!p1 vm0, v24  }
0x1b8: {  	v10 =	vadd.s32 @!p1 v10, v16;
	v24 =	vor.u32 @!p1 $0xF, v13;
	v11 =	vld.idx.msk @!p1 [tilespmem:v11+s24+$0x0], $0xffff  }
0x1b9: {  	v25 =	vor.u32 @!p1 v15, v10;
	_ =	sdelay $0x3  }
0x1ba: {  	[tilespmem:v24+s30+$0x0] =	vst.idx.msk @!p1 vm0, v11  }
0x1bb: {  	v24 =	vor.u32 @!p1 $0x10, v13;
	v11 =	vld.idx.msk @!p1 [tilespmem:v25+s24+$0x0], $0xffff  }
0x1bc: {  	v25 =	vor.u32 @!p1 v10, v17;
	_ =	sdelay $0x3  }
0x1bd: {  	[tilespmem:v24+s30+$0x0] =	vst.idx.msk @!p1 vm0, v11  }
0x1be: {  	v24 =	vor.u32 @!p1 $0x11, v13;
	v11 =	vld.idx.msk @!p1 [tilespmem:v25+s24+$0x0], $0xffff  }
0x1bf: {  	v25 =	vor.u32 @!p1 v10, v18;
	_ =	sdelay $0x3  }
0x1c0: {  	[tilespmem:v24+s30+$0x0] =	vst.idx.msk @!p1 vm0, v11  }
0x1c1: {  	v24 =	vor.u32 @!p1 $0x12, v13;
	v11 =	vld.idx.msk @!p1 [tilespmem:v25+s24+$0x0], $0xffff  }
0x1c2: {  	v25 =	vor.u32 @!p1 v10, v19;
	_ =	sdelay $0x3  }
0x1c3: {  	[tilespmem:v24+s30+$0x0] =	vst.idx.msk @!p1 vm0, v11  }
0x1c4: {  	v24 =	vor.u32 @!p1 $0x13, v13;
	v11 =	vld.idx.msk @!p1 [tilespmem:v25+s24+$0x0], $0xffff  }
0x1c5: {  	v25 =	vor.u32 @!p1 v10, v20;
	_ =	sdelay $0x3  }
0x1c6: {  	[tilespmem:v24+s30+$0x0] =	vst.idx.msk @!p1 vm0, v11  }
0x1c7: {  	v24 =	vor.u32 @!p1 $0x14, v13;
	v11 =	vld.idx.msk @!p1 [tilespmem:v25+s24+$0x0], $0xffff  }
0x1c8: {  	v25 =	vor.u32 @!p1 v10, v21;
	_ =	sdelay $0x3  }
0x1c9: {  	[tilespmem:v24+s30+$0x0] =	vst.idx.msk @!p1 vm0, v11  }
0x1ca: {  	v24 =	vor.u32 @!p1 $0x15, v13;
	v11 =	vld.idx.msk @!p1 [tilespmem:v25+s24+$0x0], $0xffff  }
0x1cb: {  	v25 =	vor.u32 @!p1 v10, v22;
	_ =	sdelay $0x3  }
0x1cc: {  	[tilespmem:v24+s30+$0x0] =	vst.idx.msk @!p1 vm0, v11  }
0x1cd: {  	v24 =	vor.u32 @!p1 $0x16, v13;
	v11 =	vld.idx.msk @!p1 [tilespmem:v25+s24+$0x0], $0xffff  }
0x1ce: {  	v10 =	vor.u32 @!p1 v10, v23;
	_ =	sdelay $0x3  }
0x1cf: {  	[tilespmem:v24+s30+$0x0] =	vst.idx.msk @!p1 vm0, v11  }
0x1d0: {  	v9 =	vadd.s32 @!p1 v9, v16;
	v11 =	vor.u32 @!p1 $0x17, v13;
	v10 =	vld.idx.msk @!p1 [tilespmem:v10+s24+$0x0], $0xffff  }
0x1d1: {  	v24 =	vor.u32 @!p1 v15, v9;
	_ =	sdelay $0x3  }
0x1d2: {  	[tilespmem:v11+s30+$0x0] =	vst.idx.msk @!p1 vm0, v10  }
0x1d3: {  	v11 =	vor.u32 @!p1 $0x18, v13;
	v10 =	vld.idx.msk @!p1 [tilespmem:v24+s24+$0x0], $0xffff  }
0x1d4: {  	v24 =	vor.u32 @!p1 v9, v17;
	_ =	sdelay $0x3  }
0x1d5: {  	[tilespmem:v11+s30+$0x0] =	vst.idx.msk @!p1 vm0, v10  }
0x1d6: {  	v11 =	vor.u32 @!p1 $0x19, v13;
	v10 =	vld.idx.msk @!p1 [tilespmem:v24+s24+$0x0], $0xffff  }
0x1d7: {  	v24 =	vor.u32 @!p1 v9, v18;
	_ =	sdelay $0x3  }
0x1d8: {  	[tilespmem:v11+s30+$0x0] =	vst.idx.msk @!p1 vm0, v10  }
0x1d9: {  	v11 =	vor.u32 @!p1 $0x1A, v13;
	v10 =	vld.idx.msk @!p1 [tilespmem:v24+s24+$0x0], $0xffff  }
0x1da: {  	v24 =	vor.u32 @!p1 v9, v19;
	_ =	sdelay $0x3  }
0x1db: {  	[tilespmem:v11+s30+$0x0] =	vst.idx.msk @!p1 vm0, v10  }
0x1dc: {  	v11 =	vor.u32 @!p1 $0x1B, v13;
	v10 =	vld.idx.msk @!p1 [tilespmem:v24+s24+$0x0], $0xffff  }
0x1dd: {  	v24 =	vor.u32 @!p1 v9, v20;
	_ =	sdelay $0x3  }
0x1de: {  	[tilespmem:v11+s30+$0x0] =	vst.idx.msk @!p1 vm0, v10  }
0x1df: {  	v11 =	vor.u32 @!p1 $0x1C, v13;
	v10 =	vld.idx.msk @!p1 [tilespmem:v24+s24+$0x0], $0xffff  }
0x1e0: {  	v24 =	vor.u32 @!p1 v9, v21;
	_ =	sdelay $0x3  }
0x1e1: {  	[tilespmem:v11+s30+$0x0] =	vst.idx.msk @!p1 vm0, v10  }
0x1e2: {  	v11 =	vor.u32 @!p1 $0x1D, v13;
	v10 =	vld.idx.msk @!p1 [tilespmem:v24+s24+$0x0], $0xffff  }
0x1e3: {  	v24 =	vor.u32 @!p1 v9, v22;
	_ =	sdelay $0x3  }
0x1e4: {  	[tilespmem:v11+s30+$0x0] =	vst.idx.msk @!p1 vm0, v10  }
0x1e5: {  	v11 =	vor.u32 @!p1 $0x1E, v13;
	v10 =	vld.idx.msk @!p1 [tilespmem:v24+s24+$0x0], $0xffff  }
0x1e6: {  	v9 =	vor.u32 @!p1 v9, v23;
	_ =	sdelay $0x3  }
0x1e7: {  	[tilespmem:v11+s30+$0x0] =	vst.idx.msk @!p1 vm0, v10  }
0x1e8: {  	v8 =	vadd.s32 @!p1 v8, v16;
	v10 =	vor.u32 @!p1 $0x1F, v13;
	v9 =	vld.idx.msk @!p1 [tilespmem:v9+s24+$0x0], $0xffff  }
0x1e9: {  	v11 =	vor.u32 @!p1 v15, v8;
	_ =	sdelay $0x3  }
0x1ea: {  	[tilespmem:v10+s30+$0x0] =	vst.idx.msk @!p1 vm0, v9  }
0x1eb: {  	v10 =	vor.u32 @!p1 $0x20, v13;
	v9 =	vld.idx.msk @!p1 [tilespmem:v11+s24+$0x0], $0xffff  }
0x1ec: {  	v11 =	vor.u32 @!p1 v8, v17;
	_ =	sdelay $0x3  }
0x1ed: {  	[tilespmem:v10+s30+$0x0] =	vst.idx.msk @!p1 vm0, v9  }
0x1ee: {  	v10 =	vor.u32 @!p1 $0x21, v13;
	v9 =	vld.idx.msk @!p1 [tilespmem:v11+s24+$0x0], $0xffff  }
0x1ef: {  	v11 =	vor.u32 @!p1 v8, v18;
	_ =	sdelay $0x3  }
0x1f0: {  	[tilespmem:v10+s30+$0x0] =	vst.idx.msk @!p1 vm0, v9  }
0x1f1: {  	v10 =	vor.u32 @!p1 $0x22, v13;
	v9 =	vld.idx.msk @!p1 [tilespmem:v11+s24+$0x0], $0xffff  }
0x1f2: {  	v11 =	vor.u32 @!p1 v8, v19;
	_ =	sdelay $0x3  }
0x1f3: {  	[tilespmem:v10+s30+$0x0] =	vst.idx.msk @!p1 vm0, v9  }
0x1f4: {  	v10 =	vor.u32 @!p1 $0x23, v13;
	v9 =	vld.idx.msk @!p1 [tilespmem:v11+s24+$0x0], $0xffff  }
0x1f5: {  	v11 =	vor.u32 @!p1 v8, v20;
	_ =	sdelay $0x3  }
0x1f6: {  	[tilespmem:v10+s30+$0x0] =	vst.idx.msk @!p1 vm0, v9  }
0x1f7: {  	v10 =	vor.u32 @!p1 $0x24, v13;
	v9 =	vld.idx.msk @!p1 [tilespmem:v11+s24+$0x0], $0xffff  }
0x1f8: {  	v11 =	vor.u32 @!p1 v8, v21;
	_ =	sdelay $0x3  }
0x1f9: {  	[tilespmem:v10+s30+$0x0] =	vst.idx.msk @!p1 vm0, v9  }
0x1fa: {  	v10 =	vor.u32 @!p1 $0x25, v13;
	v9 =	vld.idx.msk @!p1 [tilespmem:v11+s24+$0x0], $0xffff  }
0x1fb: {  	v11 =	vor.u32 @!p1 v8, v22;
	_ =	sdelay $0x3  }
0x1fc: {  	[tilespmem:v10+s30+$0x0] =	vst.idx.msk @!p1 vm0, v9  }
0x1fd: {  	v10 =	vor.u32 @!p1 $0x26, v13;
	v9 =	vld.idx.msk @!p1 [tilespmem:v11+s24+$0x0], $0xffff  }
0x1fe: {  	v8 =	vor.u32 @!p1 v8, v23;
	_ =	sdelay $0x3  }
0x1ff: {  	[tilespmem:v10+s30+$0x0] =	vst.idx.msk @!p1 vm0, v9  }
0x200: {  	v7 =	vadd.s32 @!p1 v7, v16;
	v9 =	vor.u32 @!p1 $0x27, v13;
	v8 =	vld.idx.msk @!p1 [tilespmem:v8+s24+$0x0], $0xffff  }
0x201: {  	v10 =	vor.u32 @!p1 v15, v7;
	_ =	sdelay $0x3  }
0x202: {  	[tilespmem:v9+s30+$0x0] =	vst.idx.msk @!p1 vm0, v8  }
0x203: {  	v9 =	vor.u32 @!p1 $0x28, v13;
	v8 =	vld.idx.msk @!p1 [tilespmem:v10+s24+$0x0], $0xffff  }
0x204: {  	v10 =	vor.u32 @!p1 v7, v17;
	_ =	sdelay $0x3  }
0x205: {  	[tilespmem:v9+s30+$0x0] =	vst.idx.msk @!p1 vm0, v8  }
0x206: {  	v9 =	vor.u32 @!p1 $0x29, v13;
	v8 =	vld.idx.msk @!p1 [tilespmem:v10+s24+$0x0], $0xffff  }
0x207: {  	v10 =	vor.u32 @!p1 v7, v18;
	_ =	sdelay $0x3  }
0x208: {  	[tilespmem:v9+s30+$0x0] =	vst.idx.msk @!p1 vm0, v8  }
0x209: {  	v9 =	vor.u32 @!p1 $0x2A, v13;
	v8 =	vld.idx.msk @!p1 [tilespmem:v10+s24+$0x0], $0xffff  }
0x20a: {  	v10 =	vor.u32 @!p1 v7, v19;
	_ =	sdelay $0x3  }
0x20b: {  	[tilespmem:v9+s30+$0x0] =	vst.idx.msk @!p1 vm0, v8  }
0x20c: {  	v9 =	vor.u32 @!p1 $0x2B, v13;
	v8 =	vld.idx.msk @!p1 [tilespmem:v10+s24+$0x0], $0xffff  }
0x20d: {  	v10 =	vor.u32 @!p1 v7, v20;
	_ =	sdelay $0x3  }
0x20e: {  	[tilespmem:v9+s30+$0x0] =	vst.idx.msk @!p1 vm0, v8  }
0x20f: {  	v9 =	vor.u32 @!p1 $0x2C, v13;
	v8 =	vld.idx.msk @!p1 [tilespmem:v10+s24+$0x0], $0xffff  }
0x210: {  	v10 =	vor.u32 @!p1 v7, v21;
	_ =	sdelay $0x3  }
0x211: {  	[tilespmem:v9+s30+$0x0] =	vst.idx.msk @!p1 vm0, v8  }
0x212: {  	v9 =	vor.u32 @!p1 $0x2D, v13;
	v8 =	vld.idx.msk @!p1 [tilespmem:v10+s24+$0x0], $0xffff  }
0x213: {  	v10 =	vor.u32 @!p1 v7, v22;
	_ =	sdelay $0x3  }
0x214: {  	[tilespmem:v9+s30+$0x0] =	vst.idx.msk @!p1 vm0, v8  }
0x215: {  	v9 =	vor.u32 @!p1 $0x2E, v13;
	v8 =	vld.idx.msk @!p1 [tilespmem:v10+s24+$0x0], $0xffff  }
0x216: {  	v7 =	vor.u32 @!p1 v7, v23;
	_ =	sdelay $0x3  }
0x217: {  	[tilespmem:v9+s30+$0x0] =	vst.idx.msk @!p1 vm0, v8  }
0x218: {  	v6 =	vadd.s32 @!p1 v6, v16;
	v8 =	vor.u32 @!p1 $0x2F, v13;
	v7 =	vld.idx.msk @!p1 [tilespmem:v7+s24+$0x0], $0xffff  }
0x219: {  	v9 =	vor.u32 @!p1 v15, v6;
	_ =	sdelay $0x3  }
0x21a: {  	[tilespmem:v8+s30+$0x0] =	vst.idx.msk @!p1 vm0, v7  }
0x21b: {  	v8 =	vor.u32 @!p1 $0x30, v13;
	v7 =	vld.idx.msk @!p1 [tilespmem:v9+s24+$0x0], $0xffff  }
0x21c: {  	v9 =	vor.u32 @!p1 v6, v17;
	_ =	sdelay $0x3  }
0x21d: {  	[tilespmem:v8+s30+$0x0] =	vst.idx.msk @!p1 vm0, v7  }
0x21e: {  	v8 =	vor.u32 @!p1 $0x31, v13;
	v7 =	vld.idx.msk @!p1 [tilespmem:v9+s24+$0x0], $0xffff  }
0x21f: {  	v9 =	vor.u32 @!p1 v6, v18;
	_ =	sdelay $0x3  }
0x220: {  	[tilespmem:v8+s30+$0x0] =	vst.idx.msk @!p1 vm0, v7  }
0x221: {  	v8 =	vor.u32 @!p1 $0x32, v13;
	v7 =	vld.idx.msk @!p1 [tilespmem:v9+s24+$0x0], $0xffff  }
0x222: {  	v9 =	vor.u32 @!p1 v6, v19;
	_ =	sdelay $0x3  }
0x223: {  	[tilespmem:v8+s30+$0x0] =	vst.idx.msk @!p1 vm0, v7  }
0x224: {  	v8 =	vor.u32 @!p1 $0x33, v13;
	v7 =	vld.idx.msk @!p1 [tilespmem:v9+s24+$0x0], $0xffff  }
0x225: {  	v9 =	vor.u32 @!p1 v6, v20;
	_ =	sdelay $0x3  }
0x226: {  	[tilespmem:v8+s30+$0x0] =	vst.idx.msk @!p1 vm0, v7  }
0x227: {  	v8 =	vor.u32 @!p1 $0x34, v13;
	v7 =	vld.idx.msk @!p1 [tilespmem:v9+s24+$0x0], $0xffff  }
0x228: {  	v9 =	vor.u32 @!p1 v6, v21;
	_ =	sdelay $0x3  }
0x229: {  	[tilespmem:v8+s30+$0x0] =	vst.idx.msk @!p1 vm0, v7  }
0x22a: {  	v8 =	vor.u32 @!p1 $0x35, v13;
	v7 =	vld.idx.msk @!p1 [tilespmem:v9+s24+$0x0], $0xffff  }
0x22b: {  	v9 =	vor.u32 @!p1 v6, v22;
	_ =	sdelay $0x3  }
0x22c: {  	[tilespmem:v8+s30+$0x0] =	vst.idx.msk @!p1 vm0, v7  }
0x22d: {  	v8 =	vor.u32 @!p1 $0x36, v13;
	v7 =	vld.idx.msk @!p1 [tilespmem:v9+s24+$0x0], $0xffff  }
0x22e: {  	v6 =	vor.u32 @!p1 v6, v23;
	_ =	sdelay $0x3  }
0x22f: {  	[tilespmem:v8+s30+$0x0] =	vst.idx.msk @!p1 vm0, v7  }
0x230: {  	v5 =	vadd.s32 @!p1 v5, v16;
	v7 =	vor.u32 @!p1 $0x37, v13;
	v6 =	vld.idx.msk @!p1 [tilespmem:v6+s24+$0x0], $0xffff  }
0x231: {  	v8 =	vor.u32 @!p1 v15, v5;
	_ =	sdelay $0x3  }
0x232: {  	[tilespmem:v7+s30+$0x0] =	vst.idx.msk @!p1 vm0, v6  }
0x233: {  	v7 =	vor.u32 @!p1 $0x38, v13;
	v6 =	vld.idx.msk @!p1 [tilespmem:v8+s24+$0x0], $0xffff  }
0x234: {  	v8 =	vor.u32 @!p1 v5, v17;
	_ =	sdelay $0x3  }
0x235: {  	[tilespmem:v7+s30+$0x0] =	vst.idx.msk @!p1 vm0, v6  }
0x236: {  	v7 =	vor.u32 @!p1 $0x39, v13;
	v6 =	vld.idx.msk @!p1 [tilespmem:v8+s24+$0x0], $0xffff  }
0x237: {  	v8 =	vor.u32 @!p1 v5, v18;
	_ =	sdelay $0x3  }
0x238: {  	[tilespmem:v7+s30+$0x0] =	vst.idx.msk @!p1 vm0, v6  }
0x239: {  	v7 =	vor.u32 @!p1 $0x3A, v13;
	v6 =	vld.idx.msk @!p1 [tilespmem:v8+s24+$0x0], $0xffff  }
0x23a: {  	v8 =	vor.u32 @!p1 v5, v19;
	_ =	sdelay $0x3  }
0x23b: {  	[tilespmem:v7+s30+$0x0] =	vst.idx.msk @!p1 vm0, v6  }
0x23c: {  	v7 =	vor.u32 @!p1 $0x3B, v13;
	v6 =	vld.idx.msk @!p1 [tilespmem:v8+s24+$0x0], $0xffff  }
0x23d: {  	v8 =	vor.u32 @!p1 v5, v20;
	_ =	sdelay $0x3  }
0x23e: {  	[tilespmem:v7+s30+$0x0] =	vst.idx.msk @!p1 vm0, v6  }
0x23f: {  	v7 =	vor.u32 @!p1 $0x3C, v13;
	v6 =	vld.idx.msk @!p1 [tilespmem:v8+s24+$0x0], $0xffff  }
0x240: {  	v8 =	vor.u32 @!p1 v5, v21;
	_ =	sdelay $0x3  }
0x241: {  	[tilespmem:v7+s30+$0x0] =	vst.idx.msk @!p1 vm0, v6  }
0x242: {  	v7 =	vor.u32 @!p1 $0x3D, v13;
	v6 =	vld.idx.msk @!p1 [tilespmem:v8+s24+$0x0], $0xffff  }
0x243: {  	v8 =	vor.u32 @!p1 v5, v22;
	_ =	sdelay $0x3  }
0x244: {  	[tilespmem:v7+s30+$0x0] =	vst.idx.msk @!p1 vm0, v6  }
0x245: {  	v7 =	vor.u32 @!p1 $0x3E, v13;
	v6 =	vld.idx.msk @!p1 [tilespmem:v8+s24+$0x0], $0xffff  }
0x246: {  	v5 =	vor.u32 @!p1 v5, v23;
	_ =	sdelay $0x3  }
0x247: {  	[tilespmem:v7+s30+$0x0] =	vst.idx.msk @!p1 vm0, v6  }
0x248: {  	v6 =	vor.u32 @!p1 $0x3F, v13;
	v5 =	vld.idx.msk @!p1 [tilespmem:v5+s24+$0x0], $0xffff;
	_ =	sdelay $0x4  }
0x249: {  	s3 =	simm.s32 @!p1 $0x1E900;
	[tilespmem:v6+s30+$0x0] =	vst.idx.msk @!p1 vm0, v5;
	v5 =	vsel @!p1 vm0, v14, v0  }
0x24a: {  	s24 =	sadd.s32 @!p1 s29, s28;
	[tilespmem:v12+s3+$0x0] =	vst.idx.msk @!p1 $0xffff, v5  }
0x24b: {  	p2 =	sgt.s32 @!p1 s24, $0x30;
	v5 =	vld @!p1 [tilespmem:$0x1C810]  }
0x24c: {  	p2 =	por p1, !p2;
	v6 =	vld @!p1 [tilespmem:$0x1C890]  }
.Ltmp11:
0x24d: {  	_ = 	snop;
	(pc) =	sbr.rel @p2 .LBB2_12-.Ltmp11, $3  }
0x24e: {  	_ =	sdelay $0x1  }
0x24f: {  	[tilespmem:$0x1C800] =	vst @!p1 v5  }
0x250: {  	[tilespmem:$0x1C880] =	vst @!p1 v6  }
0x251: {  	[hbm4b:s5+s23] =	stream.indirect.scatter [tilespmem:s21], [sflag:$0x2], $0x80, s22, s23, $0xb8;
	[tilespmem:$0x1E980] =	vst v63  }
0x252: {  	s26 =	sadd.s32 $0x1, s26;
	_ =	swait.ge [sflag:s17], $0x2000  }
0x253: {  	p2 =	seq.s32 s26, s7;
	[sflag:s17] =	ssyncset.done $0x0  }
.Ltmp12:
0x254: {  	[sflag:s17] =	ssyncadd.s32 $0xFFFFE000;
	(pc) =	sbr.rel @!p2 .LBB2_6-.Ltmp12, $4  }
.Ltmp13:
0x255: {  	[tilespmem:$0x1E900] =	vst v0;
	(pc) =	sbr.rel @p2 .LBB2_15-.Ltmp13, $4  }
0x256: {  	[tilespmem:$0x1E910] =	vst v0  }
0x257: {  	p1 =	seq.s32 s25, $0x2;
	s25 =	sadd.s32 $0x1, s25;
	[tilespmem:$0x1E920] =	vst v0  }
0x258: {  	s28 =	simm.s32 $0x0;
	s25 =	simm.s32 @p1 $0x0;
	[tilespmem:$0x1E930] =	vst v0  }
0x259: {  	_ = 	snop  }
.LBB2_16:
0x25a: {  	_ =	sfence.sel $0x180000  }
0x25b: {  	[bflag:$0x0] =	sbarrier.arrive $0xFFFF  }
0x25c: {  	_ =	strace $0x90000047  }
0x25d: {  	s0 =	stileid.u32;
	[bflag:$0x2] =	sbarrier.arrive $0xFFFF  }
0x25e: {  	p0 =	sne.s32 s0, $0x0;
	s0 =	rddreg [dreg:$0x3]  }
0x25f: {  	s0 =	sadd.s32 @!p0 $0x100000, s0  }
0x260: {  	[sflag:s0] =	ssyncadd.tile.s32 @!p0 $0x1;
	_ =	shalt  }
.Lfunc_end2:
_tile_overlayer_lowered:
.L_overlay_start_2:
0x261: {  	(tag) =	ssettag $0x2  }
0x262: {  	s0 =	rddreg [dreg:$0x0];
	s2 =	stileid.u32  }
0x263: {  	s1 =	rddreg [dreg:$0x1];
	p0 =	sne.s32 s2, $0x0  }
0x264: {  	s3 =	rddreg [dreg:$0x2];
	[bflag:$0x3] =	sbarrier.arrive $0xFFFF;
	s2 =	simm.s32 @!p0 $0x1C02  }
0x265: {  	[timem:s3], [sflag:s2] =	dma.local @!p0 [hbm:s0], s1  }
0x266: {  	s0 =	simm.s32 @!p0 $0x2  }
0x267: {  	_ =	swait.ge @!p0 [sflag:s0], s1  }
0x268: {  	s1 =	ssub.s32 @!p0 $0x0, s1;
	[sflag:s0] =	ssyncset.done @!p0 $0x0  }
0x269: {  	[sflag:s0] =	ssyncadd.s32 @!p0 s1  }
0x26a: {  	[bflag:$0x3] =	sbarrier.arrive $0xFFFF  }
0x26b: {  	_ =	shalt  }

</sc_bundles>
